<compile_context>
chip_gen: v7x
topology: tpu7x:2x2x1
jax: 0.10.2.dev20260603
libtpu: 0.0.44.dev20260713+nightly
codegen_flags: <defaults>
</compile_context>

<pallas_src>
import math

import functools
import numpy as np
import jax
import jax.numpy as jnp
from jax import lax
from jax.experimental import pallas as pl
from jax.experimental.pallas import tpu as pltpu
from jax.experimental.pallas import tpu_sc as plsc

VOCAB = 100000
EMB_DIM = 64
BATCH = 4096
SEQ = 200
SCALE = math.sqrt(EMB_DIM)

NUM_CORES = 2
NUM_SUBCORES = 16
NUM_WORKERS = NUM_CORES * NUM_SUBCORES
ROWS_PER_WORKER = BATCH // NUM_WORKERS

NBUF = 4
ITERS = ROWS_PER_WORKER // NBUF

PAD_DIM = 128

IDX_SPLIT = 2
IDX_PITCH = 104
IDX_SIZES = (104, 96)
IDX_STARTS = (0, 104)

S_TILES = SEQ // 8
B_TILES = BATCH // 128


def _sinusoidal_pe(seq_len, d_model):
    pos = np.arange(seq_len, dtype=np.float32)[:, None]
    div = np.exp(
        np.arange(0, d_model, 2, dtype=np.float32) * (-math.log(10000.0) / d_model)
    )
    pe = np.zeros((seq_len, d_model), dtype=np.float32)
    pe[:, 0::2] = np.sin(pos * div)
    pe[:, 1::2] = np.cos(pos * div)
    return pe


_PE_NP = _sinusoidal_pe(SEQ, EMB_DIM)


@functools.partial(
    pl.kernel,
    out_type=jax.ShapeDtypeStruct((BATCH, SEQ, PAD_DIM), jnp.float32),
    mesh=plsc.VectorSubcoreMesh(core_axis_name="c", subcore_axis_name="s"),
    compiler_params=pltpu.CompilerParams(
        use_tc_tiling_on_sc=False, needs_layout_passes=False
    ),
    scratch_types=(
        [pltpu.VMEM((SEQ, 128), jnp.int32)]
        + [pltpu.VMEM((IDX_SPLIT, IDX_PITCH), jnp.int32) for _ in range(NBUF)]
        + [pltpu.VMEM((SEQ, EMB_DIM), jnp.float32) for _ in range(NBUF)]
        + [pltpu.VMEM((SEQ, EMB_DIM), jnp.float32)]
        + [pltpu.SemaphoreType.DMA for _ in range(2 * NBUF)]
    ),
)
def _emb_kernel(idx4_hbm, table_hbm, pe_hbm, out_hbm, *refs):
    slab_v = refs[0]
    idx2_v = refs[1 : 1 + NBUF]
    rows_v = refs[1 + NBUF : 1 + 2 * NBUF]
    pe_v = refs[1 + 2 * NBUF]
    gsem = refs[2 + 2 * NBUF : 2 + 3 * NBUF]
    wsem = refs[2 + 3 * NBUF :]

    wid = lax.axis_index("s") * NUM_CORES + lax.axis_index("c")
    base = wid * ROWS_PER_WORKER

    stage = [
        pltpu.async_copy(idx4_hbm.at[a, wid], slab_v.at[pl.ds(8 * a, 8)], gsem[0])
        for a in range(S_TILES)
    ]
    stage.append(pltpu.async_copy(pe_hbm, pe_v, gsem[0]))
    for cp in stage:
        cp.wait()

    iota16 = lax.iota(jnp.int32, 16)

    def fill_idx(b, r):
        rv = iota16 * 0 + r
        for j2 in range(IDX_SPLIT):
            size = IDX_SIZES[j2]
            offs = list(range(0, size - 15, 16))
            if size % 16:
                offs.append(size - 16)
            for o in offs:
                s = iota16 + (IDX_STARTS[j2] + o)
                v = plsc.load_gather(slab_v, [s, rv])
                idx2_v[b][j2, pl.ds(o, 16)] = v * 2

    def issue_gather(b, r):
        fill_idx(b, r)
        for j in range(IDX_SPLIT):
            pltpu.async_copy(
                table_hbm.at[idx2_v[b].at[j, pl.ds(0, IDX_SIZES[j])]],
                rows_v[b].at[pl.ds(IDX_STARTS[j], IDX_SIZES[j])],
                gsem[b],
            )

    def wait_gather(b):
        for j in range(IDX_SPLIT):
            pltpu.make_async_copy(
                table_hbm.at[idx2_v[b].at[j, pl.ds(0, IDX_SIZES[j])]],
                rows_v[b].at[pl.ds(IDX_STARTS[j], IDX_SIZES[j])],
                gsem[b],
            ).wait()

    def issue_wb(b, r):
        pltpu.async_copy(
            rows_v[b], out_hbm.at[base + r, :, pl.ds(0, EMB_DIM)], wsem[b]
        )

    def wait_wb(b, r):
        pltpu.make_async_copy(
            rows_v[b], out_hbm.at[base + r, :, pl.ds(0, EMB_DIM)], wsem[b]
        ).wait()

    def refill(b, old_r, new_r):
        wait_wb(b, old_r)
        issue_gather(b, new_r)

    def compute(b):
        rows = rows_v[b]

        def body(i, c):
            for k in range(4):
                p = 4 * i + k
                for c4 in range(EMB_DIM // 16):
                    sl = pl.ds(c4 * 16, 16)
                    plsc.addupdate(rows.at[p, sl], pe_v[p, sl])
            return c

        lax.fori_loop(0, SEQ // 4, body, 0, unroll=False)

    for b in range(NBUF):
        issue_gather(b, b)

    def outer(g, carry):
        r = NBUF * g

        @pl.when(g >= 1)
        def _():
            refill(NBUF - 1, r - 1, r + NBUF - 1)

        for b in range(NBUF):
            wait_gather(b)
            compute(b)
            issue_wb(b, r + b)
            if b >= 1:

                @pl.when(g <= ITERS - 2)
                def _():
                    refill(b - 1, r + b - 1, r + b - 1 + NBUF)

        return carry

    lax.fori_loop(0, ITERS, outer, 0, unroll=False)

    last = ROWS_PER_WORKER - NBUF
    for b in range(NBUF):
        wait_wb(b, last + b)


SCALE_BLOCK = 4096


def _scale_body(tt_ref, o_ref):
    t = tt_ref[...].T * SCALE
    o_ref[...] = jnp.concatenate(
        [t, jnp.zeros((SCALE_BLOCK, PAD_DIM - EMB_DIM), jnp.float32)], axis=1
    )


_scale_table = pl.pallas_call(
    _scale_body,
    grid=(pl.cdiv(VOCAB, SCALE_BLOCK),),
    in_specs=[pl.BlockSpec((EMB_DIM, SCALE_BLOCK), lambda i: (0, i))],
    out_specs=pl.BlockSpec((SCALE_BLOCK, PAD_DIM), lambda i: (i, 0)),
    out_shape=jax.ShapeDtypeStruct((VOCAB, PAD_DIM), jnp.float32),
)


def kernel(output, emb_table):
    idx4 = (
        output.astype(jnp.int32)
        .T.reshape(S_TILES, 8, B_TILES, 128)
        .transpose(0, 2, 1, 3)
    )
    scaled = _scale_table(emb_table.T)
    out = _emb_kernel(
        idx4, scaled.reshape(2 * VOCAB, EMB_DIM), jnp.asarray(_PE_NP)
    )
    return out[:, :, :EMB_DIM]

# --- scband reference (transcript-rebuilt; emitter-appended) ---
"""Pipeline reference for scband-output-emb-56040733278554 (READ-ONLY COPY).

The authoritative reference and input builder live on the scoring server;
editing this copy changes nothing except your own understanding.
"""

import math
import jax, jax.numpy as jnp
import numpy as np

VOCAB = 100000
EMB_DIM = 64
BATCH = 4096
SEQ = 200


def sinusoidal_pe(seq_len, d_model):
    pos = np.arange(seq_len, dtype=np.float32)[:, None]
    div = np.exp(np.arange(0, d_model, 2, dtype=np.float32) * (-math.log(10000.0) / d_model))
    pe = np.zeros((seq_len, d_model), dtype=np.float32)
    pe[:, 0::2] = np.sin(pos * div)
    pe[:, 1::2] = np.cos(pos * div)
    return jnp.asarray(pe)


def setup_inputs(seed: int = 0) -> dict:
    key = jax.random.key(seed)
    k1, k2 = jax.random.split(key)
    output = jax.random.randint(k1, (BATCH, SEQ), 0, VOCAB, dtype=jnp.int64)
    emb_table = jax.random.normal(k2, (VOCAB, EMB_DIM), dtype=jnp.float32) * 0.02
    # pad_idx = 0: zero that row like nn.Embedding(padding_idx=0)
    emb_table = emb_table.at[0].set(0.0)
    return {"output": output, "emb_table": emb_table}


def reference(output, emb_table):
    # emb = self.emb(output) * sqrt(emb_dim)
    emb = jnp.take(emb_table, output, axis=0) * math.sqrt(EMB_DIM)
    # pos_encoder returns sinusoidal positional encoding for the sequence length
    pe = sinusoidal_pe(emb.shape[1], EMB_DIM)  # [SEQ, EMB_DIM]
    # dropout in eval mode = identity
    out = emb + pe[None, :, :]
    return out

if __name__ == "__main__":
    import jax
    _d = setup_inputs()
    print(jax.jit(kernel)(*tuple(_d.values())))

</pallas_src>

<mosaic_0001>
#map = affine_map<(d0, d1) -> (0, 0, 0, 0)>
#map1 = affine_map<(d0, d1) -> (0, 0)>
#map2 = affine_map<(d0, d1) -> (0, 0, 0)>
module attributes {stable_mosaic.version = 14 : i64} {
  func.func @_emb_kernel(%arg0: i32, %arg1: i32, %arg2: memref<25x32x8x128xi32, #tpu.memory_space<hbm>>, %arg3: memref<200000x64xf32, #tpu.memory_space<hbm>>, %arg4: memref<200x64xf32, #tpu.memory_space<hbm>>, %arg5: memref<4096x200x128xf32, #tpu.memory_space<hbm>>, %arg6: memref<200x128xi32, #tpu.memory_space<vmem>>, %arg7: memref<2x104xi32, #tpu.memory_space<vmem>>, %arg8: memref<2x104xi32, #tpu.memory_space<vmem>>, %arg9: memref<2x104xi32, #tpu.memory_space<vmem>>, %arg10: memref<2x104xi32, #tpu.memory_space<vmem>>, %arg11: memref<200x64xf32, #tpu.memory_space<vmem>>, %arg12: memref<200x64xf32, #tpu.memory_space<vmem>>, %arg13: memref<200x64xf32, #tpu.memory_space<vmem>>, %arg14: memref<200x64xf32, #tpu.memory_space<vmem>>, %arg15: memref<200x64xf32, #tpu.memory_space<vmem>>, %arg16: memref<!tpu.dma_semaphore, #tpu.memory_space<semaphore_mem>>, %arg17: memref<!tpu.dma_semaphore, #tpu.memory_space<semaphore_mem>>, %arg18: memref<!tpu.dma_semaphore, #tpu.memory_space<semaphore_mem>>, %arg19: memref<!tpu.dma_semaphore, #tpu.memory_space<semaphore_mem>>, %arg20: memref<!tpu.dma_semaphore, #tpu.memory_space<semaphore_mem>>, %arg21: memref<!tpu.dma_semaphore, #tpu.memory_space<semaphore_mem>>, %arg22: memref<!tpu.dma_semaphore, #tpu.memory_space<semaphore_mem>>, %arg23: memref<!tpu.dma_semaphore, #tpu.memory_space<semaphore_mem>>) attributes {dimension_semantics = [#tpu.dimension_semantics<core_parallel>, #tpu.dimension_semantics<subcore_parallel>], iteration_bounds = array<i64: 2, 16>, scalar_prefetch = 0 : i64, scratch_operands = 18 : i64, tpu.core_type = #tpu.core_type<sc_vector_subcore>, window_params = [{transform_indices = #map}, {transform_indices = #map1}, {transform_indices = #map1}, {transform_indices = #map2}]} {
    %mul3A = arith.constant 2 : i32
    %mul3A_0 = arith.muli %arg1, %mul3A : i32
    %add3A = arith.addi %mul3A_0, %arg0 : i32
    %mul3A_1 = arith.constant 128 : i32
    %mul3A_2 = arith.muli %add3A, %mul3A_1 : i32
    %dma_start3A = arith.constant 0 : i32
    %dma_start3A_3 = arith.constant 0 : i32
    %dma_start3A_4 = arith.constant 0 : i32
    %dma_start3A_5 = tpu.memref_slice %arg6[%dma_start3A_3, %dma_start3A_4] : memref<200x128xi32, #tpu.memory_space<vmem>> -> memref<8x128xi32, #tpu.memory_space<vmem>>
    %dma_start3A_6 = arith.constant 0 : i32
    %dma_start3A_7 = arith.constant 0 : i32
    %dma_start3A_8 = tpu.memref_slice %arg2[%dma_start3A, %add3A, %dma_start3A_6, %dma_start3A_7] : memref<25x32x8x128xi32, #tpu.memory_space<hbm>> -> memref<1x1x8x128xi32, #tpu.memory_space<hbm>>
    %dma_start3A_9 = tpu.memref_squeeze %dma_start3A_8 : memref<1x1x8x128xi32, #tpu.memory_space<hbm>> -> memref<8x128xi32, #tpu.memory_space<hbm>>
    %dma_start3A_10 = arith.constant 0 : i32
    %dma_start3A_11 = arith.constant 0 : i32
    %dma_start3A_12 = tpu.memref_slice %arg6[%dma_start3A_10, %dma_start3A_11] : memref<200x128xi32, #tpu.memory_space<vmem>> -> memref<8x128xi32, #tpu.memory_space<vmem>>
    %dma_start3A_13 = arith.constant 0 : i32
    %dma_start3A_14 = arith.constant 0 : i32
    %dma_start3A_15 = tpu.memref_slice %arg2[%dma_start3A, %add3A, %dma_start3A_13, %dma_start3A_14] : memref<25x32x8x128xi32, #tpu.memory_space<hbm>> -> memref<1x1x8x128xi32, #tpu.memory_space<hbm>>
    %dma_start3A_16 = tpu.memref_squeeze %dma_start3A_15 : memref<1x1x8x128xi32, #tpu.memory_space<hbm>> -> memref<8x128xi32, #tpu.memory_space<hbm>>
    tpu.enqueue_dma source(%dma_start3A_16 : memref<8x128xi32, #tpu.memory_space<hbm>>) target(%dma_start3A_12 : memref<8x128xi32, #tpu.memory_space<vmem>>) target_semaphore(%arg16 : memref<!tpu.dma_semaphore, #tpu.memory_space<semaphore_mem>>)
    %dma_start3A_17 = arith.constant 1 : i32
    %dma_start3A_18 = arith.constant 8 : i32
    %dma_start3A_19 = arith.constant 0 : i32
    %dma_start3A_20 = tpu.memref_slice %arg6[%dma_start3A_18, %dma_start3A_19] : memref<200x128xi32, #tpu.memory_space<vmem>> -> memref<8x128xi32, #tpu.memory_space<vmem>>
    %dma_start3A_21 = arith.constant 0 : i32
    %dma_start3A_22 = arith.constant 0 : i32
    %dma_start3A_23 = tpu.memref_slice %arg2[%dma_start3A_17, %add3A, %dma_start3A_21, %dma_start3A_22] : memref<25x32x8x128xi32, #tpu.memory_space<hbm>> -> memref<1x1x8x128xi32, #tpu.memory_space<hbm>>
    %dma_start3A_24 = tpu.memref_squeeze %dma_start3A_23 : memref<1x1x8x128xi32, #tpu.memory_space<hbm>> -> memref<8x128xi32, #tpu.memory_space<hbm>>
    %dma_start3A_25 = arith.constant 8 : i32
    %dma_start3A_26 = arith.constant 0 : i32
    %dma_start3A_27 = tpu.memref_slice %arg6[%dma_start3A_25, %dma_start3A_26] : memref<200x128xi32, #tpu.memory_space<vmem>> -> memref<8x128xi32, #tpu.memory_space<vmem>>
    %dma_start3A_28 = arith.constant 0 : i32
    %dma_start3A_29 = arith.constant 0 : i32
    %dma_start3A_30 = tpu.memref_slice %arg2[%dma_start3A_17, %add3A, %dma_start3A_28, %dma_start3A_29] : memref<25x32x8x128xi32, #tpu.memory_space<hbm>> -> memref<1x1x8x128xi32, #tpu.memory_space<hbm>>
    %dma_start3A_31 = tpu.memref_squeeze %dma_start3A_30 : memref<1x1x8x128xi32, #tpu.memory_space<hbm>> -> memref<8x128xi32, #tpu.memory_space<hbm>>
    tpu.enqueue_dma source(%dma_start3A_31 : memref<8x128xi32, #tpu.memory_space<hbm>>) target(%dma_start3A_27 : memref<8x128xi32, #tpu.memory_space<vmem>>) target_semaphore(%arg16 : memref<!tpu.dma_semaphore, #tpu.memory_space<semaphore_mem>>)
    %dma_start3A_32 = arith.constant 2 : i32
    %dma_start3A_33 = arith.constant 16 : i32
    %dma_start3A_34 = arith.constant 0 : i32
    %dma_start3A_35 = tpu.memref_slice %arg6[%dma_start3A_33, %dma_start3A_34] : memref<200x128xi32, #tpu.memory_space<vmem>> -> memref<8x128xi32, #tpu.memory_space<vmem>>
    %dma_start3A_36 = arith.constant 0 : i32
    %dma_start3A_37 = arith.constant 0 : i32
    %dma_start3A_38 = tpu.memref_slice %arg2[%dma_start3A_32, %add3A, %dma_start3A_36, %dma_start3A_37] : memref<25x32x8x128xi32, #tpu.memory_space<hbm>> -> memref<1x1x8x128xi32, #tpu.memory_space<hbm>>
    %dma_start3A_39 = tpu.memref_squeeze %dma_start3A_38 : memref<1x1x8x128xi32, #tpu.memory_space<hbm>> -> memref<8x128xi32, #tpu.memory_space<hbm>>
    %dma_start3A_40 = arith.constant 16 : i32
    %dma_start3A_41 = arith.constant 0 : i32
    %dma_start3A_42 = tpu.memref_slice %arg6[%dma_start3A_40, %dma_start3A_41] : memref<200x128xi32, #tpu.memory_space<vmem>> -> memref<8x128xi32, #tpu.memory_space<vmem>>
    %dma_start3A_43 = arith.constant 0 : i32
    %dma_start3A_44 = arith.constant 0 : i32
    %dma_start3A_45 = tpu.memref_slice %arg2[%dma_start3A_32, %add3A, %dma_start3A_43, %dma_start3A_44] : memref<25x32x8x128xi32, #tpu.memory_space<hbm>> -> memref<1x1x8x128xi32, #tpu.memory_space<hbm>>
    %dma_start3A_46 = tpu.memref_squeeze %dma_start3A_45 : memref<1x1x8x128xi32, #tpu.memory_space<hbm>> -> memref<8x128xi32, #tpu.memory_space<hbm>>
    tpu.enqueue_dma source(%dma_start3A_46 : memref<8x128xi32, #tpu.memory_space<hbm>>) target(%dma_start3A_42 : memref<8x128xi32, #tpu.memory_space<vmem>>) target_semaphore(%arg16 : memref<!tpu.dma_semaphore, #tpu.memory_space<semaphore_mem>>)
    %dma_start3A_47 = arith.constant 3 : i32
    %dma_start3A_48 = arith.constant 24 : i32
    %dma_start3A_49 = arith.constant 0 : i32
    %dma_start3A_50 = tpu.memref_slice %arg6[%dma_start3A_48, %dma_start3A_49] : memref<200x128xi32, #tpu.memory_space<vmem>> -> memref<8x128xi32, #tpu.memory_space<vmem>>
    %dma_start3A_51 = arith.constant 0 : i32
    %dma_start3A_52 = arith.constant 0 : i32
    %dma_start3A_53 = tpu.memref_slice %arg2[%dma_start3A_47, %add3A, %dma_start3A_51, %dma_start3A_52] : memref<25x32x8x128xi32, #tpu.memory_space<hbm>> -> memref<1x1x8x128xi32, #tpu.memory_space<hbm>>
    %dma_start3A_54 = tpu.memref_squeeze %dma_start3A_53 : memref<1x1x8x128xi32, #tpu.memory_space<hbm>> -> memref<8x128xi32, #tpu.memory_space<hbm>>
    %dma_start3A_55 = arith.constant 24 : i32
    %dma_start3A_56 = arith.constant 0 : i32
    %dma_start3A_57 = tpu.memref_slice %arg6[%dma_start3A_55, %dma_start3A_56] : memref<200x128xi32, #tpu.memory_space<vmem>> -> memref<8x128xi32, #tpu.memory_space<vmem>>
    %dma_start3A_58 = arith.constant 0 : i32
    %dma_start3A_59 = arith.constant 0 : i32
    %dma_start3A_60 = tpu.memref_slice %arg2[%dma_start3A_47, %add3A, %dma_start3A_58, %dma_start3A_59] : memref<25x32x8x128xi32, #tpu.memory_space<hbm>> -> memref<1x1x8x128xi32, #tpu.memory_space<hbm>>
    %dma_start3A_61 = tpu.memref_squeeze %dma_start3A_60 : memref<1x1x8x128xi32, #tpu.memory_space<hbm>> -> memref<8x128xi32, #tpu.memory_space<hbm>>
    tpu.enqueue_dma source(%dma_start3A_61 : memref<8x128xi32, #tpu.memory_space<hbm>>) target(%dma_start3A_57 : memref<8x128xi32, #tpu.memory_space<vmem>>) target_semaphore(%arg16 : memref<!tpu.dma_semaphore, #tpu.memory_space<semaphore_mem>>)
    %dma_start3A_62 = arith.constant 4 : i32
    %dma_start3A_63 = arith.constant 32 : i32
    %dma_start3A_64 = arith.constant 0 : i32
    %dma_start3A_65 = tpu.memref_slice %arg6[%dma_start3A_63, %dma_start3A_64] : memref<200x128xi32, #tpu.memory_space<vmem>> -> memref<8x128xi32, #tpu.memory_space<vmem>>
    %dma_start3A_66 = arith.constant 0 : i32
    %dma_start3A_67 = arith.constant 0 : i32
    %dma_start3A_68 = tpu.memref_slice %arg2[%dma_start3A_62, %add3A, %dma_start3A_66, %dma_start3A_67] : memref<25x32x8x128xi32, #tpu.memory_space<hbm>> -> memref<1x1x8x128xi32, #tpu.memory_space<hbm>>
    %dma_start3A_69 = tpu.memref_squeeze %dma_start3A_68 : memref<1x1x8x128xi32, #tpu.memory_space<hbm>> -> memref<8x128xi32, #tpu.memory_space<hbm>>
    %dma_start3A_70 = arith.constant 32 : i32
    %dma_start3A_71 = arith.constant 0 : i32
    %dma_start3A_72 = tpu.memref_slice %arg6[%dma_start3A_70, %dma_start3A_71] : memref<200x128xi32, #tpu.memory_space<vmem>> -> memref<8x128xi32, #tpu.memory_space<vmem>>
    %dma_start3A_73 = arith.constant 0 : i32
    %dma_start3A_74 = arith.constant 0 : i32
    %dma_start3A_75 = tpu.memref_slice %arg2[%dma_start3A_62, %add3A, %dma_start3A_73, %dma_start3A_74] : memref<25x32x8x128xi32, #tpu.memory_space<hbm>> -> memref<1x1x8x128xi32, #tpu.memory_space<hbm>>
    %dma_start3A_76 = tpu.memref_squeeze %dma_start3A_75 : memref<1x1x8x128xi32, #tpu.memory_space<hbm>> -> memref<8x128xi32, #tpu.memory_space<hbm>>
    tpu.enqueue_dma source(%dma_start3A_76 : memref<8x128xi32, #tpu.memory_space<hbm>>) target(%dma_start3A_72 : memref<8x128xi32, #tpu.memory_space<vmem>>) target_semaphore(%arg16 : memref<!tpu.dma_semaphore, #tpu.memory_space<semaphore_mem>>)
    %dma_start3A_77 = arith.constant 5 : i32
    %dma_start3A_78 = arith.constant 40 : i32
    %dma_start3A_79 = arith.constant 0 : i32
    %dma_start3A_80 = tpu.memref_slice %arg6[%dma_start3A_78, %dma_start3A_79] : memref<200x128xi32, #tpu.memory_space<vmem>> -> memref<8x128xi32, #tpu.memory_space<vmem>>
    %dma_start3A_81 = arith.constant 0 : i32
    %dma_start3A_82 = arith.constant 0 : i32
    %dma_start3A_83 = tpu.memref_slice %arg2[%dma_start3A_77, %add3A, %dma_start3A_81, %dma_start3A_82] : memref<25x32x8x128xi32, #tpu.memory_space<hbm>> -> memref<1x1x8x128xi32, #tpu.memory_space<hbm>>
    %dma_start3A_84 = tpu.memref_squeeze %dma_start3A_83 : memref<1x1x8x128xi32, #tpu.memory_space<hbm>> -> memref<8x128xi32, #tpu.memory_space<hbm>>
    %dma_start3A_85 = arith.constant 40 : i32
    %dma_start3A_86 = arith.constant 0 : i32
    %dma_start3A_87 = tpu.memref_slice %arg6[%dma_start3A_85, %dma_start3A_86] : memref<200x128xi32, #tpu.memory_space<vmem>> -> memref<8x128xi32, #tpu.memory_space<vmem>>
    %dma_start3A_88 = arith.constant 0 : i32
    %dma_start3A_89 = arith.constant 0 : i32
    %dma_start3A_90 = tpu.memref_slice %arg2[%dma_start3A_77, %add3A, %dma_start3A_88, %dma_start3A_89] : memref<25x32x8x128xi32, #tpu.memory_space<hbm>> -> memref<1x1x8x128xi32, #tpu.memory_space<hbm>>
    %dma_start3A_91 = tpu.memref_squeeze %dma_start3A_90 : memref<1x1x8x128xi32, #tpu.memory_space<hbm>> -> memref<8x128xi32, #tpu.memory_space<hbm>>
    tpu.enqueue_dma source(%dma_start3A_91 : memref<8x128xi32, #tpu.memory_space<hbm>>) target(%dma_start3A_87 : memref<8x128xi32, #tpu.memory_space<vmem>>) target_semaphore(%arg16 : memref<!tpu.dma_semaphore, #tpu.memory_space<semaphore_mem>>)
    %dma_start3A_92 = arith.constant 6 : i32
    %dma_start3A_93 = arith.constant 48 : i32
    %dma_start3A_94 = arith.constant 0 : i32
    %dma_start3A_95 = tpu.memref_slice %arg6[%dma_start3A_93, %dma_start3A_94] : memref<200x128xi32, #tpu.memory_space<vmem>> -> memref<8x128xi32, #tpu.memory_space<vmem>>
    %dma_start3A_96 = arith.constant 0 : i32
    %dma_start3A_97 = arith.constant 0 : i32
    %dma_start3A_98 = tpu.memref_slice %arg2[%dma_start3A_92, %add3A, %dma_start3A_96, %dma_start3A_97] : memref<25x32x8x128xi32, #tpu.memory_space<hbm>> -> memref<1x1x8x128xi32, #tpu.memory_space<hbm>>
    %dma_start3A_99 = tpu.memref_squeeze %dma_start3A_98 : memref<1x1x8x128xi32, #tpu.memory_space<hbm>> -> memref<8x128xi32, #tpu.memory_space<hbm>>
    %dma_start3A_100 = arith.constant 48 : i32
    %dma_start3A_101 = arith.constant 0 : i32
    %dma_start3A_102 = tpu.memref_slice %arg6[%dma_start3A_100, %dma_start3A_101] : memref<200x128xi32, #tpu.memory_space<vmem>> -> memref<8x128xi32, #tpu.memory_space<vmem>>
    %dma_start3A_103 = arith.constant 0 : i32
    %dma_start3A_104 = arith.constant 0 : i32
    %dma_start3A_105 = tpu.memref_slice %arg2[%dma_start3A_92, %add3A, %dma_start3A_103, %dma_start3A_104] : memref<25x32x8x128xi32, #tpu.memory_space<hbm>> -> memref<1x1x8x128xi32, #tpu.memory_space<hbm>>
    %dma_start3A_106 = tpu.memref_squeeze %dma_start3A_105 : memref<1x1x8x128xi32, #tpu.memory_space<hbm>> -> memref<8x128xi32, #tpu.memory_space<hbm>>
    tpu.enqueue_dma source(%dma_start3A_106 : memref<8x128xi32, #tpu.memory_space<hbm>>) target(%dma_start3A_102 : memref<8x128xi32, #tpu.memory_space<vmem>>) target_semaphore(%arg16 : memref<!tpu.dma_semaphore, #tpu.memory_space<semaphore_mem>>)
    %dma_start3A_107 = arith.constant 7 : i32
    %dma_start3A_108 = arith.constant 56 : i32
    %dma_start3A_109 = arith.constant 0 : i32
    %dma_start3A_110 = tpu.memref_slice %arg6[%dma_start3A_108, %dma_start3A_109] : memref<200x128xi32, #tpu.memory_space<vmem>> -> memref<8x128xi32, #tpu.memory_space<vmem>>
    %dma_start3A_111 = arith.constant 0 : i32
    %dma_start3A_112 = arith.constant 0 : i32
    %dma_start3A_113 = tpu.memref_slice %arg2[%dma_start3A_107, %add3A, %dma_start3A_111, %dma_start3A_112] : memref<25x32x8x128xi32, #tpu.memory_space<hbm>> -> memref<1x1x8x128xi32, #tpu.memory_space<hbm>>
    %dma_start3A_114 = tpu.memref_squeeze %dma_start3A_113 : memref<1x1x8x128xi32, #tpu.memory_space<hbm>> -> memref<8x128xi32, #tpu.memory_space<hbm>>
    %dma_start3A_115 = arith.constant 56 : i32
    %dma_start3A_116 = arith.constant 0 : i32
    %dma_start3A_117 = tpu.memref_slice %arg6[%dma_start3A_115, %dma_start3A_116] : memref<200x128xi32, #tpu.memory_space<vmem>> -> memref<8x128xi32, #tpu.memory_space<vmem>>
    %dma_start3A_118 = arith.constant 0 : i32
    %dma_start3A_119 = arith.constant 0 : i32
    %dma_start3A_120 = tpu.memref_slice %arg2[%dma_start3A_107, %add3A, %dma_start3A_118, %dma_start3A_119] : memref<25x32x8x128xi32, #tpu.memory_space<hbm>> -> memref<1x1x8x128xi32, #tpu.memory_space<hbm>>
    %dma_start3A_121 = tpu.memref_squeeze %dma_start3A_120 : memref<1x1x8x128xi32, #tpu.memory_space<hbm>> -> memref<8x128xi32, #tpu.memory_space<hbm>>
    tpu.enqueue_dma source(%dma_start3A_121 : memref<8x128xi32, #tpu.memory_space<hbm>>) target(%dma_start3A_117 : memref<8x128xi32, #tpu.memory_space<vmem>>) target_semaphore(%arg16 : memref<!tpu.dma_semaphore, #tpu.memory_space<semaphore_mem>>)
    %dma_start3A_122 = arith.constant 8 : i32
    %dma_start3A_123 = arith.constant 64 : i32
    %dma_start3A_124 = arith.constant 0 : i32
    %dma_start3A_125 = tpu.memref_slice %arg6[%dma_start3A_123, %dma_start3A_124] : memref<200x128xi32, #tpu.memory_space<vmem>> -> memref<8x128xi32, #tpu.memory_space<vmem>>
    %dma_start3A_126 = arith.constant 0 : i32
    %dma_start3A_127 = arith.constant 0 : i32
    %dma_start3A_128 = tpu.memref_slice %arg2[%dma_start3A_122, %add3A, %dma_start3A_126, %dma_start3A_127] : memref<25x32x8x128xi32, #tpu.memory_space<hbm>> -> memref<1x1x8x128xi32, #tpu.memory_space<hbm>>
    %dma_start3A_129 = tpu.memref_squeeze %dma_start3A_128 : memref<1x1x8x128xi32, #tpu.memory_space<hbm>> -> memref<8x128xi32, #tpu.memory_space<hbm>>
    %dma_start3A_130 = arith.constant 64 : i32
    %dma_start3A_131 = arith.constant 0 : i32
    %dma_start3A_132 = tpu.memref_slice %arg6[%dma_start3A_130, %dma_start3A_131] : memref<200x128xi32, #tpu.memory_space<vmem>> -> memref<8x128xi32, #tpu.memory_space<vmem>>
    %dma_start3A_133 = arith.constant 0 : i32
    %dma_start3A_134 = arith.constant 0 : i32
    %dma_start3A_135 = tpu.memref_slice %arg2[%dma_start3A_122, %add3A, %dma_start3A_133, %dma_start3A_134] : memref<25x32x8x128xi32, #tpu.memory_space<hbm>> -> memref<1x1x8x128xi32, #tpu.memory_space<hbm>>
    %dma_start3A_136 = tpu.memref_squeeze %dma_start3A_135 : memref<1x1x8x128xi32, #tpu.memory_space<hbm>> -> memref<8x128xi32, #tpu.memory_space<hbm>>
    tpu.enqueue_dma source(%dma_start3A_136 : memref<8x128xi32, #tpu.memory_space<hbm>>) target(%dma_start3A_132 : memref<8x128xi32, #tpu.memory_space<vmem>>) target_semaphore(%arg16 : memref<!tpu.dma_semaphore, #tpu.memory_space<semaphore_mem>>)
    %dma_start3A_137 = arith.constant 9 : i32
    %dma_start3A_138 = arith.constant 72 : i32
    %dma_start3A_139 = arith.constant 0 : i32
    %dma_start3A_140 = tpu.memref_slice %arg6[%dma_start3A_138, %dma_start3A_139] : memref<200x128xi32, #tpu.memory_space<vmem>> -> memref<8x128xi32, #tpu.memory_space<vmem>>
    %dma_start3A_141 = arith.constant 0 : i32
    %dma_start3A_142 = arith.constant 0 : i32
    %dma_start3A_143 = tpu.memref_slice %arg2[%dma_start3A_137, %add3A, %dma_start3A_141, %dma_start3A_142] : memref<25x32x8x128xi32, #tpu.memory_space<hbm>> -> memref<1x1x8x128xi32, #tpu.memory_space<hbm>>
    %dma_start3A_144 = tpu.memref_squeeze %dma_start3A_143 : memref<1x1x8x128xi32, #tpu.memory_space<hbm>> -> memref<8x128xi32, #tpu.memory_space<hbm>>
    %dma_start3A_145 = arith.constant 72 : i32
    %dma_start3A_146 = arith.constant 0 : i32
    %dma_start3A_147 = tpu.memref_slice %arg6[%dma_start3A_145, %dma_start3A_146] : memref<200x128xi32, #tpu.memory_space<vmem>> -> memref<8x128xi32, #tpu.memory_space<vmem>>
    %dma_start3A_148 = arith.constant 0 : i32
    %dma_start3A_149 = arith.constant 0 : i32
    %dma_start3A_150 = tpu.memref_slice %arg2[%dma_start3A_137, %add3A, %dma_start3A_148, %dma_start3A_149] : memref<25x32x8x128xi32, #tpu.memory_space<hbm>> -> memref<1x1x8x128xi32, #tpu.memory_space<hbm>>
    %dma_start3A_151 = tpu.memref_squeeze %dma_start3A_150 : memref<1x1x8x128xi32, #tpu.memory_space<hbm>> -> memref<8x128xi32, #tpu.memory_space<hbm>>
    tpu.enqueue_dma source(%dma_start3A_151 : memref<8x128xi32, #tpu.memory_space<hbm>>) target(%dma_start3A_147 : memref<8x128xi32, #tpu.memory_space<vmem>>) target_semaphore(%arg16 : memref<!tpu.dma_semaphore, #tpu.memory_space<semaphore_mem>>)
    %dma_start3A_152 = arith.constant 10 : i32
    %dma_start3A_153 = arith.constant 80 : i32
    %dma_start3A_154 = arith.constant 0 : i32
    %dma_start3A_155 = tpu.memref_slice %arg6[%dma_start3A_153, %dma_start3A_154] : memref<200x128xi32, #tpu.memory_space<vmem>> -> memref<8x128xi32, #tpu.memory_space<vmem>>
    %dma_start3A_156 = arith.constant 0 : i32
    %dma_start3A_157 = arith.constant 0 : i32
    %dma_start3A_158 = tpu.memref_slice %arg2[%dma_start3A_152, %add3A, %dma_start3A_156, %dma_start3A_157] : memref<25x32x8x128xi32, #tpu.memory_space<hbm>> -> memref<1x1x8x128xi32, #tpu.memory_space<hbm>>
    %dma_start3A_159 = tpu.memref_squeeze %dma_start3A_158 : memref<1x1x8x128xi32, #tpu.memory_space<hbm>> -> memref<8x128xi32, #tpu.memory_space<hbm>>
    %dma_start3A_160 = arith.constant 80 : i32
    %dma_start3A_161 = arith.constant 0 : i32
    %dma_start3A_162 = tpu.memref_slice %arg6[%dma_start3A_160, %dma_start3A_161] : memref<200x128xi32, #tpu.memory_space<vmem>> -> memref<8x128xi32, #tpu.memory_space<vmem>>
    %dma_start3A_163 = arith.constant 0 : i32
    %dma_start3A_164 = arith.constant 0 : i32
    %dma_start3A_165 = tpu.memref_slice %arg2[%dma_start3A_152, %add3A, %dma_start3A_163, %dma_start3A_164] : memref<25x32x8x128xi32, #tpu.memory_space<hbm>> -> memref<1x1x8x128xi32, #tpu.memory_space<hbm>>
    %dma_start3A_166 = tpu.memref_squeeze %dma_start3A_165 : memref<1x1x8x128xi32, #tpu.memory_space<hbm>> -> memref<8x128xi32, #tpu.memory_space<hbm>>
    tpu.enqueue_dma source(%dma_start3A_166 : memref<8x128xi32, #tpu.memory_space<hbm>>) target(%dma_start3A_162 : memref<8x128xi32, #tpu.memory_space<vmem>>) target_semaphore(%arg16 : memref<!tpu.dma_semaphore, #tpu.memory_space<semaphore_mem>>)
    %dma_start3A_167 = arith.constant 11 : i32
    %dma_start3A_168 = arith.constant 88 : i32
    %dma_start3A_169 = arith.constant 0 : i32
    %dma_start3A_170 = tpu.memref_slice %arg6[%dma_start3A_168, %dma_start3A_169] : memref<200x128xi32, #tpu.memory_space<vmem>> -> memref<8x128xi32, #tpu.memory_space<vmem>>
    %dma_start3A_171 = arith.constant 0 : i32
    %dma_start3A_172 = arith.constant 0 : i32
    %dma_start3A_173 = tpu.memref_slice %arg2[%dma_start3A_167, %add3A, %dma_start3A_171, %dma_start3A_172] : memref<25x32x8x128xi32, #tpu.memory_space<hbm>> -> memref<1x1x8x128xi32, #tpu.memory_space<hbm>>
    %dma_start3A_174 = tpu.memref_squeeze %dma_start3A_173 : memref<1x1x8x128xi32, #tpu.memory_space<hbm>> -> memref<8x128xi32, #tpu.memory_space<hbm>>
    %dma_start3A_175 = arith.constant 88 : i32
    %dma_start3A_176 = arith.constant 0 : i32
    %dma_start3A_177 = tpu.memref_slice %arg6[%dma_start3A_175, %dma_start3A_176] : memref<200x128xi32, #tpu.memory_space<vmem>> -> memref<8x128xi32, #tpu.memory_space<vmem>>
    %dma_start3A_178 = arith.constant 0 : i32
    %dma_start3A_179 = arith.constant 0 : i32
    %dma_start3A_180 = tpu.memref_slice %arg2[%dma_start3A_167, %add3A, %dma_start3A_178, %dma_start3A_179] : memref<25x32x8x128xi32, #tpu.memory_space<hbm>> -> memref<1x1x8x128xi32, #tpu.memory_space<hbm>>
    %dma_start3A_181 = tpu.memref_squeeze %dma_start3A_180 : memref<1x1x8x128xi32, #tpu.memory_space<hbm>> -> memref<8x128xi32, #tpu.memory_space<hbm>>
    tpu.enqueue_dma source(%dma_start3A_181 : memref<8x128xi32, #tpu.memory_space<hbm>>) target(%dma_start3A_177 : memref<8x128xi32, #tpu.memory_space<vmem>>) target_semaphore(%arg16 : memref<!tpu.dma_semaphore, #tpu.memory_space<semaphore_mem>>)
    %dma_start3A_182 = arith.constant 12 : i32
    %dma_start3A_183 = arith.constant 96 : i32
    %dma_start3A_184 = arith.constant 0 : i32
    %dma_start3A_185 = tpu.memref_slice %arg6[%dma_start3A_183, %dma_start3A_184] : memref<200x128xi32, #tpu.memory_space<vmem>> -> memref<8x128xi32, #tpu.memory_space<vmem>>
    %dma_start3A_186 = arith.constant 0 : i32
    %dma_start3A_187 = arith.constant 0 : i32
    %dma_start3A_188 = tpu.memref_slice %arg2[%dma_start3A_182, %add3A, %dma_start3A_186, %dma_start3A_187] : memref<25x32x8x128xi32, #tpu.memory_space<hbm>> -> memref<1x1x8x128xi32, #tpu.memory_space<hbm>>
    %dma_start3A_189 = tpu.memref_squeeze %dma_start3A_188 : memref<1x1x8x128xi32, #tpu.memory_space<hbm>> -> memref<8x128xi32, #tpu.memory_space<hbm>>
    %dma_start3A_190 = arith.constant 96 : i32
    %dma_start3A_191 = arith.constant 0 : i32
    %dma_start3A_192 = tpu.memref_slice %arg6[%dma_start3A_190, %dma_start3A_191] : memref<200x128xi32, #tpu.memory_space<vmem>> -> memref<8x128xi32, #tpu.memory_space<vmem>>
    %dma_start3A_193 = arith.constant 0 : i32
    %dma_start3A_194 = arith.constant 0 : i32
    %dma_start3A_195 = tpu.memref_slice %arg2[%dma_start3A_182, %add3A, %dma_start3A_193, %dma_start3A_194] : memref<25x32x8x128xi32, #tpu.memory_space<hbm>> -> memref<1x1x8x128xi32, #tpu.memory_space<hbm>>
    %dma_start3A_196 = tpu.memref_squeeze %dma_start3A_195 : memref<1x1x8x128xi32, #tpu.memory_space<hbm>> -> memref<8x128xi32, #tpu.memory_space<hbm>>
    tpu.enqueue_dma source(%dma_start3A_196 : memref<8x128xi32, #tpu.memory_space<hbm>>) target(%dma_start3A_192 : memref<8x128xi32, #tpu.memory_space<vmem>>) target_semaphore(%arg16 : memref<!tpu.dma_semaphore, #tpu.memory_space<semaphore_mem>>)
    %dma_start3A_197 = arith.constant 13 : i32
    %dma_start3A_198 = arith.constant 104 : i32
    %dma_start3A_199 = arith.constant 0 : i32
    %dma_start3A_200 = tpu.memref_slice %arg6[%dma_start3A_198, %dma_start3A_199] : memref<200x128xi32, #tpu.memory_space<vmem>> -> memref<8x128xi32, #tpu.memory_space<vmem>>
    %dma_start3A_201 = arith.constant 0 : i32
    %dma_start3A_202 = arith.constant 0 : i32
    %dma_start3A_203 = tpu.memref_slice %arg2[%dma_start3A_197, %add3A, %dma_start3A_201, %dma_start3A_202] : memref<25x32x8x128xi32, #tpu.memory_space<hbm>> -> memref<1x1x8x128xi32, #tpu.memory_space<hbm>>
    %dma_start3A_204 = tpu.memref_squeeze %dma_start3A_203 : memref<1x1x8x128xi32, #tpu.memory_space<hbm>> -> memref<8x128xi32, #tpu.memory_space<hbm>>
    %dma_start3A_205 = arith.constant 104 : i32
    %dma_start3A_206 = arith.constant 0 : i32
    %dma_start3A_207 = tpu.memref_slice %arg6[%dma_start3A_205, %dma_start3A_206] : memref<200x128xi32, #tpu.memory_space<vmem>> -> memref<8x128xi32, #tpu.memory_space<vmem>>
    %dma_start3A_208 = arith.constant 0 : i32
    %dma_start3A_209 = arith.constant 0 : i32
    %dma_start3A_210 = tpu.memref_slice %arg2[%dma_start3A_197, %add3A, %dma_start3A_208, %dma_start3A_209] : memref<25x32x8x128xi32, #tpu.memory_space<hbm>> -> memref<1x1x8x128xi32, #tpu.memory_space<hbm>>
    %dma_start3A_211 = tpu.memref_squeeze %dma_start3A_210 : memref<1x1x8x128xi32, #tpu.memory_space<hbm>> -> memref<8x128xi32, #tpu.memory_space<hbm>>
    tpu.enqueue_dma source(%dma_start3A_211 : memref<8x128xi32, #tpu.memory_space<hbm>>) target(%dma_start3A_207 : memref<8x128xi32, #tpu.memory_space<vmem>>) target_semaphore(%arg16 : memref<!tpu.dma_semaphore, #tpu.memory_space<semaphore_mem>>)
    %dma_start3A_212 = arith.constant 14 : i32
    %dma_start3A_213 = arith.constant 112 : i32
    %dma_start3A_214 = arith.constant 0 : i32
    %dma_start3A_215 = tpu.memref_slice %arg6[%dma_start3A_213, %dma_start3A_214] : memref<200x128xi32, #tpu.memory_space<vmem>> -> memref<8x128xi32, #tpu.memory_space<vmem>>
    %dma_start3A_216 = arith.constant 0 : i32
    %dma_start3A_217 = arith.constant 0 : i32
    %dma_start3A_218 = tpu.memref_slice %arg2[%dma_start3A_212, %add3A, %dma_start3A_216, %dma_start3A_217] : memref<25x32x8x128xi32, #tpu.memory_space<hbm>> -> memref<1x1x8x128xi32, #tpu.memory_space<hbm>>
    %dma_start3A_219 = tpu.memref_squeeze %dma_start3A_218 : memref<1x1x8x128xi32, #tpu.memory_space<hbm>> -> memref<8x128xi32, #tpu.memory_space<hbm>>
    %dma_start3A_220 = arith.constant 112 : i32
    %dma_start3A_221 = arith.constant 0 : i32
    %dma_start3A_222 = tpu.memref_slice %arg6[%dma_start3A_220, %dma_start3A_221] : memref<200x128xi32, #tpu.memory_space<vmem>> -> memref<8x128xi32, #tpu.memory_space<vmem>>
    %dma_start3A_223 = arith.constant 0 : i32
    %dma_start3A_224 = arith.constant 0 : i32
    %dma_start3A_225 = tpu.memref_slice %arg2[%dma_start3A_212, %add3A, %dma_start3A_223, %dma_start3A_224] : memref<25x32x8x128xi32, #tpu.memory_space<hbm>> -> memref<1x1x8x128xi32, #tpu.memory_space<hbm>>
    %dma_start3A_226 = tpu.memref_squeeze %dma_start3A_225 : memref<1x1x8x128xi32, #tpu.memory_space<hbm>> -> memref<8x128xi32, #tpu.memory_space<hbm>>
    tpu.enqueue_dma source(%dma_start3A_226 : memref<8x128xi32, #tpu.memory_space<hbm>>) target(%dma_start3A_222 : memref<8x128xi32, #tpu.memory_space<vmem>>) target_semaphore(%arg16 : memref<!tpu.dma_semaphore, #tpu.memory_space<semaphore_mem>>)
    %dma_start3A_227 = arith.constant 15 : i32
    %dma_start3A_228 = arith.constant 120 : i32
    %dma_start3A_229 = arith.constant 0 : i32
    %dma_start3A_230 = tpu.memref_slice %arg6[%dma_start3A_228, %dma_start3A_229] : memref<200x128xi32, #tpu.memory_space<vmem>> -> memref<8x128xi32, #tpu.memory_space<vmem>>
    %dma_start3A_231 = arith.constant 0 : i32
    %dma_start3A_232 = arith.constant 0 : i32
    %dma_start3A_233 = tpu.memref_slice %arg2[%dma_start3A_227, %add3A, %dma_start3A_231, %dma_start3A_232] : memref<25x32x8x128xi32, #tpu.memory_space<hbm>> -> memref<1x1x8x128xi32, #tpu.memory_space<hbm>>
    %dma_start3A_234 = tpu.memref_squeeze %dma_start3A_233 : memref<1x1x8x128xi32, #tpu.memory_space<hbm>> -> memref<8x128xi32, #tpu.memory_space<hbm>>
    %dma_start3A_235 = arith.constant 120 : i32
    %dma_start3A_236 = arith.constant 0 : i32
    %dma_start3A_237 = tpu.memref_slice %arg6[%dma_start3A_235, %dma_start3A_236] : memref<200x128xi32, #tpu.memory_space<vmem>> -> memref<8x128xi32, #tpu.memory_space<vmem>>
    %dma_start3A_238 = arith.constant 0 : i32
    %dma_start3A_239 = arith.constant 0 : i32
    %dma_start3A_240 = tpu.memref_slice %arg2[%dma_start3A_227, %add3A, %dma_start3A_238, %dma_start3A_239] : memref<25x32x8x128xi32, #tpu.memory_space<hbm>> -> memref<1x1x8x128xi32, #tpu.memory_space<hbm>>
    %dma_start3A_241 = tpu.memref_squeeze %dma_start3A_240 : memref<1x1x8x128xi32, #tpu.memory_space<hbm>> -> memref<8x128xi32, #tpu.memory_space<hbm>>
    tpu.enqueue_dma source(%dma_start3A_241 : memref<8x128xi32, #tpu.memory_space<hbm>>) target(%dma_start3A_237 : memref<8x128xi32, #tpu.memory_space<vmem>>) target_semaphore(%arg16 : memref<!tpu.dma_semaphore, #tpu.memory_space<semaphore_mem>>)
    %dma_start3A_242 = arith.constant 16 : i32
    %dma_start3A_243 = arith.constant 128 : i32
    %dma_start3A_244 = arith.constant 0 : i32
    %dma_start3A_245 = tpu.memref_slice %arg6[%dma_start3A_243, %dma_start3A_244] : memref<200x128xi32, #tpu.memory_space<vmem>> -> memref<8x128xi32, #tpu.memory_space<vmem>>
    %dma_start3A_246 = arith.constant 0 : i32
    %dma_start3A_247 = arith.constant 0 : i32
    %dma_start3A_248 = tpu.memref_slice %arg2[%dma_start3A_242, %add3A, %dma_start3A_246, %dma_start3A_247] : memref<25x32x8x128xi32, #tpu.memory_space<hbm>> -> memref<1x1x8x128xi32, #tpu.memory_space<hbm>>
    %dma_start3A_249 = tpu.memref_squeeze %dma_start3A_248 : memref<1x1x8x128xi32, #tpu.memory_space<hbm>> -> memref<8x128xi32, #tpu.memory_space<hbm>>
    %dma_start3A_250 = arith.constant 128 : i32
    %dma_start3A_251 = arith.constant 0 : i32
    %dma_start3A_252 = tpu.memref_slice %arg6[%dma_start3A_250, %dma_start3A_251] : memref<200x128xi32, #tpu.memory_space<vmem>> -> memref<8x128xi32, #tpu.memory_space<vmem>>
    %dma_start3A_253 = arith.constant 0 : i32
    %dma_start3A_254 = arith.constant 0 : i32
    %dma_start3A_255 = tpu.memref_slice %arg2[%dma_start3A_242, %add3A, %dma_start3A_253, %dma_start3A_254] : memref<25x32x8x128xi32, #tpu.memory_space<hbm>> -> memref<1x1x8x128xi32, #tpu.memory_space<hbm>>
    %dma_start3A_256 = tpu.memref_squeeze %dma_start3A_255 : memref<1x1x8x128xi32, #tpu.memory_space<hbm>> -> memref<8x128xi32, #tpu.memory_space<hbm>>
    tpu.enqueue_dma source(%dma_start3A_256 : memref<8x128xi32, #tpu.memory_space<hbm>>) target(%dma_start3A_252 : memref<8x128xi32, #tpu.memory_space<vmem>>) target_semaphore(%arg16 : memref<!tpu.dma_semaphore, #tpu.memory_space<semaphore_mem>>)
    %dma_start3A_257 = arith.constant 17 : i32
    %dma_start3A_258 = arith.constant 136 : i32
    %dma_start3A_259 = arith.constant 0 : i32
    %dma_start3A_260 = tpu.memref_slice %arg6[%dma_start3A_258, %dma_start3A_259] : memref<200x128xi32, #tpu.memory_space<vmem>> -> memref<8x128xi32, #tpu.memory_space<vmem>>
    %dma_start3A_261 = arith.constant 0 : i32
    %dma_start3A_262 = arith.constant 0 : i32
    %dma_start3A_263 = tpu.memref_slice %arg2[%dma_start3A_257, %add3A, %dma_start3A_261, %dma_start3A_262] : memref<25x32x8x128xi32, #tpu.memory_space<hbm>> -> memref<1x1x8x128xi32, #tpu.memory_space<hbm>>
    %dma_start3A_264 = tpu.memref_squeeze %dma_start3A_263 : memref<1x1x8x128xi32, #tpu.memory_space<hbm>> -> memref<8x128xi32, #tpu.memory_space<hbm>>
    %dma_start3A_265 = arith.constant 136 : i32
    %dma_start3A_266 = arith.constant 0 : i32
    %dma_start3A_267 = tpu.memref_slice %arg6[%dma_start3A_265, %dma_start3A_266] : memref<200x128xi32, #tpu.memory_space<vmem>> -> memref<8x128xi32, #tpu.memory_space<vmem>>
    %dma_start3A_268 = arith.constant 0 : i32
    %dma_start3A_269 = arith.constant 0 : i32
    %dma_start3A_270 = tpu.memref_slice %arg2[%dma_start3A_257, %add3A, %dma_start3A_268, %dma_start3A_269] : memref<25x32x8x128xi32, #tpu.memory_space<hbm>> -> memref<1x1x8x128xi32, #tpu.memory_space<hbm>>
    %dma_start3A_271 = tpu.memref_squeeze %dma_start3A_270 : memref<1x1x8x128xi32, #tpu.memory_space<hbm>> -> memref<8x128xi32, #tpu.memory_space<hbm>>
    tpu.enqueue_dma source(%dma_start3A_271 : memref<8x128xi32, #tpu.memory_space<hbm>>) target(%dma_start3A_267 : memref<8x128xi32, #tpu.memory_space<vmem>>) target_semaphore(%arg16 : memref<!tpu.dma_semaphore, #tpu.memory_space<semaphore_mem>>)
    %dma_start3A_272 = arith.constant 18 : i32
    %dma_start3A_273 = arith.constant 144 : i32
    %dma_start3A_274 = arith.constant 0 : i32
    %dma_start3A_275 = tpu.memref_slice %arg6[%dma_start3A_273, %dma_start3A_274] : memref<200x128xi32, #tpu.memory_space<vmem>> -> memref<8x128xi32, #tpu.memory_space<vmem>>
    %dma_start3A_276 = arith.constant 0 : i32
    %dma_start3A_277 = arith.constant 0 : i32
    %dma_start3A_278 = tpu.memref_slice %arg2[%dma_start3A_272, %add3A, %dma_start3A_276, %dma_start3A_277] : memref<25x32x8x128xi32, #tpu.memory_space<hbm>> -> memref<1x1x8x128xi32, #tpu.memory_space<hbm>>
    %dma_start3A_279 = tpu.memref_squeeze %dma_start3A_278 : memref<1x1x8x128xi32, #tpu.memory_space<hbm>> -> memref<8x128xi32, #tpu.memory_space<hbm>>
    %dma_start3A_280 = arith.constant 144 : i32
    %dma_start3A_281 = arith.constant 0 : i32
    %dma_start3A_282 = tpu.memref_slice %arg6[%dma_start3A_280, %dma_start3A_281] : memref<200x128xi32, #tpu.memory_space<vmem>> -> memref<8x128xi32, #tpu.memory_space<vmem>>
    %dma_start3A_283 = arith.constant 0 : i32
    %dma_start3A_284 = arith.constant 0 : i32
    %dma_start3A_285 = tpu.memref_slice %arg2[%dma_start3A_272, %add3A, %dma_start3A_283, %dma_start3A_284] : memref<25x32x8x128xi32, #tpu.memory_space<hbm>> -> memref<1x1x8x128xi32, #tpu.memory_space<hbm>>
    %dma_start3A_286 = tpu.memref_squeeze %dma_start3A_285 : memref<1x1x8x128xi32, #tpu.memory_space<hbm>> -> memref<8x128xi32, #tpu.memory_space<hbm>>
    tpu.enqueue_dma source(%dma_start3A_286 : memref<8x128xi32, #tpu.memory_space<hbm>>) target(%dma_start3A_282 : memref<8x128xi32, #tpu.memory_space<vmem>>) target_semaphore(%arg16 : memref<!tpu.dma_semaphore, #tpu.memory_space<semaphore_mem>>)
    %dma_start3A_287 = arith.constant 19 : i32
    %dma_start3A_288 = arith.constant 152 : i32
    %dma_start3A_289 = arith.constant 0 : i32
    %dma_start3A_290 = tpu.memref_slice %arg6[%dma_start3A_288, %dma_start3A_289] : memref<200x128xi32, #tpu.memory_space<vmem>> -> memref<8x128xi32, #tpu.memory_space<vmem>>
    %dma_start3A_291 = arith.constant 0 : i32
    %dma_start3A_292 = arith.constant 0 : i32
    %dma_start3A_293 = tpu.memref_slice %arg2[%dma_start3A_287, %add3A, %dma_start3A_291, %dma_start3A_292] : memref<25x32x8x128xi32, #tpu.memory_space<hbm>> -> memref<1x1x8x128xi32, #tpu.memory_space<hbm>>
    %dma_start3A_294 = tpu.memref_squeeze %dma_start3A_293 : memref<1x1x8x128xi32, #tpu.memory_space<hbm>> -> memref<8x128xi32, #tpu.memory_space<hbm>>
    %dma_start3A_295 = arith.constant 152 : i32
    %dma_start3A_296 = arith.constant 0 : i32
    %dma_start3A_297 = tpu.memref_slice %arg6[%dma_start3A_295, %dma_start3A_296] : memref<200x128xi32, #tpu.memory_space<vmem>> -> memref<8x128xi32, #tpu.memory_space<vmem>>
    %dma_start3A_298 = arith.constant 0 : i32
    %dma_start3A_299 = arith.constant 0 : i32
    %dma_start3A_300 = tpu.memref_slice %arg2[%dma_start3A_287, %add3A, %dma_start3A_298, %dma_start3A_299] : memref<25x32x8x128xi32, #tpu.memory_space<hbm>> -> memref<1x1x8x128xi32, #tpu.memory_space<hbm>>
    %dma_start3A_301 = tpu.memref_squeeze %dma_start3A_300 : memref<1x1x8x128xi32, #tpu.memory_space<hbm>> -> memref<8x128xi32, #tpu.memory_space<hbm>>
    tpu.enqueue_dma source(%dma_start3A_301 : memref<8x128xi32, #tpu.memory_space<hbm>>) target(%dma_start3A_297 : memref<8x128xi32, #tpu.memory_space<vmem>>) target_semaphore(%arg16 : memref<!tpu.dma_semaphore, #tpu.memory_space<semaphore_mem>>)
    %dma_start3A_302 = arith.constant 20 : i32
    %dma_start3A_303 = arith.constant 160 : i32
    %dma_start3A_304 = arith.constant 0 : i32
    %dma_start3A_305 = tpu.memref_slice %arg6[%dma_start3A_303, %dma_start3A_304] : memref<200x128xi32, #tpu.memory_space<vmem>> -> memref<8x128xi32, #tpu.memory_space<vmem>>
    %dma_start3A_306 = arith.constant 0 : i32
    %dma_start3A_307 = arith.constant 0 : i32
    %dma_start3A_308 = tpu.memref_slice %arg2[%dma_start3A_302, %add3A, %dma_start3A_306, %dma_start3A_307] : memref<25x32x8x128xi32, #tpu.memory_space<hbm>> -> memref<1x1x8x128xi32, #tpu.memory_space<hbm>>
    %dma_start3A_309 = tpu.memref_squeeze %dma_start3A_308 : memref<1x1x8x128xi32, #tpu.memory_space<hbm>> -> memref<8x128xi32, #tpu.memory_space<hbm>>
    %dma_start3A_310 = arith.constant 160 : i32
    %dma_start3A_311 = arith.constant 0 : i32
    %dma_start3A_312 = tpu.memref_slice %arg6[%dma_start3A_310, %dma_start3A_311] : memref<200x128xi32, #tpu.memory_space<vmem>> -> memref<8x128xi32, #tpu.memory_space<vmem>>
    %dma_start3A_313 = arith.constant 0 : i32
    %dma_start3A_314 = arith.constant 0 : i32
    %dma_start3A_315 = tpu.memref_slice %arg2[%dma_start3A_302, %add3A, %dma_start3A_313, %dma_start3A_314] : memref<25x32x8x128xi32, #tpu.memory_space<hbm>> -> memref<1x1x8x128xi32, #tpu.memory_space<hbm>>
    %dma_start3A_316 = tpu.memref_squeeze %dma_start3A_315 : memref<1x1x8x128xi32, #tpu.memory_space<hbm>> -> memref<8x128xi32, #tpu.memory_space<hbm>>
    tpu.enqueue_dma source(%dma_start3A_316 : memref<8x128xi32, #tpu.memory_space<hbm>>) target(%dma_start3A_312 : memref<8x128xi32, #tpu.memory_space<vmem>>) target_semaphore(%arg16 : memref<!tpu.dma_semaphore, #tpu.memory_space<semaphore_mem>>)
    %dma_start3A_317 = arith.constant 21 : i32
    %dma_start3A_318 = arith.constant 168 : i32
    %dma_start3A_319 = arith.constant 0 : i32
    %dma_start3A_320 = tpu.memref_slice %arg6[%dma_start3A_318, %dma_start3A_319] : memref<200x128xi32, #tpu.memory_space<vmem>> -> memref<8x128xi32, #tpu.memory_space<vmem>>
    %dma_start3A_321 = arith.constant 0 : i32
    %dma_start3A_322 = arith.constant 0 : i32
    %dma_start3A_323 = tpu.memref_slice %arg2[%dma_start3A_317, %add3A, %dma_start3A_321, %dma_start3A_322] : memref<25x32x8x128xi32, #tpu.memory_space<hbm>> -> memref<1x1x8x128xi32, #tpu.memory_space<hbm>>
    %dma_start3A_324 = tpu.memref_squeeze %dma_start3A_323 : memref<1x1x8x128xi32, #tpu.memory_space<hbm>> -> memref<8x128xi32, #tpu.memory_space<hbm>>
    %dma_start3A_325 = arith.constant 168 : i32
    %dma_start3A_326 = arith.constant 0 : i32
    %dma_start3A_327 = tpu.memref_slice %arg6[%dma_start3A_325, %dma_start3A_326] : memref<200x128xi32, #tpu.memory_space<vmem>> -> memref<8x128xi32, #tpu.memory_space<vmem>>
    %dma_start3A_328 = arith.constant 0 : i32
    %dma_start3A_329 = arith.constant 0 : i32
    %dma_start3A_330 = tpu.memref_slice %arg2[%dma_start3A_317, %add3A, %dma_start3A_328, %dma_start3A_329] : memref<25x32x8x128xi32, #tpu.memory_space<hbm>> -> memref<1x1x8x128xi32, #tpu.memory_space<hbm>>
    %dma_start3A_331 = tpu.memref_squeeze %dma_start3A_330 : memref<1x1x8x128xi32, #tpu.memory_space<hbm>> -> memref<8x128xi32, #tpu.memory_space<hbm>>
    tpu.enqueue_dma source(%dma_start3A_331 : memref<8x128xi32, #tpu.memory_space<hbm>>) target(%dma_start3A_327 : memref<8x128xi32, #tpu.memory_space<vmem>>) target_semaphore(%arg16 : memref<!tpu.dma_semaphore, #tpu.memory_space<semaphore_mem>>)
    %dma_start3A_332 = arith.constant 22 : i32
    %dma_start3A_333 = arith.constant 176 : i32
    %dma_start3A_334 = arith.constant 0 : i32
    %dma_start3A_335 = tpu.memref_slice %arg6[%dma_start3A_333, %dma_start3A_334] : memref<200x128xi32, #tpu.memory_space<vmem>> -> memref<8x128xi32, #tpu.memory_space<vmem>>
    %dma_start3A_336 = arith.constant 0 : i32
    %dma_start3A_337 = arith.constant 0 : i32
    %dma_start3A_338 = tpu.memref_slice %arg2[%dma_start3A_332, %add3A, %dma_start3A_336, %dma_start3A_337] : memref<25x32x8x128xi32, #tpu.memory_space<hbm>> -> memref<1x1x8x128xi32, #tpu.memory_space<hbm>>
    %dma_start3A_339 = tpu.memref_squeeze %dma_start3A_338 : memref<1x1x8x128xi32, #tpu.memory_space<hbm>> -> memref<8x128xi32, #tpu.memory_space<hbm>>
    %dma_start3A_340 = arith.constant 176 : i32
    %dma_start3A_341 = arith.constant 0 : i32
    %dma_start3A_342 = tpu.memref_slice %arg6[%dma_start3A_340, %dma_start3A_341] : memref<200x128xi32, #tpu.memory_space<vmem>> -> memref<8x128xi32, #tpu.memory_space<vmem>>
    %dma_start3A_343 = arith.constant 0 : i32
    %dma_start3A_344 = arith.constant 0 : i32
    %dma_start3A_345 = tpu.memref_slice %arg2[%dma_start3A_332, %add3A, %dma_start3A_343, %dma_start3A_344] : memref<25x32x8x128xi32, #tpu.memory_space<hbm>> -> memref<1x1x8x128xi32, #tpu.memory_space<hbm>>
    %dma_start3A_346 = tpu.memref_squeeze %dma_start3A_345 : memref<1x1x8x128xi32, #tpu.memory_space<hbm>> -> memref<8x128xi32, #tpu.memory_space<hbm>>
    tpu.enqueue_dma source(%dma_start3A_346 : memref<8x128xi32, #tpu.memory_space<hbm>>) target(%dma_start3A_342 : memref<8x128xi32, #tpu.memory_space<vmem>>) target_semaphore(%arg16 : memref<!tpu.dma_semaphore, #tpu.memory_space<semaphore_mem>>)
    %dma_start3A_347 = arith.constant 23 : i32
    %dma_start3A_348 = arith.constant 184 : i32
    %dma_start3A_349 = arith.constant 0 : i32
    %dma_start3A_350 = tpu.memref_slice %arg6[%dma_start3A_348, %dma_start3A_349] : memref<200x128xi32, #tpu.memory_space<vmem>> -> memref<8x128xi32, #tpu.memory_space<vmem>>
    %dma_start3A_351 = arith.constant 0 : i32
    %dma_start3A_352 = arith.constant 0 : i32
    %dma_start3A_353 = tpu.memref_slice %arg2[%dma_start3A_347, %add3A, %dma_start3A_351, %dma_start3A_352] : memref<25x32x8x128xi32, #tpu.memory_space<hbm>> -> memref<1x1x8x128xi32, #tpu.memory_space<hbm>>
    %dma_start3A_354 = tpu.memref_squeeze %dma_start3A_353 : memref<1x1x8x128xi32, #tpu.memory_space<hbm>> -> memref<8x128xi32, #tpu.memory_space<hbm>>
    %dma_start3A_355 = arith.constant 184 : i32
    %dma_start3A_356 = arith.constant 0 : i32
    %dma_start3A_357 = tpu.memref_slice %arg6[%dma_start3A_355, %dma_start3A_356] : memref<200x128xi32, #tpu.memory_space<vmem>> -> memref<8x128xi32, #tpu.memory_space<vmem>>
    %dma_start3A_358 = arith.constant 0 : i32
    %dma_start3A_359 = arith.constant 0 : i32
    %dma_start3A_360 = tpu.memref_slice %arg2[%dma_start3A_347, %add3A, %dma_start3A_358, %dma_start3A_359] : memref<25x32x8x128xi32, #tpu.memory_space<hbm>> -> memref<1x1x8x128xi32, #tpu.memory_space<hbm>>
    %dma_start3A_361 = tpu.memref_squeeze %dma_start3A_360 : memref<1x1x8x128xi32, #tpu.memory_space<hbm>> -> memref<8x128xi32, #tpu.memory_space<hbm>>
    tpu.enqueue_dma source(%dma_start3A_361 : memref<8x128xi32, #tpu.memory_space<hbm>>) target(%dma_start3A_357 : memref<8x128xi32, #tpu.memory_space<vmem>>) target_semaphore(%arg16 : memref<!tpu.dma_semaphore, #tpu.memory_space<semaphore_mem>>)
    %dma_start3A_362 = arith.constant 24 : i32
    %dma_start3A_363 = arith.constant 192 : i32
    %dma_start3A_364 = arith.constant 0 : i32
    %dma_start3A_365 = tpu.memref_slice %arg6[%dma_start3A_363, %dma_start3A_364] : memref<200x128xi32, #tpu.memory_space<vmem>> -> memref<8x128xi32, #tpu.memory_space<vmem>>
    %dma_start3A_366 = arith.constant 0 : i32
    %dma_start3A_367 = arith.constant 0 : i32
    %dma_start3A_368 = tpu.memref_slice %arg2[%dma_start3A_362, %add3A, %dma_start3A_366, %dma_start3A_367] : memref<25x32x8x128xi32, #tpu.memory_space<hbm>> -> memref<1x1x8x128xi32, #tpu.memory_space<hbm>>
    %dma_start3A_369 = tpu.memref_squeeze %dma_start3A_368 : memref<1x1x8x128xi32, #tpu.memory_space<hbm>> -> memref<8x128xi32, #tpu.memory_space<hbm>>
    %dma_start3A_370 = arith.constant 192 : i32
    %dma_start3A_371 = arith.constant 0 : i32
    %dma_start3A_372 = tpu.memref_slice %arg6[%dma_start3A_370, %dma_start3A_371] : memref<200x128xi32, #tpu.memory_space<vmem>> -> memref<8x128xi32, #tpu.memory_space<vmem>>
    %dma_start3A_373 = arith.constant 0 : i32
    %dma_start3A_374 = arith.constant 0 : i32
    %dma_start3A_375 = tpu.memref_slice %arg2[%dma_start3A_362, %add3A, %dma_start3A_373, %dma_start3A_374] : memref<25x32x8x128xi32, #tpu.memory_space<hbm>> -> memref<1x1x8x128xi32, #tpu.memory_space<hbm>>
    %dma_start3A_376 = tpu.memref_squeeze %dma_start3A_375 : memref<1x1x8x128xi32, #tpu.memory_space<hbm>> -> memref<8x128xi32, #tpu.memory_space<hbm>>
    tpu.enqueue_dma source(%dma_start3A_376 : memref<8x128xi32, #tpu.memory_space<hbm>>) target(%dma_start3A_372 : memref<8x128xi32, #tpu.memory_space<vmem>>) target_semaphore(%arg16 : memref<!tpu.dma_semaphore, #tpu.memory_space<semaphore_mem>>)
    tpu.enqueue_dma source(%arg4 : memref<200x64xf32, #tpu.memory_space<hbm>>) target(%arg15 : memref<200x64xf32, #tpu.memory_space<vmem>>) target_semaphore(%arg16 : memref<!tpu.dma_semaphore, #tpu.memory_space<semaphore_mem>>)
    %dma_wait3A = arith.constant 0 : i32
    %dma_wait3A_377 = arith.constant 0 : i32
    %dma_wait3A_378 = arith.constant 0 : i32
    %dma_wait3A_379 = tpu.memref_slice %arg6[%dma_wait3A_377, %dma_wait3A_378] : memref<200x128xi32, #tpu.memory_space<vmem>> -> memref<8x128xi32, #tpu.memory_space<vmem>>
    %dma_wait3A_380 = arith.constant 0 : i32
    %dma_wait3A_381 = arith.constant 0 : i32
    %dma_wait3A_382 = tpu.memref_slice %arg2[%dma_wait3A, %add3A, %dma_wait3A_380, %dma_wait3A_381] : memref<25x32x8x128xi32, #tpu.memory_space<hbm>> -> memref<1x1x8x128xi32, #tpu.memory_space<hbm>>
    %dma_wait3A_383 = tpu.memref_squeeze %dma_wait3A_382 : memref<1x1x8x128xi32, #tpu.memory_space<hbm>> -> memref<8x128xi32, #tpu.memory_space<hbm>>
    %dma_wait3A_384 = arith.constant 0 : i32
    %dma_wait3A_385 = arith.constant 0 : i32
    %dma_wait3A_386 = tpu.memref_slice %arg6[%dma_wait3A_384, %dma_wait3A_385] : memref<200x128xi32, #tpu.memory_space<vmem>> -> memref<8x128xi32, #tpu.memory_space<vmem>>
    %dma_wait3A_387 = arith.constant 0 : i32
    %dma_wait3A_388 = arith.constant 0 : i32
    %dma_wait3A_389 = tpu.memref_slice %arg2[%dma_wait3A, %add3A, %dma_wait3A_387, %dma_wait3A_388] : memref<25x32x8x128xi32, #tpu.memory_space<hbm>> -> memref<1x1x8x128xi32, #tpu.memory_space<hbm>>
    %dma_wait3A_390 = tpu.memref_squeeze %dma_wait3A_389 : memref<1x1x8x128xi32, #tpu.memory_space<hbm>> -> memref<8x128xi32, #tpu.memory_space<hbm>>
    tpu.wait_dma2 semaphore(%arg16 : memref<!tpu.dma_semaphore, #tpu.memory_space<semaphore_mem>>) src(%dma_wait3A_390 : memref<8x128xi32, #tpu.memory_space<hbm>>) dst(%dma_wait3A_386 : memref<8x128xi32, #tpu.memory_space<vmem>>)
    %dma_wait3A_391 = arith.constant 1 : i32
    %dma_wait3A_392 = arith.constant 8 : i32
    %dma_wait3A_393 = arith.constant 0 : i32
    %dma_wait3A_394 = tpu.memref_slice %arg6[%dma_wait3A_392, %dma_wait3A_393] : memref<200x128xi32, #tpu.memory_space<vmem>> -> memref<8x128xi32, #tpu.memory_space<vmem>>
    %dma_wait3A_395 = arith.constant 0 : i32
    %dma_wait3A_396 = arith.constant 0 : i32
    %dma_wait3A_397 = tpu.memref_slice %arg2[%dma_wait3A_391, %add3A, %dma_wait3A_395, %dma_wait3A_396] : memref<25x32x8x128xi32, #tpu.memory_space<hbm>> -> memref<1x1x8x128xi32, #tpu.memory_space<hbm>>
    %dma_wait3A_398 = tpu.memref_squeeze %dma_wait3A_397 : memref<1x1x8x128xi32, #tpu.memory_space<hbm>> -> memref<8x128xi32, #tpu.memory_space<hbm>>
    %dma_wait3A_399 = arith.constant 8 : i32
    %dma_wait3A_400 = arith.constant 0 : i32
    %dma_wait3A_401 = tpu.memref_slice %arg6[%dma_wait3A_399, %dma_wait3A_400] : memref<200x128xi32, #tpu.memory_space<vmem>> -> memref<8x128xi32, #tpu.memory_space<vmem>>
    %dma_wait3A_402 = arith.constant 0 : i32
    %dma_wait3A_403 = arith.constant 0 : i32
    %dma_wait3A_404 = tpu.memref_slice %arg2[%dma_wait3A_391, %add3A, %dma_wait3A_402, %dma_wait3A_403] : memref<25x32x8x128xi32, #tpu.memory_space<hbm>> -> memref<1x1x8x128xi32, #tpu.memory_space<hbm>>
    %dma_wait3A_405 = tpu.memref_squeeze %dma_wait3A_404 : memref<1x1x8x128xi32, #tpu.memory_space<hbm>> -> memref<8x128xi32, #tpu.memory_space<hbm>>
    tpu.wait_dma2 semaphore(%arg16 : memref<!tpu.dma_semaphore, #tpu.memory_space<semaphore_mem>>) src(%dma_wait3A_405 : memref<8x128xi32, #tpu.memory_space<hbm>>) dst(%dma_wait3A_401 : memref<8x128xi32, #tpu.memory_space<vmem>>)
    %dma_wait3A_406 = arith.constant 2 : i32
    %dma_wait3A_407 = arith.constant 16 : i32
    %dma_wait3A_408 = arith.constant 0 : i32
    %dma_wait3A_409 = tpu.memref_slice %arg6[%dma_wait3A_407, %dma_wait3A_408] : memref<200x128xi32, #tpu.memory_space<vmem>> -> memref<8x128xi32, #tpu.memory_space<vmem>>
    %dma_wait3A_410 = arith.constant 0 : i32
    %dma_wait3A_411 = arith.constant 0 : i32
    %dma_wait3A_412 = tpu.memref_slice %arg2[%dma_wait3A_406, %add3A, %dma_wait3A_410, %dma_wait3A_411] : memref<25x32x8x128xi32, #tpu.memory_space<hbm>> -> memref<1x1x8x128xi32, #tpu.memory_space<hbm>>
    %dma_wait3A_413 = tpu.memref_squeeze %dma_wait3A_412 : memref<1x1x8x128xi32, #tpu.memory_space<hbm>> -> memref<8x128xi32, #tpu.memory_space<hbm>>
    %dma_wait3A_414 = arith.constant 16 : i32
    %dma_wait3A_415 = arith.constant 0 : i32
    %dma_wait3A_416 = tpu.memref_slice %arg6[%dma_wait3A_414, %dma_wait3A_415] : memref<200x128xi32, #tpu.memory_space<vmem>> -> memref<8x128xi32, #tpu.memory_space<vmem>>
    %dma_wait3A_417 = arith.constant 0 : i32
    %dma_wait3A_418 = arith.constant 0 : i32
    %dma_wait3A_419 = tpu.memref_slice %arg2[%dma_wait3A_406, %add3A, %dma_wait3A_417, %dma_wait3A_418] : memref<25x32x8x128xi32, #tpu.memory_space<hbm>> -> memref<1x1x8x128xi32, #tpu.memory_space<hbm>>
    %dma_wait3A_420 = tpu.memref_squeeze %dma_wait3A_419 : memref<1x1x8x128xi32, #tpu.memory_space<hbm>> -> memref<8x128xi32, #tpu.memory_space<hbm>>
    tpu.wait_dma2 semaphore(%arg16 : memref<!tpu.dma_semaphore, #tpu.memory_space<semaphore_mem>>) src(%dma_wait3A_420 : memref<8x128xi32, #tpu.memory_space<hbm>>) dst(%dma_wait3A_416 : memref<8x128xi32, #tpu.memory_space<vmem>>)
    %dma_wait3A_421 = arith.constant 3 : i32
    %dma_wait3A_422 = arith.constant 24 : i32
    %dma_wait3A_423 = arith.constant 0 : i32
    %dma_wait3A_424 = tpu.memref_slice %arg6[%dma_wait3A_422, %dma_wait3A_423] : memref<200x128xi32, #tpu.memory_space<vmem>> -> memref<8x128xi32, #tpu.memory_space<vmem>>
    %dma_wait3A_425 = arith.constant 0 : i32
    %dma_wait3A_426 = arith.constant 0 : i32
    %dma_wait3A_427 = tpu.memref_slice %arg2[%dma_wait3A_421, %add3A, %dma_wait3A_425, %dma_wait3A_426] : memref<25x32x8x128xi32, #tpu.memory_space<hbm>> -> memref<1x1x8x128xi32, #tpu.memory_space<hbm>>
    %dma_wait3A_428 = tpu.memref_squeeze %dma_wait3A_427 : memref<1x1x8x128xi32, #tpu.memory_space<hbm>> -> memref<8x128xi32, #tpu.memory_space<hbm>>
    %dma_wait3A_429 = arith.constant 24 : i32
    %dma_wait3A_430 = arith.constant 0 : i32
    %dma_wait3A_431 = tpu.memref_slice %arg6[%dma_wait3A_429, %dma_wait3A_430] : memref<200x128xi32, #tpu.memory_space<vmem>> -> memref<8x128xi32, #tpu.memory_space<vmem>>
    %dma_wait3A_432 = arith.constant 0 : i32
    %dma_wait3A_433 = arith.constant 0 : i32
    %dma_wait3A_434 = tpu.memref_slice %arg2[%dma_wait3A_421, %add3A, %dma_wait3A_432, %dma_wait3A_433] : memref<25x32x8x128xi32, #tpu.memory_space<hbm>> -> memref<1x1x8x128xi32, #tpu.memory_space<hbm>>
    %dma_wait3A_435 = tpu.memref_squeeze %dma_wait3A_434 : memref<1x1x8x128xi32, #tpu.memory_space<hbm>> -> memref<8x128xi32, #tpu.memory_space<hbm>>
    tpu.wait_dma2 semaphore(%arg16 : memref<!tpu.dma_semaphore, #tpu.memory_space<semaphore_mem>>) src(%dma_wait3A_435 : memref<8x128xi32, #tpu.memory_space<hbm>>) dst(%dma_wait3A_431 : memref<8x128xi32, #tpu.memory_space<vmem>>)
    %dma_wait3A_436 = arith.constant 4 : i32
    %dma_wait3A_437 = arith.constant 32 : i32
    %dma_wait3A_438 = arith.constant 0 : i32
    %dma_wait3A_439 = tpu.memref_slice %arg6[%dma_wait3A_437, %dma_wait3A_438] : memref<200x128xi32, #tpu.memory_space<vmem>> -> memref<8x128xi32, #tpu.memory_space<vmem>>
    %dma_wait3A_440 = arith.constant 0 : i32
    %dma_wait3A_441 = arith.constant 0 : i32
    %dma_wait3A_442 = tpu.memref_slice %arg2[%dma_wait3A_436, %add3A, %dma_wait3A_440, %dma_wait3A_441] : memref<25x32x8x128xi32, #tpu.memory_space<hbm>> -> memref<1x1x8x128xi32, #tpu.memory_space<hbm>>
    %dma_wait3A_443 = tpu.memref_squeeze %dma_wait3A_442 : memref<1x1x8x128xi32, #tpu.memory_space<hbm>> -> memref<8x128xi32, #tpu.memory_space<hbm>>
    %dma_wait3A_444 = arith.constant 32 : i32
    %dma_wait3A_445 = arith.constant 0 : i32
    %dma_wait3A_446 = tpu.memref_slice %arg6[%dma_wait3A_444, %dma_wait3A_445] : memref<200x128xi32, #tpu.memory_space<vmem>> -> memref<8x128xi32, #tpu.memory_space<vmem>>
    %dma_wait3A_447 = arith.constant 0 : i32
    %dma_wait3A_448 = arith.constant 0 : i32
    %dma_wait3A_449 = tpu.memref_slice %arg2[%dma_wait3A_436, %add3A, %dma_wait3A_447, %dma_wait3A_448] : memref<25x32x8x128xi32, #tpu.memory_space<hbm>> -> memref<1x1x8x128xi32, #tpu.memory_space<hbm>>
    %dma_wait3A_450 = tpu.memref_squeeze %dma_wait3A_449 : memref<1x1x8x128xi32, #tpu.memory_space<hbm>> -> memref<8x128xi32, #tpu.memory_space<hbm>>
    tpu.wait_dma2 semaphore(%arg16 : memref<!tpu.dma_semaphore, #tpu.memory_space<semaphore_mem>>) src(%dma_wait3A_450 : memref<8x128xi32, #tpu.memory_space<hbm>>) dst(%dma_wait3A_446 : memref<8x128xi32, #tpu.memory_space<vmem>>)
    %dma_wait3A_451 = arith.constant 5 : i32
    %dma_wait3A_452 = arith.constant 40 : i32
    %dma_wait3A_453 = arith.constant 0 : i32
    %dma_wait3A_454 = tpu.memref_slice %arg6[%dma_wait3A_452, %dma_wait3A_453] : memref<200x128xi32, #tpu.memory_space<vmem>> -> memref<8x128xi32, #tpu.memory_space<vmem>>
    %dma_wait3A_455 = arith.constant 0 : i32
    %dma_wait3A_456 = arith.constant 0 : i32
    %dma_wait3A_457 = tpu.memref_slice %arg2[%dma_wait3A_451, %add3A, %dma_wait3A_455, %dma_wait3A_456] : memref<25x32x8x128xi32, #tpu.memory_space<hbm>> -> memref<1x1x8x128xi32, #tpu.memory_space<hbm>>
    %dma_wait3A_458 = tpu.memref_squeeze %dma_wait3A_457 : memref<1x1x8x128xi32, #tpu.memory_space<hbm>> -> memref<8x128xi32, #tpu.memory_space<hbm>>
    %dma_wait3A_459 = arith.constant 40 : i32
    %dma_wait3A_460 = arith.constant 0 : i32
    %dma_wait3A_461 = tpu.memref_slice %arg6[%dma_wait3A_459, %dma_wait3A_460] : memref<200x128xi32, #tpu.memory_space<vmem>> -> memref<8x128xi32, #tpu.memory_space<vmem>>
    %dma_wait3A_462 = arith.constant 0 : i32
    %dma_wait3A_463 = arith.constant 0 : i32
    %dma_wait3A_464 = tpu.memref_slice %arg2[%dma_wait3A_451, %add3A, %dma_wait3A_462, %dma_wait3A_463] : memref<25x32x8x128xi32, #tpu.memory_space<hbm>> -> memref<1x1x8x128xi32, #tpu.memory_space<hbm>>
    %dma_wait3A_465 = tpu.memref_squeeze %dma_wait3A_464 : memref<1x1x8x128xi32, #tpu.memory_space<hbm>> -> memref<8x128xi32, #tpu.memory_space<hbm>>
    tpu.wait_dma2 semaphore(%arg16 : memref<!tpu.dma_semaphore, #tpu.memory_space<semaphore_mem>>) src(%dma_wait3A_465 : memref<8x128xi32, #tpu.memory_space<hbm>>) dst(%dma_wait3A_461 : memref<8x128xi32, #tpu.memory_space<vmem>>)
    %dma_wait3A_466 = arith.constant 6 : i32
    %dma_wait3A_467 = arith.constant 48 : i32
    %dma_wait3A_468 = arith.constant 0 : i32
    %dma_wait3A_469 = tpu.memref_slice %arg6[%dma_wait3A_467, %dma_wait3A_468] : memref<200x128xi32, #tpu.memory_space<vmem>> -> memref<8x128xi32, #tpu.memory_space<vmem>>
    %dma_wait3A_470 = arith.constant 0 : i32
    %dma_wait3A_471 = arith.constant 0 : i32
    %dma_wait3A_472 = tpu.memref_slice %arg2[%dma_wait3A_466, %add3A, %dma_wait3A_470, %dma_wait3A_471] : memref<25x32x8x128xi32, #tpu.memory_space<hbm>> -> memref<1x1x8x128xi32, #tpu.memory_space<hbm>>
    %dma_wait3A_473 = tpu.memref_squeeze %dma_wait3A_472 : memref<1x1x8x128xi32, #tpu.memory_space<hbm>> -> memref<8x128xi32, #tpu.memory_space<hbm>>
    %dma_wait3A_474 = arith.constant 48 : i32
    %dma_wait3A_475 = arith.constant 0 : i32
    %dma_wait3A_476 = tpu.memref_slice %arg6[%dma_wait3A_474, %dma_wait3A_475] : memref<200x128xi32, #tpu.memory_space<vmem>> -> memref<8x128xi32, #tpu.memory_space<vmem>>
    %dma_wait3A_477 = arith.constant 0 : i32
    %dma_wait3A_478 = arith.constant 0 : i32
    %dma_wait3A_479 = tpu.memref_slice %arg2[%dma_wait3A_466, %add3A, %dma_wait3A_477, %dma_wait3A_478] : memref<25x32x8x128xi32, #tpu.memory_space<hbm>> -> memref<1x1x8x128xi32, #tpu.memory_space<hbm>>
    %dma_wait3A_480 = tpu.memref_squeeze %dma_wait3A_479 : memref<1x1x8x128xi32, #tpu.memory_space<hbm>> -> memref<8x128xi32, #tpu.memory_space<hbm>>
    tpu.wait_dma2 semaphore(%arg16 : memref<!tpu.dma_semaphore, #tpu.memory_space<semaphore_mem>>) src(%dma_wait3A_480 : memref<8x128xi32, #tpu.memory_space<hbm>>) dst(%dma_wait3A_476 : memref<8x128xi32, #tpu.memory_space<vmem>>)
    %dma_wait3A_481 = arith.constant 7 : i32
    %dma_wait3A_482 = arith.constant 56 : i32
    %dma_wait3A_483 = arith.constant 0 : i32
    %dma_wait3A_484 = tpu.memref_slice %arg6[%dma_wait3A_482, %dma_wait3A_483] : memref<200x128xi32, #tpu.memory_space<vmem>> -> memref<8x128xi32, #tpu.memory_space<vmem>>
    %dma_wait3A_485 = arith.constant 0 : i32
    %dma_wait3A_486 = arith.constant 0 : i32
    %dma_wait3A_487 = tpu.memref_slice %arg2[%dma_wait3A_481, %add3A, %dma_wait3A_485, %dma_wait3A_486] : memref<25x32x8x128xi32, #tpu.memory_space<hbm>> -> memref<1x1x8x128xi32, #tpu.memory_space<hbm>>
    %dma_wait3A_488 = tpu.memref_squeeze %dma_wait3A_487 : memref<1x1x8x128xi32, #tpu.memory_space<hbm>> -> memref<8x128xi32, #tpu.memory_space<hbm>>
    %dma_wait3A_489 = arith.constant 56 : i32
    %dma_wait3A_490 = arith.constant 0 : i32
    %dma_wait3A_491 = tpu.memref_slice %arg6[%dma_wait3A_489, %dma_wait3A_490] : memref<200x128xi32, #tpu.memory_space<vmem>> -> memref<8x128xi32, #tpu.memory_space<vmem>>
    %dma_wait3A_492 = arith.constant 0 : i32
    %dma_wait3A_493 = arith.constant 0 : i32
    %dma_wait3A_494 = tpu.memref_slice %arg2[%dma_wait3A_481, %add3A, %dma_wait3A_492, %dma_wait3A_493] : memref<25x32x8x128xi32, #tpu.memory_space<hbm>> -> memref<1x1x8x128xi32, #tpu.memory_space<hbm>>
    %dma_wait3A_495 = tpu.memref_squeeze %dma_wait3A_494 : memref<1x1x8x128xi32, #tpu.memory_space<hbm>> -> memref<8x128xi32, #tpu.memory_space<hbm>>
    tpu.wait_dma2 semaphore(%arg16 : memref<!tpu.dma_semaphore, #tpu.memory_space<semaphore_mem>>) src(%dma_wait3A_495 : memref<8x128xi32, #tpu.memory_space<hbm>>) dst(%dma_wait3A_491 : memref<8x128xi32, #tpu.memory_space<vmem>>)
    %dma_wait3A_496 = arith.constant 8 : i32
    %dma_wait3A_497 = arith.constant 64 : i32
    %dma_wait3A_498 = arith.constant 0 : i32
    %dma_wait3A_499 = tpu.memref_slice %arg6[%dma_wait3A_497, %dma_wait3A_498] : memref<200x128xi32, #tpu.memory_space<vmem>> -> memref<8x128xi32, #tpu.memory_space<vmem>>
    %dma_wait3A_500 = arith.constant 0 : i32
    %dma_wait3A_501 = arith.constant 0 : i32
    %dma_wait3A_502 = tpu.memref_slice %arg2[%dma_wait3A_496, %add3A, %dma_wait3A_500, %dma_wait3A_501] : memref<25x32x8x128xi32, #tpu.memory_space<hbm>> -> memref<1x1x8x128xi32, #tpu.memory_space<hbm>>
    %dma_wait3A_503 = tpu.memref_squeeze %dma_wait3A_502 : memref<1x1x8x128xi32, #tpu.memory_space<hbm>> -> memref<8x128xi32, #tpu.memory_space<hbm>>
    %dma_wait3A_504 = arith.constant 64 : i32
    %dma_wait3A_505 = arith.constant 0 : i32
    %dma_wait3A_506 = tpu.memref_slice %arg6[%dma_wait3A_504, %dma_wait3A_505] : memref<200x128xi32, #tpu.memory_space<vmem>> -> memref<8x128xi32, #tpu.memory_space<vmem>>
    %dma_wait3A_507 = arith.constant 0 : i32
    %dma_wait3A_508 = arith.constant 0 : i32
    %dma_wait3A_509 = tpu.memref_slice %arg2[%dma_wait3A_496, %add3A, %dma_wait3A_507, %dma_wait3A_508] : memref<25x32x8x128xi32, #tpu.memory_space<hbm>> -> memref<1x1x8x128xi32, #tpu.memory_space<hbm>>
    %dma_wait3A_510 = tpu.memref_squeeze %dma_wait3A_509 : memref<1x1x8x128xi32, #tpu.memory_space<hbm>> -> memref<8x128xi32, #tpu.memory_space<hbm>>
    tpu.wait_dma2 semaphore(%arg16 : memref<!tpu.dma_semaphore, #tpu.memory_space<semaphore_mem>>) src(%dma_wait3A_510 : memref<8x128xi32, #tpu.memory_space<hbm>>) dst(%dma_wait3A_506 : memref<8x128xi32, #tpu.memory_space<vmem>>)
    %dma_wait3A_511 = arith.constant 9 : i32
    %dma_wait3A_512 = arith.constant 72 : i32
    %dma_wait3A_513 = arith.constant 0 : i32
    %dma_wait3A_514 = tpu.memref_slice %arg6[%dma_wait3A_512, %dma_wait3A_513] : memref<200x128xi32, #tpu.memory_space<vmem>> -> memref<8x128xi32, #tpu.memory_space<vmem>>
    %dma_wait3A_515 = arith.constant 0 : i32
    %dma_wait3A_516 = arith.constant 0 : i32
    %dma_wait3A_517 = tpu.memref_slice %arg2[%dma_wait3A_511, %add3A, %dma_wait3A_515, %dma_wait3A_516] : memref<25x32x8x128xi32, #tpu.memory_space<hbm>> -> memref<1x1x8x128xi32, #tpu.memory_space<hbm>>
    %dma_wait3A_518 = tpu.memref_squeeze %dma_wait3A_517 : memref<1x1x8x128xi32, #tpu.memory_space<hbm>> -> memref<8x128xi32, #tpu.memory_space<hbm>>
    %dma_wait3A_519 = arith.constant 72 : i32
    %dma_wait3A_520 = arith.constant 0 : i32
    %dma_wait3A_521 = tpu.memref_slice %arg6[%dma_wait3A_519, %dma_wait3A_520] : memref<200x128xi32, #tpu.memory_space<vmem>> -> memref<8x128xi32, #tpu.memory_space<vmem>>
    %dma_wait3A_522 = arith.constant 0 : i32
    %dma_wait3A_523 = arith.constant 0 : i32
    %dma_wait3A_524 = tpu.memref_slice %arg2[%dma_wait3A_511, %add3A, %dma_wait3A_522, %dma_wait3A_523] : memref<25x32x8x128xi32, #tpu.memory_space<hbm>> -> memref<1x1x8x128xi32, #tpu.memory_space<hbm>>
    %dma_wait3A_525 = tpu.memref_squeeze %dma_wait3A_524 : memref<1x1x8x128xi32, #tpu.memory_space<hbm>> -> memref<8x128xi32, #tpu.memory_space<hbm>>
    tpu.wait_dma2 semaphore(%arg16 : memref<!tpu.dma_semaphore, #tpu.memory_space<semaphore_mem>>) src(%dma_wait3A_525 : memref<8x128xi32, #tpu.memory_space<hbm>>) dst(%dma_wait3A_521 : memref<8x128xi32, #tpu.memory_space<vmem>>)
    %dma_wait3A_526 = arith.constant 10 : i32
    %dma_wait3A_527 = arith.constant 80 : i32
    %dma_wait3A_528 = arith.constant 0 : i32
    %dma_wait3A_529 = tpu.memref_slice %arg6[%dma_wait3A_527, %dma_wait3A_528] : memref<200x128xi32, #tpu.memory_space<vmem>> -> memref<8x128xi32, #tpu.memory_space<vmem>>
    %dma_wait3A_530 = arith.constant 0 : i32
    %dma_wait3A_531 = arith.constant 0 : i32
    %dma_wait3A_532 = tpu.memref_slice %arg2[%dma_wait3A_526, %add3A, %dma_wait3A_530, %dma_wait3A_531] : memref<25x32x8x128xi32, #tpu.memory_space<hbm>> -> memref<1x1x8x128xi32, #tpu.memory_space<hbm>>
    %dma_wait3A_533 = tpu.memref_squeeze %dma_wait3A_532 : memref<1x1x8x128xi32, #tpu.memory_space<hbm>> -> memref<8x128xi32, #tpu.memory_space<hbm>>
    %dma_wait3A_534 = arith.constant 80 : i32
    %dma_wait3A_535 = arith.constant 0 : i32
    %dma_wait3A_536 = tpu.memref_slice %arg6[%dma_wait3A_534, %dma_wait3A_535] : memref<200x128xi32, #tpu.memory_space<vmem>> -> memref<8x128xi32, #tpu.memory_space<vmem>>
    %dma_wait3A_537 = arith.constant 0 : i32
    %dma_wait3A_538 = arith.constant 0 : i32
    %dma_wait3A_539 = tpu.memref_slice %arg2[%dma_wait3A_526, %add3A, %dma_wait3A_537, %dma_wait3A_538] : memref<25x32x8x128xi32, #tpu.memory_space<hbm>> -> memref<1x1x8x128xi32, #tpu.memory_space<hbm>>
    %dma_wait3A_540 = tpu.memref_squeeze %dma_wait3A_539 : memref<1x1x8x128xi32, #tpu.memory_space<hbm>> -> memref<8x128xi32, #tpu.memory_space<hbm>>
    tpu.wait_dma2 semaphore(%arg16 : memref<!tpu.dma_semaphore, #tpu.memory_space<semaphore_mem>>) src(%dma_wait3A_540 : memref<8x128xi32, #tpu.memory_space<hbm>>) dst(%dma_wait3A_536 : memref<8x128xi32, #tpu.memory_space<vmem>>)
    %dma_wait3A_541 = arith.constant 11 : i32
    %dma_wait3A_542 = arith.constant 88 : i32
    %dma_wait3A_543 = arith.constant 0 : i32
    %dma_wait3A_544 = tpu.memref_slice %arg6[%dma_wait3A_542, %dma_wait3A_543] : memref<200x128xi32, #tpu.memory_space<vmem>> -> memref<8x128xi32, #tpu.memory_space<vmem>>
    %dma_wait3A_545 = arith.constant 0 : i32
    %dma_wait3A_546 = arith.constant 0 : i32
    %dma_wait3A_547 = tpu.memref_slice %arg2[%dma_wait3A_541, %add3A, %dma_wait3A_545, %dma_wait3A_546] : memref<25x32x8x128xi32, #tpu.memory_space<hbm>> -> memref<1x1x8x128xi32, #tpu.memory_space<hbm>>
    %dma_wait3A_548 = tpu.memref_squeeze %dma_wait3A_547 : memref<1x1x8x128xi32, #tpu.memory_space<hbm>> -> memref<8x128xi32, #tpu.memory_space<hbm>>
    %dma_wait3A_549 = arith.constant 88 : i32
    %dma_wait3A_550 = arith.constant 0 : i32
    %dma_wait3A_551 = tpu.memref_slice %arg6[%dma_wait3A_549, %dma_wait3A_550] : memref<200x128xi32, #tpu.memory_space<vmem>> -> memref<8x128xi32, #tpu.memory_space<vmem>>
    %dma_wait3A_552 = arith.constant 0 : i32
    %dma_wait3A_553 = arith.constant 0 : i32
    %dma_wait3A_554 = tpu.memref_slice %arg2[%dma_wait3A_541, %add3A, %dma_wait3A_552, %dma_wait3A_553] : memref<25x32x8x128xi32, #tpu.memory_space<hbm>> -> memref<1x1x8x128xi32, #tpu.memory_space<hbm>>
    %dma_wait3A_555 = tpu.memref_squeeze %dma_wait3A_554 : memref<1x1x8x128xi32, #tpu.memory_space<hbm>> -> memref<8x128xi32, #tpu.memory_space<hbm>>
    tpu.wait_dma2 semaphore(%arg16 : memref<!tpu.dma_semaphore, #tpu.memory_space<semaphore_mem>>) src(%dma_wait3A_555 : memref<8x128xi32, #tpu.memory_space<hbm>>) dst(%dma_wait3A_551 : memref<8x128xi32, #tpu.memory_space<vmem>>)
    %dma_wait3A_556 = arith.constant 12 : i32
    %dma_wait3A_557 = arith.constant 96 : i32
    %dma_wait3A_558 = arith.constant 0 : i32
    %dma_wait3A_559 = tpu.memref_slice %arg6[%dma_wait3A_557, %dma_wait3A_558] : memref<200x128xi32, #tpu.memory_space<vmem>> -> memref<8x128xi32, #tpu.memory_space<vmem>>
    %dma_wait3A_560 = arith.constant 0 : i32
    %dma_wait3A_561 = arith.constant 0 : i32
    %dma_wait3A_562 = tpu.memref_slice %arg2[%dma_wait3A_556, %add3A, %dma_wait3A_560, %dma_wait3A_561] : memref<25x32x8x128xi32, #tpu.memory_space<hbm>> -> memref<1x1x8x128xi32, #tpu.memory_space<hbm>>
    %dma_wait3A_563 = tpu.memref_squeeze %dma_wait3A_562 : memref<1x1x8x128xi32, #tpu.memory_space<hbm>> -> memref<8x128xi32, #tpu.memory_space<hbm>>
    %dma_wait3A_564 = arith.constant 96 : i32
    %dma_wait3A_565 = arith.constant 0 : i32
    %dma_wait3A_566 = tpu.memref_slice %arg6[%dma_wait3A_564, %dma_wait3A_565] : memref<200x128xi32, #tpu.memory_space<vmem>> -> memref<8x128xi32, #tpu.memory_space<vmem>>
    %dma_wait3A_567 = arith.constant 0 : i32
    %dma_wait3A_568 = arith.constant 0 : i32
    %dma_wait3A_569 = tpu.memref_slice %arg2[%dma_wait3A_556, %add3A, %dma_wait3A_567, %dma_wait3A_568] : memref<25x32x8x128xi32, #tpu.memory_space<hbm>> -> memref<1x1x8x128xi32, #tpu.memory_space<hbm>>
    %dma_wait3A_570 = tpu.memref_squeeze %dma_wait3A_569 : memref<1x1x8x128xi32, #tpu.memory_space<hbm>> -> memref<8x128xi32, #tpu.memory_space<hbm>>
    tpu.wait_dma2 semaphore(%arg16 : memref<!tpu.dma_semaphore, #tpu.memory_space<semaphore_mem>>) src(%dma_wait3A_570 : memref<8x128xi32, #tpu.memory_space<hbm>>) dst(%dma_wait3A_566 : memref<8x128xi32, #tpu.memory_space<vmem>>)
    %dma_wait3A_571 = arith.constant 13 : i32
    %dma_wait3A_572 = arith.constant 104 : i32
    %dma_wait3A_573 = arith.constant 0 : i32
    %dma_wait3A_574 = tpu.memref_slice %arg6[%dma_wait3A_572, %dma_wait3A_573] : memref<200x128xi32, #tpu.memory_space<vmem>> -> memref<8x128xi32, #tpu.memory_space<vmem>>
    %dma_wait3A_575 = arith.constant 0 : i32
    %dma_wait3A_576 = arith.constant 0 : i32
    %dma_wait3A_577 = tpu.memref_slice %arg2[%dma_wait3A_571, %add3A, %dma_wait3A_575, %dma_wait3A_576] : memref<25x32x8x128xi32, #tpu.memory_space<hbm>> -> memref<1x1x8x128xi32, #tpu.memory_space<hbm>>
    %dma_wait3A_578 = tpu.memref_squeeze %dma_wait3A_577 : memref<1x1x8x128xi32, #tpu.memory_space<hbm>> -> memref<8x128xi32, #tpu.memory_space<hbm>>
    %dma_wait3A_579 = arith.constant 104 : i32
    %dma_wait3A_580 = arith.constant 0 : i32
    %dma_wait3A_581 = tpu.memref_slice %arg6[%dma_wait3A_579, %dma_wait3A_580] : memref<200x128xi32, #tpu.memory_space<vmem>> -> memref<8x128xi32, #tpu.memory_space<vmem>>
    %dma_wait3A_582 = arith.constant 0 : i32
    %dma_wait3A_583 = arith.constant 0 : i32
    %dma_wait3A_584 = tpu.memref_slice %arg2[%dma_wait3A_571, %add3A, %dma_wait3A_582, %dma_wait3A_583] : memref<25x32x8x128xi32, #tpu.memory_space<hbm>> -> memref<1x1x8x128xi32, #tpu.memory_space<hbm>>
    %dma_wait3A_585 = tpu.memref_squeeze %dma_wait3A_584 : memref<1x1x8x128xi32, #tpu.memory_space<hbm>> -> memref<8x128xi32, #tpu.memory_space<hbm>>
    tpu.wait_dma2 semaphore(%arg16 : memref<!tpu.dma_semaphore, #tpu.memory_space<semaphore_mem>>) src(%dma_wait3A_585 : memref<8x128xi32, #tpu.memory_space<hbm>>) dst(%dma_wait3A_581 : memref<8x128xi32, #tpu.memory_space<vmem>>)
    %dma_wait3A_586 = arith.constant 14 : i32
    %dma_wait3A_587 = arith.constant 112 : i32
    %dma_wait3A_588 = arith.constant 0 : i32
    %dma_wait3A_589 = tpu.memref_slice %arg6[%dma_wait3A_587, %dma_wait3A_588] : memref<200x128xi32, #tpu.memory_space<vmem>> -> memref<8x128xi32, #tpu.memory_space<vmem>>
    %dma_wait3A_590 = arith.constant 0 : i32
    %dma_wait3A_591 = arith.constant 0 : i32
    %dma_wait3A_592 = tpu.memref_slice %arg2[%dma_wait3A_586, %add3A, %dma_wait3A_590, %dma_wait3A_591] : memref<25x32x8x128xi32, #tpu.memory_space<hbm>> -> memref<1x1x8x128xi32, #tpu.memory_space<hbm>>
    %dma_wait3A_593 = tpu.memref_squeeze %dma_wait3A_592 : memref<1x1x8x128xi32, #tpu.memory_space<hbm>> -> memref<8x128xi32, #tpu.memory_space<hbm>>
    %dma_wait3A_594 = arith.constant 112 : i32
    %dma_wait3A_595 = arith.constant 0 : i32
    %dma_wait3A_596 = tpu.memref_slice %arg6[%dma_wait3A_594, %dma_wait3A_595] : memref<200x128xi32, #tpu.memory_space<vmem>> -> memref<8x128xi32, #tpu.memory_space<vmem>>
    %dma_wait3A_597 = arith.constant 0 : i32
    %dma_wait3A_598 = arith.constant 0 : i32
    %dma_wait3A_599 = tpu.memref_slice %arg2[%dma_wait3A_586, %add3A, %dma_wait3A_597, %dma_wait3A_598] : memref<25x32x8x128xi32, #tpu.memory_space<hbm>> -> memref<1x1x8x128xi32, #tpu.memory_space<hbm>>
    %dma_wait3A_600 = tpu.memref_squeeze %dma_wait3A_599 : memref<1x1x8x128xi32, #tpu.memory_space<hbm>> -> memref<8x128xi32, #tpu.memory_space<hbm>>
    tpu.wait_dma2 semaphore(%arg16 : memref<!tpu.dma_semaphore, #tpu.memory_space<semaphore_mem>>) src(%dma_wait3A_600 : memref<8x128xi32, #tpu.memory_space<hbm>>) dst(%dma_wait3A_596 : memref<8x128xi32, #tpu.memory_space<vmem>>)
    %dma_wait3A_601 = arith.constant 15 : i32
    %dma_wait3A_602 = arith.constant 120 : i32
    %dma_wait3A_603 = arith.constant 0 : i32
    %dma_wait3A_604 = tpu.memref_slice %arg6[%dma_wait3A_602, %dma_wait3A_603] : memref<200x128xi32, #tpu.memory_space<vmem>> -> memref<8x128xi32, #tpu.memory_space<vmem>>
    %dma_wait3A_605 = arith.constant 0 : i32
    %dma_wait3A_606 = arith.constant 0 : i32
    %dma_wait3A_607 = tpu.memref_slice %arg2[%dma_wait3A_601, %add3A, %dma_wait3A_605, %dma_wait3A_606] : memref<25x32x8x128xi32, #tpu.memory_space<hbm>> -> memref<1x1x8x128xi32, #tpu.memory_space<hbm>>
    %dma_wait3A_608 = tpu.memref_squeeze %dma_wait3A_607 : memref<1x1x8x128xi32, #tpu.memory_space<hbm>> -> memref<8x128xi32, #tpu.memory_space<hbm>>
    %dma_wait3A_609 = arith.constant 120 : i32
    %dma_wait3A_610 = arith.constant 0 : i32
    %dma_wait3A_611 = tpu.memref_slice %arg6[%dma_wait3A_609, %dma_wait3A_610] : memref<200x128xi32, #tpu.memory_space<vmem>> -> memref<8x128xi32, #tpu.memory_space<vmem>>
    %dma_wait3A_612 = arith.constant 0 : i32
    %dma_wait3A_613 = arith.constant 0 : i32
    %dma_wait3A_614 = tpu.memref_slice %arg2[%dma_wait3A_601, %add3A, %dma_wait3A_612, %dma_wait3A_613] : memref<25x32x8x128xi32, #tpu.memory_space<hbm>> -> memref<1x1x8x128xi32, #tpu.memory_space<hbm>>
    %dma_wait3A_615 = tpu.memref_squeeze %dma_wait3A_614 : memref<1x1x8x128xi32, #tpu.memory_space<hbm>> -> memref<8x128xi32, #tpu.memory_space<hbm>>
    tpu.wait_dma2 semaphore(%arg16 : memref<!tpu.dma_semaphore, #tpu.memory_space<semaphore_mem>>) src(%dma_wait3A_615 : memref<8x128xi32, #tpu.memory_space<hbm>>) dst(%dma_wait3A_611 : memref<8x128xi32, #tpu.memory_space<vmem>>)
    %dma_wait3A_616 = arith.constant 16 : i32
    %dma_wait3A_617 = arith.constant 128 : i32
    %dma_wait3A_618 = arith.constant 0 : i32
    %dma_wait3A_619 = tpu.memref_slice %arg6[%dma_wait3A_617, %dma_wait3A_618] : memref<200x128xi32, #tpu.memory_space<vmem>> -> memref<8x128xi32, #tpu.memory_space<vmem>>
    %dma_wait3A_620 = arith.constant 0 : i32
    %dma_wait3A_621 = arith.constant 0 : i32
    %dma_wait3A_622 = tpu.memref_slice %arg2[%dma_wait3A_616, %add3A, %dma_wait3A_620, %dma_wait3A_621] : memref<25x32x8x128xi32, #tpu.memory_space<hbm>> -> memref<1x1x8x128xi32, #tpu.memory_space<hbm>>
    %dma_wait3A_623 = tpu.memref_squeeze %dma_wait3A_622 : memref<1x1x8x128xi32, #tpu.memory_space<hbm>> -> memref<8x128xi32, #tpu.memory_space<hbm>>
    %dma_wait3A_624 = arith.constant 128 : i32
    %dma_wait3A_625 = arith.constant 0 : i32
    %dma_wait3A_626 = tpu.memref_slice %arg6[%dma_wait3A_624, %dma_wait3A_625] : memref<200x128xi32, #tpu.memory_space<vmem>> -> memref<8x128xi32, #tpu.memory_space<vmem>>
    %dma_wait3A_627 = arith.constant 0 : i32
    %dma_wait3A_628 = arith.constant 0 : i32
    %dma_wait3A_629 = tpu.memref_slice %arg2[%dma_wait3A_616, %add3A, %dma_wait3A_627, %dma_wait3A_628] : memref<25x32x8x128xi32, #tpu.memory_space<hbm>> -> memref<1x1x8x128xi32, #tpu.memory_space<hbm>>
    %dma_wait3A_630 = tpu.memref_squeeze %dma_wait3A_629 : memref<1x1x8x128xi32, #tpu.memory_space<hbm>> -> memref<8x128xi32, #tpu.memory_space<hbm>>
    tpu.wait_dma2 semaphore(%arg16 : memref<!tpu.dma_semaphore, #tpu.memory_space<semaphore_mem>>) src(%dma_wait3A_630 : memref<8x128xi32, #tpu.memory_space<hbm>>) dst(%dma_wait3A_626 : memref<8x128xi32, #tpu.memory_space<vmem>>)
    %dma_wait3A_631 = arith.constant 17 : i32
    %dma_wait3A_632 = arith.constant 136 : i32
    %dma_wait3A_633 = arith.constant 0 : i32
    %dma_wait3A_634 = tpu.memref_slice %arg6[%dma_wait3A_632, %dma_wait3A_633] : memref<200x128xi32, #tpu.memory_space<vmem>> -> memref<8x128xi32, #tpu.memory_space<vmem>>
    %dma_wait3A_635 = arith.constant 0 : i32
    %dma_wait3A_636 = arith.constant 0 : i32
    %dma_wait3A_637 = tpu.memref_slice %arg2[%dma_wait3A_631, %add3A, %dma_wait3A_635, %dma_wait3A_636] : memref<25x32x8x128xi32, #tpu.memory_space<hbm>> -> memref<1x1x8x128xi32, #tpu.memory_space<hbm>>
    %dma_wait3A_638 = tpu.memref_squeeze %dma_wait3A_637 : memref<1x1x8x128xi32, #tpu.memory_space<hbm>> -> memref<8x128xi32, #tpu.memory_space<hbm>>
    %dma_wait3A_639 = arith.constant 136 : i32
    %dma_wait3A_640 = arith.constant 0 : i32
    %dma_wait3A_641 = tpu.memref_slice %arg6[%dma_wait3A_639, %dma_wait3A_640] : memref<200x128xi32, #tpu.memory_space<vmem>> -> memref<8x128xi32, #tpu.memory_space<vmem>>
    %dma_wait3A_642 = arith.constant 0 : i32
    %dma_wait3A_643 = arith.constant 0 : i32
    %dma_wait3A_644 = tpu.memref_slice %arg2[%dma_wait3A_631, %add3A, %dma_wait3A_642, %dma_wait3A_643] : memref<25x32x8x128xi32, #tpu.memory_space<hbm>> -> memref<1x1x8x128xi32, #tpu.memory_space<hbm>>
    %dma_wait3A_645 = tpu.memref_squeeze %dma_wait3A_644 : memref<1x1x8x128xi32, #tpu.memory_space<hbm>> -> memref<8x128xi32, #tpu.memory_space<hbm>>
    tpu.wait_dma2 semaphore(%arg16 : memref<!tpu.dma_semaphore, #tpu.memory_space<semaphore_mem>>) src(%dma_wait3A_645 : memref<8x128xi32, #tpu.memory_space<hbm>>) dst(%dma_wait3A_641 : memref<8x128xi32, #tpu.memory_space<vmem>>)
    %dma_wait3A_646 = arith.constant 18 : i32
    %dma_wait3A_647 = arith.constant 144 : i32
    %dma_wait3A_648 = arith.constant 0 : i32
    %dma_wait3A_649 = tpu.memref_slice %arg6[%dma_wait3A_647, %dma_wait3A_648] : memref<200x128xi32, #tpu.memory_space<vmem>> -> memref<8x128xi32, #tpu.memory_space<vmem>>
    %dma_wait3A_650 = arith.constant 0 : i32
    %dma_wait3A_651 = arith.constant 0 : i32
    %dma_wait3A_652 = tpu.memref_slice %arg2[%dma_wait3A_646, %add3A, %dma_wait3A_650, %dma_wait3A_651] : memref<25x32x8x128xi32, #tpu.memory_space<hbm>> -> memref<1x1x8x128xi32, #tpu.memory_space<hbm>>
    %dma_wait3A_653 = tpu.memref_squeeze %dma_wait3A_652 : memref<1x1x8x128xi32, #tpu.memory_space<hbm>> -> memref<8x128xi32, #tpu.memory_space<hbm>>
    %dma_wait3A_654 = arith.constant 144 : i32
    %dma_wait3A_655 = arith.constant 0 : i32
    %dma_wait3A_656 = tpu.memref_slice %arg6[%dma_wait3A_654, %dma_wait3A_655] : memref<200x128xi32, #tpu.memory_space<vmem>> -> memref<8x128xi32, #tpu.memory_space<vmem>>
    %dma_wait3A_657 = arith.constant 0 : i32
    %dma_wait3A_658 = arith.constant 0 : i32
    %dma_wait3A_659 = tpu.memref_slice %arg2[%dma_wait3A_646, %add3A, %dma_wait3A_657, %dma_wait3A_658] : memref<25x32x8x128xi32, #tpu.memory_space<hbm>> -> memref<1x1x8x128xi32, #tpu.memory_space<hbm>>
    %dma_wait3A_660 = tpu.memref_squeeze %dma_wait3A_659 : memref<1x1x8x128xi32, #tpu.memory_space<hbm>> -> memref<8x128xi32, #tpu.memory_space<hbm>>
    tpu.wait_dma2 semaphore(%arg16 : memref<!tpu.dma_semaphore, #tpu.memory_space<semaphore_mem>>) src(%dma_wait3A_660 : memref<8x128xi32, #tpu.memory_space<hbm>>) dst(%dma_wait3A_656 : memref<8x128xi32, #tpu.memory_space<vmem>>)
    %dma_wait3A_661 = arith.constant 19 : i32
    %dma_wait3A_662 = arith.constant 152 : i32
    %dma_wait3A_663 = arith.constant 0 : i32
    %dma_wait3A_664 = tpu.memref_slice %arg6[%dma_wait3A_662, %dma_wait3A_663] : memref<200x128xi32, #tpu.memory_space<vmem>> -> memref<8x128xi32, #tpu.memory_space<vmem>>
    %dma_wait3A_665 = arith.constant 0 : i32
    %dma_wait3A_666 = arith.constant 0 : i32
    %dma_wait3A_667 = tpu.memref_slice %arg2[%dma_wait3A_661, %add3A, %dma_wait3A_665, %dma_wait3A_666] : memref<25x32x8x128xi32, #tpu.memory_space<hbm>> -> memref<1x1x8x128xi32, #tpu.memory_space<hbm>>
    %dma_wait3A_668 = tpu.memref_squeeze %dma_wait3A_667 : memref<1x1x8x128xi32, #tpu.memory_space<hbm>> -> memref<8x128xi32, #tpu.memory_space<hbm>>
    %dma_wait3A_669 = arith.constant 152 : i32
    %dma_wait3A_670 = arith.constant 0 : i32
    %dma_wait3A_671 = tpu.memref_slice %arg6[%dma_wait3A_669, %dma_wait3A_670] : memref<200x128xi32, #tpu.memory_space<vmem>> -> memref<8x128xi32, #tpu.memory_space<vmem>>
    %dma_wait3A_672 = arith.constant 0 : i32
    %dma_wait3A_673 = arith.constant 0 : i32
    %dma_wait3A_674 = tpu.memref_slice %arg2[%dma_wait3A_661, %add3A, %dma_wait3A_672, %dma_wait3A_673] : memref<25x32x8x128xi32, #tpu.memory_space<hbm>> -> memref<1x1x8x128xi32, #tpu.memory_space<hbm>>
    %dma_wait3A_675 = tpu.memref_squeeze %dma_wait3A_674 : memref<1x1x8x128xi32, #tpu.memory_space<hbm>> -> memref<8x128xi32, #tpu.memory_space<hbm>>
    tpu.wait_dma2 semaphore(%arg16 : memref<!tpu.dma_semaphore, #tpu.memory_space<semaphore_mem>>) src(%dma_wait3A_675 : memref<8x128xi32, #tpu.memory_space<hbm>>) dst(%dma_wait3A_671 : memref<8x128xi32, #tpu.memory_space<vmem>>)
    %dma_wait3A_676 = arith.constant 20 : i32
    %dma_wait3A_677 = arith.constant 160 : i32
    %dma_wait3A_678 = arith.constant 0 : i32
    %dma_wait3A_679 = tpu.memref_slice %arg6[%dma_wait3A_677, %dma_wait3A_678] : memref<200x128xi32, #tpu.memory_space<vmem>> -> memref<8x128xi32, #tpu.memory_space<vmem>>
    %dma_wait3A_680 = arith.constant 0 : i32
    %dma_wait3A_681 = arith.constant 0 : i32
    %dma_wait3A_682 = tpu.memref_slice %arg2[%dma_wait3A_676, %add3A, %dma_wait3A_680, %dma_wait3A_681] : memref<25x32x8x128xi32, #tpu.memory_space<hbm>> -> memref<1x1x8x128xi32, #tpu.memory_space<hbm>>
    %dma_wait3A_683 = tpu.memref_squeeze %dma_wait3A_682 : memref<1x1x8x128xi32, #tpu.memory_space<hbm>> -> memref<8x128xi32, #tpu.memory_space<hbm>>
    %dma_wait3A_684 = arith.constant 160 : i32
    %dma_wait3A_685 = arith.constant 0 : i32
    %dma_wait3A_686 = tpu.memref_slice %arg6[%dma_wait3A_684, %dma_wait3A_685] : memref<200x128xi32, #tpu.memory_space<vmem>> -> memref<8x128xi32, #tpu.memory_space<vmem>>
    %dma_wait3A_687 = arith.constant 0 : i32
    %dma_wait3A_688 = arith.constant 0 : i32
    %dma_wait3A_689 = tpu.memref_slice %arg2[%dma_wait3A_676, %add3A, %dma_wait3A_687, %dma_wait3A_688] : memref<25x32x8x128xi32, #tpu.memory_space<hbm>> -> memref<1x1x8x128xi32, #tpu.memory_space<hbm>>
    %dma_wait3A_690 = tpu.memref_squeeze %dma_wait3A_689 : memref<1x1x8x128xi32, #tpu.memory_space<hbm>> -> memref<8x128xi32, #tpu.memory_space<hbm>>
    tpu.wait_dma2 semaphore(%arg16 : memref<!tpu.dma_semaphore, #tpu.memory_space<semaphore_mem>>) src(%dma_wait3A_690 : memref<8x128xi32, #tpu.memory_space<hbm>>) dst(%dma_wait3A_686 : memref<8x128xi32, #tpu.memory_space<vmem>>)
    %dma_wait3A_691 = arith.constant 21 : i32
    %dma_wait3A_692 = arith.constant 168 : i32
    %dma_wait3A_693 = arith.constant 0 : i32
    %dma_wait3A_694 = tpu.memref_slice %arg6[%dma_wait3A_692, %dma_wait3A_693] : memref<200x128xi32, #tpu.memory_space<vmem>> -> memref<8x128xi32, #tpu.memory_space<vmem>>
    %dma_wait3A_695 = arith.constant 0 : i32
    %dma_wait3A_696 = arith.constant 0 : i32
    %dma_wait3A_697 = tpu.memref_slice %arg2[%dma_wait3A_691, %add3A, %dma_wait3A_695, %dma_wait3A_696] : memref<25x32x8x128xi32, #tpu.memory_space<hbm>> -> memref<1x1x8x128xi32, #tpu.memory_space<hbm>>
    %dma_wait3A_698 = tpu.memref_squeeze %dma_wait3A_697 : memref<1x1x8x128xi32, #tpu.memory_space<hbm>> -> memref<8x128xi32, #tpu.memory_space<hbm>>
    %dma_wait3A_699 = arith.constant 168 : i32
    %dma_wait3A_700 = arith.constant 0 : i32
    %dma_wait3A_701 = tpu.memref_slice %arg6[%dma_wait3A_699, %dma_wait3A_700] : memref<200x128xi32, #tpu.memory_space<vmem>> -> memref<8x128xi32, #tpu.memory_space<vmem>>
    %dma_wait3A_702 = arith.constant 0 : i32
    %dma_wait3A_703 = arith.constant 0 : i32
    %dma_wait3A_704 = tpu.memref_slice %arg2[%dma_wait3A_691, %add3A, %dma_wait3A_702, %dma_wait3A_703] : memref<25x32x8x128xi32, #tpu.memory_space<hbm>> -> memref<1x1x8x128xi32, #tpu.memory_space<hbm>>
    %dma_wait3A_705 = tpu.memref_squeeze %dma_wait3A_704 : memref<1x1x8x128xi32, #tpu.memory_space<hbm>> -> memref<8x128xi32, #tpu.memory_space<hbm>>
    tpu.wait_dma2 semaphore(%arg16 : memref<!tpu.dma_semaphore, #tpu.memory_space<semaphore_mem>>) src(%dma_wait3A_705 : memref<8x128xi32, #tpu.memory_space<hbm>>) dst(%dma_wait3A_701 : memref<8x128xi32, #tpu.memory_space<vmem>>)
    %dma_wait3A_706 = arith.constant 22 : i32
    %dma_wait3A_707 = arith.constant 176 : i32
    %dma_wait3A_708 = arith.constant 0 : i32
    %dma_wait3A_709 = tpu.memref_slice %arg6[%dma_wait3A_707, %dma_wait3A_708] : memref<200x128xi32, #tpu.memory_space<vmem>> -> memref<8x128xi32, #tpu.memory_space<vmem>>
    %dma_wait3A_710 = arith.constant 0 : i32
    %dma_wait3A_711 = arith.constant 0 : i32
    %dma_wait3A_712 = tpu.memref_slice %arg2[%dma_wait3A_706, %add3A, %dma_wait3A_710, %dma_wait3A_711] : memref<25x32x8x128xi32, #tpu.memory_space<hbm>> -> memref<1x1x8x128xi32, #tpu.memory_space<hbm>>
    %dma_wait3A_713 = tpu.memref_squeeze %dma_wait3A_712 : memref<1x1x8x128xi32, #tpu.memory_space<hbm>> -> memref<8x128xi32, #tpu.memory_space<hbm>>
    %dma_wait3A_714 = arith.constant 176 : i32
    %dma_wait3A_715 = arith.constant 0 : i32
    %dma_wait3A_716 = tpu.memref_slice %arg6[%dma_wait3A_714, %dma_wait3A_715] : memref<200x128xi32, #tpu.memory_space<vmem>> -> memref<8x128xi32, #tpu.memory_space<vmem>>
    %dma_wait3A_717 = arith.constant 0 : i32
    %dma_wait3A_718 = arith.constant 0 : i32
    %dma_wait3A_719 = tpu.memref_slice %arg2[%dma_wait3A_706, %add3A, %dma_wait3A_717, %dma_wait3A_718] : memref<25x32x8x128xi32, #tpu.memory_space<hbm>> -> memref<1x1x8x128xi32, #tpu.memory_space<hbm>>
    %dma_wait3A_720 = tpu.memref_squeeze %dma_wait3A_719 : memref<1x1x8x128xi32, #tpu.memory_space<hbm>> -> memref<8x128xi32, #tpu.memory_space<hbm>>
    tpu.wait_dma2 semaphore(%arg16 : memref<!tpu.dma_semaphore, #tpu.memory_space<semaphore_mem>>) src(%dma_wait3A_720 : memref<8x128xi32, #tpu.memory_space<hbm>>) dst(%dma_wait3A_716 : memref<8x128xi32, #tpu.memory_space<vmem>>)
    %dma_wait3A_721 = arith.constant 23 : i32
    %dma_wait3A_722 = arith.constant 184 : i32
    %dma_wait3A_723 = arith.constant 0 : i32
    %dma_wait3A_724 = tpu.memref_slice %arg6[%dma_wait3A_722, %dma_wait3A_723] : memref<200x128xi32, #tpu.memory_space<vmem>> -> memref<8x128xi32, #tpu.memory_space<vmem>>
    %dma_wait3A_725 = arith.constant 0 : i32
    %dma_wait3A_726 = arith.constant 0 : i32
    %dma_wait3A_727 = tpu.memref_slice %arg2[%dma_wait3A_721, %add3A, %dma_wait3A_725, %dma_wait3A_726] : memref<25x32x8x128xi32, #tpu.memory_space<hbm>> -> memref<1x1x8x128xi32, #tpu.memory_space<hbm>>
    %dma_wait3A_728 = tpu.memref_squeeze %dma_wait3A_727 : memref<1x1x8x128xi32, #tpu.memory_space<hbm>> -> memref<8x128xi32, #tpu.memory_space<hbm>>
    %dma_wait3A_729 = arith.constant 184 : i32
    %dma_wait3A_730 = arith.constant 0 : i32
    %dma_wait3A_731 = tpu.memref_slice %arg6[%dma_wait3A_729, %dma_wait3A_730] : memref<200x128xi32, #tpu.memory_space<vmem>> -> memref<8x128xi32, #tpu.memory_space<vmem>>
    %dma_wait3A_732 = arith.constant 0 : i32
    %dma_wait3A_733 = arith.constant 0 : i32
    %dma_wait3A_734 = tpu.memref_slice %arg2[%dma_wait3A_721, %add3A, %dma_wait3A_732, %dma_wait3A_733] : memref<25x32x8x128xi32, #tpu.memory_space<hbm>> -> memref<1x1x8x128xi32, #tpu.memory_space<hbm>>
    %dma_wait3A_735 = tpu.memref_squeeze %dma_wait3A_734 : memref<1x1x8x128xi32, #tpu.memory_space<hbm>> -> memref<8x128xi32, #tpu.memory_space<hbm>>
    tpu.wait_dma2 semaphore(%arg16 : memref<!tpu.dma_semaphore, #tpu.memory_space<semaphore_mem>>) src(%dma_wait3A_735 : memref<8x128xi32, #tpu.memory_space<hbm>>) dst(%dma_wait3A_731 : memref<8x128xi32, #tpu.memory_space<vmem>>)
    %dma_wait3A_736 = arith.constant 24 : i32
    %dma_wait3A_737 = arith.constant 192 : i32
    %dma_wait3A_738 = arith.constant 0 : i32
    %dma_wait3A_739 = tpu.memref_slice %arg6[%dma_wait3A_737, %dma_wait3A_738] : memref<200x128xi32, #tpu.memory_space<vmem>> -> memref<8x128xi32, #tpu.memory_space<vmem>>
    %dma_wait3A_740 = arith.constant 0 : i32
    %dma_wait3A_741 = arith.constant 0 : i32
    %dma_wait3A_742 = tpu.memref_slice %arg2[%dma_wait3A_736, %add3A, %dma_wait3A_740, %dma_wait3A_741] : memref<25x32x8x128xi32, #tpu.memory_space<hbm>> -> memref<1x1x8x128xi32, #tpu.memory_space<hbm>>
    %dma_wait3A_743 = tpu.memref_squeeze %dma_wait3A_742 : memref<1x1x8x128xi32, #tpu.memory_space<hbm>> -> memref<8x128xi32, #tpu.memory_space<hbm>>
    %dma_wait3A_744 = arith.constant 192 : i32
    %dma_wait3A_745 = arith.constant 0 : i32
    %dma_wait3A_746 = tpu.memref_slice %arg6[%dma_wait3A_744, %dma_wait3A_745] : memref<200x128xi32, #tpu.memory_space<vmem>> -> memref<8x128xi32, #tpu.memory_space<vmem>>
    %dma_wait3A_747 = arith.constant 0 : i32
    %dma_wait3A_748 = arith.constant 0 : i32
    %dma_wait3A_749 = tpu.memref_slice %arg2[%dma_wait3A_736, %add3A, %dma_wait3A_747, %dma_wait3A_748] : memref<25x32x8x128xi32, #tpu.memory_space<hbm>> -> memref<1x1x8x128xi32, #tpu.memory_space<hbm>>
    %dma_wait3A_750 = tpu.memref_squeeze %dma_wait3A_749 : memref<1x1x8x128xi32, #tpu.memory_space<hbm>> -> memref<8x128xi32, #tpu.memory_space<hbm>>
    tpu.wait_dma2 semaphore(%arg16 : memref<!tpu.dma_semaphore, #tpu.memory_space<semaphore_mem>>) src(%dma_wait3A_750 : memref<8x128xi32, #tpu.memory_space<hbm>>) dst(%dma_wait3A_746 : memref<8x128xi32, #tpu.memory_space<vmem>>)
    tpu.wait_dma2 semaphore(%arg16 : memref<!tpu.dma_semaphore, #tpu.memory_space<semaphore_mem>>) src(%arg4 : memref<200x64xf32, #tpu.memory_space<hbm>>) dst(%arg15 : memref<200x64xf32, #tpu.memory_space<vmem>>)
    %iota3A = tpu.iota {dimensions = array<i32: 0>} : vector<16xi32>
    %mul3A_751 = arith.constant 0 : i32
    %mul3A_752 = vector.broadcast %mul3A_751 : i32 to vector<16xi32>
    %mul3A_753 = arith.muli %iota3A, %mul3A_752 : vector<16xi32>
    %add3A_754 = arith.constant 0 : i32
    %add3A_755 = vector.broadcast %add3A_754 : i32 to vector<16xi32>
    %add3A_756 = arith.addi %mul3A_753, %add3A_755 : vector<16xi32>
    %add3A_757 = arith.constant 0 : i32
    %add3A_758 = vector.broadcast %add3A_757 : i32 to vector<16xi32>
    %add3A_759 = arith.addi %iota3A, %add3A_758 : vector<16xi32>
    %gather3A = tpu.vector_load_idx %arg6[%add3A_759, %add3A_756] : memref<200x128xi32, #tpu.memory_space<vmem>>[vector<16xi32>, vector<16xi32>], vector<16xi32>,
    %mul3A_760 = arith.constant 2 : i32
    %mul3A_761 = vector.broadcast %mul3A_760 : i32 to vector<16xi32>
    %mul3A_762 = arith.muli %gather3A, %mul3A_761 : vector<16xi32>
    %swap3A = arith.constant 0 : i32
    %swap3A_763 = arith.index_cast %swap3A : i32 to index
    %swap3A_764 = arith.constant 0 : index
    %swap3A_765 = tpu.vector_load %arg7[%swap3A_763, %swap3A_764] {strides = array<i32>} : memref<2x104xi32, #tpu.memory_space<vmem>>, vector<16xi32>,
    tpu.vector_store %arg7[%swap3A_763, %swap3A_764], %mul3A_762 {strides = array<i32>} : memref<2x104xi32, #tpu.memory_space<vmem>>, vector<16xi32>,
    %add3A_766 = arith.constant 16 : i32
    %add3A_767 = vector.broadcast %add3A_766 : i32 to vector<16xi32>
    %add3A_768 = arith.addi %iota3A, %add3A_767 : vector<16xi32>
    %gather3A_769 = tpu.vector_load_idx %arg6[%add3A_768, %add3A_756] : memref<200x128xi32, #tpu.memory_space<vmem>>[vector<16xi32>, vector<16xi32>], vector<16xi32>,
    %mul3A_770 = arith.constant 2 : i32
    %mul3A_771 = vector.broadcast %mul3A_770 : i32 to vector<16xi32>
    %mul3A_772 = arith.muli %gather3A_769, %mul3A_771 : vector<16xi32>
    %swap3A_773 = arith.constant 0 : i32
    %swap3A_774 = arith.index_cast %swap3A_773 : i32 to index
    %swap3A_775 = arith.constant 16 : index
    %swap3A_776 = tpu.vector_load %arg7[%swap3A_774, %swap3A_775] {strides = array<i32>} : memref<2x104xi32, #tpu.memory_space<vmem>>, vector<16xi32>,
    tpu.vector_store %arg7[%swap3A_774, %swap3A_775], %mul3A_772 {strides = array<i32>} : memref<2x104xi32, #tpu.memory_space<vmem>>, vector<16xi32>,
    %add3A_777 = arith.constant 32 : i32
    %add3A_778 = vector.broadcast %add3A_777 : i32 to vector<16xi32>
    %add3A_779 = arith.addi %iota3A, %add3A_778 : vector<16xi32>
    %gather3A_780 = tpu.vector_load_idx %arg6[%add3A_779, %add3A_756] : memref<200x128xi32, #tpu.memory_space<vmem>>[vector<16xi32>, vector<16xi32>], vector<16xi32>,
    %mul3A_781 = arith.constant 2 : i32
    %mul3A_782 = vector.broadcast %mul3A_781 : i32 to vector<16xi32>
    %mul3A_783 = arith.muli %gather3A_780, %mul3A_782 : vector<16xi32>
    %swap3A_784 = arith.constant 0 : i32
    %swap3A_785 = arith.index_cast %swap3A_784 : i32 to index
    %swap3A_786 = arith.constant 32 : index
    %swap3A_787 = tpu.vector_load %arg7[%swap3A_785, %swap3A_786] {strides = array<i32>} : memref<2x104xi32, #tpu.memory_space<vmem>>, vector<16xi32>,
    tpu.vector_store %arg7[%swap3A_785, %swap3A_786], %mul3A_783 {strides = array<i32>} : memref<2x104xi32, #tpu.memory_space<vmem>>, vector<16xi32>,
    %add3A_788 = arith.constant 48 : i32
    %add3A_789 = vector.broadcast %add3A_788 : i32 to vector<16xi32>
    %add3A_790 = arith.addi %iota3A, %add3A_789 : vector<16xi32>
    %gather3A_791 = tpu.vector_load_idx %arg6[%add3A_790, %add3A_756] : memref<200x128xi32, #tpu.memory_space<vmem>>[vector<16xi32>, vector<16xi32>], vector<16xi32>,
    %mul3A_792 = arith.constant 2 : i32
    %mul3A_793 = vector.broadcast %mul3A_792 : i32 to vector<16xi32>
    %mul3A_794 = arith.muli %gather3A_791, %mul3A_793 : vector<16xi32>
    %swap3A_795 = arith.constant 0 : i32
    %swap3A_796 = arith.index_cast %swap3A_795 : i32 to index
    %swap3A_797 = arith.constant 48 : index
    %swap3A_798 = tpu.vector_load %arg7[%swap3A_796, %swap3A_797] {strides = array<i32>} : memref<2x104xi32, #tpu.memory_space<vmem>>, vector<16xi32>,
    tpu.vector_store %arg7[%swap3A_796, %swap3A_797], %mul3A_794 {strides = array<i32>} : memref<2x104xi32, #tpu.memory_space<vmem>>, vector<16xi32>,
    %add3A_799 = arith.constant 64 : i32
    %add3A_800 = vector.broadcast %add3A_799 : i32 to vector<16xi32>
    %add3A_801 = arith.addi %iota3A, %add3A_800 : vector<16xi32>
    %gather3A_802 = tpu.vector_load_idx %arg6[%add3A_801, %add3A_756] : memref<200x128xi32, #tpu.memory_space<vmem>>[vector<16xi32>, vector<16xi32>], vector<16xi32>,
    %mul3A_803 = arith.constant 2 : i32
    %mul3A_804 = vector.broadcast %mul3A_803 : i32 to vector<16xi32>
    %mul3A_805 = arith.muli %gather3A_802, %mul3A_804 : vector<16xi32>
    %swap3A_806 = arith.constant 0 : i32
    %swap3A_807 = arith.index_cast %swap3A_806 : i32 to index
    %swap3A_808 = arith.constant 64 : index
    %swap3A_809 = tpu.vector_load %arg7[%swap3A_807, %swap3A_808] {strides = array<i32>} : memref<2x104xi32, #tpu.memory_space<vmem>>, vector<16xi32>,
    tpu.vector_store %arg7[%swap3A_807, %swap3A_808], %mul3A_805 {strides = array<i32>} : memref<2x104xi32, #tpu.memory_space<vmem>>, vector<16xi32>,
    %add3A_810 = arith.constant 80 : i32
    %add3A_811 = vector.broadcast %add3A_810 : i32 to vector<16xi32>
    %add3A_812 = arith.addi %iota3A, %add3A_811 : vector<16xi32>
    %gather3A_813 = tpu.vector_load_idx %arg6[%add3A_812, %add3A_756] : memref<200x128xi32, #tpu.memory_space<vmem>>[vector<16xi32>, vector<16xi32>], vector<16xi32>,
    %mul3A_814 = arith.constant 2 : i32
    %mul3A_815 = vector.broadcast %mul3A_814 : i32 to vector<16xi32>
    %mul3A_816 = arith.muli %gather3A_813, %mul3A_815 : vector<16xi32>
    %swap3A_817 = arith.constant 0 : i32
    %swap3A_818 = arith.index_cast %swap3A_817 : i32 to index
    %swap3A_819 = arith.constant 80 : index
    %swap3A_820 = tpu.vector_load %arg7[%swap3A_818, %swap3A_819] {strides = array<i32>} : memref<2x104xi32, #tpu.memory_space<vmem>>, vector<16xi32>,
    tpu.vector_store %arg7[%swap3A_818, %swap3A_819], %mul3A_816 {strides = array<i32>} : memref<2x104xi32, #tpu.memory_space<vmem>>, vector<16xi32>,
    %add3A_821 = arith.constant 88 : i32
    %add3A_822 = vector.broadcast %add3A_821 : i32 to vector<16xi32>
    %add3A_823 = arith.addi %iota3A, %add3A_822 : vector<16xi32>
    %gather3A_824 = tpu.vector_load_idx %arg6[%add3A_823, %add3A_756] : memref<200x128xi32, #tpu.memory_space<vmem>>[vector<16xi32>, vector<16xi32>], vector<16xi32>,
    %mul3A_825 = arith.constant 2 : i32
    %mul3A_826 = vector.broadcast %mul3A_825 : i32 to vector<16xi32>
    %mul3A_827 = arith.muli %gather3A_824, %mul3A_826 : vector<16xi32>
    %swap3A_828 = arith.constant 0 : i32
    %swap3A_829 = arith.index_cast %swap3A_828 : i32 to index
    %swap3A_830 = arith.constant 88 : index
    %swap3A_831 = tpu.vector_load %arg7[%swap3A_829, %swap3A_830] {strides = array<i32>} : memref<2x104xi32, #tpu.memory_space<vmem>>, vector<16xi32>,
    tpu.vector_store %arg7[%swap3A_829, %swap3A_830], %mul3A_827 {strides = array<i32>} : memref<2x104xi32, #tpu.memory_space<vmem>>, vector<16xi32>,
    %add3A_832 = arith.constant 104 : i32
    %add3A_833 = vector.broadcast %add3A_832 : i32 to vector<16xi32>
    %add3A_834 = arith.addi %iota3A, %add3A_833 : vector<16xi32>
    %gather3A_835 = tpu.vector_load_idx %arg6[%add3A_834, %add3A_756] : memref<200x128xi32, #tpu.memory_space<vmem>>[vector<16xi32>, vector<16xi32>], vector<16xi32>,
    %mul3A_836 = arith.constant 2 : i32
    %mul3A_837 = vector.broadcast %mul3A_836 : i32 to vector<16xi32>
    %mul3A_838 = arith.muli %gather3A_835, %mul3A_837 : vector<16xi32>
    %swap3A_839 = arith.constant 1 : i32
    %swap3A_840 = arith.index_cast %swap3A_839 : i32 to index
    %swap3A_841 = arith.constant 0 : index
    %swap3A_842 = tpu.vector_load %arg7[%swap3A_840, %swap3A_841] {strides = array<i32>} : memref<2x104xi32, #tpu.memory_space<vmem>>, vector<16xi32>,
    tpu.vector_store %arg7[%swap3A_840, %swap3A_841], %mul3A_838 {strides = array<i32>} : memref<2x104xi32, #tpu.memory_space<vmem>>, vector<16xi32>,
    %add3A_843 = arith.constant 120 : i32
    %add3A_844 = vector.broadcast %add3A_843 : i32 to vector<16xi32>
    %add3A_845 = arith.addi %iota3A, %add3A_844 : vector<16xi32>
    %gather3A_846 = tpu.vector_load_idx %arg6[%add3A_845, %add3A_756] : memref<200x128xi32, #tpu.memory_space<vmem>>[vector<16xi32>, vector<16xi32>], vector<16xi32>,
    %mul3A_847 = arith.constant 2 : i32
    %mul3A_848 = vector.broadcast %mul3A_847 : i32 to vector<16xi32>
    %mul3A_849 = arith.muli %gather3A_846, %mul3A_848 : vector<16xi32>
    %swap3A_850 = arith.constant 1 : i32
    %swap3A_851 = arith.index_cast %swap3A_850 : i32 to index
    %swap3A_852 = arith.constant 16 : index
    %swap3A_853 = tpu.vector_load %arg7[%swap3A_851, %swap3A_852] {strides = array<i32>} : memref<2x104xi32, #tpu.memory_space<vmem>>, vector<16xi32>,
    tpu.vector_store %arg7[%swap3A_851, %swap3A_852], %mul3A_849 {strides = array<i32>} : memref<2x104xi32, #tpu.memory_space<vmem>>, vector<16xi32>,
    %add3A_854 = arith.constant 136 : i32
    %add3A_855 = vector.broadcast %add3A_854 : i32 to vector<16xi32>
    %add3A_856 = arith.addi %iota3A, %add3A_855 : vector<16xi32>
    %gather3A_857 = tpu.vector_load_idx %arg6[%add3A_856, %add3A_756] : memref<200x128xi32, #tpu.memory_space<vmem>>[vector<16xi32>, vector<16xi32>], vector<16xi32>,
    %mul3A_858 = arith.constant 2 : i32
    %mul3A_859 = vector.broadcast %mul3A_858 : i32 to vector<16xi32>
    %mul3A_860 = arith.muli %gather3A_857, %mul3A_859 : vector<16xi32>
    %swap3A_861 = arith.constant 1 : i32
    %swap3A_862 = arith.index_cast %swap3A_861 : i32 to index
    %swap3A_863 = arith.constant 32 : index
    %swap3A_864 = tpu.vector_load %arg7[%swap3A_862, %swap3A_863] {strides = array<i32>} : memref<2x104xi32, #tpu.memory_space<vmem>>, vector<16xi32>,
    tpu.vector_store %arg7[%swap3A_862, %swap3A_863], %mul3A_860 {strides = array<i32>} : memref<2x104xi32, #tpu.memory_space<vmem>>, vector<16xi32>,
    %add3A_865 = arith.constant 152 : i32
    %add3A_866 = vector.broadcast %add3A_865 : i32 to vector<16xi32>
    %add3A_867 = arith.addi %iota3A, %add3A_866 : vector<16xi32>
    %gather3A_868 = tpu.vector_load_idx %arg6[%add3A_867, %add3A_756] : memref<200x128xi32, #tpu.memory_space<vmem>>[vector<16xi32>, vector<16xi32>], vector<16xi32>,
    %mul3A_869 = arith.constant 2 : i32
    %mul3A_870 = vector.broadcast %mul3A_869 : i32 to vector<16xi32>
    %mul3A_871 = arith.muli %gather3A_868, %mul3A_870 : vector<16xi32>
    %swap3A_872 = arith.constant 1 : i32
    %swap3A_873 = arith.index_cast %swap3A_872 : i32 to index
    %swap3A_874 = arith.constant 48 : index
    %swap3A_875 = tpu.vector_load %arg7[%swap3A_873, %swap3A_874] {strides = array<i32>} : memref<2x104xi32, #tpu.memory_space<vmem>>, vector<16xi32>,
    tpu.vector_store %arg7[%swap3A_873, %swap3A_874], %mul3A_871 {strides = array<i32>} : memref<2x104xi32, #tpu.memory_space<vmem>>, vector<16xi32>,
    %add3A_876 = arith.constant 168 : i32
    %add3A_877 = vector.broadcast %add3A_876 : i32 to vector<16xi32>
    %add3A_878 = arith.addi %iota3A, %add3A_877 : vector<16xi32>
    %gather3A_879 = tpu.vector_load_idx %arg6[%add3A_878, %add3A_756] : memref<200x128xi32, #tpu.memory_space<vmem>>[vector<16xi32>, vector<16xi32>], vector<16xi32>,
    %mul3A_880 = arith.constant 2 : i32
    %mul3A_881 = vector.broadcast %mul3A_880 : i32 to vector<16xi32>
    %mul3A_882 = arith.muli %gather3A_879, %mul3A_881 : vector<16xi32>
    %swap3A_883 = arith.constant 1 : i32
    %swap3A_884 = arith.index_cast %swap3A_883 : i32 to index
    %swap3A_885 = arith.constant 64 : index
    %swap3A_886 = tpu.vector_load %arg7[%swap3A_884, %swap3A_885] {strides = array<i32>} : memref<2x104xi32, #tpu.memory_space<vmem>>, vector<16xi32>,
    tpu.vector_store %arg7[%swap3A_884, %swap3A_885], %mul3A_882 {strides = array<i32>} : memref<2x104xi32, #tpu.memory_space<vmem>>, vector<16xi32>,
    %add3A_887 = arith.constant 184 : i32
    %add3A_888 = vector.broadcast %add3A_887 : i32 to vector<16xi32>
    %add3A_889 = arith.addi %iota3A, %add3A_888 : vector<16xi32>
    %gather3A_890 = tpu.vector_load_idx %arg6[%add3A_889, %add3A_756] : memref<200x128xi32, #tpu.memory_space<vmem>>[vector<16xi32>, vector<16xi32>], vector<16xi32>,
    %mul3A_891 = arith.constant 2 : i32
    %mul3A_892 = vector.broadcast %mul3A_891 : i32 to vector<16xi32>
    %mul3A_893 = arith.muli %gather3A_890, %mul3A_892 : vector<16xi32>
    %swap3A_894 = arith.constant 1 : i32
    %swap3A_895 = arith.index_cast %swap3A_894 : i32 to index
    %swap3A_896 = arith.constant 80 : index
    %swap3A_897 = tpu.vector_load %arg7[%swap3A_895, %swap3A_896] {strides = array<i32>} : memref<2x104xi32, #tpu.memory_space<vmem>>, vector<16xi32>,
    tpu.vector_store %arg7[%swap3A_895, %swap3A_896], %mul3A_893 {strides = array<i32>} : memref<2x104xi32, #tpu.memory_space<vmem>>, vector<16xi32>,
    %dma_start3A_898 = arith.constant 0 : i32
    %dma_start3A_899 = arith.constant 0 : i32
    %dma_start3A_900 = arith.constant 0 : i32
    %dma_start3A_901 = tpu.memref_slice %arg11[%dma_start3A_899, %dma_start3A_900] : memref<200x64xf32, #tpu.memory_space<vmem>> -> memref<104x64xf32, #tpu.memory_space<vmem>>
    %dma_start3A_902 = arith.constant 0 : i32
    %dma_start3A_903 = tpu.memref_slice %arg7[%dma_start3A_898, %dma_start3A_902] : memref<2x104xi32, #tpu.memory_space<vmem>> -> memref<1x104xi32, #tpu.memory_space<vmem>>
    %dma_start3A_904 = tpu.memref_squeeze %dma_start3A_903 : memref<1x104xi32, #tpu.memory_space<vmem>> -> memref<104xi32, #tpu.memory_space<vmem>>
    %dma_start3A_905 = arith.constant 0 : i32
    %dma_start3A_906 = arith.constant 0 : i32
    %dma_start3A_907 = tpu.memref_slice %arg3[%dma_start3A_905, %dma_start3A_906] : memref<200000x64xf32, #tpu.memory_space<hbm>> -> memref<200000x64xf32, #tpu.memory_space<hbm>>
    tpu.enqueue_indirect_dma source(%dma_start3A_907 : memref<200000x64xf32, #tpu.memory_space<hbm>>) target(%dma_start3A_901 : memref<104x64xf32, #tpu.memory_space<vmem>>) offsets(%dma_start3A_904 : memref<104xi32, #tpu.memory_space<vmem>>) semaphore(%arg16 : memref<!tpu.dma_semaphore, #tpu.memory_space<semaphore_mem>>)
    %dma_start3A_908 = arith.constant 1 : i32
    %dma_start3A_909 = arith.constant 104 : i32
    %dma_start3A_910 = arith.constant 0 : i32
    %dma_start3A_911 = tpu.memref_slice %arg11[%dma_start3A_909, %dma_start3A_910] : memref<200x64xf32, #tpu.memory_space<vmem>> -> memref<96x64xf32, #tpu.memory_space<vmem>>
    %dma_start3A_912 = arith.constant 0 : i32
    %dma_start3A_913 = tpu.memref_slice %arg7[%dma_start3A_908, %dma_start3A_912] : memref<2x104xi32, #tpu.memory_space<vmem>> -> memref<1x96xi32, #tpu.memory_space<vmem>>
    %dma_start3A_914 = tpu.memref_squeeze %dma_start3A_913 : memref<1x96xi32, #tpu.memory_space<vmem>> -> memref<96xi32, #tpu.memory_space<vmem>>
    %dma_start3A_915 = arith.constant 0 : i32
    %dma_start3A_916 = arith.constant 0 : i32
    %dma_start3A_917 = tpu.memref_slice %arg3[%dma_start3A_915, %dma_start3A_916] : memref<200000x64xf32, #tpu.memory_space<hbm>> -> memref<200000x64xf32, #tpu.memory_space<hbm>>
    tpu.enqueue_indirect_dma source(%dma_start3A_917 : memref<200000x64xf32, #tpu.memory_space<hbm>>) target(%dma_start3A_911 : memref<96x64xf32, #tpu.memory_space<vmem>>) offsets(%dma_start3A_914 : memref<96xi32, #tpu.memory_space<vmem>>) semaphore(%arg16 : memref<!tpu.dma_semaphore, #tpu.memory_space<semaphore_mem>>)
    %mul3A_918 = arith.constant 0 : i32
    %mul3A_919 = vector.broadcast %mul3A_918 : i32 to vector<16xi32>
    %mul3A_920 = arith.muli %iota3A, %mul3A_919 : vector<16xi32>
    %add3A_921 = arith.constant 1 : i32
    %add3A_922 = vector.broadcast %add3A_921 : i32 to vector<16xi32>
    %add3A_923 = arith.addi %mul3A_920, %add3A_922 : vector<16xi32>
    %add3A_924 = arith.constant 0 : i32
    %add3A_925 = vector.broadcast %add3A_924 : i32 to vector<16xi32>
    %add3A_926 = arith.addi %iota3A, %add3A_925 : vector<16xi32>
    %gather3A_927 = tpu.vector_load_idx %arg6[%add3A_926, %add3A_923] : memref<200x128xi32, #tpu.memory_space<vmem>>[vector<16xi32>, vector<16xi32>], vector<16xi32>,
    %mul3A_928 = arith.constant 2 : i32
    %mul3A_929 = vector.broadcast %mul3A_928 : i32 to vector<16xi32>
    %mul3A_930 = arith.muli %gather3A_927, %mul3A_929 : vector<16xi32>
    %swap3A_931 = arith.constant 0 : i32
    %swap3A_932 = arith.index_cast %swap3A_931 : i32 to index
    %swap3A_933 = arith.constant 0 : index
    %swap3A_934 = tpu.vector_load %arg8[%swap3A_932, %swap3A_933] {strides = array<i32>} : memref<2x104xi32, #tpu.memory_space<vmem>>, vector<16xi32>,
    tpu.vector_store %arg8[%swap3A_932, %swap3A_933], %mul3A_930 {strides = array<i32>} : memref<2x104xi32, #tpu.memory_space<vmem>>, vector<16xi32>,
    %add3A_935 = arith.constant 16 : i32
    %add3A_936 = vector.broadcast %add3A_935 : i32 to vector<16xi32>
    %add3A_937 = arith.addi %iota3A, %add3A_936 : vector<16xi32>
    %gather3A_938 = tpu.vector_load_idx %arg6[%add3A_937, %add3A_923] : memref<200x128xi32, #tpu.memory_space<vmem>>[vector<16xi32>, vector<16xi32>], vector<16xi32>,
    %mul3A_939 = arith.constant 2 : i32
    %mul3A_940 = vector.broadcast %mul3A_939 : i32 to vector<16xi32>
    %mul3A_941 = arith.muli %gather3A_938, %mul3A_940 : vector<16xi32>
    %swap3A_942 = arith.constant 0 : i32
    %swap3A_943 = arith.index_cast %swap3A_942 : i32 to index
    %swap3A_944 = arith.constant 16 : index
    %swap3A_945 = tpu.vector_load %arg8[%swap3A_943, %swap3A_944] {strides = array<i32>} : memref<2x104xi32, #tpu.memory_space<vmem>>, vector<16xi32>,
    tpu.vector_store %arg8[%swap3A_943, %swap3A_944], %mul3A_941 {strides = array<i32>} : memref<2x104xi32, #tpu.memory_space<vmem>>, vector<16xi32>,
    %add3A_946 = arith.constant 32 : i32
    %add3A_947 = vector.broadcast %add3A_946 : i32 to vector<16xi32>
    %add3A_948 = arith.addi %iota3A, %add3A_947 : vector<16xi32>
    %gather3A_949 = tpu.vector_load_idx %arg6[%add3A_948, %add3A_923] : memref<200x128xi32, #tpu.memory_space<vmem>>[vector<16xi32>, vector<16xi32>], vector<16xi32>,
    %mul3A_950 = arith.constant 2 : i32
    %mul3A_951 = vector.broadcast %mul3A_950 : i32 to vector<16xi32>
    %mul3A_952 = arith.muli %gather3A_949, %mul3A_951 : vector<16xi32>
    %swap3A_953 = arith.constant 0 : i32
    %swap3A_954 = arith.index_cast %swap3A_953 : i32 to index
    %swap3A_955 = arith.constant 32 : index
    %swap3A_956 = tpu.vector_load %arg8[%swap3A_954, %swap3A_955] {strides = array<i32>} : memref<2x104xi32, #tpu.memory_space<vmem>>, vector<16xi32>,
    tpu.vector_store %arg8[%swap3A_954, %swap3A_955], %mul3A_952 {strides = array<i32>} : memref<2x104xi32, #tpu.memory_space<vmem>>, vector<16xi32>,
    %add3A_957 = arith.constant 48 : i32
    %add3A_958 = vector.broadcast %add3A_957 : i32 to vector<16xi32>
    %add3A_959 = arith.addi %iota3A, %add3A_958 : vector<16xi32>
    %gather3A_960 = tpu.vector_load_idx %arg6[%add3A_959, %add3A_923] : memref<200x128xi32, #tpu.memory_space<vmem>>[vector<16xi32>, vector<16xi32>], vector<16xi32>,
    %mul3A_961 = arith.constant 2 : i32
    %mul3A_962 = vector.broadcast %mul3A_961 : i32 to vector<16xi32>
    %mul3A_963 = arith.muli %gather3A_960, %mul3A_962 : vector<16xi32>
    %swap3A_964 = arith.constant 0 : i32
    %swap3A_965 = arith.index_cast %swap3A_964 : i32 to index
    %swap3A_966 = arith.constant 48 : index
    %swap3A_967 = tpu.vector_load %arg8[%swap3A_965, %swap3A_966] {strides = array<i32>} : memref<2x104xi32, #tpu.memory_space<vmem>>, vector<16xi32>,
    tpu.vector_store %arg8[%swap3A_965, %swap3A_966], %mul3A_963 {strides = array<i32>} : memref<2x104xi32, #tpu.memory_space<vmem>>, vector<16xi32>,
    %add3A_968 = arith.constant 64 : i32
    %add3A_969 = vector.broadcast %add3A_968 : i32 to vector<16xi32>
    %add3A_970 = arith.addi %iota3A, %add3A_969 : vector<16xi32>
    %gather3A_971 = tpu.vector_load_idx %arg6[%add3A_970, %add3A_923] : memref<200x128xi32, #tpu.memory_space<vmem>>[vector<16xi32>, vector<16xi32>], vector<16xi32>,
    %mul3A_972 = arith.constant 2 : i32
    %mul3A_973 = vector.broadcast %mul3A_972 : i32 to vector<16xi32>
    %mul3A_974 = arith.muli %gather3A_971, %mul3A_973 : vector<16xi32>
    %swap3A_975 = arith.constant 0 : i32
    %swap3A_976 = arith.index_cast %swap3A_975 : i32 to index
    %swap3A_977 = arith.constant 64 : index
    %swap3A_978 = tpu.vector_load %arg8[%swap3A_976, %swap3A_977] {strides = array<i32>} : memref<2x104xi32, #tpu.memory_space<vmem>>, vector<16xi32>,
    tpu.vector_store %arg8[%swap3A_976, %swap3A_977], %mul3A_974 {strides = array<i32>} : memref<2x104xi32, #tpu.memory_space<vmem>>, vector<16xi32>,
    %add3A_979 = arith.constant 80 : i32
    %add3A_980 = vector.broadcast %add3A_979 : i32 to vector<16xi32>
    %add3A_981 = arith.addi %iota3A, %add3A_980 : vector<16xi32>
    %gather3A_982 = tpu.vector_load_idx %arg6[%add3A_981, %add3A_923] : memref<200x128xi32, #tpu.memory_space<vmem>>[vector<16xi32>, vector<16xi32>], vector<16xi32>,
    %mul3A_983 = arith.constant 2 : i32
    %mul3A_984 = vector.broadcast %mul3A_983 : i32 to vector<16xi32>
    %mul3A_985 = arith.muli %gather3A_982, %mul3A_984 : vector<16xi32>
    %swap3A_986 = arith.constant 0 : i32
    %swap3A_987 = arith.index_cast %swap3A_986 : i32 to index
    %swap3A_988 = arith.constant 80 : index
    %swap3A_989 = tpu.vector_load %arg8[%swap3A_987, %swap3A_988] {strides = array<i32>} : memref<2x104xi32, #tpu.memory_space<vmem>>, vector<16xi32>,
    tpu.vector_store %arg8[%swap3A_987, %swap3A_988], %mul3A_985 {strides = array<i32>} : memref<2x104xi32, #tpu.memory_space<vmem>>, vector<16xi32>,
    %add3A_990 = arith.constant 88 : i32
    %add3A_991 = vector.broadcast %add3A_990 : i32 to vector<16xi32>
    %add3A_992 = arith.addi %iota3A, %add3A_991 : vector<16xi32>
    %gather3A_993 = tpu.vector_load_idx %arg6[%add3A_992, %add3A_923] : memref<200x128xi32, #tpu.memory_space<vmem>>[vector<16xi32>, vector<16xi32>], vector<16xi32>,
    %mul3A_994 = arith.constant 2 : i32
    %mul3A_995 = vector.broadcast %mul3A_994 : i32 to vector<16xi32>
    %mul3A_996 = arith.muli %gather3A_993, %mul3A_995 : vector<16xi32>
    %swap3A_997 = arith.constant 0 : i32
    %swap3A_998 = arith.index_cast %swap3A_997 : i32 to index
    %swap3A_999 = arith.constant 88 : index
    %swap3A_1000 = tpu.vector_load %arg8[%swap3A_998, %swap3A_999] {strides = array<i32>} : memref<2x104xi32, #tpu.memory_space<vmem>>, vector<16xi32>,
    tpu.vector_store %arg8[%swap3A_998, %swap3A_999], %mul3A_996 {strides = array<i32>} : memref<2x104xi32, #tpu.memory_space<vmem>>, vector<16xi32>,
    %add3A_1001 = arith.constant 104 : i32
    %add3A_1002 = vector.broadcast %add3A_1001 : i32 to vector<16xi32>
    %add3A_1003 = arith.addi %iota3A, %add3A_1002 : vector<16xi32>
    %gather3A_1004 = tpu.vector_load_idx %arg6[%add3A_1003, %add3A_923] : memref<200x128xi32, #tpu.memory_space<vmem>>[vector<16xi32>, vector<16xi32>], vector<16xi32>,
    %mul3A_1005 = arith.constant 2 : i32
    %mul3A_1006 = vector.broadcast %mul3A_1005 : i32 to vector<16xi32>
    %mul3A_1007 = arith.muli %gather3A_1004, %mul3A_1006 : vector<16xi32>
    %swap3A_1008 = arith.constant 1 : i32
    %swap3A_1009 = arith.index_cast %swap3A_1008 : i32 to index
    %swap3A_1010 = arith.constant 0 : index
    %swap3A_1011 = tpu.vector_load %arg8[%swap3A_1009, %swap3A_1010] {strides = array<i32>} : memref<2x104xi32, #tpu.memory_space<vmem>>, vector<16xi32>,
    tpu.vector_store %arg8[%swap3A_1009, %swap3A_1010], %mul3A_1007 {strides = array<i32>} : memref<2x104xi32, #tpu.memory_space<vmem>>, vector<16xi32>,
    %add3A_1012 = arith.constant 120 : i32
    %add3A_1013 = vector.broadcast %add3A_1012 : i32 to vector<16xi32>
    %add3A_1014 = arith.addi %iota3A, %add3A_1013 : vector<16xi32>
    %gather3A_1015 = tpu.vector_load_idx %arg6[%add3A_1014, %add3A_923] : memref<200x128xi32, #tpu.memory_space<vmem>>[vector<16xi32>, vector<16xi32>], vector<16xi32>,
    %mul3A_1016 = arith.constant 2 : i32
    %mul3A_1017 = vector.broadcast %mul3A_1016 : i32 to vector<16xi32>
    %mul3A_1018 = arith.muli %gather3A_1015, %mul3A_1017 : vector<16xi32>
    %swap3A_1019 = arith.constant 1 : i32
    %swap3A_1020 = arith.index_cast %swap3A_1019 : i32 to index
    %swap3A_1021 = arith.constant 16 : index
    %swap3A_1022 = tpu.vector_load %arg8[%swap3A_1020, %swap3A_1021] {strides = array<i32>} : memref<2x104xi32, #tpu.memory_space<vmem>>, vector<16xi32>,
    tpu.vector_store %arg8[%swap3A_1020, %swap3A_1021], %mul3A_1018 {strides = array<i32>} : memref<2x104xi32, #tpu.memory_space<vmem>>, vector<16xi32>,
    %add3A_1023 = arith.constant 136 : i32
    %add3A_1024 = vector.broadcast %add3A_1023 : i32 to vector<16xi32>
    %add3A_1025 = arith.addi %iota3A, %add3A_1024 : vector<16xi32>
    %gather3A_1026 = tpu.vector_load_idx %arg6[%add3A_1025, %add3A_923] : memref<200x128xi32, #tpu.memory_space<vmem>>[vector<16xi32>, vector<16xi32>], vector<16xi32>,
    %mul3A_1027 = arith.constant 2 : i32
    %mul3A_1028 = vector.broadcast %mul3A_1027 : i32 to vector<16xi32>
    %mul3A_1029 = arith.muli %gather3A_1026, %mul3A_1028 : vector<16xi32>
    %swap3A_1030 = arith.constant 1 : i32
    %swap3A_1031 = arith.index_cast %swap3A_1030 : i32 to index
    %swap3A_1032 = arith.constant 32 : index
    %swap3A_1033 = tpu.vector_load %arg8[%swap3A_1031, %swap3A_1032] {strides = array<i32>} : memref<2x104xi32, #tpu.memory_space<vmem>>, vector<16xi32>,
    tpu.vector_store %arg8[%swap3A_1031, %swap3A_1032], %mul3A_1029 {strides = array<i32>} : memref<2x104xi32, #tpu.memory_space<vmem>>, vector<16xi32>,
    %add3A_1034 = arith.constant 152 : i32
    %add3A_1035 = vector.broadcast %add3A_1034 : i32 to vector<16xi32>
    %add3A_1036 = arith.addi %iota3A, %add3A_1035 : vector<16xi32>
    %gather3A_1037 = tpu.vector_load_idx %arg6[%add3A_1036, %add3A_923] : memref<200x128xi32, #tpu.memory_space<vmem>>[vector<16xi32>, vector<16xi32>], vector<16xi32>,
    %mul3A_1038 = arith.constant 2 : i32
    %mul3A_1039 = vector.broadcast %mul3A_1038 : i32 to vector<16xi32>
    %mul3A_1040 = arith.muli %gather3A_1037, %mul3A_1039 : vector<16xi32>
    %swap3A_1041 = arith.constant 1 : i32
    %swap3A_1042 = arith.index_cast %swap3A_1041 : i32 to index
    %swap3A_1043 = arith.constant 48 : index
    %swap3A_1044 = tpu.vector_load %arg8[%swap3A_1042, %swap3A_1043] {strides = array<i32>} : memref<2x104xi32, #tpu.memory_space<vmem>>, vector<16xi32>,
    tpu.vector_store %arg8[%swap3A_1042, %swap3A_1043], %mul3A_1040 {strides = array<i32>} : memref<2x104xi32, #tpu.memory_space<vmem>>, vector<16xi32>,
    %add3A_1045 = arith.constant 168 : i32
    %add3A_1046 = vector.broadcast %add3A_1045 : i32 to vector<16xi32>
    %add3A_1047 = arith.addi %iota3A, %add3A_1046 : vector<16xi32>
    %gather3A_1048 = tpu.vector_load_idx %arg6[%add3A_1047, %add3A_923] : memref<200x128xi32, #tpu.memory_space<vmem>>[vector<16xi32>, vector<16xi32>], vector<16xi32>,
    %mul3A_1049 = arith.constant 2 : i32
    %mul3A_1050 = vector.broadcast %mul3A_1049 : i32 to vector<16xi32>
    %mul3A_1051 = arith.muli %gather3A_1048, %mul3A_1050 : vector<16xi32>
    %swap3A_1052 = arith.constant 1 : i32
    %swap3A_1053 = arith.index_cast %swap3A_1052 : i32 to index
    %swap3A_1054 = arith.constant 64 : index
    %swap3A_1055 = tpu.vector_load %arg8[%swap3A_1053, %swap3A_1054] {strides = array<i32>} : memref<2x104xi32, #tpu.memory_space<vmem>>, vector<16xi32>,
    tpu.vector_store %arg8[%swap3A_1053, %swap3A_1054], %mul3A_1051 {strides = array<i32>} : memref<2x104xi32, #tpu.memory_space<vmem>>, vector<16xi32>,
    %add3A_1056 = arith.constant 184 : i32
    %add3A_1057 = vector.broadcast %add3A_1056 : i32 to vector<16xi32>
    %add3A_1058 = arith.addi %iota3A, %add3A_1057 : vector<16xi32>
    %gather3A_1059 = tpu.vector_load_idx %arg6[%add3A_1058, %add3A_923] : memref<200x128xi32, #tpu.memory_space<vmem>>[vector<16xi32>, vector<16xi32>], vector<16xi32>,
    %mul3A_1060 = arith.constant 2 : i32
    %mul3A_1061 = vector.broadcast %mul3A_1060 : i32 to vector<16xi32>
    %mul3A_1062 = arith.muli %gather3A_1059, %mul3A_1061 : vector<16xi32>
    %swap3A_1063 = arith.constant 1 : i32
    %swap3A_1064 = arith.index_cast %swap3A_1063 : i32 to index
    %swap3A_1065 = arith.constant 80 : index
    %swap3A_1066 = tpu.vector_load %arg8[%swap3A_1064, %swap3A_1065] {strides = array<i32>} : memref<2x104xi32, #tpu.memory_space<vmem>>, vector<16xi32>,
    tpu.vector_store %arg8[%swap3A_1064, %swap3A_1065], %mul3A_1062 {strides = array<i32>} : memref<2x104xi32, #tpu.memory_space<vmem>>, vector<16xi32>,
    %dma_start3A_1067 = arith.constant 0 : i32
    %dma_start3A_1068 = arith.constant 0 : i32
    %dma_start3A_1069 = arith.constant 0 : i32
    %dma_start3A_1070 = tpu.memref_slice %arg12[%dma_start3A_1068, %dma_start3A_1069] : memref<200x64xf32, #tpu.memory_space<vmem>> -> memref<104x64xf32, #tpu.memory_space<vmem>>
    %dma_start3A_1071 = arith.constant 0 : i32
    %dma_start3A_1072 = tpu.memref_slice %arg8[%dma_start3A_1067, %dma_start3A_1071] : memref<2x104xi32, #tpu.memory_space<vmem>> -> memref<1x104xi32, #tpu.memory_space<vmem>>
    %dma_start3A_1073 = tpu.memref_squeeze %dma_start3A_1072 : memref<1x104xi32, #tpu.memory_space<vmem>> -> memref<104xi32, #tpu.memory_space<vmem>>
    %dma_start3A_1074 = arith.constant 0 : i32
    %dma_start3A_1075 = arith.constant 0 : i32
    %dma_start3A_1076 = tpu.memref_slice %arg3[%dma_start3A_1074, %dma_start3A_1075] : memref<200000x64xf32, #tpu.memory_space<hbm>> -> memref<200000x64xf32, #tpu.memory_space<hbm>>
    tpu.enqueue_indirect_dma source(%dma_start3A_1076 : memref<200000x64xf32, #tpu.memory_space<hbm>>) target(%dma_start3A_1070 : memref<104x64xf32, #tpu.memory_space<vmem>>) offsets(%dma_start3A_1073 : memref<104xi32, #tpu.memory_space<vmem>>) semaphore(%arg17 : memref<!tpu.dma_semaphore, #tpu.memory_space<semaphore_mem>>)
    %dma_start3A_1077 = arith.constant 1 : i32
    %dma_start3A_1078 = arith.constant 104 : i32
    %dma_start3A_1079 = arith.constant 0 : i32
    %dma_start3A_1080 = tpu.memref_slice %arg12[%dma_start3A_1078, %dma_start3A_1079] : memref<200x64xf32, #tpu.memory_space<vmem>> -> memref<96x64xf32, #tpu.memory_space<vmem>>
    %dma_start3A_1081 = arith.constant 0 : i32
    %dma_start3A_1082 = tpu.memref_slice %arg8[%dma_start3A_1077, %dma_start3A_1081] : memref<2x104xi32, #tpu.memory_space<vmem>> -> memref<1x96xi32, #tpu.memory_space<vmem>>
    %dma_start3A_1083 = tpu.memref_squeeze %dma_start3A_1082 : memref<1x96xi32, #tpu.memory_space<vmem>> -> memref<96xi32, #tpu.memory_space<vmem>>
    %dma_start3A_1084 = arith.constant 0 : i32
    %dma_start3A_1085 = arith.constant 0 : i32
    %dma_start3A_1086 = tpu.memref_slice %arg3[%dma_start3A_1084, %dma_start3A_1085] : memref<200000x64xf32, #tpu.memory_space<hbm>> -> memref<200000x64xf32, #tpu.memory_space<hbm>>
    tpu.enqueue_indirect_dma source(%dma_start3A_1086 : memref<200000x64xf32, #tpu.memory_space<hbm>>) target(%dma_start3A_1080 : memref<96x64xf32, #tpu.memory_space<vmem>>) offsets(%dma_start3A_1083 : memref<96xi32, #tpu.memory_space<vmem>>) semaphore(%arg17 : memref<!tpu.dma_semaphore, #tpu.memory_space<semaphore_mem>>)
    %mul3A_1087 = arith.constant 0 : i32
    %mul3A_1088 = vector.broadcast %mul3A_1087 : i32 to vector<16xi32>
    %mul3A_1089 = arith.muli %iota3A, %mul3A_1088 : vector<16xi32>
    %add3A_1090 = arith.constant 2 : i32
    %add3A_1091 = vector.broadcast %add3A_1090 : i32 to vector<16xi32>
    %add3A_1092 = arith.addi %mul3A_1089, %add3A_1091 : vector<16xi32>
    %add3A_1093 = arith.constant 0 : i32
    %add3A_1094 = vector.broadcast %add3A_1093 : i32 to vector<16xi32>
    %add3A_1095 = arith.addi %iota3A, %add3A_1094 : vector<16xi32>
    %gather3A_1096 = tpu.vector_load_idx %arg6[%add3A_1095, %add3A_1092] : memref<200x128xi32, #tpu.memory_space<vmem>>[vector<16xi32>, vector<16xi32>], vector<16xi32>,
    %mul3A_1097 = arith.constant 2 : i32
    %mul3A_1098 = vector.broadcast %mul3A_1097 : i32 to vector<16xi32>
    %mul3A_1099 = arith.muli %gather3A_1096, %mul3A_1098 : vector<16xi32>
    %swap3A_1100 = arith.constant 0 : i32
    %swap3A_1101 = arith.index_cast %swap3A_1100 : i32 to index
    %swap3A_1102 = arith.constant 0 : index
    %swap3A_1103 = tpu.vector_load %arg9[%swap3A_1101, %swap3A_1102] {strides = array<i32>} : memref<2x104xi32, #tpu.memory_space<vmem>>, vector<16xi32>,
    tpu.vector_store %arg9[%swap3A_1101, %swap3A_1102], %mul3A_1099 {strides = array<i32>} : memref<2x104xi32, #tpu.memory_space<vmem>>, vector<16xi32>,
    %add3A_1104 = arith.constant 16 : i32
    %add3A_1105 = vector.broadcast %add3A_1104 : i32 to vector<16xi32>
    %add3A_1106 = arith.addi %iota3A, %add3A_1105 : vector<16xi32>
    %gather3A_1107 = tpu.vector_load_idx %arg6[%add3A_1106, %add3A_1092] : memref<200x128xi32, #tpu.memory_space<vmem>>[vector<16xi32>, vector<16xi32>], vector<16xi32>,
    %mul3A_1108 = arith.constant 2 : i32
    %mul3A_1109 = vector.broadcast %mul3A_1108 : i32 to vector<16xi32>
    %mul3A_1110 = arith.muli %gather3A_1107, %mul3A_1109 : vector<16xi32>
    %swap3A_1111 = arith.constant 0 : i32
    %swap3A_1112 = arith.index_cast %swap3A_1111 : i32 to index
    %swap3A_1113 = arith.constant 16 : index
    %swap3A_1114 = tpu.vector_load %arg9[%swap3A_1112, %swap3A_1113] {strides = array<i32>} : memref<2x104xi32, #tpu.memory_space<vmem>>, vector<16xi32>,
    tpu.vector_store %arg9[%swap3A_1112, %swap3A_1113], %mul3A_1110 {strides = array<i32>} : memref<2x104xi32, #tpu.memory_space<vmem>>, vector<16xi32>,
    %add3A_1115 = arith.constant 32 : i32
    %add3A_1116 = vector.broadcast %add3A_1115 : i32 to vector<16xi32>
    %add3A_1117 = arith.addi %iota3A, %add3A_1116 : vector<16xi32>
    %gather3A_1118 = tpu.vector_load_idx %arg6[%add3A_1117, %add3A_1092] : memref<200x128xi32, #tpu.memory_space<vmem>>[vector<16xi32>, vector<16xi32>], vector<16xi32>,
    %mul3A_1119 = arith.constant 2 : i32
    %mul3A_1120 = vector.broadcast %mul3A_1119 : i32 to vector<16xi32>
    %mul3A_1121 = arith.muli %gather3A_1118, %mul3A_1120 : vector<16xi32>
    %swap3A_1122 = arith.constant 0 : i32
    %swap3A_1123 = arith.index_cast %swap3A_1122 : i32 to index
    %swap3A_1124 = arith.constant 32 : index
    %swap3A_1125 = tpu.vector_load %arg9[%swap3A_1123, %swap3A_1124] {strides = array<i32>} : memref<2x104xi32, #tpu.memory_space<vmem>>, vector<16xi32>,
    tpu.vector_store %arg9[%swap3A_1123, %swap3A_1124], %mul3A_1121 {strides = array<i32>} : memref<2x104xi32, #tpu.memory_space<vmem>>, vector<16xi32>,
    %add3A_1126 = arith.constant 48 : i32
    %add3A_1127 = vector.broadcast %add3A_1126 : i32 to vector<16xi32>
    %add3A_1128 = arith.addi %iota3A, %add3A_1127 : vector<16xi32>
    %gather3A_1129 = tpu.vector_load_idx %arg6[%add3A_1128, %add3A_1092] : memref<200x128xi32, #tpu.memory_space<vmem>>[vector<16xi32>, vector<16xi32>], vector<16xi32>,
    %mul3A_1130 = arith.constant 2 : i32
    %mul3A_1131 = vector.broadcast %mul3A_1130 : i32 to vector<16xi32>
    %mul3A_1132 = arith.muli %gather3A_1129, %mul3A_1131 : vector<16xi32>
    %swap3A_1133 = arith.constant 0 : i32
    %swap3A_1134 = arith.index_cast %swap3A_1133 : i32 to index
    %swap3A_1135 = arith.constant 48 : index
    %swap3A_1136 = tpu.vector_load %arg9[%swap3A_1134, %swap3A_1135] {strides = array<i32>} : memref<2x104xi32, #tpu.memory_space<vmem>>, vector<16xi32>,
    tpu.vector_store %arg9[%swap3A_1134, %swap3A_1135], %mul3A_1132 {strides = array<i32>} : memref<2x104xi32, #tpu.memory_space<vmem>>, vector<16xi32>,
    %add3A_1137 = arith.constant 64 : i32
    %add3A_1138 = vector.broadcast %add3A_1137 : i32 to vector<16xi32>
    %add3A_1139 = arith.addi %iota3A, %add3A_1138 : vector<16xi32>
    %gather3A_1140 = tpu.vector_load_idx %arg6[%add3A_1139, %add3A_1092] : memref<200x128xi32, #tpu.memory_space<vmem>>[vector<16xi32>, vector<16xi32>], vector<16xi32>,
    %mul3A_1141 = arith.constant 2 : i32
    %mul3A_1142 = vector.broadcast %mul3A_1141 : i32 to vector<16xi32>
    %mul3A_1143 = arith.muli %gather3A_1140, %mul3A_1142 : vector<16xi32>
    %swap3A_1144 = arith.constant 0 : i32
    %swap3A_1145 = arith.index_cast %swap3A_1144 : i32 to index
    %swap3A_1146 = arith.constant 64 : index
    %swap3A_1147 = tpu.vector_load %arg9[%swap3A_1145, %swap3A_1146] {strides = array<i32>} : memref<2x104xi32, #tpu.memory_space<vmem>>, vector<16xi32>,
    tpu.vector_store %arg9[%swap3A_1145, %swap3A_1146], %mul3A_1143 {strides = array<i32>} : memref<2x104xi32, #tpu.memory_space<vmem>>, vector<16xi32>,
    %add3A_1148 = arith.constant 80 : i32
    %add3A_1149 = vector.broadcast %add3A_1148 : i32 to vector<16xi32>
    %add3A_1150 = arith.addi %iota3A, %add3A_1149 : vector<16xi32>
    %gather3A_1151 = tpu.vector_load_idx %arg6[%add3A_1150, %add3A_1092] : memref<200x128xi32, #tpu.memory_space<vmem>>[vector<16xi32>, vector<16xi32>], vector<16xi32>,
    %mul3A_1152 = arith.constant 2 : i32
    %mul3A_1153 = vector.broadcast %mul3A_1152 : i32 to vector<16xi32>
    %mul3A_1154 = arith.muli %gather3A_1151, %mul3A_1153 : vector<16xi32>
    %swap3A_1155 = arith.constant 0 : i32
    %swap3A_1156 = arith.index_cast %swap3A_1155 : i32 to index
    %swap3A_1157 = arith.constant 80 : index
    %swap3A_1158 = tpu.vector_load %arg9[%swap3A_1156, %swap3A_1157] {strides = array<i32>} : memref<2x104xi32, #tpu.memory_space<vmem>>, vector<16xi32>,
    tpu.vector_store %arg9[%swap3A_1156, %swap3A_1157], %mul3A_1154 {strides = array<i32>} : memref<2x104xi32, #tpu.memory_space<vmem>>, vector<16xi32>,
    %add3A_1159 = arith.constant 88 : i32
    %add3A_1160 = vector.broadcast %add3A_1159 : i32 to vector<16xi32>
    %add3A_1161 = arith.addi %iota3A, %add3A_1160 : vector<16xi32>
    %gather3A_1162 = tpu.vector_load_idx %arg6[%add3A_1161, %add3A_1092] : memref<200x128xi32, #tpu.memory_space<vmem>>[vector<16xi32>, vector<16xi32>], vector<16xi32>,
    %mul3A_1163 = arith.constant 2 : i32
    %mul3A_1164 = vector.broadcast %mul3A_1163 : i32 to vector<16xi32>
    %mul3A_1165 = arith.muli %gather3A_1162, %mul3A_1164 : vector<16xi32>
    %swap3A_1166 = arith.constant 0 : i32
    %swap3A_1167 = arith.index_cast %swap3A_1166 : i32 to index
    %swap3A_1168 = arith.constant 88 : index
    %swap3A_1169 = tpu.vector_load %arg9[%swap3A_1167, %swap3A_1168] {strides = array<i32>} : memref<2x104xi32, #tpu.memory_space<vmem>>, vector<16xi32>,
    tpu.vector_store %arg9[%swap3A_1167, %swap3A_1168], %mul3A_1165 {strides = array<i32>} : memref<2x104xi32, #tpu.memory_space<vmem>>, vector<16xi32>,
    %add3A_1170 = arith.constant 104 : i32
    %add3A_1171 = vector.broadcast %add3A_1170 : i32 to vector<16xi32>
    %add3A_1172 = arith.addi %iota3A, %add3A_1171 : vector<16xi32>
    %gather3A_1173 = tpu.vector_load_idx %arg6[%add3A_1172, %add3A_1092] : memref<200x128xi32, #tpu.memory_space<vmem>>[vector<16xi32>, vector<16xi32>], vector<16xi32>,
    %mul3A_1174 = arith.constant 2 : i32
    %mul3A_1175 = vector.broadcast %mul3A_1174 : i32 to vector<16xi32>
    %mul3A_1176 = arith.muli %gather3A_1173, %mul3A_1175 : vector<16xi32>
    %swap3A_1177 = arith.constant 1 : i32
    %swap3A_1178 = arith.index_cast %swap3A_1177 : i32 to index
    %swap3A_1179 = arith.constant 0 : index
    %swap3A_1180 = tpu.vector_load %arg9[%swap3A_1178, %swap3A_1179] {strides = array<i32>} : memref<2x104xi32, #tpu.memory_space<vmem>>, vector<16xi32>,
    tpu.vector_store %arg9[%swap3A_1178, %swap3A_1179], %mul3A_1176 {strides = array<i32>} : memref<2x104xi32, #tpu.memory_space<vmem>>, vector<16xi32>,
    %add3A_1181 = arith.constant 120 : i32
    %add3A_1182 = vector.broadcast %add3A_1181 : i32 to vector<16xi32>
    %add3A_1183 = arith.addi %iota3A, %add3A_1182 : vector<16xi32>
    %gather3A_1184 = tpu.vector_load_idx %arg6[%add3A_1183, %add3A_1092] : memref<200x128xi32, #tpu.memory_space<vmem>>[vector<16xi32>, vector<16xi32>], vector<16xi32>,
    %mul3A_1185 = arith.constant 2 : i32
    %mul3A_1186 = vector.broadcast %mul3A_1185 : i32 to vector<16xi32>
    %mul3A_1187 = arith.muli %gather3A_1184, %mul3A_1186 : vector<16xi32>
    %swap3A_1188 = arith.constant 1 : i32
    %swap3A_1189 = arith.index_cast %swap3A_1188 : i32 to index
    %swap3A_1190 = arith.constant 16 : index
    %swap3A_1191 = tpu.vector_load %arg9[%swap3A_1189, %swap3A_1190] {strides = array<i32>} : memref<2x104xi32, #tpu.memory_space<vmem>>, vector<16xi32>,
    tpu.vector_store %arg9[%swap3A_1189, %swap3A_1190], %mul3A_1187 {strides = array<i32>} : memref<2x104xi32, #tpu.memory_space<vmem>>, vector<16xi32>,
    %add3A_1192 = arith.constant 136 : i32
    %add3A_1193 = vector.broadcast %add3A_1192 : i32 to vector<16xi32>
    %add3A_1194 = arith.addi %iota3A, %add3A_1193 : vector<16xi32>
    %gather3A_1195 = tpu.vector_load_idx %arg6[%add3A_1194, %add3A_1092] : memref<200x128xi32, #tpu.memory_space<vmem>>[vector<16xi32>, vector<16xi32>], vector<16xi32>,
    %mul3A_1196 = arith.constant 2 : i32
    %mul3A_1197 = vector.broadcast %mul3A_1196 : i32 to vector<16xi32>
    %mul3A_1198 = arith.muli %gather3A_1195, %mul3A_1197 : vector<16xi32>
    %swap3A_1199 = arith.constant 1 : i32
    %swap3A_1200 = arith.index_cast %swap3A_1199 : i32 to index
    %swap3A_1201 = arith.constant 32 : index
    %swap3A_1202 = tpu.vector_load %arg9[%swap3A_1200, %swap3A_1201] {strides = array<i32>} : memref<2x104xi32, #tpu.memory_space<vmem>>, vector<16xi32>,
    tpu.vector_store %arg9[%swap3A_1200, %swap3A_1201], %mul3A_1198 {strides = array<i32>} : memref<2x104xi32, #tpu.memory_space<vmem>>, vector<16xi32>,
    %add3A_1203 = arith.constant 152 : i32
    %add3A_1204 = vector.broadcast %add3A_1203 : i32 to vector<16xi32>
    %add3A_1205 = arith.addi %iota3A, %add3A_1204 : vector<16xi32>
    %gather3A_1206 = tpu.vector_load_idx %arg6[%add3A_1205, %add3A_1092] : memref<200x128xi32, #tpu.memory_space<vmem>>[vector<16xi32>, vector<16xi32>], vector<16xi32>,
    %mul3A_1207 = arith.constant 2 : i32
    %mul3A_1208 = vector.broadcast %mul3A_1207 : i32 to vector<16xi32>
    %mul3A_1209 = arith.muli %gather3A_1206, %mul3A_1208 : vector<16xi32>
    %swap3A_1210 = arith.constant 1 : i32
    %swap3A_1211 = arith.index_cast %swap3A_1210 : i32 to index
    %swap3A_1212 = arith.constant 48 : index
    %swap3A_1213 = tpu.vector_load %arg9[%swap3A_1211, %swap3A_1212] {strides = array<i32>} : memref<2x104xi32, #tpu.memory_space<vmem>>, vector<16xi32>,
    tpu.vector_store %arg9[%swap3A_1211, %swap3A_1212], %mul3A_1209 {strides = array<i32>} : memref<2x104xi32, #tpu.memory_space<vmem>>, vector<16xi32>,
    %add3A_1214 = arith.constant 168 : i32
    %add3A_1215 = vector.broadcast %add3A_1214 : i32 to vector<16xi32>
    %add3A_1216 = arith.addi %iota3A, %add3A_1215 : vector<16xi32>
    %gather3A_1217 = tpu.vector_load_idx %arg6[%add3A_1216, %add3A_1092] : memref<200x128xi32, #tpu.memory_space<vmem>>[vector<16xi32>, vector<16xi32>], vector<16xi32>,
    %mul3A_1218 = arith.constant 2 : i32
    %mul3A_1219 = vector.broadcast %mul3A_1218 : i32 to vector<16xi32>
    %mul3A_1220 = arith.muli %gather3A_1217, %mul3A_1219 : vector<16xi32>
    %swap3A_1221 = arith.constant 1 : i32
    %swap3A_1222 = arith.index_cast %swap3A_1221 : i32 to index
    %swap3A_1223 = arith.constant 64 : index
    %swap3A_1224 = tpu.vector_load %arg9[%swap3A_1222, %swap3A_1223] {strides = array<i32>} : memref<2x104xi32, #tpu.memory_space<vmem>>, vector<16xi32>,
    tpu.vector_store %arg9[%swap3A_1222, %swap3A_1223], %mul3A_1220 {strides = array<i32>} : memref<2x104xi32, #tpu.memory_space<vmem>>, vector<16xi32>,
    %add3A_1225 = arith.constant 184 : i32
    %add3A_1226 = vector.broadcast %add3A_1225 : i32 to vector<16xi32>
    %add3A_1227 = arith.addi %iota3A, %add3A_1226 : vector<16xi32>
    %gather3A_1228 = tpu.vector_load_idx %arg6[%add3A_1227, %add3A_1092] : memref<200x128xi32, #tpu.memory_space<vmem>>[vector<16xi32>, vector<16xi32>], vector<16xi32>,
    %mul3A_1229 = arith.constant 2 : i32
    %mul3A_1230 = vector.broadcast %mul3A_1229 : i32 to vector<16xi32>
    %mul3A_1231 = arith.muli %gather3A_1228, %mul3A_1230 : vector<16xi32>
    %swap3A_1232 = arith.constant 1 : i32
    %swap3A_1233 = arith.index_cast %swap3A_1232 : i32 to index
    %swap3A_1234 = arith.constant 80 : index
    %swap3A_1235 = tpu.vector_load %arg9[%swap3A_1233, %swap3A_1234] {strides = array<i32>} : memref<2x104xi32, #tpu.memory_space<vmem>>, vector<16xi32>,
    tpu.vector_store %arg9[%swap3A_1233, %swap3A_1234], %mul3A_1231 {strides = array<i32>} : memref<2x104xi32, #tpu.memory_space<vmem>>, vector<16xi32>,
    %dma_start3A_1236 = arith.constant 0 : i32
    %dma_start3A_1237 = arith.constant 0 : i32
    %dma_start3A_1238 = arith.constant 0 : i32
    %dma_start3A_1239 = tpu.memref_slice %arg13[%dma_start3A_1237, %dma_start3A_1238] : memref<200x64xf32, #tpu.memory_space<vmem>> -> memref<104x64xf32, #tpu.memory_space<vmem>>
    %dma_start3A_1240 = arith.constant 0 : i32
    %dma_start3A_1241 = tpu.memref_slice %arg9[%dma_start3A_1236, %dma_start3A_1240] : memref<2x104xi32, #tpu.memory_space<vmem>> -> memref<1x104xi32, #tpu.memory_space<vmem>>
    %dma_start3A_1242 = tpu.memref_squeeze %dma_start3A_1241 : memref<1x104xi32, #tpu.memory_space<vmem>> -> memref<104xi32, #tpu.memory_space<vmem>>
    %dma_start3A_1243 = arith.constant 0 : i32
    %dma_start3A_1244 = arith.constant 0 : i32
    %dma_start3A_1245 = tpu.memref_slice %arg3[%dma_start3A_1243, %dma_start3A_1244] : memref<200000x64xf32, #tpu.memory_space<hbm>> -> memref<200000x64xf32, #tpu.memory_space<hbm>>
    tpu.enqueue_indirect_dma source(%dma_start3A_1245 : memref<200000x64xf32, #tpu.memory_space<hbm>>) target(%dma_start3A_1239 : memref<104x64xf32, #tpu.memory_space<vmem>>) offsets(%dma_start3A_1242 : memref<104xi32, #tpu.memory_space<vmem>>) semaphore(%arg18 : memref<!tpu.dma_semaphore, #tpu.memory_space<semaphore_mem>>)
    %dma_start3A_1246 = arith.constant 1 : i32
    %dma_start3A_1247 = arith.constant 104 : i32
    %dma_start3A_1248 = arith.constant 0 : i32
    %dma_start3A_1249 = tpu.memref_slice %arg13[%dma_start3A_1247, %dma_start3A_1248] : memref<200x64xf32, #tpu.memory_space<vmem>> -> memref<96x64xf32, #tpu.memory_space<vmem>>
    %dma_start3A_1250 = arith.constant 0 : i32
    %dma_start3A_1251 = tpu.memref_slice %arg9[%dma_start3A_1246, %dma_start3A_1250] : memref<2x104xi32, #tpu.memory_space<vmem>> -> memref<1x96xi32, #tpu.memory_space<vmem>>
    %dma_start3A_1252 = tpu.memref_squeeze %dma_start3A_1251 : memref<1x96xi32, #tpu.memory_space<vmem>> -> memref<96xi32, #tpu.memory_space<vmem>>
    %dma_start3A_1253 = arith.constant 0 : i32
    %dma_start3A_1254 = arith.constant 0 : i32
    %dma_start3A_1255 = tpu.memref_slice %arg3[%dma_start3A_1253, %dma_start3A_1254] : memref<200000x64xf32, #tpu.memory_space<hbm>> -> memref<200000x64xf32, #tpu.memory_space<hbm>>
    tpu.enqueue_indirect_dma source(%dma_start3A_1255 : memref<200000x64xf32, #tpu.memory_space<hbm>>) target(%dma_start3A_1249 : memref<96x64xf32, #tpu.memory_space<vmem>>) offsets(%dma_start3A_1252 : memref<96xi32, #tpu.memory_space<vmem>>) semaphore(%arg18 : memref<!tpu.dma_semaphore, #tpu.memory_space<semaphore_mem>>)
    %mul3A_1256 = arith.constant 0 : i32
    %mul3A_1257 = vector.broadcast %mul3A_1256 : i32 to vector<16xi32>
    %mul3A_1258 = arith.muli %iota3A, %mul3A_1257 : vector<16xi32>
    %add3A_1259 = arith.constant 3 : i32
    %add3A_1260 = vector.broadcast %add3A_1259 : i32 to vector<16xi32>
    %add3A_1261 = arith.addi %mul3A_1258, %add3A_1260 : vector<16xi32>
    %add3A_1262 = arith.constant 0 : i32
    %add3A_1263 = vector.broadcast %add3A_1262 : i32 to vector<16xi32>
    %add3A_1264 = arith.addi %iota3A, %add3A_1263 : vector<16xi32>
    %gather3A_1265 = tpu.vector_load_idx %arg6[%add3A_1264, %add3A_1261] : memref<200x128xi32, #tpu.memory_space<vmem>>[vector<16xi32>, vector<16xi32>], vector<16xi32>,
    %mul3A_1266 = arith.constant 2 : i32
    %mul3A_1267 = vector.broadcast %mul3A_1266 : i32 to vector<16xi32>
    %mul3A_1268 = arith.muli %gather3A_1265, %mul3A_1267 : vector<16xi32>
    %swap3A_1269 = arith.constant 0 : i32
    %swap3A_1270 = arith.index_cast %swap3A_1269 : i32 to index
    %swap3A_1271 = arith.constant 0 : index
    %swap3A_1272 = tpu.vector_load %arg10[%swap3A_1270, %swap3A_1271] {strides = array<i32>} : memref<2x104xi32, #tpu.memory_space<vmem>>, vector<16xi32>,
    tpu.vector_store %arg10[%swap3A_1270, %swap3A_1271], %mul3A_1268 {strides = array<i32>} : memref<2x104xi32, #tpu.memory_space<vmem>>, vector<16xi32>,
    %add3A_1273 = arith.constant 16 : i32
    %add3A_1274 = vector.broadcast %add3A_1273 : i32 to vector<16xi32>
    %add3A_1275 = arith.addi %iota3A, %add3A_1274 : vector<16xi32>
    %gather3A_1276 = tpu.vector_load_idx %arg6[%add3A_1275, %add3A_1261] : memref<200x128xi32, #tpu.memory_space<vmem>>[vector<16xi32>, vector<16xi32>], vector<16xi32>,
    %mul3A_1277 = arith.constant 2 : i32
    %mul3A_1278 = vector.broadcast %mul3A_1277 : i32 to vector<16xi32>
    %mul3A_1279 = arith.muli %gather3A_1276, %mul3A_1278 : vector<16xi32>
    %swap3A_1280 = arith.constant 0 : i32
    %swap3A_1281 = arith.index_cast %swap3A_1280 : i32 to index
    %swap3A_1282 = arith.constant 16 : index
    %swap3A_1283 = tpu.vector_load %arg10[%swap3A_1281, %swap3A_1282] {strides = array<i32>} : memref<2x104xi32, #tpu.memory_space<vmem>>, vector<16xi32>,
    tpu.vector_store %arg10[%swap3A_1281, %swap3A_1282], %mul3A_1279 {strides = array<i32>} : memref<2x104xi32, #tpu.memory_space<vmem>>, vector<16xi32>,
    %add3A_1284 = arith.constant 32 : i32
    %add3A_1285 = vector.broadcast %add3A_1284 : i32 to vector<16xi32>
    %add3A_1286 = arith.addi %iota3A, %add3A_1285 : vector<16xi32>
    %gather3A_1287 = tpu.vector_load_idx %arg6[%add3A_1286, %add3A_1261] : memref<200x128xi32, #tpu.memory_space<vmem>>[vector<16xi32>, vector<16xi32>], vector<16xi32>,
    %mul3A_1288 = arith.constant 2 : i32
    %mul3A_1289 = vector.broadcast %mul3A_1288 : i32 to vector<16xi32>
    %mul3A_1290 = arith.muli %gather3A_1287, %mul3A_1289 : vector<16xi32>
    %swap3A_1291 = arith.constant 0 : i32
    %swap3A_1292 = arith.index_cast %swap3A_1291 : i32 to index
    %swap3A_1293 = arith.constant 32 : index
    %swap3A_1294 = tpu.vector_load %arg10[%swap3A_1292, %swap3A_1293] {strides = array<i32>} : memref<2x104xi32, #tpu.memory_space<vmem>>, vector<16xi32>,
    tpu.vector_store %arg10[%swap3A_1292, %swap3A_1293], %mul3A_1290 {strides = array<i32>} : memref<2x104xi32, #tpu.memory_space<vmem>>, vector<16xi32>,
    %add3A_1295 = arith.constant 48 : i32
    %add3A_1296 = vector.broadcast %add3A_1295 : i32 to vector<16xi32>
    %add3A_1297 = arith.addi %iota3A, %add3A_1296 : vector<16xi32>
    %gather3A_1298 = tpu.vector_load_idx %arg6[%add3A_1297, %add3A_1261] : memref<200x128xi32, #tpu.memory_space<vmem>>[vector<16xi32>, vector<16xi32>], vector<16xi32>,
    %mul3A_1299 = arith.constant 2 : i32
    %mul3A_1300 = vector.broadcast %mul3A_1299 : i32 to vector<16xi32>
    %mul3A_1301 = arith.muli %gather3A_1298, %mul3A_1300 : vector<16xi32>
    %swap3A_1302 = arith.constant 0 : i32
    %swap3A_1303 = arith.index_cast %swap3A_1302 : i32 to index
    %swap3A_1304 = arith.constant 48 : index
    %swap3A_1305 = tpu.vector_load %arg10[%swap3A_1303, %swap3A_1304] {strides = array<i32>} : memref<2x104xi32, #tpu.memory_space<vmem>>, vector<16xi32>,
    tpu.vector_store %arg10[%swap3A_1303, %swap3A_1304], %mul3A_1301 {strides = array<i32>} : memref<2x104xi32, #tpu.memory_space<vmem>>, vector<16xi32>,
    %add3A_1306 = arith.constant 64 : i32
    %add3A_1307 = vector.broadcast %add3A_1306 : i32 to vector<16xi32>
    %add3A_1308 = arith.addi %iota3A, %add3A_1307 : vector<16xi32>
    %gather3A_1309 = tpu.vector_load_idx %arg6[%add3A_1308, %add3A_1261] : memref<200x128xi32, #tpu.memory_space<vmem>>[vector<16xi32>, vector<16xi32>], vector<16xi32>,
    %mul3A_1310 = arith.constant 2 : i32
    %mul3A_1311 = vector.broadcast %mul3A_1310 : i32 to vector<16xi32>
    %mul3A_1312 = arith.muli %gather3A_1309, %mul3A_1311 : vector<16xi32>
    %swap3A_1313 = arith.constant 0 : i32
    %swap3A_1314 = arith.index_cast %swap3A_1313 : i32 to index
    %swap3A_1315 = arith.constant 64 : index
    %swap3A_1316 = tpu.vector_load %arg10[%swap3A_1314, %swap3A_1315] {strides = array<i32>} : memref<2x104xi32, #tpu.memory_space<vmem>>, vector<16xi32>,
    tpu.vector_store %arg10[%swap3A_1314, %swap3A_1315], %mul3A_1312 {strides = array<i32>} : memref<2x104xi32, #tpu.memory_space<vmem>>, vector<16xi32>,
    %add3A_1317 = arith.constant 80 : i32
    %add3A_1318 = vector.broadcast %add3A_1317 : i32 to vector<16xi32>
    %add3A_1319 = arith.addi %iota3A, %add3A_1318 : vector<16xi32>
    %gather3A_1320 = tpu.vector_load_idx %arg6[%add3A_1319, %add3A_1261] : memref<200x128xi32, #tpu.memory_space<vmem>>[vector<16xi32>, vector<16xi32>], vector<16xi32>,
    %mul3A_1321 = arith.constant 2 : i32
    %mul3A_1322 = vector.broadcast %mul3A_1321 : i32 to vector<16xi32>
    %mul3A_1323 = arith.muli %gather3A_1320, %mul3A_1322 : vector<16xi32>
    %swap3A_1324 = arith.constant 0 : i32
    %swap3A_1325 = arith.index_cast %swap3A_1324 : i32 to index
    %swap3A_1326 = arith.constant 80 : index
    %swap3A_1327 = tpu.vector_load %arg10[%swap3A_1325, %swap3A_1326] {strides = array<i32>} : memref<2x104xi32, #tpu.memory_space<vmem>>, vector<16xi32>,
    tpu.vector_store %arg10[%swap3A_1325, %swap3A_1326], %mul3A_1323 {strides = array<i32>} : memref<2x104xi32, #tpu.memory_space<vmem>>, vector<16xi32>,
    %add3A_1328 = arith.constant 88 : i32
    %add3A_1329 = vector.broadcast %add3A_1328 : i32 to vector<16xi32>
    %add3A_1330 = arith.addi %iota3A, %add3A_1329 : vector<16xi32>
    %gather3A_1331 = tpu.vector_load_idx %arg6[%add3A_1330, %add3A_1261] : memref<200x128xi32, #tpu.memory_space<vmem>>[vector<16xi32>, vector<16xi32>], vector<16xi32>,
    %mul3A_1332 = arith.constant 2 : i32
    %mul3A_1333 = vector.broadcast %mul3A_1332 : i32 to vector<16xi32>
    %mul3A_1334 = arith.muli %gather3A_1331, %mul3A_1333 : vector<16xi32>
    %swap3A_1335 = arith.constant 0 : i32
    %swap3A_1336 = arith.index_cast %swap3A_1335 : i32 to index
    %swap3A_1337 = arith.constant 88 : index
    %swap3A_1338 = tpu.vector_load %arg10[%swap3A_1336, %swap3A_1337] {strides = array<i32>} : memref<2x104xi32, #tpu.memory_space<vmem>>, vector<16xi32>,
    tpu.vector_store %arg10[%swap3A_1336, %swap3A_1337], %mul3A_1334 {strides = array<i32>} : memref<2x104xi32, #tpu.memory_space<vmem>>, vector<16xi32>,
    %add3A_1339 = arith.constant 104 : i32
    %add3A_1340 = vector.broadcast %add3A_1339 : i32 to vector<16xi32>
    %add3A_1341 = arith.addi %iota3A, %add3A_1340 : vector<16xi32>
    %gather3A_1342 = tpu.vector_load_idx %arg6[%add3A_1341, %add3A_1261] : memref<200x128xi32, #tpu.memory_space<vmem>>[vector<16xi32>, vector<16xi32>], vector<16xi32>,
    %mul3A_1343 = arith.constant 2 : i32
    %mul3A_1344 = vector.broadcast %mul3A_1343 : i32 to vector<16xi32>
    %mul3A_1345 = arith.muli %gather3A_1342, %mul3A_1344 : vector<16xi32>
    %swap3A_1346 = arith.constant 1 : i32
    %swap3A_1347 = arith.index_cast %swap3A_1346 : i32 to index
    %swap3A_1348 = arith.constant 0 : index
    %swap3A_1349 = tpu.vector_load %arg10[%swap3A_1347, %swap3A_1348] {strides = array<i32>} : memref<2x104xi32, #tpu.memory_space<vmem>>, vector<16xi32>,
    tpu.vector_store %arg10[%swap3A_1347, %swap3A_1348], %mul3A_1345 {strides = array<i32>} : memref<2x104xi32, #tpu.memory_space<vmem>>, vector<16xi32>,
    %add3A_1350 = arith.constant 120 : i32
    %add3A_1351 = vector.broadcast %add3A_1350 : i32 to vector<16xi32>
    %add3A_1352 = arith.addi %iota3A, %add3A_1351 : vector<16xi32>
    %gather3A_1353 = tpu.vector_load_idx %arg6[%add3A_1352, %add3A_1261] : memref<200x128xi32, #tpu.memory_space<vmem>>[vector<16xi32>, vector<16xi32>], vector<16xi32>,
    %mul3A_1354 = arith.constant 2 : i32
    %mul3A_1355 = vector.broadcast %mul3A_1354 : i32 to vector<16xi32>
    %mul3A_1356 = arith.muli %gather3A_1353, %mul3A_1355 : vector<16xi32>
    %swap3A_1357 = arith.constant 1 : i32
    %swap3A_1358 = arith.index_cast %swap3A_1357 : i32 to index
    %swap3A_1359 = arith.constant 16 : index
    %swap3A_1360 = tpu.vector_load %arg10[%swap3A_1358, %swap3A_1359] {strides = array<i32>} : memref<2x104xi32, #tpu.memory_space<vmem>>, vector<16xi32>,
    tpu.vector_store %arg10[%swap3A_1358, %swap3A_1359], %mul3A_1356 {strides = array<i32>} : memref<2x104xi32, #tpu.memory_space<vmem>>, vector<16xi32>,
    %add3A_1361 = arith.constant 136 : i32
    %add3A_1362 = vector.broadcast %add3A_1361 : i32 to vector<16xi32>
    %add3A_1363 = arith.addi %iota3A, %add3A_1362 : vector<16xi32>
    %gather3A_1364 = tpu.vector_load_idx %arg6[%add3A_1363, %add3A_1261] : memref<200x128xi32, #tpu.memory_space<vmem>>[vector<16xi32>, vector<16xi32>], vector<16xi32>,
    %mul3A_1365 = arith.constant 2 : i32
    %mul3A_1366 = vector.broadcast %mul3A_1365 : i32 to vector<16xi32>
    %mul3A_1367 = arith.muli %gather3A_1364, %mul3A_1366 : vector<16xi32>
    %swap3A_1368 = arith.constant 1 : i32
    %swap3A_1369 = arith.index_cast %swap3A_1368 : i32 to index
    %swap3A_1370 = arith.constant 32 : index
    %swap3A_1371 = tpu.vector_load %arg10[%swap3A_1369, %swap3A_1370] {strides = array<i32>} : memref<2x104xi32, #tpu.memory_space<vmem>>, vector<16xi32>,
    tpu.vector_store %arg10[%swap3A_1369, %swap3A_1370], %mul3A_1367 {strides = array<i32>} : memref<2x104xi32, #tpu.memory_space<vmem>>, vector<16xi32>,
    %add3A_1372 = arith.constant 152 : i32
    %add3A_1373 = vector.broadcast %add3A_1372 : i32 to vector<16xi32>
    %add3A_1374 = arith.addi %iota3A, %add3A_1373 : vector<16xi32>
    %gather3A_1375 = tpu.vector_load_idx %arg6[%add3A_1374, %add3A_1261] : memref<200x128xi32, #tpu.memory_space<vmem>>[vector<16xi32>, vector<16xi32>], vector<16xi32>,
    %mul3A_1376 = arith.constant 2 : i32
    %mul3A_1377 = vector.broadcast %mul3A_1376 : i32 to vector<16xi32>
    %mul3A_1378 = arith.muli %gather3A_1375, %mul3A_1377 : vector<16xi32>
    %swap3A_1379 = arith.constant 1 : i32
    %swap3A_1380 = arith.index_cast %swap3A_1379 : i32 to index
    %swap3A_1381 = arith.constant 48 : index
    %swap3A_1382 = tpu.vector_load %arg10[%swap3A_1380, %swap3A_1381] {strides = array<i32>} : memref<2x104xi32, #tpu.memory_space<vmem>>, vector<16xi32>,
    tpu.vector_store %arg10[%swap3A_1380, %swap3A_1381], %mul3A_1378 {strides = array<i32>} : memref<2x104xi32, #tpu.memory_space<vmem>>, vector<16xi32>,
    %add3A_1383 = arith.constant 168 : i32
    %add3A_1384 = vector.broadcast %add3A_1383 : i32 to vector<16xi32>
    %add3A_1385 = arith.addi %iota3A, %add3A_1384 : vector<16xi32>
    %gather3A_1386 = tpu.vector_load_idx %arg6[%add3A_1385, %add3A_1261] : memref<200x128xi32, #tpu.memory_space<vmem>>[vector<16xi32>, vector<16xi32>], vector<16xi32>,
    %mul3A_1387 = arith.constant 2 : i32
    %mul3A_1388 = vector.broadcast %mul3A_1387 : i32 to vector<16xi32>
    %mul3A_1389 = arith.muli %gather3A_1386, %mul3A_1388 : vector<16xi32>
    %swap3A_1390 = arith.constant 1 : i32
    %swap3A_1391 = arith.index_cast %swap3A_1390 : i32 to index
    %swap3A_1392 = arith.constant 64 : index
    %swap3A_1393 = tpu.vector_load %arg10[%swap3A_1391, %swap3A_1392] {strides = array<i32>} : memref<2x104xi32, #tpu.memory_space<vmem>>, vector<16xi32>,
    tpu.vector_store %arg10[%swap3A_1391, %swap3A_1392], %mul3A_1389 {strides = array<i32>} : memref<2x104xi32, #tpu.memory_space<vmem>>, vector<16xi32>,
    %add3A_1394 = arith.constant 184 : i32
    %add3A_1395 = vector.broadcast %add3A_1394 : i32 to vector<16xi32>
    %add3A_1396 = arith.addi %iota3A, %add3A_1395 : vector<16xi32>
    %gather3A_1397 = tpu.vector_load_idx %arg6[%add3A_1396, %add3A_1261] : memref<200x128xi32, #tpu.memory_space<vmem>>[vector<16xi32>, vector<16xi32>], vector<16xi32>,
    %mul3A_1398 = arith.constant 2 : i32
    %mul3A_1399 = vector.broadcast %mul3A_1398 : i32 to vector<16xi32>
    %mul3A_1400 = arith.muli %gather3A_1397, %mul3A_1399 : vector<16xi32>
    %swap3A_1401 = arith.constant 1 : i32
    %swap3A_1402 = arith.index_cast %swap3A_1401 : i32 to index
    %swap3A_1403 = arith.constant 80 : index
    %swap3A_1404 = tpu.vector_load %arg10[%swap3A_1402, %swap3A_1403] {strides = array<i32>} : memref<2x104xi32, #tpu.memory_space<vmem>>, vector<16xi32>,
    tpu.vector_store %arg10[%swap3A_1402, %swap3A_1403], %mul3A_1400 {strides = array<i32>} : memref<2x104xi32, #tpu.memory_space<vmem>>, vector<16xi32>,
    %dma_start3A_1405 = arith.constant 0 : i32
    %dma_start3A_1406 = arith.constant 0 : i32
    %dma_start3A_1407 = arith.constant 0 : i32
    %dma_start3A_1408 = tpu.memref_slice %arg14[%dma_start3A_1406, %dma_start3A_1407] : memref<200x64xf32, #tpu.memory_space<vmem>> -> memref<104x64xf32, #tpu.memory_space<vmem>>
    %dma_start3A_1409 = arith.constant 0 : i32
    %dma_start3A_1410 = tpu.memref_slice %arg10[%dma_start3A_1405, %dma_start3A_1409] : memref<2x104xi32, #tpu.memory_space<vmem>> -> memref<1x104xi32, #tpu.memory_space<vmem>>
    %dma_start3A_1411 = tpu.memref_squeeze %dma_start3A_1410 : memref<1x104xi32, #tpu.memory_space<vmem>> -> memref<104xi32, #tpu.memory_space<vmem>>
    %dma_start3A_1412 = arith.constant 0 : i32
    %dma_start3A_1413 = arith.constant 0 : i32
    %dma_start3A_1414 = tpu.memref_slice %arg3[%dma_start3A_1412, %dma_start3A_1413] : memref<200000x64xf32, #tpu.memory_space<hbm>> -> memref<200000x64xf32, #tpu.memory_space<hbm>>
    tpu.enqueue_indirect_dma source(%dma_start3A_1414 : memref<200000x64xf32, #tpu.memory_space<hbm>>) target(%dma_start3A_1408 : memref<104x64xf32, #tpu.memory_space<vmem>>) offsets(%dma_start3A_1411 : memref<104xi32, #tpu.memory_space<vmem>>) semaphore(%arg19 : memref<!tpu.dma_semaphore, #tpu.memory_space<semaphore_mem>>)
    %dma_start3A_1415 = arith.constant 1 : i32
    %dma_start3A_1416 = arith.constant 104 : i32
    %dma_start3A_1417 = arith.constant 0 : i32
    %dma_start3A_1418 = tpu.memref_slice %arg14[%dma_start3A_1416, %dma_start3A_1417] : memref<200x64xf32, #tpu.memory_space<vmem>> -> memref<96x64xf32, #tpu.memory_space<vmem>>
    %dma_start3A_1419 = arith.constant 0 : i32
    %dma_start3A_1420 = tpu.memref_slice %arg10[%dma_start3A_1415, %dma_start3A_1419] : memref<2x104xi32, #tpu.memory_space<vmem>> -> memref<1x96xi32, #tpu.memory_space<vmem>>
    %dma_start3A_1421 = tpu.memref_squeeze %dma_start3A_1420 : memref<1x96xi32, #tpu.memory_space<vmem>> -> memref<96xi32, #tpu.memory_space<vmem>>
    %dma_start3A_1422 = arith.constant 0 : i32
    %dma_start3A_1423 = arith.constant 0 : i32
    %dma_start3A_1424 = tpu.memref_slice %arg3[%dma_start3A_1422, %dma_start3A_1423] : memref<200000x64xf32, #tpu.memory_space<hbm>> -> memref<200000x64xf32, #tpu.memory_space<hbm>>
    tpu.enqueue_indirect_dma source(%dma_start3A_1424 : memref<200000x64xf32, #tpu.memory_space<hbm>>) target(%dma_start3A_1418 : memref<96x64xf32, #tpu.memory_space<vmem>>) offsets(%dma_start3A_1421 : memref<96xi32, #tpu.memory_space<vmem>>) semaphore(%arg19 : memref<!tpu.dma_semaphore, #tpu.memory_space<semaphore_mem>>)
    %scan3A = arith.constant 0 : i32
    %scan3A_1425 = arith.constant 0 : i32
    %scan3A_1426 = arith.constant 32 : i32
    %scan3A_1427 = arith.addi %scan3A_1425, %scan3A_1426 : i32
    %scan3A_1428 = arith.constant 1 : i32
    scf.for %scan3A_1470 = %scan3A_1425 to %scan3A_1427 step %scan3A_1428  : i32 {
      %mul3A_1471 = arith.constant 4 : i32
      %mul3A_1472 = arith.muli %mul3A_1471, %scan3A_1470 : i32
      %ge3A = arith.constant 1 : i32
      %ge3A_1473 = arith.cmpi sge, %scan3A_1470, %ge3A : i32
      %convert_element_type3A = arith.extui %ge3A_1473 : i1 to i32
      %cond3A = arith.constant 0 : i32
      %cond3A_1474 = arith.cmpi ne, %convert_element_type3A, %cond3A : i32
      scf.if %cond3A_1474 {
        %sub3A = arith.constant 1 : i32
        %sub3A_1637 = arith.subi %mul3A_1472, %sub3A : i32
        %add3A_1638 = arith.constant 4 : i32
        %add3A_1639 = arith.addi %mul3A_1472, %add3A_1638 : i32
        %sub3A_1640 = arith.constant 1 : i32
        %sub3A_1641 = arith.subi %add3A_1639, %sub3A_1640 : i32
        %add3A_1642 = arith.addi %mul3A_2, %sub3A_1637 : i32
        %dma_wait3A_1643 = arith.constant 0 : i32
        %dma_wait3A_1644 = arith.constant 0 : i32
        %dma_wait3A_1645 = tpu.memref_slice %arg5[%add3A_1642, %dma_wait3A_1643, %dma_wait3A_1644] : memref<4096x200x128xf32, #tpu.memory_space<hbm>> -> memref<1x200x64xf32, #tpu.memory_space<hbm>>
        %dma_wait3A_1646 = tpu.memref_squeeze %dma_wait3A_1645 : memref<1x200x64xf32, #tpu.memory_space<hbm>> -> memref<200x64xf32, #tpu.memory_space<hbm>>
        %dma_wait3A_1647 = arith.constant 0 : i32
        %dma_wait3A_1648 = arith.constant 0 : i32
        %dma_wait3A_1649 = tpu.memref_slice %arg5[%add3A_1642, %dma_wait3A_1647, %dma_wait3A_1648] : memref<4096x200x128xf32, #tpu.memory_space<hbm>> -> memref<1x200x64xf32, #tpu.memory_space<hbm>>
        %dma_wait3A_1650 = tpu.memref_squeeze %dma_wait3A_1649 : memref<1x200x64xf32, #tpu.memory_space<hbm>> -> memref<200x64xf32, #tpu.memory_space<hbm>>
        tpu.wait_dma2 semaphore(%arg23 : memref<!tpu.dma_semaphore, #tpu.memory_space<semaphore_mem>>) src(%arg14 : memref<200x64xf32, #tpu.memory_space<vmem>>) dst(%dma_wait3A_1650 : memref<200x64xf32, #tpu.memory_space<hbm>>)
        %mul3A_1651 = arith.constant 0 : i32
        %mul3A_1652 = vector.broadcast %mul3A_1651 : i32 to vector<16xi32>
        %mul3A_1653 = arith.muli %iota3A, %mul3A_1652 : vector<16xi32>
        %add3A_1654 = vector.broadcast %sub3A_1641 : i32 to vector<16xi32>
        %add3A_1655 = arith.addi %mul3A_1653, %add3A_1654 : vector<16xi32>
        %add3A_1656 = arith.constant 0 : i32
        %add3A_1657 = vector.broadcast %add3A_1656 : i32 to vector<16xi32>
        %add3A_1658 = arith.addi %iota3A, %add3A_1657 : vector<16xi32>
        %gather3A_1659 = tpu.vector_load_idx %arg6[%add3A_1658, %add3A_1655] : memref<200x128xi32, #tpu.memory_space<vmem>>[vector<16xi32>, vector<16xi32>], vector<16xi32>,
        %mul3A_1660 = arith.constant 2 : i32
        %mul3A_1661 = vector.broadcast %mul3A_1660 : i32 to vector<16xi32>
        %mul3A_1662 = arith.muli %gather3A_1659, %mul3A_1661 : vector<16xi32>
        %swap3A_1663 = arith.constant 0 : i32
        %swap3A_1664 = arith.index_cast %swap3A_1663 : i32 to index
        %swap3A_1665 = arith.constant 0 : index
        %swap3A_1666 = tpu.vector_load %arg10[%swap3A_1664, %swap3A_1665] {strides = array<i32>} : memref<2x104xi32, #tpu.memory_space<vmem>>, vector<16xi32>,
        tpu.vector_store %arg10[%swap3A_1664, %swap3A_1665], %mul3A_1662 {strides = array<i32>} : memref<2x104xi32, #tpu.memory_space<vmem>>, vector<16xi32>,
        %add3A_1667 = arith.constant 16 : i32
        %add3A_1668 = vector.broadcast %add3A_1667 : i32 to vector<16xi32>
        %add3A_1669 = arith.addi %iota3A, %add3A_1668 : vector<16xi32>
        %gather3A_1670 = tpu.vector_load_idx %arg6[%add3A_1669, %add3A_1655] : memref<200x128xi32, #tpu.memory_space<vmem>>[vector<16xi32>, vector<16xi32>], vector<16xi32>,
        %mul3A_1671 = arith.constant 2 : i32
        %mul3A_1672 = vector.broadcast %mul3A_1671 : i32 to vector<16xi32>
        %mul3A_1673 = arith.muli %gather3A_1670, %mul3A_1672 : vector<16xi32>
        %swap3A_1674 = arith.constant 0 : i32
        %swap3A_1675 = arith.index_cast %swap3A_1674 : i32 to index
        %swap3A_1676 = arith.constant 16 : index
        %swap3A_1677 = tpu.vector_load %arg10[%swap3A_1675, %swap3A_1676] {strides = array<i32>} : memref<2x104xi32, #tpu.memory_space<vmem>>, vector<16xi32>,
        tpu.vector_store %arg10[%swap3A_1675, %swap3A_1676], %mul3A_1673 {strides = array<i32>} : memref<2x104xi32, #tpu.memory_space<vmem>>, vector<16xi32>,
        %add3A_1678 = arith.constant 32 : i32
        %add3A_1679 = vector.broadcast %add3A_1678 : i32 to vector<16xi32>
        %add3A_1680 = arith.addi %iota3A, %add3A_1679 : vector<16xi32>
        %gather3A_1681 = tpu.vector_load_idx %arg6[%add3A_1680, %add3A_1655] : memref<200x128xi32, #tpu.memory_space<vmem>>[vector<16xi32>, vector<16xi32>], vector<16xi32>,
        %mul3A_1682 = arith.constant 2 : i32
        %mul3A_1683 = vector.broadcast %mul3A_1682 : i32 to vector<16xi32>
        %mul3A_1684 = arith.muli %gather3A_1681, %mul3A_1683 : vector<16xi32>
        %swap3A_1685 = arith.constant 0 : i32
        %swap3A_1686 = arith.index_cast %swap3A_1685 : i32 to index
        %swap3A_1687 = arith.constant 32 : index
        %swap3A_1688 = tpu.vector_load %arg10[%swap3A_1686, %swap3A_1687] {strides = array<i32>} : memref<2x104xi32, #tpu.memory_space<vmem>>, vector<16xi32>,
        tpu.vector_store %arg10[%swap3A_1686, %swap3A_1687], %mul3A_1684 {strides = array<i32>} : memref<2x104xi32, #tpu.memory_space<vmem>>, vector<16xi32>,
        %add3A_1689 = arith.constant 48 : i32
        %add3A_1690 = vector.broadcast %add3A_1689 : i32 to vector<16xi32>
        %add3A_1691 = arith.addi %iota3A, %add3A_1690 : vector<16xi32>
        %gather3A_1692 = tpu.vector_load_idx %arg6[%add3A_1691, %add3A_1655] : memref<200x128xi32, #tpu.memory_space<vmem>>[vector<16xi32>, vector<16xi32>], vector<16xi32>,
        %mul3A_1693 = arith.constant 2 : i32
        %mul3A_1694 = vector.broadcast %mul3A_1693 : i32 to vector<16xi32>
        %mul3A_1695 = arith.muli %gather3A_1692, %mul3A_1694 : vector<16xi32>
        %swap3A_1696 = arith.constant 0 : i32
        %swap3A_1697 = arith.index_cast %swap3A_1696 : i32 to index
        %swap3A_1698 = arith.constant 48 : index
        %swap3A_1699 = tpu.vector_load %arg10[%swap3A_1697, %swap3A_1698] {strides = array<i32>} : memref<2x104xi32, #tpu.memory_space<vmem>>, vector<16xi32>,
        tpu.vector_store %arg10[%swap3A_1697, %swap3A_1698], %mul3A_1695 {strides = array<i32>} : memref<2x104xi32, #tpu.memory_space<vmem>>, vector<16xi32>,
        %add3A_1700 = arith.constant 64 : i32
        %add3A_1701 = vector.broadcast %add3A_1700 : i32 to vector<16xi32>
        %add3A_1702 = arith.addi %iota3A, %add3A_1701 : vector<16xi32>
        %gather3A_1703 = tpu.vector_load_idx %arg6[%add3A_1702, %add3A_1655] : memref<200x128xi32, #tpu.memory_space<vmem>>[vector<16xi32>, vector<16xi32>], vector<16xi32>,
        %mul3A_1704 = arith.constant 2 : i32
        %mul3A_1705 = vector.broadcast %mul3A_1704 : i32 to vector<16xi32>
        %mul3A_1706 = arith.muli %gather3A_1703, %mul3A_1705 : vector<16xi32>
        %swap3A_1707 = arith.constant 0 : i32
        %swap3A_1708 = arith.index_cast %swap3A_1707 : i32 to index
        %swap3A_1709 = arith.constant 64 : index
        %swap3A_1710 = tpu.vector_load %arg10[%swap3A_1708, %swap3A_1709] {strides = array<i32>} : memref<2x104xi32, #tpu.memory_space<vmem>>, vector<16xi32>,
        tpu.vector_store %arg10[%swap3A_1708, %swap3A_1709], %mul3A_1706 {strides = array<i32>} : memref<2x104xi32, #tpu.memory_space<vmem>>, vector<16xi32>,
        %add3A_1711 = arith.constant 80 : i32
        %add3A_1712 = vector.broadcast %add3A_1711 : i32 to vector<16xi32>
        %add3A_1713 = arith.addi %iota3A, %add3A_1712 : vector<16xi32>
        %gather3A_1714 = tpu.vector_load_idx %arg6[%add3A_1713, %add3A_1655] : memref<200x128xi32, #tpu.memory_space<vmem>>[vector<16xi32>, vector<16xi32>], vector<16xi32>,
        %mul3A_1715 = arith.constant 2 : i32
        %mul3A_1716 = vector.broadcast %mul3A_1715 : i32 to vector<16xi32>
        %mul3A_1717 = arith.muli %gather3A_1714, %mul3A_1716 : vector<16xi32>
        %swap3A_1718 = arith.constant 0 : i32
        %swap3A_1719 = arith.index_cast %swap3A_1718 : i32 to index
        %swap3A_1720 = arith.constant 80 : index
        %swap3A_1721 = tpu.vector_load %arg10[%swap3A_1719, %swap3A_1720] {strides = array<i32>} : memref<2x104xi32, #tpu.memory_space<vmem>>, vector<16xi32>,
        tpu.vector_store %arg10[%swap3A_1719, %swap3A_1720], %mul3A_1717 {strides = array<i32>} : memref<2x104xi32, #tpu.memory_space<vmem>>, vector<16xi32>,
        %add3A_1722 = arith.constant 88 : i32
        %add3A_1723 = vector.broadcast %add3A_1722 : i32 to vector<16xi32>
        %add3A_1724 = arith.addi %iota3A, %add3A_1723 : vector<16xi32>
        %gather3A_1725 = tpu.vector_load_idx %arg6[%add3A_1724, %add3A_1655] : memref<200x128xi32, #tpu.memory_space<vmem>>[vector<16xi32>, vector<16xi32>], vector<16xi32>,
        %mul3A_1726 = arith.constant 2 : i32
        %mul3A_1727 = vector.broadcast %mul3A_1726 : i32 to vector<16xi32>
        %mul3A_1728 = arith.muli %gather3A_1725, %mul3A_1727 : vector<16xi32>
        %swap3A_1729 = arith.constant 0 : i32
        %swap3A_1730 = arith.index_cast %swap3A_1729 : i32 to index
        %swap3A_1731 = arith.constant 88 : index
        %swap3A_1732 = tpu.vector_load %arg10[%swap3A_1730, %swap3A_1731] {strides = array<i32>} : memref<2x104xi32, #tpu.memory_space<vmem>>, vector<16xi32>,
        tpu.vector_store %arg10[%swap3A_1730, %swap3A_1731], %mul3A_1728 {strides = array<i32>} : memref<2x104xi32, #tpu.memory_space<vmem>>, vector<16xi32>,
        %add3A_1733 = arith.constant 104 : i32
        %add3A_1734 = vector.broadcast %add3A_1733 : i32 to vector<16xi32>
        %add3A_1735 = arith.addi %iota3A, %add3A_1734 : vector<16xi32>
        %gather3A_1736 = tpu.vector_load_idx %arg6[%add3A_1735, %add3A_1655] : memref<200x128xi32, #tpu.memory_space<vmem>>[vector<16xi32>, vector<16xi32>], vector<16xi32>,
        %mul3A_1737 = arith.constant 2 : i32
        %mul3A_1738 = vector.broadcast %mul3A_1737 : i32 to vector<16xi32>
        %mul3A_1739 = arith.muli %gather3A_1736, %mul3A_1738 : vector<16xi32>
        %swap3A_1740 = arith.constant 1 : i32
        %swap3A_1741 = arith.index_cast %swap3A_1740 : i32 to index
        %swap3A_1742 = arith.constant 0 : index
        %swap3A_1743 = tpu.vector_load %arg10[%swap3A_1741, %swap3A_1742] {strides = array<i32>} : memref<2x104xi32, #tpu.memory_space<vmem>>, vector<16xi32>,
        tpu.vector_store %arg10[%swap3A_1741, %swap3A_1742], %mul3A_1739 {strides = array<i32>} : memref<2x104xi32, #tpu.memory_space<vmem>>, vector<16xi32>,
        %add3A_1744 = arith.constant 120 : i32
        %add3A_1745 = vector.broadcast %add3A_1744 : i32 to vector<16xi32>
        %add3A_1746 = arith.addi %iota3A, %add3A_1745 : vector<16xi32>
        %gather3A_1747 = tpu.vector_load_idx %arg6[%add3A_1746, %add3A_1655] : memref<200x128xi32, #tpu.memory_space<vmem>>[vector<16xi32>, vector<16xi32>], vector<16xi32>,
        %mul3A_1748 = arith.constant 2 : i32
        %mul3A_1749 = vector.broadcast %mul3A_1748 : i32 to vector<16xi32>
        %mul3A_1750 = arith.muli %gather3A_1747, %mul3A_1749 : vector<16xi32>
        %swap3A_1751 = arith.constant 1 : i32
        %swap3A_1752 = arith.index_cast %swap3A_1751 : i32 to index
        %swap3A_1753 = arith.constant 16 : index
        %swap3A_1754 = tpu.vector_load %arg10[%swap3A_1752, %swap3A_1753] {strides = array<i32>} : memref<2x104xi32, #tpu.memory_space<vmem>>, vector<16xi32>,
        tpu.vector_store %arg10[%swap3A_1752, %swap3A_1753], %mul3A_1750 {strides = array<i32>} : memref<2x104xi32, #tpu.memory_space<vmem>>, vector<16xi32>,
        %add3A_1755 = arith.constant 136 : i32
        %add3A_1756 = vector.broadcast %add3A_1755 : i32 to vector<16xi32>
        %add3A_1757 = arith.addi %iota3A, %add3A_1756 : vector<16xi32>
        %gather3A_1758 = tpu.vector_load_idx %arg6[%add3A_1757, %add3A_1655] : memref<200x128xi32, #tpu.memory_space<vmem>>[vector<16xi32>, vector<16xi32>], vector<16xi32>,
        %mul3A_1759 = arith.constant 2 : i32
        %mul3A_1760 = vector.broadcast %mul3A_1759 : i32 to vector<16xi32>
        %mul3A_1761 = arith.muli %gather3A_1758, %mul3A_1760 : vector<16xi32>
        %swap3A_1762 = arith.constant 1 : i32
        %swap3A_1763 = arith.index_cast %swap3A_1762 : i32 to index
        %swap3A_1764 = arith.constant 32 : index
        %swap3A_1765 = tpu.vector_load %arg10[%swap3A_1763, %swap3A_1764] {strides = array<i32>} : memref<2x104xi32, #tpu.memory_space<vmem>>, vector<16xi32>,
        tpu.vector_store %arg10[%swap3A_1763, %swap3A_1764], %mul3A_1761 {strides = array<i32>} : memref<2x104xi32, #tpu.memory_space<vmem>>, vector<16xi32>,
        %add3A_1766 = arith.constant 152 : i32
        %add3A_1767 = vector.broadcast %add3A_1766 : i32 to vector<16xi32>
        %add3A_1768 = arith.addi %iota3A, %add3A_1767 : vector<16xi32>
        %gather3A_1769 = tpu.vector_load_idx %arg6[%add3A_1768, %add3A_1655] : memref<200x128xi32, #tpu.memory_space<vmem>>[vector<16xi32>, vector<16xi32>], vector<16xi32>,
        %mul3A_1770 = arith.constant 2 : i32
        %mul3A_1771 = vector.broadcast %mul3A_1770 : i32 to vector<16xi32>
        %mul3A_1772 = arith.muli %gather3A_1769, %mul3A_1771 : vector<16xi32>
        %swap3A_1773 = arith.constant 1 : i32
        %swap3A_1774 = arith.index_cast %swap3A_1773 : i32 to index
        %swap3A_1775 = arith.constant 48 : index
        %swap3A_1776 = tpu.vector_load %arg10[%swap3A_1774, %swap3A_1775] {strides = array<i32>} : memref<2x104xi32, #tpu.memory_space<vmem>>, vector<16xi32>,
        tpu.vector_store %arg10[%swap3A_1774, %swap3A_1775], %mul3A_1772 {strides = array<i32>} : memref<2x104xi32, #tpu.memory_space<vmem>>, vector<16xi32>,
        %add3A_1777 = arith.constant 168 : i32
        %add3A_1778 = vector.broadcast %add3A_1777 : i32 to vector<16xi32>
        %add3A_1779 = arith.addi %iota3A, %add3A_1778 : vector<16xi32>
        %gather3A_1780 = tpu.vector_load_idx %arg6[%add3A_1779, %add3A_1655] : memref<200x128xi32, #tpu.memory_space<vmem>>[vector<16xi32>, vector<16xi32>], vector<16xi32>,
        %mul3A_1781 = arith.constant 2 : i32
        %mul3A_1782 = vector.broadcast %mul3A_1781 : i32 to vector<16xi32>
        %mul3A_1783 = arith.muli %gather3A_1780, %mul3A_1782 : vector<16xi32>
        %swap3A_1784 = arith.constant 1 : i32
        %swap3A_1785 = arith.index_cast %swap3A_1784 : i32 to index
        %swap3A_1786 = arith.constant 64 : index
        %swap3A_1787 = tpu.vector_load %arg10[%swap3A_1785, %swap3A_1786] {strides = array<i32>} : memref<2x104xi32, #tpu.memory_space<vmem>>, vector<16xi32>,
        tpu.vector_store %arg10[%swap3A_1785, %swap3A_1786], %mul3A_1783 {strides = array<i32>} : memref<2x104xi32, #tpu.memory_space<vmem>>, vector<16xi32>,
        %add3A_1788 = arith.constant 184 : i32
        %add3A_1789 = vector.broadcast %add3A_1788 : i32 to vector<16xi32>
        %add3A_1790 = arith.addi %iota3A, %add3A_1789 : vector<16xi32>
        %gather3A_1791 = tpu.vector_load_idx %arg6[%add3A_1790, %add3A_1655] : memref<200x128xi32, #tpu.memory_space<vmem>>[vector<16xi32>, vector<16xi32>], vector<16xi32>,
        %mul3A_1792 = arith.constant 2 : i32
        %mul3A_1793 = vector.broadcast %mul3A_1792 : i32 to vector<16xi32>
        %mul3A_1794 = arith.muli %gather3A_1791, %mul3A_1793 : vector<16xi32>
        %swap3A_1795 = arith.constant 1 : i32
        %swap3A_1796 = arith.index_cast %swap3A_1795 : i32 to index
        %swap3A_1797 = arith.constant 80 : index
        %swap3A_1798 = tpu.vector_load %arg10[%swap3A_1796, %swap3A_1797] {strides = array<i32>} : memref<2x104xi32, #tpu.memory_space<vmem>>, vector<16xi32>,
        tpu.vector_store %arg10[%swap3A_1796, %swap3A_1797], %mul3A_1794 {strides = array<i32>} : memref<2x104xi32, #tpu.memory_space<vmem>>, vector<16xi32>,
        %dma_start3A_1799 = arith.constant 0 : i32
        %dma_start3A_1800 = arith.constant 0 : i32
        %dma_start3A_1801 = arith.constant 0 : i32
        %dma_start3A_1802 = tpu.memref_slice %arg14[%dma_start3A_1800, %dma_start3A_1801] : memref<200x64xf32, #tpu.memory_space<vmem>> -> memref<104x64xf32, #tpu.memory_space<vmem>>
        %dma_start3A_1803 = arith.constant 0 : i32
        %dma_start3A_1804 = tpu.memref_slice %arg10[%dma_start3A_1799, %dma_start3A_1803] : memref<2x104xi32, #tpu.memory_space<vmem>> -> memref<1x104xi32, #tpu.memory_space<vmem>>
        %dma_start3A_1805 = tpu.memref_squeeze %dma_start3A_1804 : memref<1x104xi32, #tpu.memory_space<vmem>> -> memref<104xi32, #tpu.memory_space<vmem>>
        %dma_start3A_1806 = arith.constant 0 : i32
        %dma_start3A_1807 = arith.constant 0 : i32
        %dma_start3A_1808 = tpu.memref_slice %arg3[%dma_start3A_1806, %dma_start3A_1807] : memref<200000x64xf32, #tpu.memory_space<hbm>> -> memref<200000x64xf32, #tpu.memory_space<hbm>>
        tpu.enqueue_indirect_dma source(%dma_start3A_1808 : memref<200000x64xf32, #tpu.memory_space<hbm>>) target(%dma_start3A_1802 : memref<104x64xf32, #tpu.memory_space<vmem>>) offsets(%dma_start3A_1805 : memref<104xi32, #tpu.memory_space<vmem>>) semaphore(%arg19 : memref<!tpu.dma_semaphore, #tpu.memory_space<semaphore_mem>>)
        %dma_start3A_1809 = arith.constant 1 : i32
        %dma_start3A_1810 = arith.constant 104 : i32
        %dma_start3A_1811 = arith.constant 0 : i32
        %dma_start3A_1812 = tpu.memref_slice %arg14[%dma_start3A_1810, %dma_start3A_1811] : memref<200x64xf32, #tpu.memory_space<vmem>> -> memref<96x64xf32, #tpu.memory_space<vmem>>
        %dma_start3A_1813 = arith.constant 0 : i32
        %dma_start3A_1814 = tpu.memref_slice %arg10[%dma_start3A_1809, %dma_start3A_1813] : memref<2x104xi32, #tpu.memory_space<vmem>> -> memref<1x96xi32, #tpu.memory_space<vmem>>
        %dma_start3A_1815 = tpu.memref_squeeze %dma_start3A_1814 : memref<1x96xi32, #tpu.memory_space<vmem>> -> memref<96xi32, #tpu.memory_space<vmem>>
        %dma_start3A_1816 = arith.constant 0 : i32
        %dma_start3A_1817 = arith.constant 0 : i32
        %dma_start3A_1818 = tpu.memref_slice %arg3[%dma_start3A_1816, %dma_start3A_1817] : memref<200000x64xf32, #tpu.memory_space<hbm>> -> memref<200000x64xf32, #tpu.memory_space<hbm>>
        tpu.enqueue_indirect_dma source(%dma_start3A_1818 : memref<200000x64xf32, #tpu.memory_space<hbm>>) target(%dma_start3A_1812 : memref<96x64xf32, #tpu.memory_space<vmem>>) offsets(%dma_start3A_1815 : memref<96xi32, #tpu.memory_space<vmem>>) semaphore(%arg19 : memref<!tpu.dma_semaphore, #tpu.memory_space<semaphore_mem>>)
      } else {
      }
      %dma_wait3A_1475 = arith.constant 0 : i32
      %dma_wait3A_1476 = arith.constant 0 : i32
      %dma_wait3A_1477 = arith.constant 0 : i32
      %dma_wait3A_1478 = tpu.memref_slice %arg11[%dma_wait3A_1476, %dma_wait3A_1477] : memref<200x64xf32, #tpu.memory_space<vmem>> -> memref<104x64xf32, #tpu.memory_space<vmem>>
      %dma_wait3A_1479 = arith.constant 0 : i32
      %dma_wait3A_1480 = tpu.memref_slice %arg7[%dma_wait3A_1475, %dma_wait3A_1479] : memref<2x104xi32, #tpu.memory_space<vmem>> -> memref<1x104xi32, #tpu.memory_space<vmem>>
      %dma_wait3A_1481 = tpu.memref_squeeze %dma_wait3A_1480 : memref<1x104xi32, #tpu.memory_space<vmem>> -> memref<104xi32, #tpu.memory_space<vmem>>
      %dma_wait3A_1482 = arith.constant 0 : i32
      %dma_wait3A_1483 = arith.constant 0 : i32
      %dma_wait3A_1484 = tpu.memref_slice %arg3[%dma_wait3A_1482, %dma_wait3A_1483] : memref<200000x64xf32, #tpu.memory_space<hbm>> -> memref<200000x64xf32, #tpu.memory_space<hbm>>
      tpu.wait_indirect_dma semaphore(%arg16 : memref<!tpu.dma_semaphore, #tpu.memory_space<semaphore_mem>>) src(%dma_wait3A_1484 : memref<200000x64xf32, #tpu.memory_space<hbm>>) dst(%dma_wait3A_1478 : memref<104x64xf32, #tpu.memory_space<vmem>>)
      %dma_wait3A_1485 = arith.constant 1 : i32
      %dma_wait3A_1486 = arith.constant 104 : i32
      %dma_wait3A_1487 = arith.constant 0 : i32
      %dma_wait3A_1488 = tpu.memref_slice %arg11[%dma_wait3A_1486, %dma_wait3A_1487] : memref<200x64xf32, #tpu.memory_space<vmem>> -> memref<96x64xf32, #tpu.memory_space<vmem>>
      %dma_wait3A_1489 = arith.constant 0 : i32
      %dma_wait3A_1490 = tpu.memref_slice %arg7[%dma_wait3A_1485, %dma_wait3A_1489] : memref<2x104xi32, #tpu.memory_space<vmem>> -> memref<1x96xi32, #tpu.memory_space<vmem>>
      %dma_wait3A_1491 = tpu.memref_squeeze %dma_wait3A_1490 : memref<1x96xi32, #tpu.memory_space<vmem>> -> memref<96xi32, #tpu.memory_space<vmem>>
      %dma_wait3A_1492 = arith.constant 0 : i32
      %dma_wait3A_1493 = arith.constant 0 : i32
      %dma_wait3A_1494 = tpu.memref_slice %arg3[%dma_wait3A_1492, %dma_wait3A_1493] : memref<200000x64xf32, #tpu.memory_space<hbm>> -> memref<200000x64xf32, #tpu.memory_space<hbm>>
      tpu.wait_indirect_dma semaphore(%arg16 : memref<!tpu.dma_semaphore, #tpu.memory_space<semaphore_mem>>) src(%dma_wait3A_1494 : memref<200000x64xf32, #tpu.memory_space<hbm>>) dst(%dma_wait3A_1488 : memref<96x64xf32, #tpu.memory_space<vmem>>)
      %scan3A_1495 = arith.constant 0 : i32
      %scan3A_1496 = arith.constant 0 : i32
      %scan3A_1497 = arith.constant 50 : i32
      %scan3A_1498 = arith.addi %scan3A_1496, %scan3A_1497 : i32
      %scan3A_1499 = arith.constant 1 : i32
      scf.for %scan3A_1637 = %scan3A_1496 to %scan3A_1498 step %scan3A_1499  : i32 {
        %mul3A_1638 = arith.constant 4 : i32
        %mul3A_1639 = arith.muli %mul3A_1638, %scan3A_1637 : i32
        %add3A_1640 = arith.constant 0 : i32
        %add3A_1641 = arith.addi %mul3A_1639, %add3A_1640 : i32
        %get3A = arith.index_cast %add3A_1641 : i32 to index
        %get3A_1642 = arith.constant 0 : index
        %get3A_1643 = tpu.vector_load %arg15[%get3A, %get3A_1642] {strides = array<i32>} : memref<200x64xf32, #tpu.memory_space<vmem>>, vector<16xf32>,
        %swap3A_1644 = arith.index_cast %add3A_1641 : i32 to index
        %swap3A_1645 = arith.constant 0 : index
        %swap3A_1646 = tpu.vector_load %arg11[%swap3A_1644, %swap3A_1645] {strides = array<i32>} : memref<200x64xf32, #tpu.memory_space<vmem>>, vector<16xf32>,
        tpu.vector_store %arg11[%swap3A_1644, %swap3A_1645], %get3A_1643 {add = true, strides = array<i32>} : memref<200x64xf32, #tpu.memory_space<vmem>>, vector<16xf32>,
        %get3A_1647 = arith.index_cast %add3A_1641 : i32 to index
        %get3A_1648 = arith.constant 16 : index
        %get3A_1649 = tpu.vector_load %arg15[%get3A_1647, %get3A_1648] {strides = array<i32>} : memref<200x64xf32, #tpu.memory_space<vmem>>, vector<16xf32>,
        %swap3A_1650 = arith.index_cast %add3A_1641 : i32 to index
        %swap3A_1651 = arith.constant 16 : index
        %swap3A_1652 = tpu.vector_load %arg11[%swap3A_1650, %swap3A_1651] {strides = array<i32>} : memref<200x64xf32, #tpu.memory_space<vmem>>, vector<16xf32>,
        tpu.vector_store %arg11[%swap3A_1650, %swap3A_1651], %get3A_1649 {add = true, strides = array<i32>} : memref<200x64xf32, #tpu.memory_space<vmem>>, vector<16xf32>,
        %get3A_1653 = arith.index_cast %add3A_1641 : i32 to index
        %get3A_1654 = arith.constant 32 : index
        %get3A_1655 = tpu.vector_load %arg15[%get3A_1653, %get3A_1654] {strides = array<i32>} : memref<200x64xf32, #tpu.memory_space<vmem>>, vector<16xf32>,
        %swap3A_1656 = arith.index_cast %add3A_1641 : i32 to index
        %swap3A_1657 = arith.constant 32 : index
        %swap3A_1658 = tpu.vector_load %arg11[%swap3A_1656, %swap3A_1657] {strides = array<i32>} : memref<200x64xf32, #tpu.memory_space<vmem>>, vector<16xf32>,
        tpu.vector_store %arg11[%swap3A_1656, %swap3A_1657], %get3A_1655 {add = true, strides = array<i32>} : memref<200x64xf32, #tpu.memory_space<vmem>>, vector<16xf32>,
        %get3A_1659 = arith.index_cast %add3A_1641 : i32 to index
        %get3A_1660 = arith.constant 48 : index
        %get3A_1661 = tpu.vector_load %arg15[%get3A_1659, %get3A_1660] {strides = array<i32>} : memref<200x64xf32, #tpu.memory_space<vmem>>, vector<16xf32>,
        %swap3A_1662 = arith.index_cast %add3A_1641 : i32 to index
        %swap3A_1663 = arith.constant 48 : index
        %swap3A_1664 = tpu.vector_load %arg11[%swap3A_1662, %swap3A_1663] {strides = array<i32>} : memref<200x64xf32, #tpu.memory_space<vmem>>, vector<16xf32>,
        tpu.vector_store %arg11[%swap3A_1662, %swap3A_1663], %get3A_1661 {add = true, strides = array<i32>} : memref<200x64xf32, #tpu.memory_space<vmem>>, vector<16xf32>,
        %mul3A_1665 = arith.constant 4 : i32
        %mul3A_1666 = arith.muli %mul3A_1665, %scan3A_1637 : i32
        %add3A_1667 = arith.constant 1 : i32
        %add3A_1668 = arith.addi %mul3A_1666, %add3A_1667 : i32
        %get3A_1669 = arith.index_cast %add3A_1668 : i32 to index
        %get3A_1670 = arith.constant 0 : index
        %get3A_1671 = tpu.vector_load %arg15[%get3A_1669, %get3A_1670] {strides = array<i32>} : memref<200x64xf32, #tpu.memory_space<vmem>>, vector<16xf32>,
        %swap3A_1672 = arith.index_cast %add3A_1668 : i32 to index
        %swap3A_1673 = arith.constant 0 : index
        %swap3A_1674 = tpu.vector_load %arg11[%swap3A_1672, %swap3A_1673] {strides = array<i32>} : memref<200x64xf32, #tpu.memory_space<vmem>>, vector<16xf32>,
        tpu.vector_store %arg11[%swap3A_1672, %swap3A_1673], %get3A_1671 {add = true, strides = array<i32>} : memref<200x64xf32, #tpu.memory_space<vmem>>, vector<16xf32>,
        %get3A_1675 = arith.index_cast %add3A_1668 : i32 to index
        %get3A_1676 = arith.constant 16 : index
        %get3A_1677 = tpu.vector_load %arg15[%get3A_1675, %get3A_1676] {strides = array<i32>} : memref<200x64xf32, #tpu.memory_space<vmem>>, vector<16xf32>,
        %swap3A_1678 = arith.index_cast %add3A_1668 : i32 to index
        %swap3A_1679 = arith.constant 16 : index
        %swap3A_1680 = tpu.vector_load %arg11[%swap3A_1678, %swap3A_1679] {strides = array<i32>} : memref<200x64xf32, #tpu.memory_space<vmem>>, vector<16xf32>,
        tpu.vector_store %arg11[%swap3A_1678, %swap3A_1679], %get3A_1677 {add = true, strides = array<i32>} : memref<200x64xf32, #tpu.memory_space<vmem>>, vector<16xf32>,
        %get3A_1681 = arith.index_cast %add3A_1668 : i32 to index
        %get3A_1682 = arith.constant 32 : index
        %get3A_1683 = tpu.vector_load %arg15[%get3A_1681, %get3A_1682] {strides = array<i32>} : memref<200x64xf32, #tpu.memory_space<vmem>>, vector<16xf32>,
        %swap3A_1684 = arith.index_cast %add3A_1668 : i32 to index
        %swap3A_1685 = arith.constant 32 : index
        %swap3A_1686 = tpu.vector_load %arg11[%swap3A_1684, %swap3A_1685] {strides = array<i32>} : memref<200x64xf32, #tpu.memory_space<vmem>>, vector<16xf32>,
        tpu.vector_store %arg11[%swap3A_1684, %swap3A_1685], %get3A_1683 {add = true, strides = array<i32>} : memref<200x64xf32, #tpu.memory_space<vmem>>, vector<16xf32>,
        %get3A_1687 = arith.index_cast %add3A_1668 : i32 to index
        %get3A_1688 = arith.constant 48 : index
        %get3A_1689 = tpu.vector_load %arg15[%get3A_1687, %get3A_1688] {strides = array<i32>} : memref<200x64xf32, #tpu.memory_space<vmem>>, vector<16xf32>,
        %swap3A_1690 = arith.index_cast %add3A_1668 : i32 to index
        %swap3A_1691 = arith.constant 48 : index
        %swap3A_1692 = tpu.vector_load %arg11[%swap3A_1690, %swap3A_1691] {strides = array<i32>} : memref<200x64xf32, #tpu.memory_space<vmem>>, vector<16xf32>,
        tpu.vector_store %arg11[%swap3A_1690, %swap3A_1691], %get3A_1689 {add = true, strides = array<i32>} : memref<200x64xf32, #tpu.memory_space<vmem>>, vector<16xf32>,
        %mul3A_1693 = arith.constant 4 : i32
        %mul3A_1694 = arith.muli %mul3A_1693, %scan3A_1637 : i32
        %add3A_1695 = arith.constant 2 : i32
        %add3A_1696 = arith.addi %mul3A_1694, %add3A_1695 : i32
        %get3A_1697 = arith.index_cast %add3A_1696 : i32 to index
        %get3A_1698 = arith.constant 0 : index
        %get3A_1699 = tpu.vector_load %arg15[%get3A_1697, %get3A_1698] {strides = array<i32>} : memref<200x64xf32, #tpu.memory_space<vmem>>, vector<16xf32>,
        %swap3A_1700 = arith.index_cast %add3A_1696 : i32 to index
        %swap3A_1701 = arith.constant 0 : index
        %swap3A_1702 = tpu.vector_load %arg11[%swap3A_1700, %swap3A_1701] {strides = array<i32>} : memref<200x64xf32, #tpu.memory_space<vmem>>, vector<16xf32>,
        tpu.vector_store %arg11[%swap3A_1700, %swap3A_1701], %get3A_1699 {add = true, strides = array<i32>} : memref<200x64xf32, #tpu.memory_space<vmem>>, vector<16xf32>,
        %get3A_1703 = arith.index_cast %add3A_1696 : i32 to index
        %get3A_1704 = arith.constant 16 : index
        %get3A_1705 = tpu.vector_load %arg15[%get3A_1703, %get3A_1704] {strides = array<i32>} : memref<200x64xf32, #tpu.memory_space<vmem>>, vector<16xf32>,
        %swap3A_1706 = arith.index_cast %add3A_1696 : i32 to index
        %swap3A_1707 = arith.constant 16 : index
        %swap3A_1708 = tpu.vector_load %arg11[%swap3A_1706, %swap3A_1707] {strides = array<i32>} : memref<200x64xf32, #tpu.memory_space<vmem>>, vector<16xf32>,
        tpu.vector_store %arg11[%swap3A_1706, %swap3A_1707], %get3A_1705 {add = true, strides = array<i32>} : memref<200x64xf32, #tpu.memory_space<vmem>>, vector<16xf32>,
        %get3A_1709 = arith.index_cast %add3A_1696 : i32 to index
        %get3A_1710 = arith.constant 32 : index
        %get3A_1711 = tpu.vector_load %arg15[%get3A_1709, %get3A_1710] {strides = array<i32>} : memref<200x64xf32, #tpu.memory_space<vmem>>, vector<16xf32>,
        %swap3A_1712 = arith.index_cast %add3A_1696 : i32 to index
        %swap3A_1713 = arith.constant 32 : index
        %swap3A_1714 = tpu.vector_load %arg11[%swap3A_1712, %swap3A_1713] {strides = array<i32>} : memref<200x64xf32, #tpu.memory_space<vmem>>, vector<16xf32>,
        tpu.vector_store %arg11[%swap3A_1712, %swap3A_1713], %get3A_1711 {add = true, strides = array<i32>} : memref<200x64xf32, #tpu.memory_space<vmem>>, vector<16xf32>,
        %get3A_1715 = arith.index_cast %add3A_1696 : i32 to index
        %get3A_1716 = arith.constant 48 : index
        %get3A_1717 = tpu.vector_load %arg15[%get3A_1715, %get3A_1716] {strides = array<i32>} : memref<200x64xf32, #tpu.memory_space<vmem>>, vector<16xf32>,
        %swap3A_1718 = arith.index_cast %add3A_1696 : i32 to index
        %swap3A_1719 = arith.constant 48 : index
        %swap3A_1720 = tpu.vector_load %arg11[%swap3A_1718, %swap3A_1719] {strides = array<i32>} : memref<200x64xf32, #tpu.memory_space<vmem>>, vector<16xf32>,
        tpu.vector_store %arg11[%swap3A_1718, %swap3A_1719], %get3A_1717 {add = true, strides = array<i32>} : memref<200x64xf32, #tpu.memory_space<vmem>>, vector<16xf32>,
        %mul3A_1721 = arith.constant 4 : i32
        %mul3A_1722 = arith.muli %mul3A_1721, %scan3A_1637 : i32
        %add3A_1723 = arith.constant 3 : i32
        %add3A_1724 = arith.addi %mul3A_1722, %add3A_1723 : i32
        %get3A_1725 = arith.index_cast %add3A_1724 : i32 to index
        %get3A_1726 = arith.constant 0 : index
        %get3A_1727 = tpu.vector_load %arg15[%get3A_1725, %get3A_1726] {strides = array<i32>} : memref<200x64xf32, #tpu.memory_space<vmem>>, vector<16xf32>,
        %swap3A_1728 = arith.index_cast %add3A_1724 : i32 to index
        %swap3A_1729 = arith.constant 0 : index
        %swap3A_1730 = tpu.vector_load %arg11[%swap3A_1728, %swap3A_1729] {strides = array<i32>} : memref<200x64xf32, #tpu.memory_space<vmem>>, vector<16xf32>,
        tpu.vector_store %arg11[%swap3A_1728, %swap3A_1729], %get3A_1727 {add = true, strides = array<i32>} : memref<200x64xf32, #tpu.memory_space<vmem>>, vector<16xf32>,
        %get3A_1731 = arith.index_cast %add3A_1724 : i32 to index
        %get3A_1732 = arith.constant 16 : index
        %get3A_1733 = tpu.vector_load %arg15[%get3A_1731, %get3A_1732] {strides = array<i32>} : memref<200x64xf32, #tpu.memory_space<vmem>>, vector<16xf32>,
        %swap3A_1734 = arith.index_cast %add3A_1724 : i32 to index
        %swap3A_1735 = arith.constant 16 : index
        %swap3A_1736 = tpu.vector_load %arg11[%swap3A_1734, %swap3A_1735] {strides = array<i32>} : memref<200x64xf32, #tpu.memory_space<vmem>>, vector<16xf32>,
        tpu.vector_store %arg11[%swap3A_1734, %swap3A_1735], %get3A_1733 {add = true, strides = array<i32>} : memref<200x64xf32, #tpu.memory_space<vmem>>, vector<16xf32>,
        %get3A_1737 = arith.index_cast %add3A_1724 : i32 to index
        %get3A_1738 = arith.constant 32 : index
        %get3A_1739 = tpu.vector_load %arg15[%get3A_1737, %get3A_1738] {strides = array<i32>} : memref<200x64xf32, #tpu.memory_space<vmem>>, vector<16xf32>,
        %swap3A_1740 = arith.index_cast %add3A_1724 : i32 to index
        %swap3A_1741 = arith.constant 32 : index
        %swap3A_1742 = tpu.vector_load %arg11[%swap3A_1740, %swap3A_1741] {strides = array<i32>} : memref<200x64xf32, #tpu.memory_space<vmem>>, vector<16xf32>,
        tpu.vector_store %arg11[%swap3A_1740, %swap3A_1741], %get3A_1739 {add = true, strides = array<i32>} : memref<200x64xf32, #tpu.memory_space<vmem>>, vector<16xf32>,
        %get3A_1743 = arith.index_cast %add3A_1724 : i32 to index
        %get3A_1744 = arith.constant 48 : index
        %get3A_1745 = tpu.vector_load %arg15[%get3A_1743, %get3A_1744] {strides = array<i32>} : memref<200x64xf32, #tpu.memory_space<vmem>>, vector<16xf32>,
        %swap3A_1746 = arith.index_cast %add3A_1724 : i32 to index
        %swap3A_1747 = arith.constant 48 : index
        %swap3A_1748 = tpu.vector_load %arg11[%swap3A_1746, %swap3A_1747] {strides = array<i32>} : memref<200x64xf32, #tpu.memory_space<vmem>>, vector<16xf32>,
        tpu.vector_store %arg11[%swap3A_1746, %swap3A_1747], %get3A_1745 {add = true, strides = array<i32>} : memref<200x64xf32, #tpu.memory_space<vmem>>, vector<16xf32>,
      }
      %scan3A_1500 = arith.constant 50 : i32
      %add3A_1501 = arith.constant 0 : i32
      %add3A_1502 = arith.addi %mul3A_1472, %add3A_1501 : i32
      %add3A_1503 = arith.addi %mul3A_2, %add3A_1502 : i32
      %dma_start3A_1504 = arith.constant 0 : i32
      %dma_start3A_1505 = arith.constant 0 : i32
      %dma_start3A_1506 = tpu.memref_slice %arg5[%add3A_1503, %dma_start3A_1504, %dma_start3A_1505] : memref<4096x200x128xf32, #tpu.memory_space<hbm>> -> memref<1x200x64xf32, #tpu.memory_space<hbm>>
      %dma_start3A_1507 = tpu.memref_squeeze %dma_start3A_1506 : memref<1x200x64xf32, #tpu.memory_space<hbm>> -> memref<200x64xf32, #tpu.memory_space<hbm>>
      %dma_start3A_1508 = arith.constant 0 : i32
      %dma_start3A_1509 = arith.constant 0 : i32
      %dma_start3A_1510 = tpu.memref_slice %arg5[%add3A_1503, %dma_start3A_1508, %dma_start3A_1509] : memref<4096x200x128xf32, #tpu.memory_space<hbm>> -> memref<1x200x64xf32, #tpu.memory_space<hbm>>
      %dma_start3A_1511 = tpu.memref_squeeze %dma_start3A_1510 : memref<1x200x64xf32, #tpu.memory_space<hbm>> -> memref<200x64xf32, #tpu.memory_space<hbm>>
      tpu.enqueue_dma source(%arg11 : memref<200x64xf32, #tpu.memory_space<vmem>>) target(%dma_start3A_1511 : memref<200x64xf32, #tpu.memory_space<hbm>>) target_semaphore(%arg20 : memref<!tpu.dma_semaphore, #tpu.memory_space<semaphore_mem>>)
      %dma_wait3A_1512 = arith.constant 0 : i32
      %dma_wait3A_1513 = arith.constant 0 : i32
      %dma_wait3A_1514 = arith.constant 0 : i32
      %dma_wait3A_1515 = tpu.memref_slice %arg12[%dma_wait3A_1513, %dma_wait3A_1514] : memref<200x64xf32, #tpu.memory_space<vmem>> -> memref<104x64xf32, #tpu.memory_space<vmem>>
      %dma_wait3A_1516 = arith.constant 0 : i32
      %dma_wait3A_1517 = tpu.memref_slice %arg8[%dma_wait3A_1512, %dma_wait3A_1516] : memref<2x104xi32, #tpu.memory_space<vmem>> -> memref<1x104xi32, #tpu.memory_space<vmem>>
      %dma_wait3A_1518 = tpu.memref_squeeze %dma_wait3A_1517 : memref<1x104xi32, #tpu.memory_space<vmem>> -> memref<104xi32, #tpu.memory_space<vmem>>
      %dma_wait3A_1519 = arith.constant 0 : i32
      %dma_wait3A_1520 = arith.constant 0 : i32
      %dma_wait3A_1521 = tpu.memref_slice %arg3[%dma_wait3A_1519, %dma_wait3A_1520] : memref<200000x64xf32, #tpu.memory_space<hbm>> -> memref<200000x64xf32, #tpu.memory_space<hbm>>
      tpu.wait_indirect_dma semaphore(%arg17 : memref<!tpu.dma_semaphore, #tpu.memory_space<semaphore_mem>>) src(%dma_wait3A_1521 : memref<200000x64xf32, #tpu.memory_space<hbm>>) dst(%dma_wait3A_1515 : memref<104x64xf32, #tpu.memory_space<vmem>>)
      %dma_wait3A_1522 = arith.constant 1 : i32
      %dma_wait3A_1523 = arith.constant 104 : i32
      %dma_wait3A_1524 = arith.constant 0 : i32
      %dma_wait3A_1525 = tpu.memref_slice %arg12[%dma_wait3A_1523, %dma_wait3A_1524] : memref<200x64xf32, #tpu.memory_space<vmem>> -> memref<96x64xf32, #tpu.memory_space<vmem>>
      %dma_wait3A_1526 = arith.constant 0 : i32
      %dma_wait3A_1527 = tpu.memref_slice %arg8[%dma_wait3A_1522, %dma_wait3A_1526] : memref<2x104xi32, #tpu.memory_space<vmem>> -> memref<1x96xi32, #tpu.memory_space<vmem>>
      %dma_wait3A_1528 = tpu.memref_squeeze %dma_wait3A_1527 : memref<1x96xi32, #tpu.memory_space<vmem>> -> memref<96xi32, #tpu.memory_space<vmem>>
      %dma_wait3A_1529 = arith.constant 0 : i32
      %dma_wait3A_1530 = arith.constant 0 : i32
      %dma_wait3A_1531 = tpu.memref_slice %arg3[%dma_wait3A_1529, %dma_wait3A_1530] : memref<200000x64xf32, #tpu.memory_space<hbm>> -> memref<200000x64xf32, #tpu.memory_space<hbm>>
      tpu.wait_indirect_dma semaphore(%arg17 : memref<!tpu.dma_semaphore, #tpu.memory_space<semaphore_mem>>) src(%dma_wait3A_1531 : memref<200000x64xf32, #tpu.memory_space<hbm>>) dst(%dma_wait3A_1525 : memref<96x64xf32, #tpu.memory_space<vmem>>)
      %scan3A_1532 = arith.constant 0 : i32
      %scan3A_1533 = arith.constant 0 : i32
      %scan3A_1534 = arith.constant 50 : i32
      %scan3A_1535 = arith.addi %scan3A_1533, %scan3A_1534 : i32
      %scan3A_1536 = arith.constant 1 : i32
      scf.for %scan3A_1637 = %scan3A_1533 to %scan3A_1535 step %scan3A_1536  : i32 {
        %mul3A_1638 = arith.constant 4 : i32
        %mul3A_1639 = arith.muli %mul3A_1638, %scan3A_1637 : i32
        %add3A_1640 = arith.constant 0 : i32
        %add3A_1641 = arith.addi %mul3A_1639, %add3A_1640 : i32
        %get3A = arith.index_cast %add3A_1641 : i32 to index
        %get3A_1642 = arith.constant 0 : index
        %get3A_1643 = tpu.vector_load %arg15[%get3A, %get3A_1642] {strides = array<i32>} : memref<200x64xf32, #tpu.memory_space<vmem>>, vector<16xf32>,
        %swap3A_1644 = arith.index_cast %add3A_1641 : i32 to index
        %swap3A_1645 = arith.constant 0 : index
        %swap3A_1646 = tpu.vector_load %arg12[%swap3A_1644, %swap3A_1645] {strides = array<i32>} : memref<200x64xf32, #tpu.memory_space<vmem>>, vector<16xf32>,
        tpu.vector_store %arg12[%swap3A_1644, %swap3A_1645], %get3A_1643 {add = true, strides = array<i32>} : memref<200x64xf32, #tpu.memory_space<vmem>>, vector<16xf32>,
        %get3A_1647 = arith.index_cast %add3A_1641 : i32 to index
        %get3A_1648 = arith.constant 16 : index
        %get3A_1649 = tpu.vector_load %arg15[%get3A_1647, %get3A_1648] {strides = array<i32>} : memref<200x64xf32, #tpu.memory_space<vmem>>, vector<16xf32>,
        %swap3A_1650 = arith.index_cast %add3A_1641 : i32 to index
        %swap3A_1651 = arith.constant 16 : index
        %swap3A_1652 = tpu.vector_load %arg12[%swap3A_1650, %swap3A_1651] {strides = array<i32>} : memref<200x64xf32, #tpu.memory_space<vmem>>, vector<16xf32>,
        tpu.vector_store %arg12[%swap3A_1650, %swap3A_1651], %get3A_1649 {add = true, strides = array<i32>} : memref<200x64xf32, #tpu.memory_space<vmem>>, vector<16xf32>,
        %get3A_1653 = arith.index_cast %add3A_1641 : i32 to index
        %get3A_1654 = arith.constant 32 : index
        %get3A_1655 = tpu.vector_load %arg15[%get3A_1653, %get3A_1654] {strides = array<i32>} : memref<200x64xf32, #tpu.memory_space<vmem>>, vector<16xf32>,
        %swap3A_1656 = arith.index_cast %add3A_1641 : i32 to index
        %swap3A_1657 = arith.constant 32 : index
        %swap3A_1658 = tpu.vector_load %arg12[%swap3A_1656, %swap3A_1657] {strides = array<i32>} : memref<200x64xf32, #tpu.memory_space<vmem>>, vector<16xf32>,
        tpu.vector_store %arg12[%swap3A_1656, %swap3A_1657], %get3A_1655 {add = true, strides = array<i32>} : memref<200x64xf32, #tpu.memory_space<vmem>>, vector<16xf32>,
        %get3A_1659 = arith.index_cast %add3A_1641 : i32 to index
        %get3A_1660 = arith.constant 48 : index
        %get3A_1661 = tpu.vector_load %arg15[%get3A_1659, %get3A_1660] {strides = array<i32>} : memref<200x64xf32, #tpu.memory_space<vmem>>, vector<16xf32>,
        %swap3A_1662 = arith.index_cast %add3A_1641 : i32 to index
        %swap3A_1663 = arith.constant 48 : index
        %swap3A_1664 = tpu.vector_load %arg12[%swap3A_1662, %swap3A_1663] {strides = array<i32>} : memref<200x64xf32, #tpu.memory_space<vmem>>, vector<16xf32>,
        tpu.vector_store %arg12[%swap3A_1662, %swap3A_1663], %get3A_1661 {add = true, strides = array<i32>} : memref<200x64xf32, #tpu.memory_space<vmem>>, vector<16xf32>,
        %mul3A_1665 = arith.constant 4 : i32
        %mul3A_1666 = arith.muli %mul3A_1665, %scan3A_1637 : i32
        %add3A_1667 = arith.constant 1 : i32
        %add3A_1668 = arith.addi %mul3A_1666, %add3A_1667 : i32
        %get3A_1669 = arith.index_cast %add3A_1668 : i32 to index
        %get3A_1670 = arith.constant 0 : index
        %get3A_1671 = tpu.vector_load %arg15[%get3A_1669, %get3A_1670] {strides = array<i32>} : memref<200x64xf32, #tpu.memory_space<vmem>>, vector<16xf32>,
        %swap3A_1672 = arith.index_cast %add3A_1668 : i32 to index
        %swap3A_1673 = arith.constant 0 : index
        %swap3A_1674 = tpu.vector_load %arg12[%swap3A_1672, %swap3A_1673] {strides = array<i32>} : memref<200x64xf32, #tpu.memory_space<vmem>>, vector<16xf32>,
        tpu.vector_store %arg12[%swap3A_1672, %swap3A_1673], %get3A_1671 {add = true, strides = array<i32>} : memref<200x64xf32, #tpu.memory_space<vmem>>, vector<16xf32>,
        %get3A_1675 = arith.index_cast %add3A_1668 : i32 to index
        %get3A_1676 = arith.constant 16 : index
        %get3A_1677 = tpu.vector_load %arg15[%get3A_1675, %get3A_1676] {strides = array<i32>} : memref<200x64xf32, #tpu.memory_space<vmem>>, vector<16xf32>,
        %swap3A_1678 = arith.index_cast %add3A_1668 : i32 to index
        %swap3A_1679 = arith.constant 16 : index
        %swap3A_1680 = tpu.vector_load %arg12[%swap3A_1678, %swap3A_1679] {strides = array<i32>} : memref<200x64xf32, #tpu.memory_space<vmem>>, vector<16xf32>,
        tpu.vector_store %arg12[%swap3A_1678, %swap3A_1679], %get3A_1677 {add = true, strides = array<i32>} : memref<200x64xf32, #tpu.memory_space<vmem>>, vector<16xf32>,
        %get3A_1681 = arith.index_cast %add3A_1668 : i32 to index
        %get3A_1682 = arith.constant 32 : index
        %get3A_1683 = tpu.vector_load %arg15[%get3A_1681, %get3A_1682] {strides = array<i32>} : memref<200x64xf32, #tpu.memory_space<vmem>>, vector<16xf32>,
        %swap3A_1684 = arith.index_cast %add3A_1668 : i32 to index
        %swap3A_1685 = arith.constant 32 : index
        %swap3A_1686 = tpu.vector_load %arg12[%swap3A_1684, %swap3A_1685] {strides = array<i32>} : memref<200x64xf32, #tpu.memory_space<vmem>>, vector<16xf32>,
        tpu.vector_store %arg12[%swap3A_1684, %swap3A_1685], %get3A_1683 {add = true, strides = array<i32>} : memref<200x64xf32, #tpu.memory_space<vmem>>, vector<16xf32>,
        %get3A_1687 = arith.index_cast %add3A_1668 : i32 to index
        %get3A_1688 = arith.constant 48 : index
        %get3A_1689 = tpu.vector_load %arg15[%get3A_1687, %get3A_1688] {strides = array<i32>} : memref<200x64xf32, #tpu.memory_space<vmem>>, vector<16xf32>,
        %swap3A_1690 = arith.index_cast %add3A_1668 : i32 to index
        %swap3A_1691 = arith.constant 48 : index
        %swap3A_1692 = tpu.vector_load %arg12[%swap3A_1690, %swap3A_1691] {strides = array<i32>} : memref<200x64xf32, #tpu.memory_space<vmem>>, vector<16xf32>,
        tpu.vector_store %arg12[%swap3A_1690, %swap3A_1691], %get3A_1689 {add = true, strides = array<i32>} : memref<200x64xf32, #tpu.memory_space<vmem>>, vector<16xf32>,
        %mul3A_1693 = arith.constant 4 : i32
        %mul3A_1694 = arith.muli %mul3A_1693, %scan3A_1637 : i32
        %add3A_1695 = arith.constant 2 : i32
        %add3A_1696 = arith.addi %mul3A_1694, %add3A_1695 : i32
        %get3A_1697 = arith.index_cast %add3A_1696 : i32 to index
        %get3A_1698 = arith.constant 0 : index
        %get3A_1699 = tpu.vector_load %arg15[%get3A_1697, %get3A_1698] {strides = array<i32>} : memref<200x64xf32, #tpu.memory_space<vmem>>, vector<16xf32>,
        %swap3A_1700 = arith.index_cast %add3A_1696 : i32 to index
        %swap3A_1701 = arith.constant 0 : index
        %swap3A_1702 = tpu.vector_load %arg12[%swap3A_1700, %swap3A_1701] {strides = array<i32>} : memref<200x64xf32, #tpu.memory_space<vmem>>, vector<16xf32>,
        tpu.vector_store %arg12[%swap3A_1700, %swap3A_1701], %get3A_1699 {add = true, strides = array<i32>} : memref<200x64xf32, #tpu.memory_space<vmem>>, vector<16xf32>,
        %get3A_1703 = arith.index_cast %add3A_1696 : i32 to index
        %get3A_1704 = arith.constant 16 : index
        %get3A_1705 = tpu.vector_load %arg15[%get3A_1703, %get3A_1704] {strides = array<i32>} : memref<200x64xf32, #tpu.memory_space<vmem>>, vector<16xf32>,
        %swap3A_1706 = arith.index_cast %add3A_1696 : i32 to index
        %swap3A_1707 = arith.constant 16 : index
        %swap3A_1708 = tpu.vector_load %arg12[%swap3A_1706, %swap3A_1707] {strides = array<i32>} : memref<200x64xf32, #tpu.memory_space<vmem>>, vector<16xf32>,
        tpu.vector_store %arg12[%swap3A_1706, %swap3A_1707], %get3A_1705 {add = true, strides = array<i32>} : memref<200x64xf32, #tpu.memory_space<vmem>>, vector<16xf32>,
        %get3A_1709 = arith.index_cast %add3A_1696 : i32 to index
        %get3A_1710 = arith.constant 32 : index
        %get3A_1711 = tpu.vector_load %arg15[%get3A_1709, %get3A_1710] {strides = array<i32>} : memref<200x64xf32, #tpu.memory_space<vmem>>, vector<16xf32>,
        %swap3A_1712 = arith.index_cast %add3A_1696 : i32 to index
        %swap3A_1713 = arith.constant 32 : index
        %swap3A_1714 = tpu.vector_load %arg12[%swap3A_1712, %swap3A_1713] {strides = array<i32>} : memref<200x64xf32, #tpu.memory_space<vmem>>, vector<16xf32>,
        tpu.vector_store %arg12[%swap3A_1712, %swap3A_1713], %get3A_1711 {add = true, strides = array<i32>} : memref<200x64xf32, #tpu.memory_space<vmem>>, vector<16xf32>,
        %get3A_1715 = arith.index_cast %add3A_1696 : i32 to index
        %get3A_1716 = arith.constant 48 : index
        %get3A_1717 = tpu.vector_load %arg15[%get3A_1715, %get3A_1716] {strides = array<i32>} : memref<200x64xf32, #tpu.memory_space<vmem>>, vector<16xf32>,
        %swap3A_1718 = arith.index_cast %add3A_1696 : i32 to index
        %swap3A_1719 = arith.constant 48 : index
        %swap3A_1720 = tpu.vector_load %arg12[%swap3A_1718, %swap3A_1719] {strides = array<i32>} : memref<200x64xf32, #tpu.memory_space<vmem>>, vector<16xf32>,
        tpu.vector_store %arg12[%swap3A_1718, %swap3A_1719], %get3A_1717 {add = true, strides = array<i32>} : memref<200x64xf32, #tpu.memory_space<vmem>>, vector<16xf32>,
        %mul3A_1721 = arith.constant 4 : i32
        %mul3A_1722 = arith.muli %mul3A_1721, %scan3A_1637 : i32
        %add3A_1723 = arith.constant 3 : i32
        %add3A_1724 = arith.addi %mul3A_1722, %add3A_1723 : i32
        %get3A_1725 = arith.index_cast %add3A_1724 : i32 to index
        %get3A_1726 = arith.constant 0 : index
        %get3A_1727 = tpu.vector_load %arg15[%get3A_1725, %get3A_1726] {strides = array<i32>} : memref<200x64xf32, #tpu.memory_space<vmem>>, vector<16xf32>,
        %swap3A_1728 = arith.index_cast %add3A_1724 : i32 to index
        %swap3A_1729 = arith.constant 0 : index
        %swap3A_1730 = tpu.vector_load %arg12[%swap3A_1728, %swap3A_1729] {strides = array<i32>} : memref<200x64xf32, #tpu.memory_space<vmem>>, vector<16xf32>,
        tpu.vector_store %arg12[%swap3A_1728, %swap3A_1729], %get3A_1727 {add = true, strides = array<i32>} : memref<200x64xf32, #tpu.memory_space<vmem>>, vector<16xf32>,
        %get3A_1731 = arith.index_cast %add3A_1724 : i32 to index
        %get3A_1732 = arith.constant 16 : index
        %get3A_1733 = tpu.vector_load %arg15[%get3A_1731, %get3A_1732] {strides = array<i32>} : memref<200x64xf32, #tpu.memory_space<vmem>>, vector<16xf32>,
        %swap3A_1734 = arith.index_cast %add3A_1724 : i32 to index
        %swap3A_1735 = arith.constant 16 : index
        %swap3A_1736 = tpu.vector_load %arg12[%swap3A_1734, %swap3A_1735] {strides = array<i32>} : memref<200x64xf32, #tpu.memory_space<vmem>>, vector<16xf32>,
        tpu.vector_store %arg12[%swap3A_1734, %swap3A_1735], %get3A_1733 {add = true, strides = array<i32>} : memref<200x64xf32, #tpu.memory_space<vmem>>, vector<16xf32>,
        %get3A_1737 = arith.index_cast %add3A_1724 : i32 to index
        %get3A_1738 = arith.constant 32 : index
        %get3A_1739 = tpu.vector_load %arg15[%get3A_1737, %get3A_1738] {strides = array<i32>} : memref<200x64xf32, #tpu.memory_space<vmem>>, vector<16xf32>,
        %swap3A_1740 = arith.index_cast %add3A_1724 : i32 to index
        %swap3A_1741 = arith.constant 32 : index
        %swap3A_1742 = tpu.vector_load %arg12[%swap3A_1740, %swap3A_1741] {strides = array<i32>} : memref<200x64xf32, #tpu.memory_space<vmem>>, vector<16xf32>,
        tpu.vector_store %arg12[%swap3A_1740, %swap3A_1741], %get3A_1739 {add = true, strides = array<i32>} : memref<200x64xf32, #tpu.memory_space<vmem>>, vector<16xf32>,
        %get3A_1743 = arith.index_cast %add3A_1724 : i32 to index
        %get3A_1744 = arith.constant 48 : index
        %get3A_1745 = tpu.vector_load %arg15[%get3A_1743, %get3A_1744] {strides = array<i32>} : memref<200x64xf32, #tpu.memory_space<vmem>>, vector<16xf32>,
        %swap3A_1746 = arith.index_cast %add3A_1724 : i32 to index
        %swap3A_1747 = arith.constant 48 : index
        %swap3A_1748 = tpu.vector_load %arg12[%swap3A_1746, %swap3A_1747] {strides = array<i32>} : memref<200x64xf32, #tpu.memory_space<vmem>>, vector<16xf32>,
        tpu.vector_store %arg12[%swap3A_1746, %swap3A_1747], %get3A_1745 {add = true, strides = array<i32>} : memref<200x64xf32, #tpu.memory_space<vmem>>, vector<16xf32>,
      }
      %scan3A_1537 = arith.constant 50 : i32
      %add3A_1538 = arith.constant 1 : i32
      %add3A_1539 = arith.addi %mul3A_1472, %add3A_1538 : i32
      %add3A_1540 = arith.addi %mul3A_2, %add3A_1539 : i32
      %dma_start3A_1541 = arith.constant 0 : i32
      %dma_start3A_1542 = arith.constant 0 : i32
      %dma_start3A_1543 = tpu.memref_slice %arg5[%add3A_1540, %dma_start3A_1541, %dma_start3A_1542] : memref<4096x200x128xf32, #tpu.memory_space<hbm>> -> memref<1x200x64xf32, #tpu.memory_space<hbm>>
      %dma_start3A_1544 = tpu.memref_squeeze %dma_start3A_1543 : memref<1x200x64xf32, #tpu.memory_space<hbm>> -> memref<200x64xf32, #tpu.memory_space<hbm>>
      %dma_start3A_1545 = arith.constant 0 : i32
      %dma_start3A_1546 = arith.constant 0 : i32
      %dma_start3A_1547 = tpu.memref_slice %arg5[%add3A_1540, %dma_start3A_1545, %dma_start3A_1546] : memref<4096x200x128xf32, #tpu.memory_space<hbm>> -> memref<1x200x64xf32, #tpu.memory_space<hbm>>
      %dma_start3A_1548 = tpu.memref_squeeze %dma_start3A_1547 : memref<1x200x64xf32, #tpu.memory_space<hbm>> -> memref<200x64xf32, #tpu.memory_space<hbm>>
      tpu.enqueue_dma source(%arg12 : memref<200x64xf32, #tpu.memory_space<vmem>>) target(%dma_start3A_1548 : memref<200x64xf32, #tpu.memory_space<hbm>>) target_semaphore(%arg21 : memref<!tpu.dma_semaphore, #tpu.memory_space<semaphore_mem>>)
      %le3A = arith.constant 30 : i32
      %le3A_1549 = arith.cmpi sle, %scan3A_1470, %le3A : i32
      %convert_element_type3A_1550 = arith.extui %le3A_1549 : i1 to i32
      %cond3A_1551 = arith.constant 0 : i32
      %cond3A_1552 = arith.cmpi ne, %convert_element_type3A_1550, %cond3A_1551 : i32
      scf.if %cond3A_1552 {
        %add3A_1637 = arith.constant 1 : i32
        %add3A_1638 = arith.addi %mul3A_1472, %add3A_1637 : i32
        %sub3A = arith.constant 1 : i32
        %sub3A_1639 = arith.subi %add3A_1638, %sub3A : i32
        %add3A_1640 = arith.constant 1 : i32
        %add3A_1641 = arith.addi %mul3A_1472, %add3A_1640 : i32
        %sub3A_1642 = arith.constant 1 : i32
        %sub3A_1643 = arith.subi %add3A_1641, %sub3A_1642 : i32
        %add3A_1644 = arith.constant 4 : i32
        %add3A_1645 = arith.addi %sub3A_1643, %add3A_1644 : i32
        %add3A_1646 = arith.addi %mul3A_2, %sub3A_1639 : i32
        %dma_wait3A_1647 = arith.constant 0 : i32
        %dma_wait3A_1648 = arith.constant 0 : i32
        %dma_wait3A_1649 = tpu.memref_slice %arg5[%add3A_1646, %dma_wait3A_1647, %dma_wait3A_1648] : memref<4096x200x128xf32, #tpu.memory_space<hbm>> -> memref<1x200x64xf32, #tpu.memory_space<hbm>>
        %dma_wait3A_1650 = tpu.memref_squeeze %dma_wait3A_1649 : memref<1x200x64xf32, #tpu.memory_space<hbm>> -> memref<200x64xf32, #tpu.memory_space<hbm>>
        %dma_wait3A_1651 = arith.constant 0 : i32
        %dma_wait3A_1652 = arith.constant 0 : i32
        %dma_wait3A_1653 = tpu.memref_slice %arg5[%add3A_1646, %dma_wait3A_1651, %dma_wait3A_1652] : memref<4096x200x128xf32, #tpu.memory_space<hbm>> -> memref<1x200x64xf32, #tpu.memory_space<hbm>>
        %dma_wait3A_1654 = tpu.memref_squeeze %dma_wait3A_1653 : memref<1x200x64xf32, #tpu.memory_space<hbm>> -> memref<200x64xf32, #tpu.memory_space<hbm>>
        tpu.wait_dma2 semaphore(%arg20 : memref<!tpu.dma_semaphore, #tpu.memory_space<semaphore_mem>>) src(%arg11 : memref<200x64xf32, #tpu.memory_space<vmem>>) dst(%dma_wait3A_1654 : memref<200x64xf32, #tpu.memory_space<hbm>>)
        %mul3A_1655 = arith.constant 0 : i32
        %mul3A_1656 = vector.broadcast %mul3A_1655 : i32 to vector<16xi32>
        %mul3A_1657 = arith.muli %iota3A, %mul3A_1656 : vector<16xi32>
        %add3A_1658 = vector.broadcast %add3A_1645 : i32 to vector<16xi32>
        %add3A_1659 = arith.addi %mul3A_1657, %add3A_1658 : vector<16xi32>
        %add3A_1660 = arith.constant 0 : i32
        %add3A_1661 = vector.broadcast %add3A_1660 : i32 to vector<16xi32>
        %add3A_1662 = arith.addi %iota3A, %add3A_1661 : vector<16xi32>
        %gather3A_1663 = tpu.vector_load_idx %arg6[%add3A_1662, %add3A_1659] : memref<200x128xi32, #tpu.memory_space<vmem>>[vector<16xi32>, vector<16xi32>], vector<16xi32>,
        %mul3A_1664 = arith.constant 2 : i32
        %mul3A_1665 = vector.broadcast %mul3A_1664 : i32 to vector<16xi32>
        %mul3A_1666 = arith.muli %gather3A_1663, %mul3A_1665 : vector<16xi32>
        %swap3A_1667 = arith.constant 0 : i32
        %swap3A_1668 = arith.index_cast %swap3A_1667 : i32 to index
        %swap3A_1669 = arith.constant 0 : index
        %swap3A_1670 = tpu.vector_load %arg7[%swap3A_1668, %swap3A_1669] {strides = array<i32>} : memref<2x104xi32, #tpu.memory_space<vmem>>, vector<16xi32>,
        tpu.vector_store %arg7[%swap3A_1668, %swap3A_1669], %mul3A_1666 {strides = array<i32>} : memref<2x104xi32, #tpu.memory_space<vmem>>, vector<16xi32>,
        %add3A_1671 = arith.constant 16 : i32
        %add3A_1672 = vector.broadcast %add3A_1671 : i32 to vector<16xi32>
        %add3A_1673 = arith.addi %iota3A, %add3A_1672 : vector<16xi32>
        %gather3A_1674 = tpu.vector_load_idx %arg6[%add3A_1673, %add3A_1659] : memref<200x128xi32, #tpu.memory_space<vmem>>[vector<16xi32>, vector<16xi32>], vector<16xi32>,
        %mul3A_1675 = arith.constant 2 : i32
        %mul3A_1676 = vector.broadcast %mul3A_1675 : i32 to vector<16xi32>
        %mul3A_1677 = arith.muli %gather3A_1674, %mul3A_1676 : vector<16xi32>
        %swap3A_1678 = arith.constant 0 : i32
        %swap3A_1679 = arith.index_cast %swap3A_1678 : i32 to index
        %swap3A_1680 = arith.constant 16 : index
        %swap3A_1681 = tpu.vector_load %arg7[%swap3A_1679, %swap3A_1680] {strides = array<i32>} : memref<2x104xi32, #tpu.memory_space<vmem>>, vector<16xi32>,
        tpu.vector_store %arg7[%swap3A_1679, %swap3A_1680], %mul3A_1677 {strides = array<i32>} : memref<2x104xi32, #tpu.memory_space<vmem>>, vector<16xi32>,
        %add3A_1682 = arith.constant 32 : i32
        %add3A_1683 = vector.broadcast %add3A_1682 : i32 to vector<16xi32>
        %add3A_1684 = arith.addi %iota3A, %add3A_1683 : vector<16xi32>
        %gather3A_1685 = tpu.vector_load_idx %arg6[%add3A_1684, %add3A_1659] : memref<200x128xi32, #tpu.memory_space<vmem>>[vector<16xi32>, vector<16xi32>], vector<16xi32>,
        %mul3A_1686 = arith.constant 2 : i32
        %mul3A_1687 = vector.broadcast %mul3A_1686 : i32 to vector<16xi32>
        %mul3A_1688 = arith.muli %gather3A_1685, %mul3A_1687 : vector<16xi32>
        %swap3A_1689 = arith.constant 0 : i32
        %swap3A_1690 = arith.index_cast %swap3A_1689 : i32 to index
        %swap3A_1691 = arith.constant 32 : index
        %swap3A_1692 = tpu.vector_load %arg7[%swap3A_1690, %swap3A_1691] {strides = array<i32>} : memref<2x104xi32, #tpu.memory_space<vmem>>, vector<16xi32>,
        tpu.vector_store %arg7[%swap3A_1690, %swap3A_1691], %mul3A_1688 {strides = array<i32>} : memref<2x104xi32, #tpu.memory_space<vmem>>, vector<16xi32>,
        %add3A_1693 = arith.constant 48 : i32
        %add3A_1694 = vector.broadcast %add3A_1693 : i32 to vector<16xi32>
        %add3A_1695 = arith.addi %iota3A, %add3A_1694 : vector<16xi32>
        %gather3A_1696 = tpu.vector_load_idx %arg6[%add3A_1695, %add3A_1659] : memref<200x128xi32, #tpu.memory_space<vmem>>[vector<16xi32>, vector<16xi32>], vector<16xi32>,
        %mul3A_1697 = arith.constant 2 : i32
        %mul3A_1698 = vector.broadcast %mul3A_1697 : i32 to vector<16xi32>
        %mul3A_1699 = arith.muli %gather3A_1696, %mul3A_1698 : vector<16xi32>
        %swap3A_1700 = arith.constant 0 : i32
        %swap3A_1701 = arith.index_cast %swap3A_1700 : i32 to index
        %swap3A_1702 = arith.constant 48 : index
        %swap3A_1703 = tpu.vector_load %arg7[%swap3A_1701, %swap3A_1702] {strides = array<i32>} : memref<2x104xi32, #tpu.memory_space<vmem>>, vector<16xi32>,
        tpu.vector_store %arg7[%swap3A_1701, %swap3A_1702], %mul3A_1699 {strides = array<i32>} : memref<2x104xi32, #tpu.memory_space<vmem>>, vector<16xi32>,
        %add3A_1704 = arith.constant 64 : i32
        %add3A_1705 = vector.broadcast %add3A_1704 : i32 to vector<16xi32>
        %add3A_1706 = arith.addi %iota3A, %add3A_1705 : vector<16xi32>
        %gather3A_1707 = tpu.vector_load_idx %arg6[%add3A_1706, %add3A_1659] : memref<200x128xi32, #tpu.memory_space<vmem>>[vector<16xi32>, vector<16xi32>], vector<16xi32>,
        %mul3A_1708 = arith.constant 2 : i32
        %mul3A_1709 = vector.broadcast %mul3A_1708 : i32 to vector<16xi32>
        %mul3A_1710 = arith.muli %gather3A_1707, %mul3A_1709 : vector<16xi32>
        %swap3A_1711 = arith.constant 0 : i32
        %swap3A_1712 = arith.index_cast %swap3A_1711 : i32 to index
        %swap3A_1713 = arith.constant 64 : index
        %swap3A_1714 = tpu.vector_load %arg7[%swap3A_1712, %swap3A_1713] {strides = array<i32>} : memref<2x104xi32, #tpu.memory_space<vmem>>, vector<16xi32>,
        tpu.vector_store %arg7[%swap3A_1712, %swap3A_1713], %mul3A_1710 {strides = array<i32>} : memref<2x104xi32, #tpu.memory_space<vmem>>, vector<16xi32>,
        %add3A_1715 = arith.constant 80 : i32
        %add3A_1716 = vector.broadcast %add3A_1715 : i32 to vector<16xi32>
        %add3A_1717 = arith.addi %iota3A, %add3A_1716 : vector<16xi32>
        %gather3A_1718 = tpu.vector_load_idx %arg6[%add3A_1717, %add3A_1659] : memref<200x128xi32, #tpu.memory_space<vmem>>[vector<16xi32>, vector<16xi32>], vector<16xi32>,
        %mul3A_1719 = arith.constant 2 : i32
        %mul3A_1720 = vector.broadcast %mul3A_1719 : i32 to vector<16xi32>
        %mul3A_1721 = arith.muli %gather3A_1718, %mul3A_1720 : vector<16xi32>
        %swap3A_1722 = arith.constant 0 : i32
        %swap3A_1723 = arith.index_cast %swap3A_1722 : i32 to index
        %swap3A_1724 = arith.constant 80 : index
        %swap3A_1725 = tpu.vector_load %arg7[%swap3A_1723, %swap3A_1724] {strides = array<i32>} : memref<2x104xi32, #tpu.memory_space<vmem>>, vector<16xi32>,
        tpu.vector_store %arg7[%swap3A_1723, %swap3A_1724], %mul3A_1721 {strides = array<i32>} : memref<2x104xi32, #tpu.memory_space<vmem>>, vector<16xi32>,
        %add3A_1726 = arith.constant 88 : i32
        %add3A_1727 = vector.broadcast %add3A_1726 : i32 to vector<16xi32>
        %add3A_1728 = arith.addi %iota3A, %add3A_1727 : vector<16xi32>
        %gather3A_1729 = tpu.vector_load_idx %arg6[%add3A_1728, %add3A_1659] : memref<200x128xi32, #tpu.memory_space<vmem>>[vector<16xi32>, vector<16xi32>], vector<16xi32>,
        %mul3A_1730 = arith.constant 2 : i32
        %mul3A_1731 = vector.broadcast %mul3A_1730 : i32 to vector<16xi32>
        %mul3A_1732 = arith.muli %gather3A_1729, %mul3A_1731 : vector<16xi32>
        %swap3A_1733 = arith.constant 0 : i32
        %swap3A_1734 = arith.index_cast %swap3A_1733 : i32 to index
        %swap3A_1735 = arith.constant 88 : index
        %swap3A_1736 = tpu.vector_load %arg7[%swap3A_1734, %swap3A_1735] {strides = array<i32>} : memref<2x104xi32, #tpu.memory_space<vmem>>, vector<16xi32>,
        tpu.vector_store %arg7[%swap3A_1734, %swap3A_1735], %mul3A_1732 {strides = array<i32>} : memref<2x104xi32, #tpu.memory_space<vmem>>, vector<16xi32>,
        %add3A_1737 = arith.constant 104 : i32
        %add3A_1738 = vector.broadcast %add3A_1737 : i32 to vector<16xi32>
        %add3A_1739 = arith.addi %iota3A, %add3A_1738 : vector<16xi32>
        %gather3A_1740 = tpu.vector_load_idx %arg6[%add3A_1739, %add3A_1659] : memref<200x128xi32, #tpu.memory_space<vmem>>[vector<16xi32>, vector<16xi32>], vector<16xi32>,
        %mul3A_1741 = arith.constant 2 : i32
        %mul3A_1742 = vector.broadcast %mul3A_1741 : i32 to vector<16xi32>
        %mul3A_1743 = arith.muli %gather3A_1740, %mul3A_1742 : vector<16xi32>
        %swap3A_1744 = arith.constant 1 : i32
        %swap3A_1745 = arith.index_cast %swap3A_1744 : i32 to index
        %swap3A_1746 = arith.constant 0 : index
        %swap3A_1747 = tpu.vector_load %arg7[%swap3A_1745, %swap3A_1746] {strides = array<i32>} : memref<2x104xi32, #tpu.memory_space<vmem>>, vector<16xi32>,
        tpu.vector_store %arg7[%swap3A_1745, %swap3A_1746], %mul3A_1743 {strides = array<i32>} : memref<2x104xi32, #tpu.memory_space<vmem>>, vector<16xi32>,
        %add3A_1748 = arith.constant 120 : i32
        %add3A_1749 = vector.broadcast %add3A_1748 : i32 to vector<16xi32>
        %add3A_1750 = arith.addi %iota3A, %add3A_1749 : vector<16xi32>
        %gather3A_1751 = tpu.vector_load_idx %arg6[%add3A_1750, %add3A_1659] : memref<200x128xi32, #tpu.memory_space<vmem>>[vector<16xi32>, vector<16xi32>], vector<16xi32>,
        %mul3A_1752 = arith.constant 2 : i32
        %mul3A_1753 = vector.broadcast %mul3A_1752 : i32 to vector<16xi32>
        %mul3A_1754 = arith.muli %gather3A_1751, %mul3A_1753 : vector<16xi32>
        %swap3A_1755 = arith.constant 1 : i32
        %swap3A_1756 = arith.index_cast %swap3A_1755 : i32 to index
        %swap3A_1757 = arith.constant 16 : index
        %swap3A_1758 = tpu.vector_load %arg7[%swap3A_1756, %swap3A_1757] {strides = array<i32>} : memref<2x104xi32, #tpu.memory_space<vmem>>, vector<16xi32>,
        tpu.vector_store %arg7[%swap3A_1756, %swap3A_1757], %mul3A_1754 {strides = array<i32>} : memref<2x104xi32, #tpu.memory_space<vmem>>, vector<16xi32>,
        %add3A_1759 = arith.constant 136 : i32
        %add3A_1760 = vector.broadcast %add3A_1759 : i32 to vector<16xi32>
        %add3A_1761 = arith.addi %iota3A, %add3A_1760 : vector<16xi32>
        %gather3A_1762 = tpu.vector_load_idx %arg6[%add3A_1761, %add3A_1659] : memref<200x128xi32, #tpu.memory_space<vmem>>[vector<16xi32>, vector<16xi32>], vector<16xi32>,
        %mul3A_1763 = arith.constant 2 : i32
        %mul3A_1764 = vector.broadcast %mul3A_1763 : i32 to vector<16xi32>
        %mul3A_1765 = arith.muli %gather3A_1762, %mul3A_1764 : vector<16xi32>
        %swap3A_1766 = arith.constant 1 : i32
        %swap3A_1767 = arith.index_cast %swap3A_1766 : i32 to index
        %swap3A_1768 = arith.constant 32 : index
        %swap3A_1769 = tpu.vector_load %arg7[%swap3A_1767, %swap3A_1768] {strides = array<i32>} : memref<2x104xi32, #tpu.memory_space<vmem>>, vector<16xi32>,
        tpu.vector_store %arg7[%swap3A_1767, %swap3A_1768], %mul3A_1765 {strides = array<i32>} : memref<2x104xi32, #tpu.memory_space<vmem>>, vector<16xi32>,
        %add3A_1770 = arith.constant 152 : i32
        %add3A_1771 = vector.broadcast %add3A_1770 : i32 to vector<16xi32>
        %add3A_1772 = arith.addi %iota3A, %add3A_1771 : vector<16xi32>
        %gather3A_1773 = tpu.vector_load_idx %arg6[%add3A_1772, %add3A_1659] : memref<200x128xi32, #tpu.memory_space<vmem>>[vector<16xi32>, vector<16xi32>], vector<16xi32>,
        %mul3A_1774 = arith.constant 2 : i32
        %mul3A_1775 = vector.broadcast %mul3A_1774 : i32 to vector<16xi32>
        %mul3A_1776 = arith.muli %gather3A_1773, %mul3A_1775 : vector<16xi32>
        %swap3A_1777 = arith.constant 1 : i32
        %swap3A_1778 = arith.index_cast %swap3A_1777 : i32 to index
        %swap3A_1779 = arith.constant 48 : index
        %swap3A_1780 = tpu.vector_load %arg7[%swap3A_1778, %swap3A_1779] {strides = array<i32>} : memref<2x104xi32, #tpu.memory_space<vmem>>, vector<16xi32>,
        tpu.vector_store %arg7[%swap3A_1778, %swap3A_1779], %mul3A_1776 {strides = array<i32>} : memref<2x104xi32, #tpu.memory_space<vmem>>, vector<16xi32>,
        %add3A_1781 = arith.constant 168 : i32
        %add3A_1782 = vector.broadcast %add3A_1781 : i32 to vector<16xi32>
        %add3A_1783 = arith.addi %iota3A, %add3A_1782 : vector<16xi32>
        %gather3A_1784 = tpu.vector_load_idx %arg6[%add3A_1783, %add3A_1659] : memref<200x128xi32, #tpu.memory_space<vmem>>[vector<16xi32>, vector<16xi32>], vector<16xi32>,
        %mul3A_1785 = arith.constant 2 : i32
        %mul3A_1786 = vector.broadcast %mul3A_1785 : i32 to vector<16xi32>
        %mul3A_1787 = arith.muli %gather3A_1784, %mul3A_1786 : vector<16xi32>
        %swap3A_1788 = arith.constant 1 : i32
        %swap3A_1789 = arith.index_cast %swap3A_1788 : i32 to index
        %swap3A_1790 = arith.constant 64 : index
        %swap3A_1791 = tpu.vector_load %arg7[%swap3A_1789, %swap3A_1790] {strides = array<i32>} : memref<2x104xi32, #tpu.memory_space<vmem>>, vector<16xi32>,
        tpu.vector_store %arg7[%swap3A_1789, %swap3A_1790], %mul3A_1787 {strides = array<i32>} : memref<2x104xi32, #tpu.memory_space<vmem>>, vector<16xi32>,
        %add3A_1792 = arith.constant 184 : i32
        %add3A_1793 = vector.broadcast %add3A_1792 : i32 to vector<16xi32>
        %add3A_1794 = arith.addi %iota3A, %add3A_1793 : vector<16xi32>
        %gather3A_1795 = tpu.vector_load_idx %arg6[%add3A_1794, %add3A_1659] : memref<200x128xi32, #tpu.memory_space<vmem>>[vector<16xi32>, vector<16xi32>], vector<16xi32>,
        %mul3A_1796 = arith.constant 2 : i32
        %mul3A_1797 = vector.broadcast %mul3A_1796 : i32 to vector<16xi32>
        %mul3A_1798 = arith.muli %gather3A_1795, %mul3A_1797 : vector<16xi32>
        %swap3A_1799 = arith.constant 1 : i32
        %swap3A_1800 = arith.index_cast %swap3A_1799 : i32 to index
        %swap3A_1801 = arith.constant 80 : index
        %swap3A_1802 = tpu.vector_load %arg7[%swap3A_1800, %swap3A_1801] {strides = array<i32>} : memref<2x104xi32, #tpu.memory_space<vmem>>, vector<16xi32>,
        tpu.vector_store %arg7[%swap3A_1800, %swap3A_1801], %mul3A_1798 {strides = array<i32>} : memref<2x104xi32, #tpu.memory_space<vmem>>, vector<16xi32>,
        %dma_start3A_1803 = arith.constant 0 : i32
        %dma_start3A_1804 = arith.constant 0 : i32
        %dma_start3A_1805 = arith.constant 0 : i32
        %dma_start3A_1806 = tpu.memref_slice %arg11[%dma_start3A_1804, %dma_start3A_1805] : memref<200x64xf32, #tpu.memory_space<vmem>> -> memref<104x64xf32, #tpu.memory_space<vmem>>
        %dma_start3A_1807 = arith.constant 0 : i32
        %dma_start3A_1808 = tpu.memref_slice %arg7[%dma_start3A_1803, %dma_start3A_1807] : memref<2x104xi32, #tpu.memory_space<vmem>> -> memref<1x104xi32, #tpu.memory_space<vmem>>
        %dma_start3A_1809 = tpu.memref_squeeze %dma_start3A_1808 : memref<1x104xi32, #tpu.memory_space<vmem>> -> memref<104xi32, #tpu.memory_space<vmem>>
        %dma_start3A_1810 = arith.constant 0 : i32
        %dma_start3A_1811 = arith.constant 0 : i32
        %dma_start3A_1812 = tpu.memref_slice %arg3[%dma_start3A_1810, %dma_start3A_1811] : memref<200000x64xf32, #tpu.memory_space<hbm>> -> memref<200000x64xf32, #tpu.memory_space<hbm>>
        tpu.enqueue_indirect_dma source(%dma_start3A_1812 : memref<200000x64xf32, #tpu.memory_space<hbm>>) target(%dma_start3A_1806 : memref<104x64xf32, #tpu.memory_space<vmem>>) offsets(%dma_start3A_1809 : memref<104xi32, #tpu.memory_space<vmem>>) semaphore(%arg16 : memref<!tpu.dma_semaphore, #tpu.memory_space<semaphore_mem>>)
        %dma_start3A_1813 = arith.constant 1 : i32
        %dma_start3A_1814 = arith.constant 104 : i32
        %dma_start3A_1815 = arith.constant 0 : i32
        %dma_start3A_1816 = tpu.memref_slice %arg11[%dma_start3A_1814, %dma_start3A_1815] : memref<200x64xf32, #tpu.memory_space<vmem>> -> memref<96x64xf32, #tpu.memory_space<vmem>>
        %dma_start3A_1817 = arith.constant 0 : i32
        %dma_start3A_1818 = tpu.memref_slice %arg7[%dma_start3A_1813, %dma_start3A_1817] : memref<2x104xi32, #tpu.memory_space<vmem>> -> memref<1x96xi32, #tpu.memory_space<vmem>>
        %dma_start3A_1819 = tpu.memref_squeeze %dma_start3A_1818 : memref<1x96xi32, #tpu.memory_space<vmem>> -> memref<96xi32, #tpu.memory_space<vmem>>
        %dma_start3A_1820 = arith.constant 0 : i32
        %dma_start3A_1821 = arith.constant 0 : i32
        %dma_start3A_1822 = tpu.memref_slice %arg3[%dma_start3A_1820, %dma_start3A_1821] : memref<200000x64xf32, #tpu.memory_space<hbm>> -> memref<200000x64xf32, #tpu.memory_space<hbm>>
        tpu.enqueue_indirect_dma source(%dma_start3A_1822 : memref<200000x64xf32, #tpu.memory_space<hbm>>) target(%dma_start3A_1816 : memref<96x64xf32, #tpu.memory_space<vmem>>) offsets(%dma_start3A_1819 : memref<96xi32, #tpu.memory_space<vmem>>) semaphore(%arg16 : memref<!tpu.dma_semaphore, #tpu.memory_space<semaphore_mem>>)
      } else {
      }
      %dma_wait3A_1553 = arith.constant 0 : i32
      %dma_wait3A_1554 = arith.constant 0 : i32
      %dma_wait3A_1555 = arith.constant 0 : i32
      %dma_wait3A_1556 = tpu.memref_slice %arg13[%dma_wait3A_1554, %dma_wait3A_1555] : memref<200x64xf32, #tpu.memory_space<vmem>> -> memref<104x64xf32, #tpu.memory_space<vmem>>
      %dma_wait3A_1557 = arith.constant 0 : i32
      %dma_wait3A_1558 = tpu.memref_slice %arg9[%dma_wait3A_1553, %dma_wait3A_1557] : memref<2x104xi32, #tpu.memory_space<vmem>> -> memref<1x104xi32, #tpu.memory_space<vmem>>
      %dma_wait3A_1559 = tpu.memref_squeeze %dma_wait3A_1558 : memref<1x104xi32, #tpu.memory_space<vmem>> -> memref<104xi32, #tpu.memory_space<vmem>>
      %dma_wait3A_1560 = arith.constant 0 : i32
      %dma_wait3A_1561 = arith.constant 0 : i32
      %dma_wait3A_1562 = tpu.memref_slice %arg3[%dma_wait3A_1560, %dma_wait3A_1561] : memref<200000x64xf32, #tpu.memory_space<hbm>> -> memref<200000x64xf32, #tpu.memory_space<hbm>>
      tpu.wait_indirect_dma semaphore(%arg18 : memref<!tpu.dma_semaphore, #tpu.memory_space<semaphore_mem>>) src(%dma_wait3A_1562 : memref<200000x64xf32, #tpu.memory_space<hbm>>) dst(%dma_wait3A_1556 : memref<104x64xf32, #tpu.memory_space<vmem>>)
      %dma_wait3A_1563 = arith.constant 1 : i32
      %dma_wait3A_1564 = arith.constant 104 : i32
      %dma_wait3A_1565 = arith.constant 0 : i32
      %dma_wait3A_1566 = tpu.memref_slice %arg13[%dma_wait3A_1564, %dma_wait3A_1565] : memref<200x64xf32, #tpu.memory_space<vmem>> -> memref<96x64xf32, #tpu.memory_space<vmem>>
      %dma_wait3A_1567 = arith.constant 0 : i32
      %dma_wait3A_1568 = tpu.memref_slice %arg9[%dma_wait3A_1563, %dma_wait3A_1567] : memref<2x104xi32, #tpu.memory_space<vmem>> -> memref<1x96xi32, #tpu.memory_space<vmem>>
      %dma_wait3A_1569 = tpu.memref_squeeze %dma_wait3A_1568 : memref<1x96xi32, #tpu.memory_space<vmem>> -> memref<96xi32, #tpu.memory_space<vmem>>
      %dma_wait3A_1570 = arith.constant 0 : i32
      %dma_wait3A_1571 = arith.constant 0 : i32
      %dma_wait3A_1572 = tpu.memref_slice %arg3[%dma_wait3A_1570, %dma_wait3A_1571] : memref<200000x64xf32, #tpu.memory_space<hbm>> -> memref<200000x64xf32, #tpu.memory_space<hbm>>
      tpu.wait_indirect_dma semaphore(%arg18 : memref<!tpu.dma_semaphore, #tpu.memory_space<semaphore_mem>>) src(%dma_wait3A_1572 : memref<200000x64xf32, #tpu.memory_space<hbm>>) dst(%dma_wait3A_1566 : memref<96x64xf32, #tpu.memory_space<vmem>>)
      %scan3A_1573 = arith.constant 0 : i32
      %scan3A_1574 = arith.constant 0 : i32
      %scan3A_1575 = arith.constant 50 : i32
      %scan3A_1576 = arith.addi %scan3A_1574, %scan3A_1575 : i32
      %scan3A_1577 = arith.constant 1 : i32
      scf.for %scan3A_1637 = %scan3A_1574 to %scan3A_1576 step %scan3A_1577  : i32 {
        %mul3A_1638 = arith.constant 4 : i32
        %mul3A_1639 = arith.muli %mul3A_1638, %scan3A_1637 : i32
        %add3A_1640 = arith.constant 0 : i32
        %add3A_1641 = arith.addi %mul3A_1639, %add3A_1640 : i32
        %get3A = arith.index_cast %add3A_1641 : i32 to index
        %get3A_1642 = arith.constant 0 : index
        %get3A_1643 = tpu.vector_load %arg15[%get3A, %get3A_1642] {strides = array<i32>} : memref<200x64xf32, #tpu.memory_space<vmem>>, vector<16xf32>,
        %swap3A_1644 = arith.index_cast %add3A_1641 : i32 to index
        %swap3A_1645 = arith.constant 0 : index
        %swap3A_1646 = tpu.vector_load %arg13[%swap3A_1644, %swap3A_1645] {strides = array<i32>} : memref<200x64xf32, #tpu.memory_space<vmem>>, vector<16xf32>,
        tpu.vector_store %arg13[%swap3A_1644, %swap3A_1645], %get3A_1643 {add = true, strides = array<i32>} : memref<200x64xf32, #tpu.memory_space<vmem>>, vector<16xf32>,
        %get3A_1647 = arith.index_cast %add3A_1641 : i32 to index
        %get3A_1648 = arith.constant 16 : index
        %get3A_1649 = tpu.vector_load %arg15[%get3A_1647, %get3A_1648] {strides = array<i32>} : memref<200x64xf32, #tpu.memory_space<vmem>>, vector<16xf32>,
        %swap3A_1650 = arith.index_cast %add3A_1641 : i32 to index
        %swap3A_1651 = arith.constant 16 : index
        %swap3A_1652 = tpu.vector_load %arg13[%swap3A_1650, %swap3A_1651] {strides = array<i32>} : memref<200x64xf32, #tpu.memory_space<vmem>>, vector<16xf32>,
        tpu.vector_store %arg13[%swap3A_1650, %swap3A_1651], %get3A_1649 {add = true, strides = array<i32>} : memref<200x64xf32, #tpu.memory_space<vmem>>, vector<16xf32>,
        %get3A_1653 = arith.index_cast %add3A_1641 : i32 to index
        %get3A_1654 = arith.constant 32 : index
        %get3A_1655 = tpu.vector_load %arg15[%get3A_1653, %get3A_1654] {strides = array<i32>} : memref<200x64xf32, #tpu.memory_space<vmem>>, vector<16xf32>,
        %swap3A_1656 = arith.index_cast %add3A_1641 : i32 to index
        %swap3A_1657 = arith.constant 32 : index
        %swap3A_1658 = tpu.vector_load %arg13[%swap3A_1656, %swap3A_1657] {strides = array<i32>} : memref<200x64xf32, #tpu.memory_space<vmem>>, vector<16xf32>,
        tpu.vector_store %arg13[%swap3A_1656, %swap3A_1657], %get3A_1655 {add = true, strides = array<i32>} : memref<200x64xf32, #tpu.memory_space<vmem>>, vector<16xf32>,
        %get3A_1659 = arith.index_cast %add3A_1641 : i32 to index
        %get3A_1660 = arith.constant 48 : index
        %get3A_1661 = tpu.vector_load %arg15[%get3A_1659, %get3A_1660] {strides = array<i32>} : memref<200x64xf32, #tpu.memory_space<vmem>>, vector<16xf32>,
        %swap3A_1662 = arith.index_cast %add3A_1641 : i32 to index
        %swap3A_1663 = arith.constant 48 : index
        %swap3A_1664 = tpu.vector_load %arg13[%swap3A_1662, %swap3A_1663] {strides = array<i32>} : memref<200x64xf32, #tpu.memory_space<vmem>>, vector<16xf32>,
        tpu.vector_store %arg13[%swap3A_1662, %swap3A_1663], %get3A_1661 {add = true, strides = array<i32>} : memref<200x64xf32, #tpu.memory_space<vmem>>, vector<16xf32>,
        %mul3A_1665 = arith.constant 4 : i32
        %mul3A_1666 = arith.muli %mul3A_1665, %scan3A_1637 : i32
        %add3A_1667 = arith.constant 1 : i32
        %add3A_1668 = arith.addi %mul3A_1666, %add3A_1667 : i32
        %get3A_1669 = arith.index_cast %add3A_1668 : i32 to index
        %get3A_1670 = arith.constant 0 : index
        %get3A_1671 = tpu.vector_load %arg15[%get3A_1669, %get3A_1670] {strides = array<i32>} : memref<200x64xf32, #tpu.memory_space<vmem>>, vector<16xf32>,
        %swap3A_1672 = arith.index_cast %add3A_1668 : i32 to index
        %swap3A_1673 = arith.constant 0 : index
        %swap3A_1674 = tpu.vector_load %arg13[%swap3A_1672, %swap3A_1673] {strides = array<i32>} : memref<200x64xf32, #tpu.memory_space<vmem>>, vector<16xf32>,
        tpu.vector_store %arg13[%swap3A_1672, %swap3A_1673], %get3A_1671 {add = true, strides = array<i32>} : memref<200x64xf32, #tpu.memory_space<vmem>>, vector<16xf32>,
        %get3A_1675 = arith.index_cast %add3A_1668 : i32 to index
        %get3A_1676 = arith.constant 16 : index
        %get3A_1677 = tpu.vector_load %arg15[%get3A_1675, %get3A_1676] {strides = array<i32>} : memref<200x64xf32, #tpu.memory_space<vmem>>, vector<16xf32>,
        %swap3A_1678 = arith.index_cast %add3A_1668 : i32 to index
        %swap3A_1679 = arith.constant 16 : index
        %swap3A_1680 = tpu.vector_load %arg13[%swap3A_1678, %swap3A_1679] {strides = array<i32>} : memref<200x64xf32, #tpu.memory_space<vmem>>, vector<16xf32>,
        tpu.vector_store %arg13[%swap3A_1678, %swap3A_1679], %get3A_1677 {add = true, strides = array<i32>} : memref<200x64xf32, #tpu.memory_space<vmem>>, vector<16xf32>,
        %get3A_1681 = arith.index_cast %add3A_1668 : i32 to index
        %get3A_1682 = arith.constant 32 : index
        %get3A_1683 = tpu.vector_load %arg15[%get3A_1681, %get3A_1682] {strides = array<i32>} : memref<200x64xf32, #tpu.memory_space<vmem>>, vector<16xf32>,
        %swap3A_1684 = arith.index_cast %add3A_1668 : i32 to index
        %swap3A_1685 = arith.constant 32 : index
        %swap3A_1686 = tpu.vector_load %arg13[%swap3A_1684, %swap3A_1685] {strides = array<i32>} : memref<200x64xf32, #tpu.memory_space<vmem>>, vector<16xf32>,
        tpu.vector_store %arg13[%swap3A_1684, %swap3A_1685], %get3A_1683 {add = true, strides = array<i32>} : memref<200x64xf32, #tpu.memory_space<vmem>>, vector<16xf32>,
        %get3A_1687 = arith.index_cast %add3A_1668 : i32 to index
        %get3A_1688 = arith.constant 48 : index
        %get3A_1689 = tpu.vector_load %arg15[%get3A_1687, %get3A_1688] {strides = array<i32>} : memref<200x64xf32, #tpu.memory_space<vmem>>, vector<16xf32>,
        %swap3A_1690 = arith.index_cast %add3A_1668 : i32 to index
        %swap3A_1691 = arith.constant 48 : index
        %swap3A_1692 = tpu.vector_load %arg13[%swap3A_1690, %swap3A_1691] {strides = array<i32>} : memref<200x64xf32, #tpu.memory_space<vmem>>, vector<16xf32>,
        tpu.vector_store %arg13[%swap3A_1690, %swap3A_1691], %get3A_1689 {add = true, strides = array<i32>} : memref<200x64xf32, #tpu.memory_space<vmem>>, vector<16xf32>,
        %mul3A_1693 = arith.constant 4 : i32
        %mul3A_1694 = arith.muli %mul3A_1693, %scan3A_1637 : i32
        %add3A_1695 = arith.constant 2 : i32
        %add3A_1696 = arith.addi %mul3A_1694, %add3A_1695 : i32
        %get3A_1697 = arith.index_cast %add3A_1696 : i32 to index
        %get3A_1698 = arith.constant 0 : index
        %get3A_1699 = tpu.vector_load %arg15[%get3A_1697, %get3A_1698] {strides = array<i32>} : memref<200x64xf32, #tpu.memory_space<vmem>>, vector<16xf32>,
        %swap3A_1700 = arith.index_cast %add3A_1696 : i32 to index
        %swap3A_1701 = arith.constant 0 : index
        %swap3A_1702 = tpu.vector_load %arg13[%swap3A_1700, %swap3A_1701] {strides = array<i32>} : memref<200x64xf32, #tpu.memory_space<vmem>>, vector<16xf32>,
        tpu.vector_store %arg13[%swap3A_1700, %swap3A_1701], %get3A_1699 {add = true, strides = array<i32>} : memref<200x64xf32, #tpu.memory_space<vmem>>, vector<16xf32>,
        %get3A_1703 = arith.index_cast %add3A_1696 : i32 to index
        %get3A_1704 = arith.constant 16 : index
        %get3A_1705 = tpu.vector_load %arg15[%get3A_1703, %get3A_1704] {strides = array<i32>} : memref<200x64xf32, #tpu.memory_space<vmem>>, vector<16xf32>,
        %swap3A_1706 = arith.index_cast %add3A_1696 : i32 to index
        %swap3A_1707 = arith.constant 16 : index
        %swap3A_1708 = tpu.vector_load %arg13[%swap3A_1706, %swap3A_1707] {strides = array<i32>} : memref<200x64xf32, #tpu.memory_space<vmem>>, vector<16xf32>,
        tpu.vector_store %arg13[%swap3A_1706, %swap3A_1707], %get3A_1705 {add = true, strides = array<i32>} : memref<200x64xf32, #tpu.memory_space<vmem>>, vector<16xf32>,
        %get3A_1709 = arith.index_cast %add3A_1696 : i32 to index
        %get3A_1710 = arith.constant 32 : index
        %get3A_1711 = tpu.vector_load %arg15[%get3A_1709, %get3A_1710] {strides = array<i32>} : memref<200x64xf32, #tpu.memory_space<vmem>>, vector<16xf32>,
        %swap3A_1712 = arith.index_cast %add3A_1696 : i32 to index
        %swap3A_1713 = arith.constant 32 : index
        %swap3A_1714 = tpu.vector_load %arg13[%swap3A_1712, %swap3A_1713] {strides = array<i32>} : memref<200x64xf32, #tpu.memory_space<vmem>>, vector<16xf32>,
        tpu.vector_store %arg13[%swap3A_1712, %swap3A_1713], %get3A_1711 {add = true, strides = array<i32>} : memref<200x64xf32, #tpu.memory_space<vmem>>, vector<16xf32>,
        %get3A_1715 = arith.index_cast %add3A_1696 : i32 to index
        %get3A_1716 = arith.constant 48 : index
        %get3A_1717 = tpu.vector_load %arg15[%get3A_1715, %get3A_1716] {strides = array<i32>} : memref<200x64xf32, #tpu.memory_space<vmem>>, vector<16xf32>,
        %swap3A_1718 = arith.index_cast %add3A_1696 : i32 to index
        %swap3A_1719 = arith.constant 48 : index
        %swap3A_1720 = tpu.vector_load %arg13[%swap3A_1718, %swap3A_1719] {strides = array<i32>} : memref<200x64xf32, #tpu.memory_space<vmem>>, vector<16xf32>,
        tpu.vector_store %arg13[%swap3A_1718, %swap3A_1719], %get3A_1717 {add = true, strides = array<i32>} : memref<200x64xf32, #tpu.memory_space<vmem>>, vector<16xf32>,
        %mul3A_1721 = arith.constant 4 : i32
        %mul3A_1722 = arith.muli %mul3A_1721, %scan3A_1637 : i32
        %add3A_1723 = arith.constant 3 : i32
        %add3A_1724 = arith.addi %mul3A_1722, %add3A_1723 : i32
        %get3A_1725 = arith.index_cast %add3A_1724 : i32 to index
        %get3A_1726 = arith.constant 0 : index
        %get3A_1727 = tpu.vector_load %arg15[%get3A_1725, %get3A_1726] {strides = array<i32>} : memref<200x64xf32, #tpu.memory_space<vmem>>, vector<16xf32>,
        %swap3A_1728 = arith.index_cast %add3A_1724 : i32 to index
        %swap3A_1729 = arith.constant 0 : index
        %swap3A_1730 = tpu.vector_load %arg13[%swap3A_1728, %swap3A_1729] {strides = array<i32>} : memref<200x64xf32, #tpu.memory_space<vmem>>, vector<16xf32>,
        tpu.vector_store %arg13[%swap3A_1728, %swap3A_1729], %get3A_1727 {add = true, strides = array<i32>} : memref<200x64xf32, #tpu.memory_space<vmem>>, vector<16xf32>,
        %get3A_1731 = arith.index_cast %add3A_1724 : i32 to index
        %get3A_1732 = arith.constant 16 : index
        %get3A_1733 = tpu.vector_load %arg15[%get3A_1731, %get3A_1732] {strides = array<i32>} : memref<200x64xf32, #tpu.memory_space<vmem>>, vector<16xf32>,
        %swap3A_1734 = arith.index_cast %add3A_1724 : i32 to index
        %swap3A_1735 = arith.constant 16 : index
        %swap3A_1736 = tpu.vector_load %arg13[%swap3A_1734, %swap3A_1735] {strides = array<i32>} : memref<200x64xf32, #tpu.memory_space<vmem>>, vector<16xf32>,
        tpu.vector_store %arg13[%swap3A_1734, %swap3A_1735], %get3A_1733 {add = true, strides = array<i32>} : memref<200x64xf32, #tpu.memory_space<vmem>>, vector<16xf32>,
        %get3A_1737 = arith.index_cast %add3A_1724 : i32 to index
        %get3A_1738 = arith.constant 32 : index
        %get3A_1739 = tpu.vector_load %arg15[%get3A_1737, %get3A_1738] {strides = array<i32>} : memref<200x64xf32, #tpu.memory_space<vmem>>, vector<16xf32>,
        %swap3A_1740 = arith.index_cast %add3A_1724 : i32 to index
        %swap3A_1741 = arith.constant 32 : index
        %swap3A_1742 = tpu.vector_load %arg13[%swap3A_1740, %swap3A_1741] {strides = array<i32>} : memref<200x64xf32, #tpu.memory_space<vmem>>, vector<16xf32>,
        tpu.vector_store %arg13[%swap3A_1740, %swap3A_1741], %get3A_1739 {add = true, strides = array<i32>} : memref<200x64xf32, #tpu.memory_space<vmem>>, vector<16xf32>,
        %get3A_1743 = arith.index_cast %add3A_1724 : i32 to index
        %get3A_1744 = arith.constant 48 : index
        %get3A_1745 = tpu.vector_load %arg15[%get3A_1743, %get3A_1744] {strides = array<i32>} : memref<200x64xf32, #tpu.memory_space<vmem>>, vector<16xf32>,
        %swap3A_1746 = arith.index_cast %add3A_1724 : i32 to index
        %swap3A_1747 = arith.constant 48 : index
        %swap3A_1748 = tpu.vector_load %arg13[%swap3A_1746, %swap3A_1747] {strides = array<i32>} : memref<200x64xf32, #tpu.memory_space<vmem>>, vector<16xf32>,
        tpu.vector_store %arg13[%swap3A_1746, %swap3A_1747], %get3A_1745 {add = true, strides = array<i32>} : memref<200x64xf32, #tpu.memory_space<vmem>>, vector<16xf32>,
      }
      %scan3A_1578 = arith.constant 50 : i32
      %add3A_1579 = arith.constant 2 : i32
      %add3A_1580 = arith.addi %mul3A_1472, %add3A_1579 : i32
      %add3A_1581 = arith.addi %mul3A_2, %add3A_1580 : i32
      %dma_start3A_1582 = arith.constant 0 : i32
      %dma_start3A_1583 = arith.constant 0 : i32
      %dma_start3A_1584 = tpu.memref_slice %arg5[%add3A_1581, %dma_start3A_1582, %dma_start3A_1583] : memref<4096x200x128xf32, #tpu.memory_space<hbm>> -> memref<1x200x64xf32, #tpu.memory_space<hbm>>
      %dma_start3A_1585 = tpu.memref_squeeze %dma_start3A_1584 : memref<1x200x64xf32, #tpu.memory_space<hbm>> -> memref<200x64xf32, #tpu.memory_space<hbm>>
      %dma_start3A_1586 = arith.constant 0 : i32
      %dma_start3A_1587 = arith.constant 0 : i32
      %dma_start3A_1588 = tpu.memref_slice %arg5[%add3A_1581, %dma_start3A_1586, %dma_start3A_1587] : memref<4096x200x128xf32, #tpu.memory_space<hbm>> -> memref<1x200x64xf32, #tpu.memory_space<hbm>>
      %dma_start3A_1589 = tpu.memref_squeeze %dma_start3A_1588 : memref<1x200x64xf32, #tpu.memory_space<hbm>> -> memref<200x64xf32, #tpu.memory_space<hbm>>
      tpu.enqueue_dma source(%arg13 : memref<200x64xf32, #tpu.memory_space<vmem>>) target(%dma_start3A_1589 : memref<200x64xf32, #tpu.memory_space<hbm>>) target_semaphore(%arg22 : memref<!tpu.dma_semaphore, #tpu.memory_space<semaphore_mem>>)
      %le3A_1590 = arith.constant 30 : i32
      %le3A_1591 = arith.cmpi sle, %scan3A_1470, %le3A_1590 : i32
      %convert_element_type3A_1592 = arith.extui %le3A_1591 : i1 to i32
      %cond3A_1593 = arith.constant 0 : i32
      %cond3A_1594 = arith.cmpi ne, %convert_element_type3A_1592, %cond3A_1593 : i32
      scf.if %cond3A_1594 {
        %add3A_1637 = arith.constant 2 : i32
        %add3A_1638 = arith.addi %mul3A_1472, %add3A_1637 : i32
        %sub3A = arith.constant 1 : i32
        %sub3A_1639 = arith.subi %add3A_1638, %sub3A : i32
        %add3A_1640 = arith.constant 2 : i32
        %add3A_1641 = arith.addi %mul3A_1472, %add3A_1640 : i32
        %sub3A_1642 = arith.constant 1 : i32
        %sub3A_1643 = arith.subi %add3A_1641, %sub3A_1642 : i32
        %add3A_1644 = arith.constant 4 : i32
        %add3A_1645 = arith.addi %sub3A_1643, %add3A_1644 : i32
        %add3A_1646 = arith.addi %mul3A_2, %sub3A_1639 : i32
        %dma_wait3A_1647 = arith.constant 0 : i32
        %dma_wait3A_1648 = arith.constant 0 : i32
        %dma_wait3A_1649 = tpu.memref_slice %arg5[%add3A_1646, %dma_wait3A_1647, %dma_wait3A_1648] : memref<4096x200x128xf32, #tpu.memory_space<hbm>> -> memref<1x200x64xf32, #tpu.memory_space<hbm>>
        %dma_wait3A_1650 = tpu.memref_squeeze %dma_wait3A_1649 : memref<1x200x64xf32, #tpu.memory_space<hbm>> -> memref<200x64xf32, #tpu.memory_space<hbm>>
        %dma_wait3A_1651 = arith.constant 0 : i32
        %dma_wait3A_1652 = arith.constant 0 : i32
        %dma_wait3A_1653 = tpu.memref_slice %arg5[%add3A_1646, %dma_wait3A_1651, %dma_wait3A_1652] : memref<4096x200x128xf32, #tpu.memory_space<hbm>> -> memref<1x200x64xf32, #tpu.memory_space<hbm>>
        %dma_wait3A_1654 = tpu.memref_squeeze %dma_wait3A_1653 : memref<1x200x64xf32, #tpu.memory_space<hbm>> -> memref<200x64xf32, #tpu.memory_space<hbm>>
        tpu.wait_dma2 semaphore(%arg21 : memref<!tpu.dma_semaphore, #tpu.memory_space<semaphore_mem>>) src(%arg12 : memref<200x64xf32, #tpu.memory_space<vmem>>) dst(%dma_wait3A_1654 : memref<200x64xf32, #tpu.memory_space<hbm>>)
        %mul3A_1655 = arith.constant 0 : i32
        %mul3A_1656 = vector.broadcast %mul3A_1655 : i32 to vector<16xi32>
        %mul3A_1657 = arith.muli %iota3A, %mul3A_1656 : vector<16xi32>
        %add3A_1658 = vector.broadcast %add3A_1645 : i32 to vector<16xi32>
        %add3A_1659 = arith.addi %mul3A_1657, %add3A_1658 : vector<16xi32>
        %add3A_1660 = arith.constant 0 : i32
        %add3A_1661 = vector.broadcast %add3A_1660 : i32 to vector<16xi32>
        %add3A_1662 = arith.addi %iota3A, %add3A_1661 : vector<16xi32>
        %gather3A_1663 = tpu.vector_load_idx %arg6[%add3A_1662, %add3A_1659] : memref<200x128xi32, #tpu.memory_space<vmem>>[vector<16xi32>, vector<16xi32>], vector<16xi32>,
        %mul3A_1664 = arith.constant 2 : i32
        %mul3A_1665 = vector.broadcast %mul3A_1664 : i32 to vector<16xi32>
        %mul3A_1666 = arith.muli %gather3A_1663, %mul3A_1665 : vector<16xi32>
        %swap3A_1667 = arith.constant 0 : i32
        %swap3A_1668 = arith.index_cast %swap3A_1667 : i32 to index
        %swap3A_1669 = arith.constant 0 : index
        %swap3A_1670 = tpu.vector_load %arg8[%swap3A_1668, %swap3A_1669] {strides = array<i32>} : memref<2x104xi32, #tpu.memory_space<vmem>>, vector<16xi32>,
        tpu.vector_store %arg8[%swap3A_1668, %swap3A_1669], %mul3A_1666 {strides = array<i32>} : memref<2x104xi32, #tpu.memory_space<vmem>>, vector<16xi32>,
        %add3A_1671 = arith.constant 16 : i32
        %add3A_1672 = vector.broadcast %add3A_1671 : i32 to vector<16xi32>
        %add3A_1673 = arith.addi %iota3A, %add3A_1672 : vector<16xi32>
        %gather3A_1674 = tpu.vector_load_idx %arg6[%add3A_1673, %add3A_1659] : memref<200x128xi32, #tpu.memory_space<vmem>>[vector<16xi32>, vector<16xi32>], vector<16xi32>,
        %mul3A_1675 = arith.constant 2 : i32
        %mul3A_1676 = vector.broadcast %mul3A_1675 : i32 to vector<16xi32>
        %mul3A_1677 = arith.muli %gather3A_1674, %mul3A_1676 : vector<16xi32>
        %swap3A_1678 = arith.constant 0 : i32
        %swap3A_1679 = arith.index_cast %swap3A_1678 : i32 to index
        %swap3A_1680 = arith.constant 16 : index
        %swap3A_1681 = tpu.vector_load %arg8[%swap3A_1679, %swap3A_1680] {strides = array<i32>} : memref<2x104xi32, #tpu.memory_space<vmem>>, vector<16xi32>,
        tpu.vector_store %arg8[%swap3A_1679, %swap3A_1680], %mul3A_1677 {strides = array<i32>} : memref<2x104xi32, #tpu.memory_space<vmem>>, vector<16xi32>,
        %add3A_1682 = arith.constant 32 : i32
        %add3A_1683 = vector.broadcast %add3A_1682 : i32 to vector<16xi32>
        %add3A_1684 = arith.addi %iota3A, %add3A_1683 : vector<16xi32>
        %gather3A_1685 = tpu.vector_load_idx %arg6[%add3A_1684, %add3A_1659] : memref<200x128xi32, #tpu.memory_space<vmem>>[vector<16xi32>, vector<16xi32>], vector<16xi32>,
        %mul3A_1686 = arith.constant 2 : i32
        %mul3A_1687 = vector.broadcast %mul3A_1686 : i32 to vector<16xi32>
        %mul3A_1688 = arith.muli %gather3A_1685, %mul3A_1687 : vector<16xi32>
        %swap3A_1689 = arith.constant 0 : i32
        %swap3A_1690 = arith.index_cast %swap3A_1689 : i32 to index
        %swap3A_1691 = arith.constant 32 : index
        %swap3A_1692 = tpu.vector_load %arg8[%swap3A_1690, %swap3A_1691] {strides = array<i32>} : memref<2x104xi32, #tpu.memory_space<vmem>>, vector<16xi32>,
        tpu.vector_store %arg8[%swap3A_1690, %swap3A_1691], %mul3A_1688 {strides = array<i32>} : memref<2x104xi32, #tpu.memory_space<vmem>>, vector<16xi32>,
        %add3A_1693 = arith.constant 48 : i32
        %add3A_1694 = vector.broadcast %add3A_1693 : i32 to vector<16xi32>
        %add3A_1695 = arith.addi %iota3A, %add3A_1694 : vector<16xi32>
        %gather3A_1696 = tpu.vector_load_idx %arg6[%add3A_1695, %add3A_1659] : memref<200x128xi32, #tpu.memory_space<vmem>>[vector<16xi32>, vector<16xi32>], vector<16xi32>,
        %mul3A_1697 = arith.constant 2 : i32
        %mul3A_1698 = vector.broadcast %mul3A_1697 : i32 to vector<16xi32>
        %mul3A_1699 = arith.muli %gather3A_1696, %mul3A_1698 : vector<16xi32>
        %swap3A_1700 = arith.constant 0 : i32
        %swap3A_1701 = arith.index_cast %swap3A_1700 : i32 to index
        %swap3A_1702 = arith.constant 48 : index
        %swap3A_1703 = tpu.vector_load %arg8[%swap3A_1701, %swap3A_1702] {strides = array<i32>} : memref<2x104xi32, #tpu.memory_space<vmem>>, vector<16xi32>,
        tpu.vector_store %arg8[%swap3A_1701, %swap3A_1702], %mul3A_1699 {strides = array<i32>} : memref<2x104xi32, #tpu.memory_space<vmem>>, vector<16xi32>,
        %add3A_1704 = arith.constant 64 : i32
        %add3A_1705 = vector.broadcast %add3A_1704 : i32 to vector<16xi32>
        %add3A_1706 = arith.addi %iota3A, %add3A_1705 : vector<16xi32>
        %gather3A_1707 = tpu.vector_load_idx %arg6[%add3A_1706, %add3A_1659] : memref<200x128xi32, #tpu.memory_space<vmem>>[vector<16xi32>, vector<16xi32>], vector<16xi32>,
        %mul3A_1708 = arith.constant 2 : i32
        %mul3A_1709 = vector.broadcast %mul3A_1708 : i32 to vector<16xi32>
        %mul3A_1710 = arith.muli %gather3A_1707, %mul3A_1709 : vector<16xi32>
        %swap3A_1711 = arith.constant 0 : i32
        %swap3A_1712 = arith.index_cast %swap3A_1711 : i32 to index
        %swap3A_1713 = arith.constant 64 : index
        %swap3A_1714 = tpu.vector_load %arg8[%swap3A_1712, %swap3A_1713] {strides = array<i32>} : memref<2x104xi32, #tpu.memory_space<vmem>>, vector<16xi32>,
        tpu.vector_store %arg8[%swap3A_1712, %swap3A_1713], %mul3A_1710 {strides = array<i32>} : memref<2x104xi32, #tpu.memory_space<vmem>>, vector<16xi32>,
        %add3A_1715 = arith.constant 80 : i32
        %add3A_1716 = vector.broadcast %add3A_1715 : i32 to vector<16xi32>
        %add3A_1717 = arith.addi %iota3A, %add3A_1716 : vector<16xi32>
        %gather3A_1718 = tpu.vector_load_idx %arg6[%add3A_1717, %add3A_1659] : memref<200x128xi32, #tpu.memory_space<vmem>>[vector<16xi32>, vector<16xi32>], vector<16xi32>,
        %mul3A_1719 = arith.constant 2 : i32
        %mul3A_1720 = vector.broadcast %mul3A_1719 : i32 to vector<16xi32>
        %mul3A_1721 = arith.muli %gather3A_1718, %mul3A_1720 : vector<16xi32>
        %swap3A_1722 = arith.constant 0 : i32
        %swap3A_1723 = arith.index_cast %swap3A_1722 : i32 to index
        %swap3A_1724 = arith.constant 80 : index
        %swap3A_1725 = tpu.vector_load %arg8[%swap3A_1723, %swap3A_1724] {strides = array<i32>} : memref<2x104xi32, #tpu.memory_space<vmem>>, vector<16xi32>,
        tpu.vector_store %arg8[%swap3A_1723, %swap3A_1724], %mul3A_1721 {strides = array<i32>} : memref<2x104xi32, #tpu.memory_space<vmem>>, vector<16xi32>,
        %add3A_1726 = arith.constant 88 : i32
        %add3A_1727 = vector.broadcast %add3A_1726 : i32 to vector<16xi32>
        %add3A_1728 = arith.addi %iota3A, %add3A_1727 : vector<16xi32>
        %gather3A_1729 = tpu.vector_load_idx %arg6[%add3A_1728, %add3A_1659] : memref<200x128xi32, #tpu.memory_space<vmem>>[vector<16xi32>, vector<16xi32>], vector<16xi32>,
        %mul3A_1730 = arith.constant 2 : i32
        %mul3A_1731 = vector.broadcast %mul3A_1730 : i32 to vector<16xi32>
        %mul3A_1732 = arith.muli %gather3A_1729, %mul3A_1731 : vector<16xi32>
        %swap3A_1733 = arith.constant 0 : i32
        %swap3A_1734 = arith.index_cast %swap3A_1733 : i32 to index
        %swap3A_1735 = arith.constant 88 : index
        %swap3A_1736 = tpu.vector_load %arg8[%swap3A_1734, %swap3A_1735] {strides = array<i32>} : memref<2x104xi32, #tpu.memory_space<vmem>>, vector<16xi32>,
        tpu.vector_store %arg8[%swap3A_1734, %swap3A_1735], %mul3A_1732 {strides = array<i32>} : memref<2x104xi32, #tpu.memory_space<vmem>>, vector<16xi32>,
        %add3A_1737 = arith.constant 104 : i32
        %add3A_1738 = vector.broadcast %add3A_1737 : i32 to vector<16xi32>
        %add3A_1739 = arith.addi %iota3A, %add3A_1738 : vector<16xi32>
        %gather3A_1740 = tpu.vector_load_idx %arg6[%add3A_1739, %add3A_1659] : memref<200x128xi32, #tpu.memory_space<vmem>>[vector<16xi32>, vector<16xi32>], vector<16xi32>,
        %mul3A_1741 = arith.constant 2 : i32
        %mul3A_1742 = vector.broadcast %mul3A_1741 : i32 to vector<16xi32>
        %mul3A_1743 = arith.muli %gather3A_1740, %mul3A_1742 : vector<16xi32>
        %swap3A_1744 = arith.constant 1 : i32
        %swap3A_1745 = arith.index_cast %swap3A_1744 : i32 to index
        %swap3A_1746 = arith.constant 0 : index
        %swap3A_1747 = tpu.vector_load %arg8[%swap3A_1745, %swap3A_1746] {strides = array<i32>} : memref<2x104xi32, #tpu.memory_space<vmem>>, vector<16xi32>,
        tpu.vector_store %arg8[%swap3A_1745, %swap3A_1746], %mul3A_1743 {strides = array<i32>} : memref<2x104xi32, #tpu.memory_space<vmem>>, vector<16xi32>,
        %add3A_1748 = arith.constant 120 : i32
        %add3A_1749 = vector.broadcast %add3A_1748 : i32 to vector<16xi32>
        %add3A_1750 = arith.addi %iota3A, %add3A_1749 : vector<16xi32>
        %gather3A_1751 = tpu.vector_load_idx %arg6[%add3A_1750, %add3A_1659] : memref<200x128xi32, #tpu.memory_space<vmem>>[vector<16xi32>, vector<16xi32>], vector<16xi32>,
        %mul3A_1752 = arith.constant 2 : i32
        %mul3A_1753 = vector.broadcast %mul3A_1752 : i32 to vector<16xi32>
        %mul3A_1754 = arith.muli %gather3A_1751, %mul3A_1753 : vector<16xi32>
        %swap3A_1755 = arith.constant 1 : i32
        %swap3A_1756 = arith.index_cast %swap3A_1755 : i32 to index
        %swap3A_1757 = arith.constant 16 : index
        %swap3A_1758 = tpu.vector_load %arg8[%swap3A_1756, %swap3A_1757] {strides = array<i32>} : memref<2x104xi32, #tpu.memory_space<vmem>>, vector<16xi32>,
        tpu.vector_store %arg8[%swap3A_1756, %swap3A_1757], %mul3A_1754 {strides = array<i32>} : memref<2x104xi32, #tpu.memory_space<vmem>>, vector<16xi32>,
        %add3A_1759 = arith.constant 136 : i32
        %add3A_1760 = vector.broadcast %add3A_1759 : i32 to vector<16xi32>
        %add3A_1761 = arith.addi %iota3A, %add3A_1760 : vector<16xi32>
        %gather3A_1762 = tpu.vector_load_idx %arg6[%add3A_1761, %add3A_1659] : memref<200x128xi32, #tpu.memory_space<vmem>>[vector<16xi32>, vector<16xi32>], vector<16xi32>,
        %mul3A_1763 = arith.constant 2 : i32
        %mul3A_1764 = vector.broadcast %mul3A_1763 : i32 to vector<16xi32>
        %mul3A_1765 = arith.muli %gather3A_1762, %mul3A_1764 : vector<16xi32>
        %swap3A_1766 = arith.constant 1 : i32
        %swap3A_1767 = arith.index_cast %swap3A_1766 : i32 to index
        %swap3A_1768 = arith.constant 32 : index
        %swap3A_1769 = tpu.vector_load %arg8[%swap3A_1767, %swap3A_1768] {strides = array<i32>} : memref<2x104xi32, #tpu.memory_space<vmem>>, vector<16xi32>,
        tpu.vector_store %arg8[%swap3A_1767, %swap3A_1768], %mul3A_1765 {strides = array<i32>} : memref<2x104xi32, #tpu.memory_space<vmem>>, vector<16xi32>,
        %add3A_1770 = arith.constant 152 : i32
        %add3A_1771 = vector.broadcast %add3A_1770 : i32 to vector<16xi32>
        %add3A_1772 = arith.addi %iota3A, %add3A_1771 : vector<16xi32>
        %gather3A_1773 = tpu.vector_load_idx %arg6[%add3A_1772, %add3A_1659] : memref<200x128xi32, #tpu.memory_space<vmem>>[vector<16xi32>, vector<16xi32>], vector<16xi32>,
        %mul3A_1774 = arith.constant 2 : i32
        %mul3A_1775 = vector.broadcast %mul3A_1774 : i32 to vector<16xi32>
        %mul3A_1776 = arith.muli %gather3A_1773, %mul3A_1775 : vector<16xi32>
        %swap3A_1777 = arith.constant 1 : i32
        %swap3A_1778 = arith.index_cast %swap3A_1777 : i32 to index
        %swap3A_1779 = arith.constant 48 : index
        %swap3A_1780 = tpu.vector_load %arg8[%swap3A_1778, %swap3A_1779] {strides = array<i32>} : memref<2x104xi32, #tpu.memory_space<vmem>>, vector<16xi32>,
        tpu.vector_store %arg8[%swap3A_1778, %swap3A_1779], %mul3A_1776 {strides = array<i32>} : memref<2x104xi32, #tpu.memory_space<vmem>>, vector<16xi32>,
        %add3A_1781 = arith.constant 168 : i32
        %add3A_1782 = vector.broadcast %add3A_1781 : i32 to vector<16xi32>
        %add3A_1783 = arith.addi %iota3A, %add3A_1782 : vector<16xi32>
        %gather3A_1784 = tpu.vector_load_idx %arg6[%add3A_1783, %add3A_1659] : memref<200x128xi32, #tpu.memory_space<vmem>>[vector<16xi32>, vector<16xi32>], vector<16xi32>,
        %mul3A_1785 = arith.constant 2 : i32
        %mul3A_1786 = vector.broadcast %mul3A_1785 : i32 to vector<16xi32>
        %mul3A_1787 = arith.muli %gather3A_1784, %mul3A_1786 : vector<16xi32>
        %swap3A_1788 = arith.constant 1 : i32
        %swap3A_1789 = arith.index_cast %swap3A_1788 : i32 to index
        %swap3A_1790 = arith.constant 64 : index
        %swap3A_1791 = tpu.vector_load %arg8[%swap3A_1789, %swap3A_1790] {strides = array<i32>} : memref<2x104xi32, #tpu.memory_space<vmem>>, vector<16xi32>,
        tpu.vector_store %arg8[%swap3A_1789, %swap3A_1790], %mul3A_1787 {strides = array<i32>} : memref<2x104xi32, #tpu.memory_space<vmem>>, vector<16xi32>,
        %add3A_1792 = arith.constant 184 : i32
        %add3A_1793 = vector.broadcast %add3A_1792 : i32 to vector<16xi32>
        %add3A_1794 = arith.addi %iota3A, %add3A_1793 : vector<16xi32>
        %gather3A_1795 = tpu.vector_load_idx %arg6[%add3A_1794, %add3A_1659] : memref<200x128xi32, #tpu.memory_space<vmem>>[vector<16xi32>, vector<16xi32>], vector<16xi32>,
        %mul3A_1796 = arith.constant 2 : i32
        %mul3A_1797 = vector.broadcast %mul3A_1796 : i32 to vector<16xi32>
        %mul3A_1798 = arith.muli %gather3A_1795, %mul3A_1797 : vector<16xi32>
        %swap3A_1799 = arith.constant 1 : i32
        %swap3A_1800 = arith.index_cast %swap3A_1799 : i32 to index
        %swap3A_1801 = arith.constant 80 : index
        %swap3A_1802 = tpu.vector_load %arg8[%swap3A_1800, %swap3A_1801] {strides = array<i32>} : memref<2x104xi32, #tpu.memory_space<vmem>>, vector<16xi32>,
        tpu.vector_store %arg8[%swap3A_1800, %swap3A_1801], %mul3A_1798 {strides = array<i32>} : memref<2x104xi32, #tpu.memory_space<vmem>>, vector<16xi32>,
        %dma_start3A_1803 = arith.constant 0 : i32
        %dma_start3A_1804 = arith.constant 0 : i32
        %dma_start3A_1805 = arith.constant 0 : i32
        %dma_start3A_1806 = tpu.memref_slice %arg12[%dma_start3A_1804, %dma_start3A_1805] : memref<200x64xf32, #tpu.memory_space<vmem>> -> memref<104x64xf32, #tpu.memory_space<vmem>>
        %dma_start3A_1807 = arith.constant 0 : i32
        %dma_start3A_1808 = tpu.memref_slice %arg8[%dma_start3A_1803, %dma_start3A_1807] : memref<2x104xi32, #tpu.memory_space<vmem>> -> memref<1x104xi32, #tpu.memory_space<vmem>>
        %dma_start3A_1809 = tpu.memref_squeeze %dma_start3A_1808 : memref<1x104xi32, #tpu.memory_space<vmem>> -> memref<104xi32, #tpu.memory_space<vmem>>
        %dma_start3A_1810 = arith.constant 0 : i32
        %dma_start3A_1811 = arith.constant 0 : i32
        %dma_start3A_1812 = tpu.memref_slice %arg3[%dma_start3A_1810, %dma_start3A_1811] : memref<200000x64xf32, #tpu.memory_space<hbm>> -> memref<200000x64xf32, #tpu.memory_space<hbm>>
        tpu.enqueue_indirect_dma source(%dma_start3A_1812 : memref<200000x64xf32, #tpu.memory_space<hbm>>) target(%dma_start3A_1806 : memref<104x64xf32, #tpu.memory_space<vmem>>) offsets(%dma_start3A_1809 : memref<104xi32, #tpu.memory_space<vmem>>) semaphore(%arg17 : memref<!tpu.dma_semaphore, #tpu.memory_space<semaphore_mem>>)
        %dma_start3A_1813 = arith.constant 1 : i32
        %dma_start3A_1814 = arith.constant 104 : i32
        %dma_start3A_1815 = arith.constant 0 : i32
        %dma_start3A_1816 = tpu.memref_slice %arg12[%dma_start3A_1814, %dma_start3A_1815] : memref<200x64xf32, #tpu.memory_space<vmem>> -> memref<96x64xf32, #tpu.memory_space<vmem>>
        %dma_start3A_1817 = arith.constant 0 : i32
        %dma_start3A_1818 = tpu.memref_slice %arg8[%dma_start3A_1813, %dma_start3A_1817] : memref<2x104xi32, #tpu.memory_space<vmem>> -> memref<1x96xi32, #tpu.memory_space<vmem>>
        %dma_start3A_1819 = tpu.memref_squeeze %dma_start3A_1818 : memref<1x96xi32, #tpu.memory_space<vmem>> -> memref<96xi32, #tpu.memory_space<vmem>>
        %dma_start3A_1820 = arith.constant 0 : i32
        %dma_start3A_1821 = arith.constant 0 : i32
        %dma_start3A_1822 = tpu.memref_slice %arg3[%dma_start3A_1820, %dma_start3A_1821] : memref<200000x64xf32, #tpu.memory_space<hbm>> -> memref<200000x64xf32, #tpu.memory_space<hbm>>
        tpu.enqueue_indirect_dma source(%dma_start3A_1822 : memref<200000x64xf32, #tpu.memory_space<hbm>>) target(%dma_start3A_1816 : memref<96x64xf32, #tpu.memory_space<vmem>>) offsets(%dma_start3A_1819 : memref<96xi32, #tpu.memory_space<vmem>>) semaphore(%arg17 : memref<!tpu.dma_semaphore, #tpu.memory_space<semaphore_mem>>)
      } else {
      }
      %dma_wait3A_1595 = arith.constant 0 : i32
      %dma_wait3A_1596 = arith.constant 0 : i32
      %dma_wait3A_1597 = arith.constant 0 : i32
      %dma_wait3A_1598 = tpu.memref_slice %arg14[%dma_wait3A_1596, %dma_wait3A_1597] : memref<200x64xf32, #tpu.memory_space<vmem>> -> memref<104x64xf32, #tpu.memory_space<vmem>>
      %dma_wait3A_1599 = arith.constant 0 : i32
      %dma_wait3A_1600 = tpu.memref_slice %arg10[%dma_wait3A_1595, %dma_wait3A_1599] : memref<2x104xi32, #tpu.memory_space<vmem>> -> memref<1x104xi32, #tpu.memory_space<vmem>>
      %dma_wait3A_1601 = tpu.memref_squeeze %dma_wait3A_1600 : memref<1x104xi32, #tpu.memory_space<vmem>> -> memref<104xi32, #tpu.memory_space<vmem>>
      %dma_wait3A_1602 = arith.constant 0 : i32
      %dma_wait3A_1603 = arith.constant 0 : i32
      %dma_wait3A_1604 = tpu.memref_slice %arg3[%dma_wait3A_1602, %dma_wait3A_1603] : memref<200000x64xf32, #tpu.memory_space<hbm>> -> memref<200000x64xf32, #tpu.memory_space<hbm>>
      tpu.wait_indirect_dma semaphore(%arg19 : memref<!tpu.dma_semaphore, #tpu.memory_space<semaphore_mem>>) src(%dma_wait3A_1604 : memref<200000x64xf32, #tpu.memory_space<hbm>>) dst(%dma_wait3A_1598 : memref<104x64xf32, #tpu.memory_space<vmem>>)
      %dma_wait3A_1605 = arith.constant 1 : i32
      %dma_wait3A_1606 = arith.constant 104 : i32
      %dma_wait3A_1607 = arith.constant 0 : i32
      %dma_wait3A_1608 = tpu.memref_slice %arg14[%dma_wait3A_1606, %dma_wait3A_1607] : memref<200x64xf32, #tpu.memory_space<vmem>> -> memref<96x64xf32, #tpu.memory_space<vmem>>
      %dma_wait3A_1609 = arith.constant 0 : i32
      %dma_wait3A_1610 = tpu.memref_slice %arg10[%dma_wait3A_1605, %dma_wait3A_1609] : memref<2x104xi32, #tpu.memory_space<vmem>> -> memref<1x96xi32, #tpu.memory_space<vmem>>
      %dma_wait3A_1611 = tpu.memref_squeeze %dma_wait3A_1610 : memref<1x96xi32, #tpu.memory_space<vmem>> -> memref<96xi32, #tpu.memory_space<vmem>>
      %dma_wait3A_1612 = arith.constant 0 : i32
      %dma_wait3A_1613 = arith.constant 0 : i32
      %dma_wait3A_1614 = tpu.memref_slice %arg3[%dma_wait3A_1612, %dma_wait3A_1613] : memref<200000x64xf32, #tpu.memory_space<hbm>> -> memref<200000x64xf32, #tpu.memory_space<hbm>>
      tpu.wait_indirect_dma semaphore(%arg19 : memref<!tpu.dma_semaphore, #tpu.memory_space<semaphore_mem>>) src(%dma_wait3A_1614 : memref<200000x64xf32, #tpu.memory_space<hbm>>) dst(%dma_wait3A_1608 : memref<96x64xf32, #tpu.memory_space<vmem>>)
      %scan3A_1615 = arith.constant 0 : i32
      %scan3A_1616 = arith.constant 0 : i32
      %scan3A_1617 = arith.constant 50 : i32
      %scan3A_1618 = arith.addi %scan3A_1616, %scan3A_1617 : i32
      %scan3A_1619 = arith.constant 1 : i32
      scf.for %scan3A_1637 = %scan3A_1616 to %scan3A_1618 step %scan3A_1619  : i32 {
        %mul3A_1638 = arith.constant 4 : i32
        %mul3A_1639 = arith.muli %mul3A_1638, %scan3A_1637 : i32
        %add3A_1640 = arith.constant 0 : i32
        %add3A_1641 = arith.addi %mul3A_1639, %add3A_1640 : i32
        %get3A = arith.index_cast %add3A_1641 : i32 to index
        %get3A_1642 = arith.constant 0 : index
        %get3A_1643 = tpu.vector_load %arg15[%get3A, %get3A_1642] {strides = array<i32>} : memref<200x64xf32, #tpu.memory_space<vmem>>, vector<16xf32>,
        %swap3A_1644 = arith.index_cast %add3A_1641 : i32 to index
        %swap3A_1645 = arith.constant 0 : index
        %swap3A_1646 = tpu.vector_load %arg14[%swap3A_1644, %swap3A_1645] {strides = array<i32>} : memref<200x64xf32, #tpu.memory_space<vmem>>, vector<16xf32>,
        tpu.vector_store %arg14[%swap3A_1644, %swap3A_1645], %get3A_1643 {add = true, strides = array<i32>} : memref<200x64xf32, #tpu.memory_space<vmem>>, vector<16xf32>,
        %get3A_1647 = arith.index_cast %add3A_1641 : i32 to index
        %get3A_1648 = arith.constant 16 : index
        %get3A_1649 = tpu.vector_load %arg15[%get3A_1647, %get3A_1648] {strides = array<i32>} : memref<200x64xf32, #tpu.memory_space<vmem>>, vector<16xf32>,
        %swap3A_1650 = arith.index_cast %add3A_1641 : i32 to index
        %swap3A_1651 = arith.constant 16 : index
        %swap3A_1652 = tpu.vector_load %arg14[%swap3A_1650, %swap3A_1651] {strides = array<i32>} : memref<200x64xf32, #tpu.memory_space<vmem>>, vector<16xf32>,
        tpu.vector_store %arg14[%swap3A_1650, %swap3A_1651], %get3A_1649 {add = true, strides = array<i32>} : memref<200x64xf32, #tpu.memory_space<vmem>>, vector<16xf32>,
        %get3A_1653 = arith.index_cast %add3A_1641 : i32 to index
        %get3A_1654 = arith.constant 32 : index
        %get3A_1655 = tpu.vector_load %arg15[%get3A_1653, %get3A_1654] {strides = array<i32>} : memref<200x64xf32, #tpu.memory_space<vmem>>, vector<16xf32>,
        %swap3A_1656 = arith.index_cast %add3A_1641 : i32 to index
        %swap3A_1657 = arith.constant 32 : index
        %swap3A_1658 = tpu.vector_load %arg14[%swap3A_1656, %swap3A_1657] {strides = array<i32>} : memref<200x64xf32, #tpu.memory_space<vmem>>, vector<16xf32>,
        tpu.vector_store %arg14[%swap3A_1656, %swap3A_1657], %get3A_1655 {add = true, strides = array<i32>} : memref<200x64xf32, #tpu.memory_space<vmem>>, vector<16xf32>,
        %get3A_1659 = arith.index_cast %add3A_1641 : i32 to index
        %get3A_1660 = arith.constant 48 : index
        %get3A_1661 = tpu.vector_load %arg15[%get3A_1659, %get3A_1660] {strides = array<i32>} : memref<200x64xf32, #tpu.memory_space<vmem>>, vector<16xf32>,
        %swap3A_1662 = arith.index_cast %add3A_1641 : i32 to index
        %swap3A_1663 = arith.constant 48 : index
        %swap3A_1664 = tpu.vector_load %arg14[%swap3A_1662, %swap3A_1663] {strides = array<i32>} : memref<200x64xf32, #tpu.memory_space<vmem>>, vector<16xf32>,
        tpu.vector_store %arg14[%swap3A_1662, %swap3A_1663], %get3A_1661 {add = true, strides = array<i32>} : memref<200x64xf32, #tpu.memory_space<vmem>>, vector<16xf32>,
        %mul3A_1665 = arith.constant 4 : i32
        %mul3A_1666 = arith.muli %mul3A_1665, %scan3A_1637 : i32
        %add3A_1667 = arith.constant 1 : i32
        %add3A_1668 = arith.addi %mul3A_1666, %add3A_1667 : i32
        %get3A_1669 = arith.index_cast %add3A_1668 : i32 to index
        %get3A_1670 = arith.constant 0 : index
        %get3A_1671 = tpu.vector_load %arg15[%get3A_1669, %get3A_1670] {strides = array<i32>} : memref<200x64xf32, #tpu.memory_space<vmem>>, vector<16xf32>,
        %swap3A_1672 = arith.index_cast %add3A_1668 : i32 to index
        %swap3A_1673 = arith.constant 0 : index
        %swap3A_1674 = tpu.vector_load %arg14[%swap3A_1672, %swap3A_1673] {strides = array<i32>} : memref<200x64xf32, #tpu.memory_space<vmem>>, vector<16xf32>,
        tpu.vector_store %arg14[%swap3A_1672, %swap3A_1673], %get3A_1671 {add = true, strides = array<i32>} : memref<200x64xf32, #tpu.memory_space<vmem>>, vector<16xf32>,
        %get3A_1675 = arith.index_cast %add3A_1668 : i32 to index
        %get3A_1676 = arith.constant 16 : index
        %get3A_1677 = tpu.vector_load %arg15[%get3A_1675, %get3A_1676] {strides = array<i32>} : memref<200x64xf32, #tpu.memory_space<vmem>>, vector<16xf32>,
        %swap3A_1678 = arith.index_cast %add3A_1668 : i32 to index
        %swap3A_1679 = arith.constant 16 : index
        %swap3A_1680 = tpu.vector_load %arg14[%swap3A_1678, %swap3A_1679] {strides = array<i32>} : memref<200x64xf32, #tpu.memory_space<vmem>>, vector<16xf32>,
        tpu.vector_store %arg14[%swap3A_1678, %swap3A_1679], %get3A_1677 {add = true, strides = array<i32>} : memref<200x64xf32, #tpu.memory_space<vmem>>, vector<16xf32>,
        %get3A_1681 = arith.index_cast %add3A_1668 : i32 to index
        %get3A_1682 = arith.constant 32 : index
        %get3A_1683 = tpu.vector_load %arg15[%get3A_1681, %get3A_1682] {strides = array<i32>} : memref<200x64xf32, #tpu.memory_space<vmem>>, vector<16xf32>,
        %swap3A_1684 = arith.index_cast %add3A_1668 : i32 to index
        %swap3A_1685 = arith.constant 32 : index
        %swap3A_1686 = tpu.vector_load %arg14[%swap3A_1684, %swap3A_1685] {strides = array<i32>} : memref<200x64xf32, #tpu.memory_space<vmem>>, vector<16xf32>,
        tpu.vector_store %arg14[%swap3A_1684, %swap3A_1685], %get3A_1683 {add = true, strides = array<i32>} : memref<200x64xf32, #tpu.memory_space<vmem>>, vector<16xf32>,
        %get3A_1687 = arith.index_cast %add3A_1668 : i32 to index
        %get3A_1688 = arith.constant 48 : index
        %get3A_1689 = tpu.vector_load %arg15[%get3A_1687, %get3A_1688] {strides = array<i32>} : memref<200x64xf32, #tpu.memory_space<vmem>>, vector<16xf32>,
        %swap3A_1690 = arith.index_cast %add3A_1668 : i32 to index
        %swap3A_1691 = arith.constant 48 : index
        %swap3A_1692 = tpu.vector_load %arg14[%swap3A_1690, %swap3A_1691] {strides = array<i32>} : memref<200x64xf32, #tpu.memory_space<vmem>>, vector<16xf32>,
        tpu.vector_store %arg14[%swap3A_1690, %swap3A_1691], %get3A_1689 {add = true, strides = array<i32>} : memref<200x64xf32, #tpu.memory_space<vmem>>, vector<16xf32>,
        %mul3A_1693 = arith.constant 4 : i32
        %mul3A_1694 = arith.muli %mul3A_1693, %scan3A_1637 : i32
        %add3A_1695 = arith.constant 2 : i32
        %add3A_1696 = arith.addi %mul3A_1694, %add3A_1695 : i32
        %get3A_1697 = arith.index_cast %add3A_1696 : i32 to index
        %get3A_1698 = arith.constant 0 : index
        %get3A_1699 = tpu.vector_load %arg15[%get3A_1697, %get3A_1698] {strides = array<i32>} : memref<200x64xf32, #tpu.memory_space<vmem>>, vector<16xf32>,
        %swap3A_1700 = arith.index_cast %add3A_1696 : i32 to index
        %swap3A_1701 = arith.constant 0 : index
        %swap3A_1702 = tpu.vector_load %arg14[%swap3A_1700, %swap3A_1701] {strides = array<i32>} : memref<200x64xf32, #tpu.memory_space<vmem>>, vector<16xf32>,
        tpu.vector_store %arg14[%swap3A_1700, %swap3A_1701], %get3A_1699 {add = true, strides = array<i32>} : memref<200x64xf32, #tpu.memory_space<vmem>>, vector<16xf32>,
        %get3A_1703 = arith.index_cast %add3A_1696 : i32 to index
        %get3A_1704 = arith.constant 16 : index
        %get3A_1705 = tpu.vector_load %arg15[%get3A_1703, %get3A_1704] {strides = array<i32>} : memref<200x64xf32, #tpu.memory_space<vmem>>, vector<16xf32>,
        %swap3A_1706 = arith.index_cast %add3A_1696 : i32 to index
        %swap3A_1707 = arith.constant 16 : index
        %swap3A_1708 = tpu.vector_load %arg14[%swap3A_1706, %swap3A_1707] {strides = array<i32>} : memref<200x64xf32, #tpu.memory_space<vmem>>, vector<16xf32>,
        tpu.vector_store %arg14[%swap3A_1706, %swap3A_1707], %get3A_1705 {add = true, strides = array<i32>} : memref<200x64xf32, #tpu.memory_space<vmem>>, vector<16xf32>,
        %get3A_1709 = arith.index_cast %add3A_1696 : i32 to index
        %get3A_1710 = arith.constant 32 : index
        %get3A_1711 = tpu.vector_load %arg15[%get3A_1709, %get3A_1710] {strides = array<i32>} : memref<200x64xf32, #tpu.memory_space<vmem>>, vector<16xf32>,
        %swap3A_1712 = arith.index_cast %add3A_1696 : i32 to index
        %swap3A_1713 = arith.constant 32 : index
        %swap3A_1714 = tpu.vector_load %arg14[%swap3A_1712, %swap3A_1713] {strides = array<i32>} : memref<200x64xf32, #tpu.memory_space<vmem>>, vector<16xf32>,
        tpu.vector_store %arg14[%swap3A_1712, %swap3A_1713], %get3A_1711 {add = true, strides = array<i32>} : memref<200x64xf32, #tpu.memory_space<vmem>>, vector<16xf32>,
        %get3A_1715 = arith.index_cast %add3A_1696 : i32 to index
        %get3A_1716 = arith.constant 48 : index
        %get3A_1717 = tpu.vector_load %arg15[%get3A_1715, %get3A_1716] {strides = array<i32>} : memref<200x64xf32, #tpu.memory_space<vmem>>, vector<16xf32>,
        %swap3A_1718 = arith.index_cast %add3A_1696 : i32 to index
        %swap3A_1719 = arith.constant 48 : index
        %swap3A_1720 = tpu.vector_load %arg14[%swap3A_1718, %swap3A_1719] {strides = array<i32>} : memref<200x64xf32, #tpu.memory_space<vmem>>, vector<16xf32>,
        tpu.vector_store %arg14[%swap3A_1718, %swap3A_1719], %get3A_1717 {add = true, strides = array<i32>} : memref<200x64xf32, #tpu.memory_space<vmem>>, vector<16xf32>,
        %mul3A_1721 = arith.constant 4 : i32
        %mul3A_1722 = arith.muli %mul3A_1721, %scan3A_1637 : i32
        %add3A_1723 = arith.constant 3 : i32
        %add3A_1724 = arith.addi %mul3A_1722, %add3A_1723 : i32
        %get3A_1725 = arith.index_cast %add3A_1724 : i32 to index
        %get3A_1726 = arith.constant 0 : index
        %get3A_1727 = tpu.vector_load %arg15[%get3A_1725, %get3A_1726] {strides = array<i32>} : memref<200x64xf32, #tpu.memory_space<vmem>>, vector<16xf32>,
        %swap3A_1728 = arith.index_cast %add3A_1724 : i32 to index
        %swap3A_1729 = arith.constant 0 : index
        %swap3A_1730 = tpu.vector_load %arg14[%swap3A_1728, %swap3A_1729] {strides = array<i32>} : memref<200x64xf32, #tpu.memory_space<vmem>>, vector<16xf32>,
        tpu.vector_store %arg14[%swap3A_1728, %swap3A_1729], %get3A_1727 {add = true, strides = array<i32>} : memref<200x64xf32, #tpu.memory_space<vmem>>, vector<16xf32>,
        %get3A_1731 = arith.index_cast %add3A_1724 : i32 to index
        %get3A_1732 = arith.constant 16 : index
        %get3A_1733 = tpu.vector_load %arg15[%get3A_1731, %get3A_1732] {strides = array<i32>} : memref<200x64xf32, #tpu.memory_space<vmem>>, vector<16xf32>,
        %swap3A_1734 = arith.index_cast %add3A_1724 : i32 to index
        %swap3A_1735 = arith.constant 16 : index
        %swap3A_1736 = tpu.vector_load %arg14[%swap3A_1734, %swap3A_1735] {strides = array<i32>} : memref<200x64xf32, #tpu.memory_space<vmem>>, vector<16xf32>,
        tpu.vector_store %arg14[%swap3A_1734, %swap3A_1735], %get3A_1733 {add = true, strides = array<i32>} : memref<200x64xf32, #tpu.memory_space<vmem>>, vector<16xf32>,
        %get3A_1737 = arith.index_cast %add3A_1724 : i32 to index
        %get3A_1738 = arith.constant 32 : index
        %get3A_1739 = tpu.vector_load %arg15[%get3A_1737, %get3A_1738] {strides = array<i32>} : memref<200x64xf32, #tpu.memory_space<vmem>>, vector<16xf32>,
        %swap3A_1740 = arith.index_cast %add3A_1724 : i32 to index
        %swap3A_1741 = arith.constant 32 : index
        %swap3A_1742 = tpu.vector_load %arg14[%swap3A_1740, %swap3A_1741] {strides = array<i32>} : memref<200x64xf32, #tpu.memory_space<vmem>>, vector<16xf32>,
        tpu.vector_store %arg14[%swap3A_1740, %swap3A_1741], %get3A_1739 {add = true, strides = array<i32>} : memref<200x64xf32, #tpu.memory_space<vmem>>, vector<16xf32>,
        %get3A_1743 = arith.index_cast %add3A_1724 : i32 to index
        %get3A_1744 = arith.constant 48 : index
        %get3A_1745 = tpu.vector_load %arg15[%get3A_1743, %get3A_1744] {strides = array<i32>} : memref<200x64xf32, #tpu.memory_space<vmem>>, vector<16xf32>,
        %swap3A_1746 = arith.index_cast %add3A_1724 : i32 to index
        %swap3A_1747 = arith.constant 48 : index
        %swap3A_1748 = tpu.vector_load %arg14[%swap3A_1746, %swap3A_1747] {strides = array<i32>} : memref<200x64xf32, #tpu.memory_space<vmem>>, vector<16xf32>,
        tpu.vector_store %arg14[%swap3A_1746, %swap3A_1747], %get3A_1745 {add = true, strides = array<i32>} : memref<200x64xf32, #tpu.memory_space<vmem>>, vector<16xf32>,
      }
      %scan3A_1620 = arith.constant 50 : i32
      %add3A_1621 = arith.constant 3 : i32
      %add3A_1622 = arith.addi %mul3A_1472, %add3A_1621 : i32
      %add3A_1623 = arith.addi %mul3A_2, %add3A_1622 : i32
      %dma_start3A_1624 = arith.constant 0 : i32
      %dma_start3A_1625 = arith.constant 0 : i32
      %dma_start3A_1626 = tpu.memref_slice %arg5[%add3A_1623, %dma_start3A_1624, %dma_start3A_1625] : memref<4096x200x128xf32, #tpu.memory_space<hbm>> -> memref<1x200x64xf32, #tpu.memory_space<hbm>>
      %dma_start3A_1627 = tpu.memref_squeeze %dma_start3A_1626 : memref<1x200x64xf32, #tpu.memory_space<hbm>> -> memref<200x64xf32, #tpu.memory_space<hbm>>
      %dma_start3A_1628 = arith.constant 0 : i32
      %dma_start3A_1629 = arith.constant 0 : i32
      %dma_start3A_1630 = tpu.memref_slice %arg5[%add3A_1623, %dma_start3A_1628, %dma_start3A_1629] : memref<4096x200x128xf32, #tpu.memory_space<hbm>> -> memref<1x200x64xf32, #tpu.memory_space<hbm>>
      %dma_start3A_1631 = tpu.memref_squeeze %dma_start3A_1630 : memref<1x200x64xf32, #tpu.memory_space<hbm>> -> memref<200x64xf32, #tpu.memory_space<hbm>>
      tpu.enqueue_dma source(%arg14 : memref<200x64xf32, #tpu.memory_space<vmem>>) target(%dma_start3A_1631 : memref<200x64xf32, #tpu.memory_space<hbm>>) target_semaphore(%arg23 : memref<!tpu.dma_semaphore, #tpu.memory_space<semaphore_mem>>)
      %le3A_1632 = arith.constant 30 : i32
      %le3A_1633 = arith.cmpi sle, %scan3A_1470, %le3A_1632 : i32
      %convert_element_type3A_1634 = arith.extui %le3A_1633 : i1 to i32
      %cond3A_1635 = arith.constant 0 : i32
      %cond3A_1636 = arith.cmpi ne, %convert_element_type3A_1634, %cond3A_1635 : i32
      scf.if %cond3A_1636 {
        %add3A_1637 = arith.constant 3 : i32
        %add3A_1638 = arith.addi %mul3A_1472, %add3A_1637 : i32
        %sub3A = arith.constant 1 : i32
        %sub3A_1639 = arith.subi %add3A_1638, %sub3A : i32
        %add3A_1640 = arith.constant 3 : i32
        %add3A_1641 = arith.addi %mul3A_1472, %add3A_1640 : i32
        %sub3A_1642 = arith.constant 1 : i32
        %sub3A_1643 = arith.subi %add3A_1641, %sub3A_1642 : i32
        %add3A_1644 = arith.constant 4 : i32
        %add3A_1645 = arith.addi %sub3A_1643, %add3A_1644 : i32
        %add3A_1646 = arith.addi %mul3A_2, %sub3A_1639 : i32
        %dma_wait3A_1647 = arith.constant 0 : i32
        %dma_wait3A_1648 = arith.constant 0 : i32
        %dma_wait3A_1649 = tpu.memref_slice %arg5[%add3A_1646, %dma_wait3A_1647, %dma_wait3A_1648] : memref<4096x200x128xf32, #tpu.memory_space<hbm>> -> memref<1x200x64xf32, #tpu.memory_space<hbm>>
        %dma_wait3A_1650 = tpu.memref_squeeze %dma_wait3A_1649 : memref<1x200x64xf32, #tpu.memory_space<hbm>> -> memref<200x64xf32, #tpu.memory_space<hbm>>
        %dma_wait3A_1651 = arith.constant 0 : i32
        %dma_wait3A_1652 = arith.constant 0 : i32
        %dma_wait3A_1653 = tpu.memref_slice %arg5[%add3A_1646, %dma_wait3A_1651, %dma_wait3A_1652] : memref<4096x200x128xf32, #tpu.memory_space<hbm>> -> memref<1x200x64xf32, #tpu.memory_space<hbm>>
        %dma_wait3A_1654 = tpu.memref_squeeze %dma_wait3A_1653 : memref<1x200x64xf32, #tpu.memory_space<hbm>> -> memref<200x64xf32, #tpu.memory_space<hbm>>
        tpu.wait_dma2 semaphore(%arg22 : memref<!tpu.dma_semaphore, #tpu.memory_space<semaphore_mem>>) src(%arg13 : memref<200x64xf32, #tpu.memory_space<vmem>>) dst(%dma_wait3A_1654 : memref<200x64xf32, #tpu.memory_space<hbm>>)
        %mul3A_1655 = arith.constant 0 : i32
        %mul3A_1656 = vector.broadcast %mul3A_1655 : i32 to vector<16xi32>
        %mul3A_1657 = arith.muli %iota3A, %mul3A_1656 : vector<16xi32>
        %add3A_1658 = vector.broadcast %add3A_1645 : i32 to vector<16xi32>
        %add3A_1659 = arith.addi %mul3A_1657, %add3A_1658 : vector<16xi32>
        %add3A_1660 = arith.constant 0 : i32
        %add3A_1661 = vector.broadcast %add3A_1660 : i32 to vector<16xi32>
        %add3A_1662 = arith.addi %iota3A, %add3A_1661 : vector<16xi32>
        %gather3A_1663 = tpu.vector_load_idx %arg6[%add3A_1662, %add3A_1659] : memref<200x128xi32, #tpu.memory_space<vmem>>[vector<16xi32>, vector<16xi32>], vector<16xi32>,
        %mul3A_1664 = arith.constant 2 : i32
        %mul3A_1665 = vector.broadcast %mul3A_1664 : i32 to vector<16xi32>
        %mul3A_1666 = arith.muli %gather3A_1663, %mul3A_1665 : vector<16xi32>
        %swap3A_1667 = arith.constant 0 : i32
        %swap3A_1668 = arith.index_cast %swap3A_1667 : i32 to index
        %swap3A_1669 = arith.constant 0 : index
        %swap3A_1670 = tpu.vector_load %arg9[%swap3A_1668, %swap3A_1669] {strides = array<i32>} : memref<2x104xi32, #tpu.memory_space<vmem>>, vector<16xi32>,
        tpu.vector_store %arg9[%swap3A_1668, %swap3A_1669], %mul3A_1666 {strides = array<i32>} : memref<2x104xi32, #tpu.memory_space<vmem>>, vector<16xi32>,
        %add3A_1671 = arith.constant 16 : i32
        %add3A_1672 = vector.broadcast %add3A_1671 : i32 to vector<16xi32>
        %add3A_1673 = arith.addi %iota3A, %add3A_1672 : vector<16xi32>
        %gather3A_1674 = tpu.vector_load_idx %arg6[%add3A_1673, %add3A_1659] : memref<200x128xi32, #tpu.memory_space<vmem>>[vector<16xi32>, vector<16xi32>], vector<16xi32>,
        %mul3A_1675 = arith.constant 2 : i32
        %mul3A_1676 = vector.broadcast %mul3A_1675 : i32 to vector<16xi32>
        %mul3A_1677 = arith.muli %gather3A_1674, %mul3A_1676 : vector<16xi32>
        %swap3A_1678 = arith.constant 0 : i32
        %swap3A_1679 = arith.index_cast %swap3A_1678 : i32 to index
        %swap3A_1680 = arith.constant 16 : index
        %swap3A_1681 = tpu.vector_load %arg9[%swap3A_1679, %swap3A_1680] {strides = array<i32>} : memref<2x104xi32, #tpu.memory_space<vmem>>, vector<16xi32>,
        tpu.vector_store %arg9[%swap3A_1679, %swap3A_1680], %mul3A_1677 {strides = array<i32>} : memref<2x104xi32, #tpu.memory_space<vmem>>, vector<16xi32>,
        %add3A_1682 = arith.constant 32 : i32
        %add3A_1683 = vector.broadcast %add3A_1682 : i32 to vector<16xi32>
        %add3A_1684 = arith.addi %iota3A, %add3A_1683 : vector<16xi32>
        %gather3A_1685 = tpu.vector_load_idx %arg6[%add3A_1684, %add3A_1659] : memref<200x128xi32, #tpu.memory_space<vmem>>[vector<16xi32>, vector<16xi32>], vector<16xi32>,
        %mul3A_1686 = arith.constant 2 : i32
        %mul3A_1687 = vector.broadcast %mul3A_1686 : i32 to vector<16xi32>
        %mul3A_1688 = arith.muli %gather3A_1685, %mul3A_1687 : vector<16xi32>
        %swap3A_1689 = arith.constant 0 : i32
        %swap3A_1690 = arith.index_cast %swap3A_1689 : i32 to index
        %swap3A_1691 = arith.constant 32 : index
        %swap3A_1692 = tpu.vector_load %arg9[%swap3A_1690, %swap3A_1691] {strides = array<i32>} : memref<2x104xi32, #tpu.memory_space<vmem>>, vector<16xi32>,
        tpu.vector_store %arg9[%swap3A_1690, %swap3A_1691], %mul3A_1688 {strides = array<i32>} : memref<2x104xi32, #tpu.memory_space<vmem>>, vector<16xi32>,
        %add3A_1693 = arith.constant 48 : i32
        %add3A_1694 = vector.broadcast %add3A_1693 : i32 to vector<16xi32>
        %add3A_1695 = arith.addi %iota3A, %add3A_1694 : vector<16xi32>
        %gather3A_1696 = tpu.vector_load_idx %arg6[%add3A_1695, %add3A_1659] : memref<200x128xi32, #tpu.memory_space<vmem>>[vector<16xi32>, vector<16xi32>], vector<16xi32>,
        %mul3A_1697 = arith.constant 2 : i32
        %mul3A_1698 = vector.broadcast %mul3A_1697 : i32 to vector<16xi32>
        %mul3A_1699 = arith.muli %gather3A_1696, %mul3A_1698 : vector<16xi32>
        %swap3A_1700 = arith.constant 0 : i32
        %swap3A_1701 = arith.index_cast %swap3A_1700 : i32 to index
        %swap3A_1702 = arith.constant 48 : index
        %swap3A_1703 = tpu.vector_load %arg9[%swap3A_1701, %swap3A_1702] {strides = array<i32>} : memref<2x104xi32, #tpu.memory_space<vmem>>, vector<16xi32>,
        tpu.vector_store %arg9[%swap3A_1701, %swap3A_1702], %mul3A_1699 {strides = array<i32>} : memref<2x104xi32, #tpu.memory_space<vmem>>, vector<16xi32>,
        %add3A_1704 = arith.constant 64 : i32
        %add3A_1705 = vector.broadcast %add3A_1704 : i32 to vector<16xi32>
        %add3A_1706 = arith.addi %iota3A, %add3A_1705 : vector<16xi32>
        %gather3A_1707 = tpu.vector_load_idx %arg6[%add3A_1706, %add3A_1659] : memref<200x128xi32, #tpu.memory_space<vmem>>[vector<16xi32>, vector<16xi32>], vector<16xi32>,
        %mul3A_1708 = arith.constant 2 : i32
        %mul3A_1709 = vector.broadcast %mul3A_1708 : i32 to vector<16xi32>
        %mul3A_1710 = arith.muli %gather3A_1707, %mul3A_1709 : vector<16xi32>
        %swap3A_1711 = arith.constant 0 : i32
        %swap3A_1712 = arith.index_cast %swap3A_1711 : i32 to index
        %swap3A_1713 = arith.constant 64 : index
        %swap3A_1714 = tpu.vector_load %arg9[%swap3A_1712, %swap3A_1713] {strides = array<i32>} : memref<2x104xi32, #tpu.memory_space<vmem>>, vector<16xi32>,
        tpu.vector_store %arg9[%swap3A_1712, %swap3A_1713], %mul3A_1710 {strides = array<i32>} : memref<2x104xi32, #tpu.memory_space<vmem>>, vector<16xi32>,
        %add3A_1715 = arith.constant 80 : i32
        %add3A_1716 = vector.broadcast %add3A_1715 : i32 to vector<16xi32>
        %add3A_1717 = arith.addi %iota3A, %add3A_1716 : vector<16xi32>
        %gather3A_1718 = tpu.vector_load_idx %arg6[%add3A_1717, %add3A_1659] : memref<200x128xi32, #tpu.memory_space<vmem>>[vector<16xi32>, vector<16xi32>], vector<16xi32>,
        %mul3A_1719 = arith.constant 2 : i32
        %mul3A_1720 = vector.broadcast %mul3A_1719 : i32 to vector<16xi32>
        %mul3A_1721 = arith.muli %gather3A_1718, %mul3A_1720 : vector<16xi32>
        %swap3A_1722 = arith.constant 0 : i32
        %swap3A_1723 = arith.index_cast %swap3A_1722 : i32 to index
        %swap3A_1724 = arith.constant 80 : index
        %swap3A_1725 = tpu.vector_load %arg9[%swap3A_1723, %swap3A_1724] {strides = array<i32>} : memref<2x104xi32, #tpu.memory_space<vmem>>, vector<16xi32>,
        tpu.vector_store %arg9[%swap3A_1723, %swap3A_1724], %mul3A_1721 {strides = array<i32>} : memref<2x104xi32, #tpu.memory_space<vmem>>, vector<16xi32>,
        %add3A_1726 = arith.constant 88 : i32
        %add3A_1727 = vector.broadcast %add3A_1726 : i32 to vector<16xi32>
        %add3A_1728 = arith.addi %iota3A, %add3A_1727 : vector<16xi32>
        %gather3A_1729 = tpu.vector_load_idx %arg6[%add3A_1728, %add3A_1659] : memref<200x128xi32, #tpu.memory_space<vmem>>[vector<16xi32>, vector<16xi32>], vector<16xi32>,
        %mul3A_1730 = arith.constant 2 : i32
        %mul3A_1731 = vector.broadcast %mul3A_1730 : i32 to vector<16xi32>
        %mul3A_1732 = arith.muli %gather3A_1729, %mul3A_1731 : vector<16xi32>
        %swap3A_1733 = arith.constant 0 : i32
        %swap3A_1734 = arith.index_cast %swap3A_1733 : i32 to index
        %swap3A_1735 = arith.constant 88 : index
        %swap3A_1736 = tpu.vector_load %arg9[%swap3A_1734, %swap3A_1735] {strides = array<i32>} : memref<2x104xi32, #tpu.memory_space<vmem>>, vector<16xi32>,
        tpu.vector_store %arg9[%swap3A_1734, %swap3A_1735], %mul3A_1732 {strides = array<i32>} : memref<2x104xi32, #tpu.memory_space<vmem>>, vector<16xi32>,
        %add3A_1737 = arith.constant 104 : i32
        %add3A_1738 = vector.broadcast %add3A_1737 : i32 to vector<16xi32>
        %add3A_1739 = arith.addi %iota3A, %add3A_1738 : vector<16xi32>
        %gather3A_1740 = tpu.vector_load_idx %arg6[%add3A_1739, %add3A_1659] : memref<200x128xi32, #tpu.memory_space<vmem>>[vector<16xi32>, vector<16xi32>], vector<16xi32>,
        %mul3A_1741 = arith.constant 2 : i32
        %mul3A_1742 = vector.broadcast %mul3A_1741 : i32 to vector<16xi32>
        %mul3A_1743 = arith.muli %gather3A_1740, %mul3A_1742 : vector<16xi32>
        %swap3A_1744 = arith.constant 1 : i32
        %swap3A_1745 = arith.index_cast %swap3A_1744 : i32 to index
        %swap3A_1746 = arith.constant 0 : index
        %swap3A_1747 = tpu.vector_load %arg9[%swap3A_1745, %swap3A_1746] {strides = array<i32>} : memref<2x104xi32, #tpu.memory_space<vmem>>, vector<16xi32>,
        tpu.vector_store %arg9[%swap3A_1745, %swap3A_1746], %mul3A_1743 {strides = array<i32>} : memref<2x104xi32, #tpu.memory_space<vmem>>, vector<16xi32>,
        %add3A_1748 = arith.constant 120 : i32
        %add3A_1749 = vector.broadcast %add3A_1748 : i32 to vector<16xi32>
        %add3A_1750 = arith.addi %iota3A, %add3A_1749 : vector<16xi32>
        %gather3A_1751 = tpu.vector_load_idx %arg6[%add3A_1750, %add3A_1659] : memref<200x128xi32, #tpu.memory_space<vmem>>[vector<16xi32>, vector<16xi32>], vector<16xi32>,
        %mul3A_1752 = arith.constant 2 : i32
        %mul3A_1753 = vector.broadcast %mul3A_1752 : i32 to vector<16xi32>
        %mul3A_1754 = arith.muli %gather3A_1751, %mul3A_1753 : vector<16xi32>
        %swap3A_1755 = arith.constant 1 : i32
        %swap3A_1756 = arith.index_cast %swap3A_1755 : i32 to index
        %swap3A_1757 = arith.constant 16 : index
        %swap3A_1758 = tpu.vector_load %arg9[%swap3A_1756, %swap3A_1757] {strides = array<i32>} : memref<2x104xi32, #tpu.memory_space<vmem>>, vector<16xi32>,
        tpu.vector_store %arg9[%swap3A_1756, %swap3A_1757], %mul3A_1754 {strides = array<i32>} : memref<2x104xi32, #tpu.memory_space<vmem>>, vector<16xi32>,
        %add3A_1759 = arith.constant 136 : i32
        %add3A_1760 = vector.broadcast %add3A_1759 : i32 to vector<16xi32>
        %add3A_1761 = arith.addi %iota3A, %add3A_1760 : vector<16xi32>
        %gather3A_1762 = tpu.vector_load_idx %arg6[%add3A_1761, %add3A_1659] : memref<200x128xi32, #tpu.memory_space<vmem>>[vector<16xi32>, vector<16xi32>], vector<16xi32>,
        %mul3A_1763 = arith.constant 2 : i32
        %mul3A_1764 = vector.broadcast %mul3A_1763 : i32 to vector<16xi32>
        %mul3A_1765 = arith.muli %gather3A_1762, %mul3A_1764 : vector<16xi32>
        %swap3A_1766 = arith.constant 1 : i32
        %swap3A_1767 = arith.index_cast %swap3A_1766 : i32 to index
        %swap3A_1768 = arith.constant 32 : index
        %swap3A_1769 = tpu.vector_load %arg9[%swap3A_1767, %swap3A_1768] {strides = array<i32>} : memref<2x104xi32, #tpu.memory_space<vmem>>, vector<16xi32>,
        tpu.vector_store %arg9[%swap3A_1767, %swap3A_1768], %mul3A_1765 {strides = array<i32>} : memref<2x104xi32, #tpu.memory_space<vmem>>, vector<16xi32>,
        %add3A_1770 = arith.constant 152 : i32
        %add3A_1771 = vector.broadcast %add3A_1770 : i32 to vector<16xi32>
        %add3A_1772 = arith.addi %iota3A, %add3A_1771 : vector<16xi32>
        %gather3A_1773 = tpu.vector_load_idx %arg6[%add3A_1772, %add3A_1659] : memref<200x128xi32, #tpu.memory_space<vmem>>[vector<16xi32>, vector<16xi32>], vector<16xi32>,
        %mul3A_1774 = arith.constant 2 : i32
        %mul3A_1775 = vector.broadcast %mul3A_1774 : i32 to vector<16xi32>
        %mul3A_1776 = arith.muli %gather3A_1773, %mul3A_1775 : vector<16xi32>
        %swap3A_1777 = arith.constant 1 : i32
        %swap3A_1778 = arith.index_cast %swap3A_1777 : i32 to index
        %swap3A_1779 = arith.constant 48 : index
        %swap3A_1780 = tpu.vector_load %arg9[%swap3A_1778, %swap3A_1779] {strides = array<i32>} : memref<2x104xi32, #tpu.memory_space<vmem>>, vector<16xi32>,
        tpu.vector_store %arg9[%swap3A_1778, %swap3A_1779], %mul3A_1776 {strides = array<i32>} : memref<2x104xi32, #tpu.memory_space<vmem>>, vector<16xi32>,
        %add3A_1781 = arith.constant 168 : i32
        %add3A_1782 = vector.broadcast %add3A_1781 : i32 to vector<16xi32>
        %add3A_1783 = arith.addi %iota3A, %add3A_1782 : vector<16xi32>
        %gather3A_1784 = tpu.vector_load_idx %arg6[%add3A_1783, %add3A_1659] : memref<200x128xi32, #tpu.memory_space<vmem>>[vector<16xi32>, vector<16xi32>], vector<16xi32>,
        %mul3A_1785 = arith.constant 2 : i32
        %mul3A_1786 = vector.broadcast %mul3A_1785 : i32 to vector<16xi32>
        %mul3A_1787 = arith.muli %gather3A_1784, %mul3A_1786 : vector<16xi32>
        %swap3A_1788 = arith.constant 1 : i32
        %swap3A_1789 = arith.index_cast %swap3A_1788 : i32 to index
        %swap3A_1790 = arith.constant 64 : index
        %swap3A_1791 = tpu.vector_load %arg9[%swap3A_1789, %swap3A_1790] {strides = array<i32>} : memref<2x104xi32, #tpu.memory_space<vmem>>, vector<16xi32>,
        tpu.vector_store %arg9[%swap3A_1789, %swap3A_1790], %mul3A_1787 {strides = array<i32>} : memref<2x104xi32, #tpu.memory_space<vmem>>, vector<16xi32>,
        %add3A_1792 = arith.constant 184 : i32
        %add3A_1793 = vector.broadcast %add3A_1792 : i32 to vector<16xi32>
        %add3A_1794 = arith.addi %iota3A, %add3A_1793 : vector<16xi32>
        %gather3A_1795 = tpu.vector_load_idx %arg6[%add3A_1794, %add3A_1659] : memref<200x128xi32, #tpu.memory_space<vmem>>[vector<16xi32>, vector<16xi32>], vector<16xi32>,
        %mul3A_1796 = arith.constant 2 : i32
        %mul3A_1797 = vector.broadcast %mul3A_1796 : i32 to vector<16xi32>
        %mul3A_1798 = arith.muli %gather3A_1795, %mul3A_1797 : vector<16xi32>
        %swap3A_1799 = arith.constant 1 : i32
        %swap3A_1800 = arith.index_cast %swap3A_1799 : i32 to index
        %swap3A_1801 = arith.constant 80 : index
        %swap3A_1802 = tpu.vector_load %arg9[%swap3A_1800, %swap3A_1801] {strides = array<i32>} : memref<2x104xi32, #tpu.memory_space<vmem>>, vector<16xi32>,
        tpu.vector_store %arg9[%swap3A_1800, %swap3A_1801], %mul3A_1798 {strides = array<i32>} : memref<2x104xi32, #tpu.memory_space<vmem>>, vector<16xi32>,
        %dma_start3A_1803 = arith.constant 0 : i32
        %dma_start3A_1804 = arith.constant 0 : i32
        %dma_start3A_1805 = arith.constant 0 : i32
        %dma_start3A_1806 = tpu.memref_slice %arg13[%dma_start3A_1804, %dma_start3A_1805] : memref<200x64xf32, #tpu.memory_space<vmem>> -> memref<104x64xf32, #tpu.memory_space<vmem>>
        %dma_start3A_1807 = arith.constant 0 : i32
        %dma_start3A_1808 = tpu.memref_slice %arg9[%dma_start3A_1803, %dma_start3A_1807] : memref<2x104xi32, #tpu.memory_space<vmem>> -> memref<1x104xi32, #tpu.memory_space<vmem>>
        %dma_start3A_1809 = tpu.memref_squeeze %dma_start3A_1808 : memref<1x104xi32, #tpu.memory_space<vmem>> -> memref<104xi32, #tpu.memory_space<vmem>>
        %dma_start3A_1810 = arith.constant 0 : i32
        %dma_start3A_1811 = arith.constant 0 : i32
        %dma_start3A_1812 = tpu.memref_slice %arg3[%dma_start3A_1810, %dma_start3A_1811] : memref<200000x64xf32, #tpu.memory_space<hbm>> -> memref<200000x64xf32, #tpu.memory_space<hbm>>
        tpu.enqueue_indirect_dma source(%dma_start3A_1812 : memref<200000x64xf32, #tpu.memory_space<hbm>>) target(%dma_start3A_1806 : memref<104x64xf32, #tpu.memory_space<vmem>>) offsets(%dma_start3A_1809 : memref<104xi32, #tpu.memory_space<vmem>>) semaphore(%arg18 : memref<!tpu.dma_semaphore, #tpu.memory_space<semaphore_mem>>)
        %dma_start3A_1813 = arith.constant 1 : i32
        %dma_start3A_1814 = arith.constant 104 : i32
        %dma_start3A_1815 = arith.constant 0 : i32
        %dma_start3A_1816 = tpu.memref_slice %arg13[%dma_start3A_1814, %dma_start3A_1815] : memref<200x64xf32, #tpu.memory_space<vmem>> -> memref<96x64xf32, #tpu.memory_space<vmem>>
        %dma_start3A_1817 = arith.constant 0 : i32
        %dma_start3A_1818 = tpu.memref_slice %arg9[%dma_start3A_1813, %dma_start3A_1817] : memref<2x104xi32, #tpu.memory_space<vmem>> -> memref<1x96xi32, #tpu.memory_space<vmem>>
        %dma_start3A_1819 = tpu.memref_squeeze %dma_start3A_1818 : memref<1x96xi32, #tpu.memory_space<vmem>> -> memref<96xi32, #tpu.memory_space<vmem>>
        %dma_start3A_1820 = arith.constant 0 : i32
        %dma_start3A_1821 = arith.constant 0 : i32
        %dma_start3A_1822 = tpu.memref_slice %arg3[%dma_start3A_1820, %dma_start3A_1821] : memref<200000x64xf32, #tpu.memory_space<hbm>> -> memref<200000x64xf32, #tpu.memory_space<hbm>>
        tpu.enqueue_indirect_dma source(%dma_start3A_1822 : memref<200000x64xf32, #tpu.memory_space<hbm>>) target(%dma_start3A_1816 : memref<96x64xf32, #tpu.memory_space<vmem>>) offsets(%dma_start3A_1819 : memref<96xi32, #tpu.memory_space<vmem>>) semaphore(%arg18 : memref<!tpu.dma_semaphore, #tpu.memory_space<semaphore_mem>>)
      } else {
      }
    }
    %scan3A_1429 = arith.constant 32 : i32
    %add3A_1430 = arith.constant 124 : i32
    %add3A_1431 = arith.addi %mul3A_2, %add3A_1430 : i32
    %dma_wait3A_1432 = arith.constant 0 : i32
    %dma_wait3A_1433 = arith.constant 0 : i32
    %dma_wait3A_1434 = tpu.memref_slice %arg5[%add3A_1431, %dma_wait3A_1432, %dma_wait3A_1433] : memref<4096x200x128xf32, #tpu.memory_space<hbm>> -> memref<1x200x64xf32, #tpu.memory_space<hbm>>
    %dma_wait3A_1435 = tpu.memref_squeeze %dma_wait3A_1434 : memref<1x200x64xf32, #tpu.memory_space<hbm>> -> memref<200x64xf32, #tpu.memory_space<hbm>>
    %dma_wait3A_1436 = arith.constant 0 : i32
    %dma_wait3A_1437 = arith.constant 0 : i32
    %dma_wait3A_1438 = tpu.memref_slice %arg5[%add3A_1431, %dma_wait3A_1436, %dma_wait3A_1437] : memref<4096x200x128xf32, #tpu.memory_space<hbm>> -> memref<1x200x64xf32, #tpu.memory_space<hbm>>
    %dma_wait3A_1439 = tpu.memref_squeeze %dma_wait3A_1438 : memref<1x200x64xf32, #tpu.memory_space<hbm>> -> memref<200x64xf32, #tpu.memory_space<hbm>>
    tpu.wait_dma2 semaphore(%arg20 : memref<!tpu.dma_semaphore, #tpu.memory_space<semaphore_mem>>) src(%arg11 : memref<200x64xf32, #tpu.memory_space<vmem>>) dst(%dma_wait3A_1439 : memref<200x64xf32, #tpu.memory_space<hbm>>)
    %add3A_1440 = arith.constant 125 : i32
    %add3A_1441 = arith.addi %mul3A_2, %add3A_1440 : i32
    %dma_wait3A_1442 = arith.constant 0 : i32
    %dma_wait3A_1443 = arith.constant 0 : i32
    %dma_wait3A_1444 = tpu.memref_slice %arg5[%add3A_1441, %dma_wait3A_1442, %dma_wait3A_1443] : memref<4096x200x128xf32, #tpu.memory_space<hbm>> -> memref<1x200x64xf32, #tpu.memory_space<hbm>>
    %dma_wait3A_1445 = tpu.memref_squeeze %dma_wait3A_1444 : memref<1x200x64xf32, #tpu.memory_space<hbm>> -> memref<200x64xf32, #tpu.memory_space<hbm>>
    %dma_wait3A_1446 = arith.constant 0 : i32
    %dma_wait3A_1447 = arith.constant 0 : i32
    %dma_wait3A_1448 = tpu.memref_slice %arg5[%add3A_1441, %dma_wait3A_1446, %dma_wait3A_1447] : memref<4096x200x128xf32, #tpu.memory_space<hbm>> -> memref<1x200x64xf32, #tpu.memory_space<hbm>>
    %dma_wait3A_1449 = tpu.memref_squeeze %dma_wait3A_1448 : memref<1x200x64xf32, #tpu.memory_space<hbm>> -> memref<200x64xf32, #tpu.memory_space<hbm>>
    tpu.wait_dma2 semaphore(%arg21 : memref<!tpu.dma_semaphore, #tpu.memory_space<semaphore_mem>>) src(%arg12 : memref<200x64xf32, #tpu.memory_space<vmem>>) dst(%dma_wait3A_1449 : memref<200x64xf32, #tpu.memory_space<hbm>>)
    %add3A_1450 = arith.constant 126 : i32
    %add3A_1451 = arith.addi %mul3A_2, %add3A_1450 : i32
    %dma_wait3A_1452 = arith.constant 0 : i32
    %dma_wait3A_1453 = arith.constant 0 : i32
    %dma_wait3A_1454 = tpu.memref_slice %arg5[%add3A_1451, %dma_wait3A_1452, %dma_wait3A_1453] : memref<4096x200x128xf32, #tpu.memory_space<hbm>> -> memref<1x200x64xf32, #tpu.memory_space<hbm>>
    %dma_wait3A_1455 = tpu.memref_squeeze %dma_wait3A_1454 : memref<1x200x64xf32, #tpu.memory_space<hbm>> -> memref<200x64xf32, #tpu.memory_space<hbm>>
    %dma_wait3A_1456 = arith.constant 0 : i32
    %dma_wait3A_1457 = arith.constant 0 : i32
    %dma_wait3A_1458 = tpu.memref_slice %arg5[%add3A_1451, %dma_wait3A_1456, %dma_wait3A_1457] : memref<4096x200x128xf32, #tpu.memory_space<hbm>> -> memref<1x200x64xf32, #tpu.memory_space<hbm>>
    %dma_wait3A_1459 = tpu.memref_squeeze %dma_wait3A_1458 : memref<1x200x64xf32, #tpu.memory_space<hbm>> -> memref<200x64xf32, #tpu.memory_space<hbm>>
    tpu.wait_dma2 semaphore(%arg22 : memref<!tpu.dma_semaphore, #tpu.memory_space<semaphore_mem>>) src(%arg13 : memref<200x64xf32, #tpu.memory_space<vmem>>) dst(%dma_wait3A_1459 : memref<200x64xf32, #tpu.memory_space<hbm>>)
    %add3A_1460 = arith.constant 127 : i32
    %add3A_1461 = arith.addi %mul3A_2, %add3A_1460 : i32
    %dma_wait3A_1462 = arith.constant 0 : i32
    %dma_wait3A_1463 = arith.constant 0 : i32
    %dma_wait3A_1464 = tpu.memref_slice %arg5[%add3A_1461, %dma_wait3A_1462, %dma_wait3A_1463] : memref<4096x200x128xf32, #tpu.memory_space<hbm>> -> memref<1x200x64xf32, #tpu.memory_space<hbm>>
    %dma_wait3A_1465 = tpu.memref_squeeze %dma_wait3A_1464 : memref<1x200x64xf32, #tpu.memory_space<hbm>> -> memref<200x64xf32, #tpu.memory_space<hbm>>
    %dma_wait3A_1466 = arith.constant 0 : i32
    %dma_wait3A_1467 = arith.constant 0 : i32
    %dma_wait3A_1468 = tpu.memref_slice %arg5[%add3A_1461, %dma_wait3A_1466, %dma_wait3A_1467] : memref<4096x200x128xf32, #tpu.memory_space<hbm>> -> memref<1x200x64xf32, #tpu.memory_space<hbm>>
    %dma_wait3A_1469 = tpu.memref_squeeze %dma_wait3A_1468 : memref<1x200x64xf32, #tpu.memory_space<hbm>> -> memref<200x64xf32, #tpu.memory_space<hbm>>
    tpu.wait_dma2 semaphore(%arg23 : memref<!tpu.dma_semaphore, #tpu.memory_space<semaphore_mem>>) src(%arg14 : memref<200x64xf32, #tpu.memory_space<vmem>>) dst(%dma_wait3A_1469 : memref<200x64xf32, #tpu.memory_space<hbm>>)
    return
  }
}

module attributes {stable_mosaic.version = 14 : i64} {
  func.func @_scale_body(%arg0: i32, %arg1: memref<64x4096xf32, #tpu.memory_space<vmem>>, %arg2: memref<4096x128xf32, #tpu.memory_space<vmem>>) attributes {dimension_semantics = [#tpu.dimension_semantics<arbitrary>], iteration_bounds = array<i64: 25>, scalar_prefetch = 0 : i64, scratch_operands = 0 : i64, tpu.core_type = #tpu.core_type<tc>, window_params = [{transform_indices = @transform_0, window_bounds = array<i64: 64, 4096>}, {transform_indices = @transform_1, window_bounds = array<i64: 4096, 128>}]} {
    %get3A = arith.constant 0 : index
    %get3A_0 = arith.constant 0 : index
    %get3A_1 = vector.load %arg1[%get3A, %get3A_0] : memref<64x4096xf32, #tpu.memory_space<vmem>>, vector<64x4096xf32>
    %transpose3A = tpu.transpose %get3A_1, [1, 0] : vector<64x4096xf32> -> vector<4096x64xf32>
    %mul3A = arith.constant 8.000000e+00 : f32
    %mul3A_2 = vector.broadcast %mul3A : f32 to vector<4096x64xf32>
    %mul3A_3 = arith.mulf %transpose3A, %mul3A_2 : vector<4096x64xf32>
    %broadcast_in_dim3A = arith.constant 0.000000e+00 : f32
    %broadcast_in_dim3A_4 = vector.broadcast %broadcast_in_dim3A : f32 to vector<4096x64xf32>
    %concatenate3A = tpu.concatenate %mul3A_3, %broadcast_in_dim3A_4 in 1 : vector<4096x64xf32>, vector<4096x64xf32> -> vector<4096x128xf32>
    %swap3A = arith.constant 0 : index
    %swap3A_5 = arith.constant 0 : index
    %swap3A_6 = vector.load %arg2[%swap3A, %swap3A_5] : memref<4096x128xf32, #tpu.memory_space<vmem>>, vector<4096x128xf32>
    tpu.vector_store %arg2[%swap3A, %swap3A_5], %concatenate3A {strides = array<i32>} : memref<4096x128xf32, #tpu.memory_space<vmem>>, vector<4096x128xf32>,
    return
  }
  func.func @transform_0(%arg0: i32) -> (i32, i32) {
    %c0_i32 = arith.constant 0 : i32
    %c0_i32_0 = arith.constant 0 : i32
    return %c0_i32, %arg0 : i32, i32
  }
  func.func @transform_1(%arg0: i32) -> (i32, i32) {
    %c0_i32 = arith.constant 0 : i32
    %c0_i32_0 = arith.constant 0 : i32
    return %arg0, %c0_i32 : i32, i32
  }
}

</mosaic_0001>

<sc_bundles>
// kernel: kernel.4.cloned.1.call-start
scs
__scs_entry_jumppad:
0x0: {  	(pc) =	sbr.rel $0x88, $3  }
0x1: {  	(tag) =	ssettag $0x0;
	lr =	simm.s32 $0x1  }
0x2: {  	[smem:$0x3F9F] =	sst lr;
	_ =	strace $0xD0000000  }
0x3: {  	_ = 	snop  }
0x4: {  	_ = 	snop  }
0x5: {  	_ = 	snop  }
0x6: {  	_ = 	snop  }
0x7: {  	_ = 	snop  }
__scs_overlays_trampoline_lowered:
0x8: {  	[smem:$0x3FAE] =	sst s0  }
0x9: {  	[smem:$0x3FAF] =	sst s1  }
0xa: {  	[smem:$0x3FB0] =	sst s2  }
0xb: {  	[smem:$0x3FB1] =	sst s3  }
0xc: {  	[smem:$0x3FB2] =	sst s4  }
0xd: {  	[smem:$0x3FB3] =	sst s5  }
0xe: {  	[smem:$0x3FB4] =	sst s6  }
0xf: {  	[smem:$0x3FB5] =	sst s7  }
0x10: {  	[smem:$0x3FB6] =	sst s8  }
0x11: {  	[smem:$0x3FB7] =	sst s9;
	s0 =	simm.s32 @!p0 $0x0  }
0x12: {  	s1 =	sld [smem:$0x3F9D];
	s0 =	simm.s32 @p0 $0x1  }
0x13: {  	[smem:$0x3FB8] =	sst s0;
	s0 =	simm.s32 @!p1 $0x0  }
0x14: {  	s2 =	sld [smem:$0x3F9C];
	s0 =	simm.s32 @p1 $0x1  }
0x15: {  	[smem:$0x3FB9] =	sst s0;
	s0 =	simm.s32 @!p2 $0x0  }
0x16: {  	s3 =	sld [smem:$0x3FDB];
	s0 =	simm.s32 @p2 $0x1  }
0x17: {  	s4 =	simm.s32 $0x1BF5;
	[smem:$0x3FBB] =	sst s0  }
0x18: {  	s0 =	sld [smem:$0x3F9E];
	_ =	swait.ge [sflag:s4], $0x0  }
0x19: {  	s7 =	sld [smem:$0x3F9F]  }
0x1a: {  	s8 =	sadd.s32 $0xFFFFE003, lr  }
0x1b: {  	s9 =	sadd.s32 $0xFFFFFEF7, lr;
	s5 =	simm.s32 $0xFFFFFFFF;
	p2 =	slt.u32 s8, $0xFFFFF086  }
0x1c: {  	p1 =	slt.u32 s9, $0xF7A;
	s5 =	simm.s32 @!p2 $0x0  }
0x1d: {  	s5 =	simm.s32 @p1 $0x1;
	p0 =	seq.s32 s7, s2  }
0x1e: {  	s7 =	smul.u32 @!p0 $0xF7A, s2;
	p2 =	seq.s32 @!p0 s5, $0x0  }
0x1f: {  	s9 =	smul.u32 $0xF7A, s1;
	s8 =	simm.s32 @!p0 $0x1BF5;
	p2 =	por !p2, p0  }
0x20: {  	[sflag:s8] =	ssyncset.s32 @!p0 $0xFFFFF086;
	s6 =	sadd.s32 @!p0 s3, s7;
	s7 =	simm.s32 @!p0 $0x108  }
0x21: {  	s3 =	sadd.s32 s3, s9;
	s6 =	sadd.s32 @!p0 $0x88, s6;
	s7 =	simm.s32 @p2 $0x1082  }
0x22: {  	[simem:s7], [sflag:s8] =	dma.local @!p0 [hbm:s6], $0xF7A  }
0x23: {  	s9 =	sor.u32 $0xD0000000, s2;
	s6 =	simm.s32 $0x108;
	_ =	swait.ge @!p0 [sflag:s8], $0x0  }
0x24: {  	s3 =	sadd.s32 $0x88, s3;
	s6 =	simm.s32 @!p1 $0x1082;
	[sflag:s4] =	ssyncset.s32 $0xFFFFF086  }
0x25: {  	[simem:s6], [sflag:s4] =	dma.local [hbm:s3], $0xF7A  }
0x26: {  	[smem:$0x3F9F] =	sst s1;
	(tag) =	ssettag s2;
	_ =	strace s9  }
0x27: {  	s1 =	sld [smem:$0x3FAF]  }
0x28: {  	s2 =	sld [smem:$0x3FB0]  }
0x29: {  	s4 =	sld [smem:$0x3FB2]  }
0x2a: {  	p0 =	seq.s32 s5, $0x0;
	s5 =	sld [smem:$0x3FB3]  }
0x2b: {  	s6 =	sld [smem:$0x3FB4]  }
0x2c: {  	s7 =	sld [smem:$0x3FB5]  }
0x2d: {  	s3 =	simm.s32 $0x108;
	s8 =	sld [smem:$0x3FB6]  }
0x2e: {  	s3 =	simm.s32 @!p0 $0x1082;
	s9 =	sld [smem:$0x3FB7]  }
0x2f: {  	lr =	sadd.s32 s0, s3;
	s0 =	sld [smem:$0x3FAE]  }
0x30: {  	s3 =	sld [smem:$0x3FB1]  }
0x31: {  	[smem:$0x3FBA] =	sst s10  }
0x32: {  	s10 =	sld [smem:$0x3FB8];
	_ =	sdelay $0x3  }
0x33: {  	p0 =	seq.s32 s10, $0x1;
	s10 =	sld [smem:$0x3FBA];
	_ =	sdelay $0x3  }
0x34: {  	[smem:$0x3FBA] =	sst s10  }
0x35: {  	s10 =	sld [smem:$0x3FB9];
	_ =	sdelay $0x3  }
0x36: {  	p1 =	seq.s32 s10, $0x1;
	s10 =	sld [smem:$0x3FBA];
	_ =	sdelay $0x3  }
0x37: {  	[smem:$0x3FBA] =	sst s10  }
0x38: {  	s10 =	sld [smem:$0x3FBB]  }
0x39: {  	_ = 	snop;
	(pc) =	sbr.ind lr, $3  }
0x3a: {  	_ = 	snop  }
0x3b: {  	_ = 	snop  }
0x3c: {  	p2 =	seq.s32 s10, $0x1;
	s10 =	sld [smem:$0x3FBA]  }
0x3d: {  	_ =	shalt  }
0x3e: {  	_ =	shalt  }
0x3f: {  	_ =	shalt  }
0x40: {  	_ =	shalt  }
0x41: {  	_ =	shalt  }
0x42: {  	_ =	shalt  }
0x43: {  	_ =	shalt  }
0x44: {  	_ =	shalt  }
0x45: {  	_ =	shalt  }
0x46: {  	_ =	shalt  }
0x47: {  	_ =	shalt  }
0x48: {  	_ =	shalt  }
0x49: {  	_ =	shalt  }
0x4a: {  	_ =	shalt  }
0x4b: {  	_ =	shalt  }
0x4c: {  	_ =	shalt  }
0x4d: {  	_ =	shalt  }
0x4e: {  	_ =	shalt  }
0x4f: {  	_ =	shalt  }
0x50: {  	_ =	shalt  }
0x51: {  	_ =	shalt  }
0x52: {  	_ =	shalt  }
0x53: {  	_ =	shalt  }
0x54: {  	_ =	shalt  }
0x55: {  	_ =	shalt  }
0x56: {  	_ =	shalt  }
0x57: {  	_ =	shalt  }
0x58: {  	_ =	shalt  }
0x59: {  	_ =	shalt  }
0x5a: {  	_ =	shalt  }
0x5b: {  	_ =	shalt  }
0x5c: {  	_ =	shalt  }
0x5d: {  	_ =	shalt  }
0x5e: {  	_ =	shalt  }
0x5f: {  	_ =	shalt  }
0x60: {  	_ =	shalt  }
0x61: {  	_ =	shalt  }
0x62: {  	_ =	shalt  }
0x63: {  	_ =	shalt  }
0x64: {  	_ =	shalt  }
0x65: {  	_ =	shalt  }
0x66: {  	_ =	shalt  }
0x67: {  	_ =	shalt  }
0x68: {  	_ =	shalt  }
0x69: {  	_ =	shalt  }
0x6a: {  	_ =	shalt  }
0x6b: {  	_ =	shalt  }
0x6c: {  	_ =	shalt  }
0x6d: {  	_ =	shalt  }
0x6e: {  	_ =	shalt  }
0x6f: {  	_ =	shalt  }
0x70: {  	_ =	shalt  }
0x71: {  	_ =	shalt  }
0x72: {  	_ =	shalt  }
0x73: {  	_ =	shalt  }
0x74: {  	_ =	shalt  }
0x75: {  	_ =	shalt  }
0x76: {  	_ =	shalt  }
0x77: {  	_ =	shalt  }
0x78: {  	_ =	shalt  }
0x79: {  	_ =	shalt  }
0x7a: {  	_ =	shalt  }
0x7b: {  	_ =	shalt  }
0x7c: {  	_ =	shalt  }
0x7d: {  	_ =	shalt  }
0x7e: {  	_ =	shalt  }
0x7f: {  	_ =	shalt  }
0x80: {  	_ =	shalt  }
0x81: {  	_ =	shalt  }
0x82: {  	_ =	shalt  }
0x83: {  	_ =	shalt  }
0x84: {  	_ =	shalt  }
0x85: {  	_ =	shalt  }
0x86: {  	_ =	shalt  }
0x87: {  	_ =	shalt  }
.Lfunc_end0:
.L_simem_size_0:
called_computation.1_lowered:
.L_overlay_start_0:
0x88: {  	s2 =	sld [smem:$0x3FD9]  }
0x89: {  	s3 =	sld [smem:$0x3FFE];
	_ =	sdelay $0x1  }
0x8a: {  	s1 =	srdreg.scid  }
0x8b: {  	s0 =	sand.u32 $0x1, s1  }
0x8c: {  	s17 =	sshll.u32 s0, $0xA;
	s2 =	sadd.s32 s3, s2  }
0x8d: {  	s2 =	sadd.s32 s2, s17  }
0x8e: {  	[smem:$0x3FC6] =	sst s2  }
0x8f: {  	_ = 	snop  }
0x90: {  	s2 =	sld [smem:$0x3FC9]  }
0x91: {  	s18 =	sld [smem:$0x3FD0];
	(tm) =	ssettm $0x1  }
0x92: {  	s4 =	sld [smem:$0x3FFB];
	_ =	sdelay $0x3  }
0x93: {  	_ =	strace s4  }
0x94: {  	s4 =	sld [smem:$0x3FFC];
	_ =	sdelay $0x3  }
0x95: {  	_ =	strace s4  }
0x96: {  	s4 =	sld [smem:$0x3FFD];
	_ =	sdelay $0x3  }
0x97: {  	_ =	strace s4  }
0x98: {  	_ =	strace $0x8FFFFFFF  }
0x99: {  	s19 =	sld [smem:$0x3FDB];
	_ =	sdelay $0x1  }
0x9a: {  	s5 =	simm.s32 $_scs_section_size  }
0x9b: {  	s6 =	simm.s32 $_size__tile_overlayer_lowered;
	s7 =	simm.s32 $_tile_overlayer_lowered  }
0x9c: {  	s22 =	simm.s32 $0x1BFF;
	s21 =	sshll.u32 s7, $0x1;
	s4 =	sadd.s32 s5, s19  }
0x9d: {  	s8 =	simm.s32 $0x0;
	s20 =	sshll.u32 s6, $0x1;
	s6 =	sadd.s32 s21, s4  }
0x9e: {  	[timem:s8], [sflag:s22] =	dma.local [hbm:s6], s20  }
0x9f: {  	_ =	swait.ge [sflag:s22], s20  }
0xa0: {  	s5 =	ssub.s32 $0x0, s20;
	[sflag:s22] =	ssyncset.done $0x0  }
0xa1: {  	[sflag:s22] =	ssyncadd.s32 s5;
	_ =	sdelay $0x1  }
0xa2: {  	s23 =	simm.s32 $0x1B8B  }
0xa3: {  	_ =	swait.ge [sflag:s23], $0x1  }
0xa4: {  	[sflag:s23] =	ssyncset.done $0x0  }
0xa5: {  	s25 =	simm.s32 $0x1B8E;
	s24 =	sld [smem:$0x3FFE];
	[sflag:s23] =	ssyncadd.s32 $0xFFFFFFFF  }
0xa6: {  	s26 =	simm.s32 $execute0_lowered;
	[smem:$0x3FD2] =	sst s25  }
0xa7: {  	s6 =	sshll.u32 s26, $0x1;
	_ =	strace $0x80000046;
	[dreg:$0x1] =	wrdreg $0xFFFFFFFF  }
0xa8: {  	s28 =	simm.s32 $_size_execute0_lowered;
	s4 =	sadd.s32 s4, s6;
	[dreg:$0x0] =	wrdreg $0x0  }
0xa9: {  	s6 =	sshll.u32 s28, $0x1;
	[dreg:$0x2] =	wrdreg s4  }
0xaa: {  	[dreg:$0x3] =	wrdreg s6  }
0xab: {  	[dreg:$0x4] =	wrdreg $0xC0  }
0xac: {  	_ =	task [dreg:s8], $0x5FFFF  }
0xad: {  	[dreg:$0x1] =	wrdreg $0xFFFFFFFF  }
0xae: {  	[dreg:$0x0] =	wrdreg $0x60  }
0xaf: {  	[dreg:$0x2] =	wrdreg s2  }
0xb0: {  	[dreg:$0x3] =	wrdreg s18  }
0xb1: {  	[dreg:$0x4] =	wrdreg s24  }
0xb2: {  	[dreg:$0x5] =	wrdreg $0x9  }
0xb3: {  	_ =	task.clear_ibuf [dreg:s8], $0x6FFFF;
	_ =	strace $0x90000046  }
0xb4: {  	s29 =	simm.s32 $0x9;
	_ =	strace $0x80000048  }
0xb5: {  	_ =	swait.ge [sflag:s29], $0x1  }
0xb6: {  	[sflag:s29] =	ssyncadd.s32 $0xFFFFFFFF  }
0xb7: {  	_ =	strace $0x90000048  }
0xb8: {  	_ =	sfence  }
0xb9: {  	s30 =	sld [smem:$0x0];
	_ =	sdelay $0x2  }
0xba: {  	s31 =	sshll.u32 s1, $0xD;
	s1 =	sshrl.u32 s1, $0x2  }
0xbb: {  	s3 =	sand.u32 $0x4000, s31;
	s1 =	sadd.s32 s1, s30  }
0xbc: {  	s0 =	sor.u32 s3, s0;
	s1 =	sshll.u32 s1, $0x11  }
0xbd: {  	s0 =	sor.u32 s1, s0  }
0xbe: {  	s0 =	sadd.s32 $0x8F2B, s0  }
0xbf: {  	[sflag:s0] =	ssyncadd.remote.s32 $0x1  }
0xc0: {  	_ =	sfence.sel $0xFFFF  }
0xc1: {  	[dreg:$0x0] =	wrdreg $0xFFFFFFFF;
	(pc) =	sbr.abs _section_cstart, $3  }
0xc2: {  	[dreg:$0x1] =	wrdreg $0xFFFFFFFF  }
0xc3: {  	_ =	task.clear_ibuf [dreg:s8], $0x2FFFF;
	_ =	strace $0x9FFFFFFF  }
0xc4: {  	(tm) =	ssettm $0x7FFFFFFF  }
0xc5: {  	_ =	shalt  }
tec
execute0_lowered:
.L_overlay_start_1:
0x0: {  	(tag) =	ssettag $0x1  }
0x1: {  	s0 =	rddreg [dreg:$0x0]  }
0x2: {  	s1 =	rddreg [dreg:$0x1]  }
0x3: {  	s2 =	rddreg [dreg:$0x2];
	s4 =	srdreg.scid  }
0x4: {  	s3 =	simm.s32 $0x0;
	s5 =	stileid.u32;
	s4 =	sand.u32 $0x1, s4  }
0x5: {  	[smem:$0x7FF] =	sst s3;
	s5 =	sshll.u32 s5, $0x8;
	s6 =	sshll.u32 s4, $0x7  }
0x6: {  	s20 =	sadd.s32 $0x800, s2;
	s8 =	ssub.s32 $0x2, s4;
	s4 =	sor.u32 s6, s5  }
0x7: {  	_ =	strace $0x80000047;
	[dreg:$0x4] =	wrdreg s20;
	s6 =	sadd.s32 s0, s4  }
0x8: {  	s23 =	sadd.s32 $0x1000, s6;
	[dreg:$0x5] =	wrdreg s6  }
0x9: {  	s24 =	sadd.s32 $0x2000, s6;
	[dreg:$0x6] =	wrdreg s23  }
0xa: {  	s25 =	sadd.s32 $0x3000, s6;
	[dreg:$0x7] =	wrdreg s24  }
0xb: {  	s26 =	sadd.s32 $0x4000, s6;
	[dreg:$0x8] =	wrdreg s25  }
0xc: {  	s21 =	sshrl.u32 s8, $0x1;
	s5 =	sadd.s32 $0x5000, s6;
	[dreg:$0x9] =	wrdreg s26  }
0xd: {  	s22 =	ssub.s32 s8, s21;
	s8 =	sadd.s32 $0x6000, s6;
	[dreg:$0xa] =	wrdreg s5  }
0xe: {  	s9 =	sadd.s32 $0x7000, s6;
	[dreg:$0xb] =	wrdreg s8  }
0xf: {  	s10 =	sadd.s32 $0x8000, s6;
	[dreg:$0xc] =	wrdreg s9  }
0x10: {  	s11 =	sadd.s32 $0x9000, s6;
	[dreg:$0xd] =	wrdreg s10  }
0x11: {  	s12 =	sadd.s32 $0xA000, s6;
	[dreg:$0xe] =	wrdreg s11  }
0x12: {  	s13 =	sadd.s32 $0xB000, s6;
	[dreg:$0xf] =	wrdreg s12  }
0x13: {  	v0 =	vlaneseq.u32;
	s14 =	sadd.s32 $0xC000, s6;
	[dreg:$0x10] =	wrdreg s13  }
0x14: {  	v0 =	vmul.u32 $0x80, v0;
	s15 =	sadd.s32 $0xD000, s6;
	[dreg:$0x11] =	wrdreg s14  }
0x15: {  	s16 =	sadd.s32 $0xE000, s6;
	[dreg:$0x12] =	wrdreg s15  }
0x16: {  	v1 =	vor.u32 $0x800, v0;
	v2 =	vor.u32 $0x1000, v0;
	v3 =	vor.u32 $0x1800, v0;
	s17 =	sadd.s32 $0xF000, s6;
	[dreg:$0x13] =	wrdreg s16  }
0x17: {  	v4 =	vor.u32 $0x2000, v0;
	v5 =	vor.u32 $0x2800, v0;
	v6 =	vadd.s32 $0x2C00, v0;
	s18 =	sadd.s32 $0x10000, s6;
	[dreg:$0x14] =	wrdreg s17  }
0x18: {  	v7 =	vadd.s32 $0x3400, v0;
	v8 =	vadd.s32 $0x3C00, v0;
	v9 =	vadd.s32 $0x4400, v0;
	s19 =	sadd.s32 $0x11000, s6;
	[dreg:$0x15] =	wrdreg s18  }
0x19: {  	s28 =	simm.s32 $0x80;
	v10 =	vadd.s32 $0x4C00, v0;
	v11 =	vadd.s32 $0x5400, v0;
	v12 =	vadd.s32 $0x5C00, v0;
	s0 =	smax.u32 s22, $0x1;
	[dreg:$0x16] =	wrdreg s19  }
0x1a: {  	s29 =	simm.s32 $0x2;
	v13 =	vor.u32 $0x1, v0;
	v16 =	vor.u32 $0x1801, v0;
	v17 =	vor.u32 $0x2001, v0;
	s20 =	sadd.s32 $0x12000, s6;
	[dreg:$0x17] =	wrdreg s0  }
0x1b: {  	s30 =	simm.s32 $0x3;
	v18 =	vor.u32 $0x2801, v0;
	v19 =	vadd.s32 $0x2C01, v0;
	v20 =	vadd.s32 $0x3401, v0;
	s21 =	sadd.s32 $0x13000, s6;
	[dreg:$0x18] =	wrdreg s20  }
0x1c: {  	s31 =	simm.s32 $0x4;
	v21 =	vadd.s32 $0x3C01, v0;
	v22 =	vadd.s32 $0x4401, v0;
	v23 =	vadd.s32 $0x4C01, v0;
	s22 =	sadd.s32 $0x14000, s6;
	[dreg:$0x19] =	wrdreg s21  }
0x1d: {  	s7 =	sadd.s32 $0x1000, s2;
	s2 =	simm.s32 $0x6;
	v24 =	vadd.s32 $0x5401, v0;
	v25 =	vadd.s32 $0x5C01, v0;
	v26 =	vor.u32 $0x2, v0;
	[dreg:$0x1a] =	wrdreg s22  }
0x1e: {  	v27 =	vor.u32 $0x802, v0;
	v28 =	vor.u32 $0x1002, v0;
	v29 =	vor.u32 $0x1802, v0;
	s23 =	sadd.s32 $0x15000, s6;
	s24 =	sadd.s32 $0x16000, s6;
	s25 =	sadd.s32 $0x17000, s6  }
0x1f: {  	v30 =	vor.u32 $0x2002, v0;
	v31 =	vor.u32 $0x2802, v0;
	v32 =	vadd.s32 $0x2C02, v0;
	s26 =	sadd.s32 $0x18000, s6;
	s5 =	simm.s32 $0x1;
	s8 =	simm.s32 $0x68  }
0x20: {  	v33 =	vadd.s32 $0x3402, v0;
	v34 =	vadd.s32 $0x3C02, v0;
	v35 =	vadd.s32 $0x4402, v0;
	s10 =	simm.s32 $0x6740;
	s11 =	simm.s32 $0x60;
	s15 =	simm.s32 $0x9940  }
0x21: {  	v36 =	vadd.s32 $0x4C02, v0;
	v37 =	vadd.s32 $0x5402, v0;
	v38 =	vadd.s32 $0x5C02, v0;
	s18 =	simm.s32 $0x65A0;
	s19 =	simm.s32 $0xCB40;
	s20 =	simm.s32 $0x6608  }
.Ltmp0:
0x22: {  	v39 =	vor.u32 $0x3, v0;
	v40 =	vor.u32 $0x803, v0;
	v41 =	vor.u32 $0x1003, v0;
	s21 =	simm.s32 $0xE540;
	[dreg:$0x1b] =	wrdreg s23;
	(pc) =	sbr.rel .LBB2_1-.Ltmp0, $4  }
0x23: {  	v42 =	vor.u32 $0x1803, v0;
	v43 =	vor.u32 $0x2003, v0;
	v44 =	vor.u32 $0x2803, v0;
	s22 =	simm.s32 $0x6670;
	s0 =	simm.s32 $0x5;
	[dreg:$0x1c] =	wrdreg s24  }
0x24: {  	v45 =	vadd.s32 $0x2C03, v0;
	v46 =	vadd.s32 $0x3403, v0;
	[tilespmem:$0x1FFD0] =	vst v13;
	v13 =	vor.u32 $0x801, v0;
	s6 =	simm.s32 $0x7;
	s9 =	simm.s32 $0x8;
	[dreg:$0x1d] =	wrdreg s25  }
0x25: {  	v47 =	vadd.s32 $0x3C03, v0;
	v48 =	vadd.s32 $0x4403, v0;
	[tilespmem:$0x1FFE0] =	vst v13;
	v13 =	vor.u32 $0x1001, v0;
	s13 =	simm.s32 $0x0;
	[dreg:$0x1e] =	wrdreg s26;
	s23 =	simm.s32 $0xFD40  }
0x26: {  	v49 =	vadd.s32 $0x4C03, v0;
	v50 =	vadd.s32 $0x5403, v0;
	v51 =	vadd.s32 $0x5C03, v0;
	[tilespmem:$0x1FFF0] =	vst v13;
	s24 =	simm.s32 $0x66D8;
	s25 =	simm.s32 $0x11740;
	s26 =	simm.s32 $0x40  }
.LBB2_18:
0x27: {  	_ =	swait.ge [sflag:s0], $0x3200  }
0x28: {  	[sflag:s0] =	ssyncset.done $0x0  }
0x29: {  	[sflag:s0] =	ssyncadd.s32 $0xFFFFCE00  }
0x2a: {  	_ =	swait.ge [sflag:s2], $0x3200  }
0x2b: {  	[sflag:s2] =	ssyncset.done $0x0  }
0x2c: {  	[sflag:s2] =	ssyncadd.s32 $0xFFFFCE00  }
0x2d: {  	_ =	swait.ge [sflag:s6], $0x3200  }
0x2e: {  	[sflag:s6] =	ssyncset.done $0x0  }
0x2f: {  	[sflag:s6] =	ssyncadd.s32 $0xFFFFCE00  }
0x30: {  	_ =	swait.ge [sflag:s9], $0x3200  }
0x31: {  	s13 =	rddreg [dreg:$0x1f]  }
0x32: {  	s12 =	rddreg [dreg:$0x17];
	s13 =	sadd.s32 $0x1, s13  }
0x33: {  	p0 =	sne.s32 s13, s12  }
.Ltmp1:
0x34: {  	_ = 	snop;
	(pc) =	sbr.rel @!p0 .LBB2_19-.Ltmp1, $3  }
0x35: {  	_ =	sdelay $0x1  }
0x36: {  	[sflag:s9] =	ssyncset.done $0x0  }
0x37: {  	[sflag:s9] =	ssyncadd.s32 $0xFFFFCE00  }
.LBB2_1:
0x38: {  	[dreg:$0x1f] =	wrdreg s13  }
0x39: {  	s12 =	rddreg [dreg:$0x5]  }
0x3a: {  	[tilespmem:s3], [sflag:$0x1] =	stream.linear.gather [hbm4b:s12+s3], $0x400, $0x38;
	[tilespmem:$0x16140] =	vst v63  }
0x3b: {  	s16 =	rddreg [dreg:$0x6];
	s17 =	simm.s32 $0x400  }
0x3c: {  	[tilespmem:s17], [sflag:$0x1] =	stream.linear.gather [hbm4b:s16+s3], $0x400, $0x38;
	[tilespmem:$0x16140] =	vst v63  }
0x3d: {  	s13 =	rddreg [dreg:$0x7];
	s14 =	simm.s32 $0x800  }
0x3e: {  	[tilespmem:s14], [sflag:$0x1] =	stream.linear.gather [hbm4b:s13+s3], $0x400, $0x38;
	[tilespmem:$0x16140] =	vst v63  }
0x3f: {  	s16 =	rddreg [dreg:$0x8];
	s17 =	simm.s32 $0xC00  }
0x40: {  	[tilespmem:s17], [sflag:$0x1] =	stream.linear.gather [hbm4b:s16+s3], $0x400, $0x38;
	[tilespmem:$0x16140] =	vst v63  }
0x41: {  	s13 =	rddreg [dreg:$0x9];
	s14 =	simm.s32 $0x1000  }
0x42: {  	[tilespmem:s14], [sflag:$0x1] =	stream.linear.gather [hbm4b:s13+s3], $0x400, $0x38;
	[tilespmem:$0x16140] =	vst v63  }
0x43: {  	s16 =	rddreg [dreg:$0xa];
	s17 =	simm.s32 $0x1400  }
0x44: {  	[tilespmem:s17], [sflag:$0x1] =	stream.linear.gather [hbm4b:s16+s3], $0x400, $0x38;
	[tilespmem:$0x16140] =	vst v63  }
0x45: {  	s13 =	rddreg [dreg:$0xb];
	s14 =	simm.s32 $0x1800  }
0x46: {  	[tilespmem:s14], [sflag:$0x1] =	stream.linear.gather [hbm4b:s13+s3], $0x400, $0x38;
	[tilespmem:$0x16140] =	vst v63  }
0x47: {  	s16 =	rddreg [dreg:$0xc];
	s17 =	simm.s32 $0x1C00  }
0x48: {  	[tilespmem:s17], [sflag:$0x1] =	stream.linear.gather [hbm4b:s16+s3], $0x400, $0x38;
	[tilespmem:$0x16140] =	vst v63  }
0x49: {  	s13 =	rddreg [dreg:$0xd];
	s14 =	simm.s32 $0x2000  }
0x4a: {  	[tilespmem:s14], [sflag:$0x1] =	stream.linear.gather [hbm4b:s13+s3], $0x400, $0x38;
	[tilespmem:$0x16140] =	vst v63  }
0x4b: {  	s16 =	rddreg [dreg:$0xe];
	s17 =	simm.s32 $0x2400  }
0x4c: {  	[tilespmem:s17], [sflag:$0x1] =	stream.linear.gather [hbm4b:s16+s3], $0x400, $0x38;
	[tilespmem:$0x16140] =	vst v63  }
0x4d: {  	s13 =	rddreg [dreg:$0xf];
	s14 =	simm.s32 $0x2800  }
0x4e: {  	[tilespmem:s14], [sflag:$0x1] =	stream.linear.gather [hbm4b:s13+s3], $0x400, $0x38;
	[tilespmem:$0x16140] =	vst v63  }
0x4f: {  	s16 =	rddreg [dreg:$0x10];
	s17 =	simm.s32 $0x2C00  }
0x50: {  	[tilespmem:s17], [sflag:$0x1] =	stream.linear.gather [hbm4b:s16+s3], $0x400, $0x38;
	[tilespmem:$0x16140] =	vst v63  }
0x51: {  	s13 =	rddreg [dreg:$0x11];
	s14 =	simm.s32 $0x3000  }
0x52: {  	[tilespmem:s14], [sflag:$0x1] =	stream.linear.gather [hbm4b:s13+s3], $0x400, $0x38;
	[tilespmem:$0x16140] =	vst v63  }
0x53: {  	s16 =	rddreg [dreg:$0x12];
	s17 =	simm.s32 $0x3400  }
0x54: {  	[tilespmem:s17], [sflag:$0x1] =	stream.linear.gather [hbm4b:s16+s3], $0x400, $0x38;
	[tilespmem:$0x16140] =	vst v63  }
0x55: {  	s13 =	rddreg [dreg:$0x13];
	s14 =	simm.s32 $0x3800  }
0x56: {  	[tilespmem:s14], [sflag:$0x1] =	stream.linear.gather [hbm4b:s13+s3], $0x400, $0x38;
	[tilespmem:$0x16140] =	vst v63  }
0x57: {  	s16 =	rddreg [dreg:$0x14];
	s17 =	simm.s32 $0x3C00  }
0x58: {  	[tilespmem:s17], [sflag:$0x1] =	stream.linear.gather [hbm4b:s16+s3], $0x400, $0x38;
	[tilespmem:$0x16140] =	vst v63  }
0x59: {  	s13 =	rddreg [dreg:$0x15];
	s14 =	simm.s32 $0x4000  }
0x5a: {  	[tilespmem:s14], [sflag:$0x1] =	stream.linear.gather [hbm4b:s13+s3], $0x400, $0x38;
	[tilespmem:$0x16140] =	vst v63  }
0x5b: {  	s16 =	rddreg [dreg:$0x16];
	s17 =	simm.s32 $0x4400  }
0x5c: {  	[tilespmem:s17], [sflag:$0x1] =	stream.linear.gather [hbm4b:s16+s3], $0x400, $0x38;
	[tilespmem:$0x16140] =	vst v63  }
0x5d: {  	s13 =	rddreg [dreg:$0x18];
	s14 =	simm.s32 $0x4800  }
0x5e: {  	[tilespmem:s14], [sflag:$0x1] =	stream.linear.gather [hbm4b:s13+s3], $0x400, $0x38;
	[tilespmem:$0x16140] =	vst v63  }
0x5f: {  	s16 =	rddreg [dreg:$0x19];
	s17 =	simm.s32 $0x4C00  }
0x60: {  	[tilespmem:s17], [sflag:$0x1] =	stream.linear.gather [hbm4b:s16+s3], $0x400, $0x38;
	[tilespmem:$0x16140] =	vst v63  }
0x61: {  	s13 =	rddreg [dreg:$0x1a];
	s14 =	simm.s32 $0x5000  }
0x62: {  	[tilespmem:s14], [sflag:$0x1] =	stream.linear.gather [hbm4b:s13+s3], $0x400, $0x38;
	[tilespmem:$0x16140] =	vst v63  }
0x63: {  	s16 =	rddreg [dreg:$0x1b];
	s17 =	simm.s32 $0x5400  }
0x64: {  	[tilespmem:s17], [sflag:$0x1] =	stream.linear.gather [hbm4b:s16+s3], $0x400, $0x38;
	[tilespmem:$0x16140] =	vst v63  }
0x65: {  	s13 =	rddreg [dreg:$0x1c];
	s14 =	simm.s32 $0x5800  }
0x66: {  	[tilespmem:s14], [sflag:$0x1] =	stream.linear.gather [hbm4b:s13+s3], $0x400, $0x38;
	[tilespmem:$0x16140] =	vst v63  }
0x67: {  	s16 =	rddreg [dreg:$0x1d];
	s17 =	simm.s32 $0x5C00  }
0x68: {  	[tilespmem:s17], [sflag:$0x1] =	stream.linear.gather [hbm4b:s16+s3], $0x400, $0x38;
	[tilespmem:$0x16140] =	vst v63  }
0x69: {  	s13 =	rddreg [dreg:$0x1e];
	s14 =	simm.s32 $0x6000  }
0x6a: {  	[tilespmem:s14], [sflag:$0x1] =	stream.linear.gather [hbm4b:s13+s3], $0x400, $0x38;
	[tilespmem:$0x16140] =	vst v63  }
0x6b: {  	s16 =	rddreg [dreg:$0x4];
	s17 =	simm.s32 $0x12F40  }
0x6c: {  	[tilespmem:s17], [sflag:$0x1] =	stream.linear.gather [hbm4b:s16+s3], $0x3200, $0x38;
	[tilespmem:$0x16140] =	vst v63  }
0x6d: {  	_ =	swait.ge [sflag:s5], $0x400  }
0x6e: {  	[sflag:s5] =	ssyncset.done $0x0  }
0x6f: {  	[sflag:s5] =	ssyncadd.s32 $0xFFFFFC00  }
0x70: {  	_ =	swait.ge [sflag:s5], $0x400  }
0x71: {  	[sflag:s5] =	ssyncset.done $0x0  }
0x72: {  	[sflag:s5] =	ssyncadd.s32 $0xFFFFFC00  }
0x73: {  	_ =	swait.ge [sflag:s5], $0x400  }
0x74: {  	[sflag:s5] =	ssyncset.done $0x0  }
0x75: {  	[sflag:s5] =	ssyncadd.s32 $0xFFFFFC00  }
0x76: {  	_ =	swait.ge [sflag:s5], $0x400  }
0x77: {  	[sflag:s5] =	ssyncset.done $0x0  }
0x78: {  	[sflag:s5] =	ssyncadd.s32 $0xFFFFFC00  }
0x79: {  	_ =	swait.ge [sflag:s5], $0x400  }
0x7a: {  	[sflag:s5] =	ssyncset.done $0x0  }
0x7b: {  	[sflag:s5] =	ssyncadd.s32 $0xFFFFFC00  }
0x7c: {  	_ =	swait.ge [sflag:s5], $0x400  }
0x7d: {  	[sflag:s5] =	ssyncset.done $0x0  }
0x7e: {  	[sflag:s5] =	ssyncadd.s32 $0xFFFFFC00  }
0x7f: {  	_ =	swait.ge [sflag:s5], $0x400  }
0x80: {  	[sflag:s5] =	ssyncset.done $0x0  }
0x81: {  	[sflag:s5] =	ssyncadd.s32 $0xFFFFFC00  }
0x82: {  	_ =	swait.ge [sflag:s5], $0x400  }
0x83: {  	[sflag:s5] =	ssyncset.done $0x0  }
0x84: {  	[sflag:s5] =	ssyncadd.s32 $0xFFFFFC00  }
0x85: {  	_ =	swait.ge [sflag:s5], $0x400  }
0x86: {  	[sflag:s5] =	ssyncset.done $0x0  }
0x87: {  	[sflag:s5] =	ssyncadd.s32 $0xFFFFFC00  }
0x88: {  	_ =	swait.ge [sflag:s5], $0x400  }
0x89: {  	[sflag:s5] =	ssyncset.done $0x0  }
0x8a: {  	[sflag:s5] =	ssyncadd.s32 $0xFFFFFC00  }
0x8b: {  	_ =	swait.ge [sflag:s5], $0x400  }
0x8c: {  	[sflag:s5] =	ssyncset.done $0x0  }
0x8d: {  	[sflag:s5] =	ssyncadd.s32 $0xFFFFFC00  }
0x8e: {  	_ =	swait.ge [sflag:s5], $0x400  }
0x8f: {  	[sflag:s5] =	ssyncset.done $0x0  }
0x90: {  	[sflag:s5] =	ssyncadd.s32 $0xFFFFFC00  }
0x91: {  	_ =	swait.ge [sflag:s5], $0x400  }
0x92: {  	[sflag:s5] =	ssyncset.done $0x0  }
0x93: {  	[sflag:s5] =	ssyncadd.s32 $0xFFFFFC00  }
0x94: {  	_ =	swait.ge [sflag:s5], $0x400  }
0x95: {  	[sflag:s5] =	ssyncset.done $0x0  }
0x96: {  	[sflag:s5] =	ssyncadd.s32 $0xFFFFFC00  }
0x97: {  	_ =	swait.ge [sflag:s5], $0x400  }
0x98: {  	[sflag:s5] =	ssyncset.done $0x0  }
0x99: {  	[sflag:s5] =	ssyncadd.s32 $0xFFFFFC00  }
0x9a: {  	_ =	swait.ge [sflag:s5], $0x400  }
0x9b: {  	[sflag:s5] =	ssyncset.done $0x0  }
0x9c: {  	[sflag:s5] =	ssyncadd.s32 $0xFFFFFC00  }
0x9d: {  	_ =	swait.ge [sflag:s5], $0x400  }
0x9e: {  	[sflag:s5] =	ssyncset.done $0x0  }
0x9f: {  	[sflag:s5] =	ssyncadd.s32 $0xFFFFFC00  }
0xa0: {  	_ =	swait.ge [sflag:s5], $0x400  }
0xa1: {  	[sflag:s5] =	ssyncset.done $0x0  }
0xa2: {  	[sflag:s5] =	ssyncadd.s32 $0xFFFFFC00  }
0xa3: {  	_ =	swait.ge [sflag:s5], $0x400  }
0xa4: {  	[sflag:s5] =	ssyncset.done $0x0  }
0xa5: {  	[sflag:s5] =	ssyncadd.s32 $0xFFFFFC00  }
0xa6: {  	_ =	swait.ge [sflag:s5], $0x400  }
0xa7: {  	[sflag:s5] =	ssyncset.done $0x0  }
0xa8: {  	[sflag:s5] =	ssyncadd.s32 $0xFFFFFC00  }
0xa9: {  	_ =	swait.ge [sflag:s5], $0x400  }
0xaa: {  	[sflag:s5] =	ssyncset.done $0x0  }
0xab: {  	[sflag:s5] =	ssyncadd.s32 $0xFFFFFC00  }
0xac: {  	_ =	swait.ge [sflag:s5], $0x400  }
0xad: {  	[sflag:s5] =	ssyncset.done $0x0  }
0xae: {  	[sflag:s5] =	ssyncadd.s32 $0xFFFFFC00  }
0xaf: {  	_ =	swait.ge [sflag:s5], $0x400  }
0xb0: {  	[sflag:s5] =	ssyncset.done $0x0  }
0xb1: {  	[sflag:s5] =	ssyncadd.s32 $0xFFFFFC00  }
0xb2: {  	_ =	swait.ge [sflag:s5], $0x400  }
0xb3: {  	[sflag:s5] =	ssyncset.done $0x0  }
0xb4: {  	[sflag:s5] =	ssyncadd.s32 $0xFFFFFC00  }
0xb5: {  	_ =	swait.ge [sflag:s5], $0x400  }
0xb6: {  	[sflag:s5] =	ssyncset.done $0x0  }
0xb7: {  	[sflag:s5] =	ssyncadd.s32 $0xFFFFFC00  }
0xb8: {  	_ =	swait.ge [sflag:s5], $0x3200  }
0xb9: {  	[sflag:s5] =	ssyncset.done $0x0  }
0xba: {  	[sflag:s5] =	ssyncadd.s32 $0xFFFFCE00  }
0xbb: {  	v52 =	vld.idx.msk [tilespmem:v0+s3+$0x0], $0xffff;
	_ =	sdelay $0x4  }
0xbc: {  	v52 =	vshll.u32 v52, $0x1  }
0xbd: {  	[tilespmem:$0x6400] =	vst v52  }
0xbe: {  	v52 =	vld.idx.msk [tilespmem:v1+s3+$0x0], $0xffff;
	_ =	sdelay $0x4  }
0xbf: {  	v52 =	vshll.u32 v52, $0x1  }
0xc0: {  	[tilespmem:$0x6410] =	vst v52  }
0xc1: {  	v52 =	vld.idx.msk [tilespmem:v2+s3+$0x0], $0xffff;
	_ =	sdelay $0x4  }
0xc2: {  	v52 =	vshll.u32 v52, $0x1  }
0xc3: {  	[tilespmem:$0x6420] =	vst v52  }
0xc4: {  	v52 =	vld.idx.msk [tilespmem:v3+s3+$0x0], $0xffff;
	_ =	sdelay $0x4  }
0xc5: {  	v52 =	vshll.u32 v52, $0x1  }
0xc6: {  	[tilespmem:$0x6430] =	vst v52  }
0xc7: {  	v52 =	vld.idx.msk [tilespmem:v4+s3+$0x0], $0xffff;
	_ =	sdelay $0x4  }
0xc8: {  	v52 =	vshll.u32 v52, $0x1  }
0xc9: {  	[tilespmem:$0x6440] =	vst v52  }
0xca: {  	v52 =	vld.idx.msk [tilespmem:v5+s3+$0x0], $0xffff;
	_ =	sdelay $0x4  }
0xcb: {  	v52 =	vshll.u32 v52, $0x1  }
0xcc: {  	[tilespmem:$0x6450] =	vst v52  }
0xcd: {  	v52 =	vld.idx.msk [tilespmem:v6+s3+$0x0], $0xffff;
	_ =	sdelay $0x4  }
0xce: {  	v52 =	vshll.u32 v52, $0x1  }
0xcf: {  	[tilespmem:$0x6458] =	vst v52  }
0xd0: {  	v52 =	vld.idx.msk [tilespmem:v7+s3+$0x0], $0xffff;
	_ =	sdelay $0x4  }
0xd1: {  	v52 =	vshll.u32 v52, $0x1  }
0xd2: {  	[tilespmem:$0x6468] =	vst v52  }
0xd3: {  	v52 =	vld.idx.msk [tilespmem:v8+s3+$0x0], $0xffff;
	_ =	sdelay $0x4  }
0xd4: {  	v52 =	vshll.u32 v52, $0x1  }
0xd5: {  	[tilespmem:$0x6478] =	vst v52  }
0xd6: {  	v52 =	vld.idx.msk [tilespmem:v9+s3+$0x0], $0xffff;
	_ =	sdelay $0x4  }
0xd7: {  	v52 =	vshll.u32 v52, $0x1  }
0xd8: {  	[tilespmem:$0x6488] =	vst v52  }
0xd9: {  	v52 =	vld.idx.msk [tilespmem:v10+s3+$0x0], $0xffff;
	_ =	sdelay $0x4  }
0xda: {  	v52 =	vshll.u32 v52, $0x1  }
0xdb: {  	[tilespmem:$0x6498] =	vst v52  }
0xdc: {  	v52 =	vld.idx.msk [tilespmem:v11+s3+$0x0], $0xffff;
	_ =	sdelay $0x4  }
0xdd: {  	v52 =	vshll.u32 v52, $0x1  }
0xde: {  	[tilespmem:$0x64A8] =	vst v52  }
0xdf: {  	v52 =	vld.idx.msk [tilespmem:v12+s3+$0x0], $0xffff;
	_ =	sdelay $0x1  }
0xe0: {  	v13 =	vld [tilespmem:$0x1FFD0];
	_ =	sdelay $0x2  }
0xe1: {  	v52 =	vshll.u32 v52, $0x1  }
0xe2: {  	s14 =	simm.s32 $0x6400;
	[tilespmem:$0x64B8] =	vst v52  }
0xe3: {  	[tilespmem:s10], [sflag:$0x1] =	stream.indirect.gather [hbm4b:s1+s8], $0x40, s14, s8, $0xb8;
	[tilespmem:$0x16140] =	vst v63  }
0xe4: {  	s16 =	simm.s32 $0x6468;
	s17 =	simm.s32 $0x8140  }
0xe5: {  	[tilespmem:s17], [sflag:$0x1] =	stream.indirect.gather [hbm4b:s1+s11], $0x40, s16, s11, $0xb8;
	[tilespmem:$0x16140] =	vst v63  }
0xe6: {  	v52 =	vld.idx.msk [tilespmem:v13+s3+$0x0], $0xffff  }
0xe7: {  	v13 =	vld [tilespmem:$0x1FFE0];
	_ =	sdelay $0x5  }
0xe8: {  	v52 =	vshll.u32 v52, $0x1  }
0xe9: {  	[tilespmem:$0x64D0] =	vst v52  }
0xea: {  	v52 =	vld.idx.msk [tilespmem:v13+s3+$0x0], $0xffff  }
0xeb: {  	v13 =	vld [tilespmem:$0x1FFF0];
	_ =	sdelay $0x5  }
0xec: {  	v52 =	vshll.u32 v52, $0x1  }
0xed: {  	[tilespmem:$0x64E0] =	vst v52  }
0xee: {  	v52 =	vld.idx.msk [tilespmem:v13+s3+$0x0], $0xffff;
	_ =	sdelay $0x4  }
0xef: {  	v52 =	vshll.u32 v52, $0x1  }
0xf0: {  	[tilespmem:$0x64F0] =	vst v52  }
0xf1: {  	v52 =	vld.idx.msk [tilespmem:v16+s3+$0x0], $0xffff;
	_ =	sdelay $0x4  }
0xf2: {  	v52 =	vshll.u32 v52, $0x1  }
0xf3: {  	[tilespmem:$0x6500] =	vst v52  }
0xf4: {  	v52 =	vld.idx.msk [tilespmem:v17+s3+$0x0], $0xffff;
	_ =	sdelay $0x4  }
0xf5: {  	v52 =	vshll.u32 v52, $0x1  }
0xf6: {  	[tilespmem:$0x6510] =	vst v52  }
0xf7: {  	v52 =	vld.idx.msk [tilespmem:v18+s3+$0x0], $0xffff;
	_ =	sdelay $0x4  }
0xf8: {  	v52 =	vshll.u32 v52, $0x1  }
0xf9: {  	[tilespmem:$0x6520] =	vst v52  }
0xfa: {  	v52 =	vld.idx.msk [tilespmem:v19+s3+$0x0], $0xffff;
	_ =	sdelay $0x4  }
0xfb: {  	v52 =	vshll.u32 v52, $0x1  }
0xfc: {  	[tilespmem:$0x6528] =	vst v52  }
0xfd: {  	v52 =	vld.idx.msk [tilespmem:v20+s3+$0x0], $0xffff;
	_ =	sdelay $0x4  }
0xfe: {  	v52 =	vshll.u32 v52, $0x1  }
0xff: {  	[tilespmem:$0x6538] =	vst v52  }
0x100: {  	v52 =	vld.idx.msk [tilespmem:v21+s3+$0x0], $0xffff;
	_ =	sdelay $0x4  }
0x101: {  	v52 =	vshll.u32 v52, $0x1  }
0x102: {  	[tilespmem:$0x6548] =	vst v52  }
0x103: {  	v52 =	vld.idx.msk [tilespmem:v22+s3+$0x0], $0xffff;
	_ =	sdelay $0x4  }
0x104: {  	v52 =	vshll.u32 v52, $0x1  }
0x105: {  	[tilespmem:$0x6558] =	vst v52  }
0x106: {  	v52 =	vld.idx.msk [tilespmem:v23+s3+$0x0], $0xffff;
	_ =	sdelay $0x4  }
0x107: {  	v52 =	vshll.u32 v52, $0x1  }
0x108: {  	[tilespmem:$0x6568] =	vst v52  }
0x109: {  	v52 =	vld.idx.msk [tilespmem:v24+s3+$0x0], $0xffff;
	_ =	sdelay $0x4  }
0x10a: {  	v52 =	vshll.u32 v52, $0x1  }
0x10b: {  	[tilespmem:$0x6578] =	vst v52  }
0x10c: {  	v52 =	vld.idx.msk [tilespmem:v25+s3+$0x0], $0xffff;
	_ =	sdelay $0x4  }
0x10d: {  	v52 =	vshll.u32 v52, $0x1  }
0x10e: {  	s14 =	simm.s32 $0x64D0;
	[tilespmem:$0x6588] =	vst v52  }
0x10f: {  	[tilespmem:s15], [sflag:$0x2] =	stream.indirect.gather [hbm4b:s1+s8], $0x40, s14, s8, $0xb8;
	[tilespmem:$0x16140] =	vst v63  }
0x110: {  	s16 =	simm.s32 $0x6538;
	s17 =	simm.s32 $0xB340  }
0x111: {  	[tilespmem:s17], [sflag:$0x2] =	stream.indirect.gather [hbm4b:s1+s11], $0x40, s16, s11, $0xb8;
	[tilespmem:$0x16140] =	vst v63  }
0x112: {  	v52 =	vld.idx.msk [tilespmem:v26+s3+$0x0], $0xffff;
	_ =	sdelay $0x4  }
0x113: {  	v52 =	vshll.u32 v52, $0x1  }
0x114: {  	[tilespmem:$0x65A0] =	vst v52  }
0x115: {  	v52 =	vld.idx.msk [tilespmem:v27+s3+$0x0], $0xffff;
	_ =	sdelay $0x4  }
0x116: {  	v52 =	vshll.u32 v52, $0x1  }
0x117: {  	[tilespmem:$0x65B0] =	vst v52  }
0x118: {  	v52 =	vld.idx.msk [tilespmem:v28+s3+$0x0], $0xffff;
	_ =	sdelay $0x4  }
0x119: {  	v52 =	vshll.u32 v52, $0x1  }
0x11a: {  	[tilespmem:$0x65C0] =	vst v52  }
0x11b: {  	v52 =	vld.idx.msk [tilespmem:v29+s3+$0x0], $0xffff;
	_ =	sdelay $0x4  }
0x11c: {  	v52 =	vshll.u32 v52, $0x1  }
0x11d: {  	[tilespmem:$0x65D0] =	vst v52  }
0x11e: {  	v52 =	vld.idx.msk [tilespmem:v30+s3+$0x0], $0xffff;
	_ =	sdelay $0x4  }
0x11f: {  	v52 =	vshll.u32 v52, $0x1  }
0x120: {  	[tilespmem:$0x65E0] =	vst v52  }
0x121: {  	v52 =	vld.idx.msk [tilespmem:v31+s3+$0x0], $0xffff;
	_ =	sdelay $0x4  }
0x122: {  	v52 =	vshll.u32 v52, $0x1  }
0x123: {  	[tilespmem:$0x65F0] =	vst v52  }
0x124: {  	v52 =	vld.idx.msk [tilespmem:v32+s3+$0x0], $0xffff;
	_ =	sdelay $0x4  }
0x125: {  	v52 =	vshll.u32 v52, $0x1  }
0x126: {  	[tilespmem:$0x65F8] =	vst v52  }
0x127: {  	v52 =	vld.idx.msk [tilespmem:v33+s3+$0x0], $0xffff;
	_ =	sdelay $0x4  }
0x128: {  	v52 =	vshll.u32 v52, $0x1  }
0x129: {  	[tilespmem:$0x6608] =	vst v52  }
0x12a: {  	v52 =	vld.idx.msk [tilespmem:v34+s3+$0x0], $0xffff;
	_ =	sdelay $0x4  }
0x12b: {  	v52 =	vshll.u32 v52, $0x1  }
0x12c: {  	[tilespmem:$0x6618] =	vst v52  }
0x12d: {  	v52 =	vld.idx.msk [tilespmem:v35+s3+$0x0], $0xffff;
	_ =	sdelay $0x4  }
0x12e: {  	v52 =	vshll.u32 v52, $0x1  }
0x12f: {  	[tilespmem:$0x6628] =	vst v52  }
0x130: {  	v52 =	vld.idx.msk [tilespmem:v36+s3+$0x0], $0xffff;
	_ =	sdelay $0x4  }
0x131: {  	v52 =	vshll.u32 v52, $0x1  }
0x132: {  	[tilespmem:$0x6638] =	vst v52  }
0x133: {  	v52 =	vld.idx.msk [tilespmem:v37+s3+$0x0], $0xffff;
	_ =	sdelay $0x4  }
0x134: {  	v52 =	vshll.u32 v52, $0x1  }
0x135: {  	[tilespmem:$0x6648] =	vst v52  }
0x136: {  	v52 =	vld.idx.msk [tilespmem:v38+s3+$0x0], $0xffff;
	_ =	sdelay $0x4  }
0x137: {  	v52 =	vshll.u32 v52, $0x1  }
0x138: {  	[tilespmem:$0x6658] =	vst v52  }
0x139: {  	[tilespmem:s19], [sflag:$0x3] =	stream.indirect.gather [hbm4b:s1+s8], $0x40, s18, s8, $0xb8;
	[tilespmem:$0x16140] =	vst v63  }
0x13a: {  	_ = 	snop  }
0x13b: {  	[tilespmem:s21], [sflag:$0x3] =	stream.indirect.gather [hbm4b:s1+s11], $0x40, s20, s11, $0xb8;
	[tilespmem:$0x16140] =	vst v63  }
0x13c: {  	v52 =	vld.idx.msk [tilespmem:v39+s3+$0x0], $0xffff;
	_ =	sdelay $0x4  }
0x13d: {  	v52 =	vshll.u32 v52, $0x1  }
0x13e: {  	[tilespmem:$0x6670] =	vst v52  }
0x13f: {  	v52 =	vld.idx.msk [tilespmem:v40+s3+$0x0], $0xffff;
	_ =	sdelay $0x4  }
0x140: {  	v52 =	vshll.u32 v52, $0x1  }
0x141: {  	[tilespmem:$0x6680] =	vst v52  }
0x142: {  	v52 =	vld.idx.msk [tilespmem:v41+s3+$0x0], $0xffff;
	_ =	sdelay $0x4  }
0x143: {  	v52 =	vshll.u32 v52, $0x1  }
0x144: {  	[tilespmem:$0x6690] =	vst v52  }
0x145: {  	v52 =	vld.idx.msk [tilespmem:v42+s3+$0x0], $0xffff;
	_ =	sdelay $0x4  }
0x146: {  	v52 =	vshll.u32 v52, $0x1  }
0x147: {  	[tilespmem:$0x66A0] =	vst v52  }
0x148: {  	v52 =	vld.idx.msk [tilespmem:v43+s3+$0x0], $0xffff;
	_ =	sdelay $0x4  }
0x149: {  	v52 =	vshll.u32 v52, $0x1  }
0x14a: {  	[tilespmem:$0x66B0] =	vst v52  }
0x14b: {  	v52 =	vld.idx.msk [tilespmem:v44+s3+$0x0], $0xffff;
	_ =	sdelay $0x4  }
0x14c: {  	v52 =	vshll.u32 v52, $0x1  }
0x14d: {  	[tilespmem:$0x66C0] =	vst v52  }
0x14e: {  	v52 =	vld.idx.msk [tilespmem:v45+s3+$0x0], $0xffff;
	_ =	sdelay $0x4  }
0x14f: {  	v52 =	vshll.u32 v52, $0x1  }
0x150: {  	[tilespmem:$0x66C8] =	vst v52  }
0x151: {  	v52 =	vld.idx.msk [tilespmem:v46+s3+$0x0], $0xffff;
	_ =	sdelay $0x4  }
0x152: {  	v52 =	vshll.u32 v52, $0x1  }
0x153: {  	[tilespmem:$0x66D8] =	vst v52  }
0x154: {  	v52 =	vld.idx.msk [tilespmem:v47+s3+$0x0], $0xffff;
	_ =	sdelay $0x4  }
0x155: {  	v52 =	vshll.u32 v52, $0x1  }
0x156: {  	[tilespmem:$0x66E8] =	vst v52  }
0x157: {  	v52 =	vld.idx.msk [tilespmem:v48+s3+$0x0], $0xffff;
	_ =	sdelay $0x4  }
0x158: {  	v52 =	vshll.u32 v52, $0x1  }
0x159: {  	[tilespmem:$0x66F8] =	vst v52  }
0x15a: {  	v52 =	vld.idx.msk [tilespmem:v49+s3+$0x0], $0xffff;
	_ =	sdelay $0x4  }
0x15b: {  	v52 =	vshll.u32 v52, $0x1  }
0x15c: {  	[tilespmem:$0x6708] =	vst v52  }
0x15d: {  	v52 =	vld.idx.msk [tilespmem:v50+s3+$0x0], $0xffff;
	_ =	sdelay $0x4  }
0x15e: {  	v52 =	vshll.u32 v52, $0x1  }
0x15f: {  	[tilespmem:$0x6718] =	vst v52  }
0x160: {  	v52 =	vld.idx.msk [tilespmem:v51+s3+$0x0], $0xffff;
	_ =	sdelay $0x4  }
0x161: {  	v52 =	vshll.u32 v52, $0x1  }
0x162: {  	[tilespmem:$0x6728] =	vst v52  }
0x163: {  	[tilespmem:s23], [sflag:$0x4] =	stream.indirect.gather [hbm4b:s1+s8], $0x40, s22, s8, $0xb8;
	[tilespmem:$0x16140] =	vst v63  }
0x164: {  	s12 =	simm.s32 $0x0  }
0x165: {  	[tilespmem:s25], [sflag:$0x4] =	stream.indirect.gather [hbm4b:s1+s11], $0x40, s24, s11, $0xb8;
	[tilespmem:$0x16140] =	vst v63  }
.LBB2_2:
0x166: {  	p0 =	seq.s32 s12, $0x0  }
.Ltmp2:
0x167: {  	_ = 	snop;
	(pc) =	sbr.rel @p0 .LBB2_4-.Ltmp2, $2  }
0x168: {  	_ =	sdelay $0x2  }
0x169: {  	s13 =	sshll.u32 s12, $0x2  }
0x16a: {  	s14 =	sor.u32 $0x3, s13  }
0x16b: {  	v52 =	vmov s14  }
0x16c: {  	v52 =	vand.u32 $0x7F, v52  }
0x16d: {  	v52 =	vbroadcast v52, $0x0;
	_ =	sdelay $0x1  }
0x16e: {  	v53 =	vor.u32 v0, v52;
	_ =	sdelay $0x1  }
0x16f: {  	_ =	swait.ge [sflag:s9], $0x3200  }
0x170: {  	[sflag:s9] =	ssyncset.done $0x0  }
0x171: {  	[sflag:s9] =	ssyncadd.s32 $0xFFFFCE00  }
0x172: {  	v53 =	vld.idx.msk [tilespmem:v53+s3+$0x0], $0xffff;
	_ =	sdelay $0x1  }
0x173: {  	v54 =	vor.u32 v1, v52;
	_ =	sdelay $0x2  }
0x174: {  	v53 =	vshll.u32 v53, $0x1  }
0x175: {  	[tilespmem:$0x6670] =	vst v53  }
0x176: {  	v53 =	vld.idx.msk [tilespmem:v54+s3+$0x0], $0xffff;
	_ =	sdelay $0x1  }
0x177: {  	v61 =	vor.u32 v2, v52;
	_ =	sdelay $0x2  }
0x178: {  	v53 =	vshll.u32 v53, $0x1  }
0x179: {  	[tilespmem:$0x6680] =	vst v53  }
0x17a: {  	v53 =	vld.idx.msk [tilespmem:v61+s3+$0x0], $0xffff;
	_ =	sdelay $0x1  }
0x17b: {  	v62 =	vor.u32 v3, v52;
	_ =	sdelay $0x2  }
0x17c: {  	v53 =	vshll.u32 v53, $0x1  }
0x17d: {  	[tilespmem:$0x6690] =	vst v53  }
0x17e: {  	v53 =	vld.idx.msk [tilespmem:v62+s3+$0x0], $0xffff;
	_ =	sdelay $0x1  }
0x17f: {  	v63 =	vor.u32 v4, v52;
	_ =	sdelay $0x2  }
0x180: {  	v53 =	vshll.u32 v53, $0x1  }
0x181: {  	[tilespmem:$0x66A0] =	vst v53  }
0x182: {  	v53 =	vld.idx.msk [tilespmem:v63+s3+$0x0], $0xffff;
	_ =	sdelay $0x1  }
0x183: {  	v57 =	vor.u32 v5, v52;
	_ =	sdelay $0x2  }
0x184: {  	v53 =	vshll.u32 v53, $0x1  }
0x185: {  	[tilespmem:$0x66B0] =	vst v53  }
0x186: {  	v53 =	vld.idx.msk [tilespmem:v57+s3+$0x0], $0xffff;
	_ =	sdelay $0x1  }
0x187: {  	v58 =	vor.u32 v6, v52;
	_ =	sdelay $0x2  }
0x188: {  	v53 =	vshll.u32 v53, $0x1  }
0x189: {  	[tilespmem:$0x66C0] =	vst v53  }
0x18a: {  	v53 =	vld.idx.msk [tilespmem:v58+s3+$0x0], $0xffff;
	_ =	sdelay $0x1  }
0x18b: {  	v59 =	vor.u32 v7, v52;
	_ =	sdelay $0x2  }
0x18c: {  	v53 =	vshll.u32 v53, $0x1  }
0x18d: {  	[tilespmem:$0x66C8] =	vst v53  }
0x18e: {  	v53 =	vld.idx.msk [tilespmem:v59+s3+$0x0], $0xffff;
	_ =	sdelay $0x1  }
0x18f: {  	v60 =	vor.u32 v8, v52;
	_ =	sdelay $0x2  }
0x190: {  	v53 =	vshll.u32 v53, $0x1  }
0x191: {  	[tilespmem:$0x66D8] =	vst v53  }
0x192: {  	v53 =	vld.idx.msk [tilespmem:v60+s3+$0x0], $0xffff;
	_ =	sdelay $0x1  }
0x193: {  	v61 =	vor.u32 v9, v52;
	_ =	sdelay $0x2  }
0x194: {  	v53 =	vshll.u32 v53, $0x1  }
0x195: {  	[tilespmem:$0x66E8] =	vst v53  }
0x196: {  	v53 =	vld.idx.msk [tilespmem:v61+s3+$0x0], $0xffff;
	_ =	sdelay $0x1  }
0x197: {  	v62 =	vor.u32 v10, v52;
	_ =	sdelay $0x2  }
0x198: {  	v53 =	vshll.u32 v53, $0x1  }
0x199: {  	[tilespmem:$0x66F8] =	vst v53  }
0x19a: {  	v53 =	vld.idx.msk [tilespmem:v62+s3+$0x0], $0xffff;
	_ =	sdelay $0x1  }
0x19b: {  	v63 =	vor.u32 v11, v52;
	_ =	sdelay $0x2  }
0x19c: {  	v53 =	vshll.u32 v53, $0x1  }
0x19d: {  	[tilespmem:$0x6708] =	vst v53  }
0x19e: {  	v53 =	vld.idx.msk [tilespmem:v63+s3+$0x0], $0xffff;
	_ =	sdelay $0x1  }
0x19f: {  	v52 =	vor.u32 v12, v52;
	_ =	sdelay $0x2  }
0x1a0: {  	v53 =	vshll.u32 v53, $0x1  }
0x1a1: {  	[tilespmem:$0x6718] =	vst v53  }
0x1a2: {  	v52 =	vld.idx.msk [tilespmem:v52+s3+$0x0], $0xffff;
	_ =	sdelay $0x4  }
0x1a3: {  	v52 =	vshll.u32 v52, $0x1  }
0x1a4: {  	[tilespmem:$0x6728] =	vst v52  }
0x1a5: {  	[tilespmem:s23], [sflag:$0x4] =	stream.indirect.gather [hbm4b:s1+s8], $0x40, s22, s8, $0xb8;
	[tilespmem:$0x16140] =	vst v63  }
0x1a6: {  	_ = 	snop  }
0x1a7: {  	[tilespmem:s25], [sflag:$0x4] =	stream.indirect.gather [hbm4b:s1+s11], $0x40, s24, s11, $0xb8;
	[tilespmem:$0x16140] =	vst v63  }
.LBB2_4:
0x1a8: {  	_ =	swait.ge [sflag:s5], $0x1A00  }
0x1a9: {  	[sflag:s5] =	ssyncset.done $0x0  }
0x1aa: {  	[sflag:s5] =	ssyncadd.s32 $0xFFFFE600  }
0x1ab: {  	_ =	swait.ge [sflag:s5], $0x1800  }
0x1ac: {  	[sflag:s5] =	ssyncset.done $0x0  }
0x1ad: {  	s14 =	simm.s32 $0x0;
	s16 =	simm.s32 $0x400;
	[sflag:s5] =	ssyncadd.s32 $0xFFFFE800  }
.LBB2_5:
0x1ae: {  	p0 =	sne.s32 s16, $0xC400;
	v52 =	vld [tilespmem:s14+$0x13030]  }
0x1af: {  	v53 =	vld [tilespmem:s14+$0x12F40]  }
0x1b0: {  	v54 =	vld [tilespmem:s14+$0x12F50]  }
0x1b1: {  	v55 =	vld [tilespmem:s14+$0x12F60]  }
0x1b2: {  	v56 =	vld [tilespmem:s14+$0x12F70]  }
0x1b3: {  	[tilespmem:s14+$0x6830] =	vst.add.f32.msk $0xffff, v52  }
0x1b4: {  	v52 =	vld [tilespmem:s14+$0x12F80]  }
0x1b5: {  	v57 =	vld [tilespmem:s14+$0x12F90]  }
0x1b6: {  	v58 =	vld [tilespmem:s14+$0x12FA0]  }
0x1b7: {  	v59 =	vld [tilespmem:s14+$0x12FB0]  }
0x1b8: {  	v60 =	vld [tilespmem:s14+$0x12FC0]  }
0x1b9: {  	v61 =	vld [tilespmem:s14+$0x12FD0]  }
0x1ba: {  	v62 =	vld [tilespmem:s14+$0x12FE0]  }
0x1bb: {  	v63 =	vld [tilespmem:s14+$0x12FF0]  }
0x1bc: {  	v13 =	vld [tilespmem:s14+$0x13000]  }
0x1bd: {  	v14 =	vld [tilespmem:s14+$0x13010]  }
0x1be: {  	v15 =	vld [tilespmem:s14+$0x13020]  }
0x1bf: {  	[tilespmem:s14+$0x6740] =	vst.add.f32.msk $0xffff, v53  }
0x1c0: {  	[tilespmem:s14+$0x6750] =	vst.add.f32.msk $0xffff, v54  }
0x1c1: {  	[tilespmem:s14+$0x6760] =	vst.add.f32.msk $0xffff, v55  }
0x1c2: {  	[tilespmem:s14+$0x6770] =	vst.add.f32.msk $0xffff, v56  }
0x1c3: {  	[tilespmem:s14+$0x6780] =	vst.add.f32.msk $0xffff, v52  }
0x1c4: {  	[tilespmem:s14+$0x6790] =	vst.add.f32.msk $0xffff, v57  }
0x1c5: {  	[tilespmem:s14+$0x67A0] =	vst.add.f32.msk $0xffff, v58  }
0x1c6: {  	[tilespmem:s14+$0x67B0] =	vst.add.f32.msk $0xffff, v59  }
0x1c7: {  	[tilespmem:s14+$0x67C0] =	vst.add.f32.msk $0xffff, v60  }
0x1c8: {  	[tilespmem:s14+$0x67D0] =	vst.add.f32.msk $0xffff, v61  }
.Ltmp3:
0x1c9: {  	[tilespmem:s14+$0x67E0] =	vst.add.f32.msk $0xffff, v62;
	(pc) =	sbr.rel @p0 .LBB2_5-.Ltmp3, $4  }
0x1ca: {  	[tilespmem:s14+$0x67F0] =	vst.add.f32.msk $0xffff, v63  }
0x1cb: {  	[tilespmem:s14+$0x6800] =	vst.add.f32.msk $0xffff, v13  }
0x1cc: {  	[tilespmem:s14+$0x6810] =	vst.add.f32.msk $0xffff, v14  }
0x1cd: {  	[tilespmem:s14+$0x6820] =	vst.add.f32.msk $0xffff, v15;
	s14 =	sshra.s32 s16, $0x2;
	s16 =	sadd.s32 $0x400, s16  }
0x1ce: {  	v13 =	vld [tilespmem:s14+$0x13030]  }
0x1cf: {  	v14 =	vld [tilespmem:s14+$0x12F40]  }
0x1d0: {  	v15 =	vld [tilespmem:s14+$0x12F50]  }
0x1d1: {  	v52 =	vld [tilespmem:s14+$0x12F60]  }
0x1d2: {  	v53 =	vld [tilespmem:s14+$0x12F70]  }
0x1d3: {  	v54 =	vld [tilespmem:s14+$0x12F90]  }
0x1d4: {  	v55 =	vld [tilespmem:s14+$0x12FA0]  }
0x1d5: {  	v56 =	vld [tilespmem:s14+$0x12FB0]  }
0x1d6: {  	v57 =	vld [tilespmem:s14+$0x12FC0]  }
0x1d7: {  	v58 =	vld [tilespmem:s14+$0x12FD0]  }
0x1d8: {  	v59 =	vld [tilespmem:s14+$0x12FE0]  }
0x1d9: {  	v60 =	vld [tilespmem:s14+$0x12FF0]  }
0x1da: {  	v61 =	vld [tilespmem:s14+$0x13000]  }
0x1db: {  	v62 =	vld [tilespmem:s14+$0x13010]  }
0x1dc: {  	v63 =	vld [tilespmem:s14+$0x13020]  }
0x1dd: {  	[tilespmem:s14+$0x6830] =	vst.add.f32.msk $0xffff, v13  }
0x1de: {  	v13 =	vld [tilespmem:s14+$0x12F80]  }
0x1df: {  	[tilespmem:s14+$0x6740] =	vst.add.f32.msk $0xffff, v14  }
0x1e0: {  	[tilespmem:s14+$0x6750] =	vst.add.f32.msk $0xffff, v15  }
0x1e1: {  	[tilespmem:s14+$0x6760] =	vst.add.f32.msk $0xffff, v52  }
0x1e2: {  	[tilespmem:s14+$0x6770] =	vst.add.f32.msk $0xffff, v53  }
0x1e3: {  	[tilespmem:s14+$0x6790] =	vst.add.f32.msk $0xffff, v54  }
0x1e4: {  	[tilespmem:s14+$0x67A0] =	vst.add.f32.msk $0xffff, v55  }
0x1e5: {  	[tilespmem:s14+$0x67B0] =	vst.add.f32.msk $0xffff, v56  }
0x1e6: {  	[tilespmem:s14+$0x67C0] =	vst.add.f32.msk $0xffff, v57  }
0x1e7: {  	[tilespmem:s14+$0x67D0] =	vst.add.f32.msk $0xffff, v58  }
0x1e8: {  	[tilespmem:s14+$0x67E0] =	vst.add.f32.msk $0xffff, v59  }
0x1e9: {  	[tilespmem:s14+$0x67F0] =	vst.add.f32.msk $0xffff, v60  }
0x1ea: {  	s16 =	sadd.s32 s4, s13;
	[tilespmem:s14+$0x6800] =	vst.add.f32.msk $0xffff, v61  }
0x1eb: {  	s16 =	smul.u32 $0xC80, s16;
	[tilespmem:s14+$0x6810] =	vst.add.f32.msk $0xffff, v62  }
0x1ec: {  	[tilespmem:s14+$0x6820] =	vst.add.f32.msk $0xffff, v63  }
0x1ed: {  	s17 =	sadd.s32 s7, s16;
	[tilespmem:s14+$0x6780] =	vst.add.f32.msk $0xffff, v13  }
0x1ee: {  	[hbm4b:s17+s26] =	stream.strided.scatter [tilespmem:s10], [sflag:$0x5], $0x3200, s28, s26, $0x38;
	[tilespmem:$0x16140] =	vst v63  }
0x1ef: {  	_ =	swait.ge [sflag:s29], $0x1A00  }
0x1f0: {  	[sflag:s29] =	ssyncset.done $0x0  }
0x1f1: {  	[sflag:s29] =	ssyncadd.s32 $0xFFFFE600  }
0x1f2: {  	_ =	swait.ge [sflag:s29], $0x1800  }
0x1f3: {  	[sflag:s29] =	ssyncset.done $0x0  }
0x1f4: {  	s16 =	simm.s32 $0x0;
	s14 =	simm.s32 $0x400;
	[sflag:s29] =	ssyncadd.s32 $0xFFFFE800  }
.LBB2_7:
0x1f5: {  	p0 =	sne.s32 s14, $0xC400;
	v13 =	vld [tilespmem:s16+$0x13030]  }
0x1f6: {  	v14 =	vld [tilespmem:s16+$0x12F40]  }
0x1f7: {  	v15 =	vld [tilespmem:s16+$0x12F50]  }
0x1f8: {  	v52 =	vld [tilespmem:s16+$0x12F60]  }
0x1f9: {  	v53 =	vld [tilespmem:s16+$0x12F70]  }
0x1fa: {  	[tilespmem:s16+$0x9A30] =	vst.add.f32.msk $0xffff, v13  }
0x1fb: {  	v13 =	vld [tilespmem:s16+$0x12F80]  }
0x1fc: {  	v54 =	vld [tilespmem:s16+$0x12F90]  }
0x1fd: {  	v55 =	vld [tilespmem:s16+$0x12FA0]  }
0x1fe: {  	v56 =	vld [tilespmem:s16+$0x12FB0]  }
0x1ff: {  	v57 =	vld [tilespmem:s16+$0x12FC0]  }
0x200: {  	v58 =	vld [tilespmem:s16+$0x12FD0]  }
0x201: {  	v59 =	vld [tilespmem:s16+$0x12FE0]  }
0x202: {  	v60 =	vld [tilespmem:s16+$0x12FF0]  }
0x203: {  	v61 =	vld [tilespmem:s16+$0x13000]  }
0x204: {  	v62 =	vld [tilespmem:s16+$0x13010]  }
0x205: {  	v63 =	vld [tilespmem:s16+$0x13020]  }
0x206: {  	[tilespmem:s16+$0x9940] =	vst.add.f32.msk $0xffff, v14  }
0x207: {  	[tilespmem:s16+$0x9950] =	vst.add.f32.msk $0xffff, v15  }
0x208: {  	[tilespmem:s16+$0x9960] =	vst.add.f32.msk $0xffff, v52  }
0x209: {  	[tilespmem:s16+$0x9970] =	vst.add.f32.msk $0xffff, v53  }
0x20a: {  	[tilespmem:s16+$0x9980] =	vst.add.f32.msk $0xffff, v13  }
0x20b: {  	[tilespmem:s16+$0x9990] =	vst.add.f32.msk $0xffff, v54  }
0x20c: {  	[tilespmem:s16+$0x99A0] =	vst.add.f32.msk $0xffff, v55  }
0x20d: {  	[tilespmem:s16+$0x99B0] =	vst.add.f32.msk $0xffff, v56  }
0x20e: {  	[tilespmem:s16+$0x99C0] =	vst.add.f32.msk $0xffff, v57  }
0x20f: {  	[tilespmem:s16+$0x99D0] =	vst.add.f32.msk $0xffff, v58  }
.Ltmp4:
0x210: {  	[tilespmem:s16+$0x99E0] =	vst.add.f32.msk $0xffff, v59;
	(pc) =	sbr.rel @p0 .LBB2_7-.Ltmp4, $4  }
0x211: {  	[tilespmem:s16+$0x99F0] =	vst.add.f32.msk $0xffff, v60  }
0x212: {  	[tilespmem:s16+$0x9A00] =	vst.add.f32.msk $0xffff, v61  }
0x213: {  	[tilespmem:s16+$0x9A10] =	vst.add.f32.msk $0xffff, v62  }
0x214: {  	[tilespmem:s16+$0x9A20] =	vst.add.f32.msk $0xffff, v63;
	s16 =	sshra.s32 s14, $0x2;
	s14 =	sadd.s32 $0x400, s14  }
0x215: {  	v13 =	vld [tilespmem:s16+$0x13030]  }
0x216: {  	v14 =	vld [tilespmem:s16+$0x12F40]  }
0x217: {  	v15 =	vld [tilespmem:s16+$0x12F50]  }
0x218: {  	v52 =	vld [tilespmem:s16+$0x12F60]  }
0x219: {  	v53 =	vld [tilespmem:s16+$0x12F70]  }
0x21a: {  	v54 =	vld [tilespmem:s16+$0x12F90]  }
0x21b: {  	v55 =	vld [tilespmem:s16+$0x12FA0]  }
0x21c: {  	v56 =	vld [tilespmem:s16+$0x12FB0]  }
0x21d: {  	v57 =	vld [tilespmem:s16+$0x12FC0]  }
0x21e: {  	v58 =	vld [tilespmem:s16+$0x12FD0]  }
0x21f: {  	v59 =	vld [tilespmem:s16+$0x12FE0]  }
0x220: {  	v60 =	vld [tilespmem:s16+$0x12FF0]  }
0x221: {  	v61 =	vld [tilespmem:s16+$0x13000]  }
0x222: {  	v62 =	vld [tilespmem:s16+$0x13010]  }
0x223: {  	v63 =	vld [tilespmem:s16+$0x13020]  }
0x224: {  	[tilespmem:s16+$0x9A30] =	vst.add.f32.msk $0xffff, v13  }
0x225: {  	v13 =	vld [tilespmem:s16+$0x12F80]  }
0x226: {  	[tilespmem:s16+$0x9940] =	vst.add.f32.msk $0xffff, v14  }
0x227: {  	[tilespmem:s16+$0x9950] =	vst.add.f32.msk $0xffff, v15  }
0x228: {  	[tilespmem:s16+$0x9960] =	vst.add.f32.msk $0xffff, v52  }
0x229: {  	[tilespmem:s16+$0x9970] =	vst.add.f32.msk $0xffff, v53  }
0x22a: {  	[tilespmem:s16+$0x9990] =	vst.add.f32.msk $0xffff, v54  }
0x22b: {  	[tilespmem:s16+$0x99A0] =	vst.add.f32.msk $0xffff, v55  }
0x22c: {  	[tilespmem:s16+$0x99B0] =	vst.add.f32.msk $0xffff, v56  }
0x22d: {  	[tilespmem:s16+$0x99C0] =	vst.add.f32.msk $0xffff, v57  }
0x22e: {  	[tilespmem:s16+$0x99D0] =	vst.add.f32.msk $0xffff, v58  }
0x22f: {  	s14 =	sadd.s32 s13, s4;
	[tilespmem:s16+$0x99E0] =	vst.add.f32.msk $0xffff, v59  }
0x230: {  	p0 =	seq.s32 s12, $0x1F;
	s14 =	smul.u32 $0xC80, s14;
	[tilespmem:s16+$0x99F0] =	vst.add.f32.msk $0xffff, v60  }
.Ltmp5:
0x231: {  	[tilespmem:s16+$0x9A00] =	vst.add.f32.msk $0xffff, v61;
	(pc) =	sbr.rel @p0 .LBB2_10-.Ltmp5, $4  }
0x232: {  	[tilespmem:s16+$0x9A10] =	vst.add.f32.msk $0xffff, v62  }
0x233: {  	s14 =	sadd.s32 s7, s14;
	[tilespmem:s16+$0x9A20] =	vst.add.f32.msk $0xffff, v63  }
0x234: {  	s17 =	sadd.s32 $0xC80, s14;
	[tilespmem:s16+$0x9980] =	vst.add.f32.msk $0xffff, v13  }
0x235: {  	[hbm4b:s17+s26] =	stream.strided.scatter [tilespmem:s15], [sflag:$0x6], $0x3200, s28, s26, $0x38;
	[tilespmem:$0x16140] =	vst v63  }
0x236: {  	s16 =	sadd.s32 $0x4, s13  }
0x237: {  	v13 =	vmov s16  }
0x238: {  	v13 =	vand.u32 $0xFC, v13  }
0x239: {  	v14 =	vadd.s32 v0, v13;
	_ =	sdelay $0x1  }
0x23a: {  	_ =	swait.ge [sflag:s0], $0x3200  }
0x23b: {  	[sflag:s0] =	ssyncset.done $0x0  }
0x23c: {  	[sflag:s0] =	ssyncadd.s32 $0xFFFFCE00  }
0x23d: {  	v14 =	vld.idx.msk [tilespmem:v14+s3+$0x0], $0xffff;
	_ =	sdelay $0x1  }
0x23e: {  	v15 =	vadd.s32 v1, v13;
	_ =	sdelay $0x2  }
0x23f: {  	v14 =	vshll.u32 v14, $0x1  }
0x240: {  	[tilespmem:$0x6400] =	vst v14  }
0x241: {  	v14 =	vld.idx.msk [tilespmem:v15+s3+$0x0], $0xffff;
	_ =	sdelay $0x1  }
0x242: {  	v15 =	vadd.s32 v2, v13;
	_ =	sdelay $0x2  }
0x243: {  	v14 =	vshll.u32 v14, $0x1  }
0x244: {  	[tilespmem:$0x6410] =	vst v14  }
0x245: {  	v14 =	vld.idx.msk [tilespmem:v15+s3+$0x0], $0xffff;
	_ =	sdelay $0x1  }
0x246: {  	v15 =	vadd.s32 v3, v13;
	_ =	sdelay $0x2  }
0x247: {  	v14 =	vshll.u32 v14, $0x1  }
0x248: {  	[tilespmem:$0x6420] =	vst v14  }
0x249: {  	v14 =	vld.idx.msk [tilespmem:v15+s3+$0x0], $0xffff;
	_ =	sdelay $0x1  }
0x24a: {  	v15 =	vadd.s32 v4, v13;
	_ =	sdelay $0x2  }
0x24b: {  	v14 =	vshll.u32 v14, $0x1  }
0x24c: {  	[tilespmem:$0x6430] =	vst v14  }
0x24d: {  	v14 =	vld.idx.msk [tilespmem:v15+s3+$0x0], $0xffff;
	_ =	sdelay $0x1  }
0x24e: {  	v15 =	vadd.s32 v5, v13;
	_ =	sdelay $0x2  }
0x24f: {  	v14 =	vshll.u32 v14, $0x1  }
0x250: {  	[tilespmem:$0x6440] =	vst v14  }
0x251: {  	v14 =	vld.idx.msk [tilespmem:v15+s3+$0x0], $0xffff;
	_ =	sdelay $0x1  }
0x252: {  	v15 =	vadd.s32 v6, v13;
	_ =	sdelay $0x2  }
0x253: {  	v14 =	vshll.u32 v14, $0x1  }
0x254: {  	[tilespmem:$0x6450] =	vst v14  }
0x255: {  	v14 =	vld.idx.msk [tilespmem:v15+s3+$0x0], $0xffff;
	_ =	sdelay $0x1  }
0x256: {  	v15 =	vadd.s32 v7, v13;
	_ =	sdelay $0x2  }
0x257: {  	v14 =	vshll.u32 v14, $0x1  }
0x258: {  	[tilespmem:$0x6458] =	vst v14  }
0x259: {  	v14 =	vld.idx.msk [tilespmem:v15+s3+$0x0], $0xffff;
	_ =	sdelay $0x1  }
0x25a: {  	v15 =	vadd.s32 v8, v13;
	_ =	sdelay $0x2  }
0x25b: {  	v14 =	vshll.u32 v14, $0x1  }
0x25c: {  	[tilespmem:$0x6468] =	vst v14  }
0x25d: {  	v14 =	vld.idx.msk [tilespmem:v15+s3+$0x0], $0xffff;
	_ =	sdelay $0x1  }
0x25e: {  	v15 =	vadd.s32 v9, v13;
	_ =	sdelay $0x2  }
0x25f: {  	v14 =	vshll.u32 v14, $0x1  }
0x260: {  	[tilespmem:$0x6478] =	vst v14  }
0x261: {  	v14 =	vld.idx.msk [tilespmem:v15+s3+$0x0], $0xffff;
	_ =	sdelay $0x1  }
0x262: {  	v15 =	vadd.s32 v10, v13;
	_ =	sdelay $0x2  }
0x263: {  	v14 =	vshll.u32 v14, $0x1  }
0x264: {  	[tilespmem:$0x6488] =	vst v14  }
0x265: {  	v14 =	vld.idx.msk [tilespmem:v15+s3+$0x0], $0xffff;
	_ =	sdelay $0x1  }
0x266: {  	v15 =	vadd.s32 v11, v13;
	_ =	sdelay $0x2  }
0x267: {  	v14 =	vshll.u32 v14, $0x1  }
0x268: {  	[tilespmem:$0x6498] =	vst v14  }
0x269: {  	v14 =	vld.idx.msk [tilespmem:v15+s3+$0x0], $0xffff;
	_ =	sdelay $0x1  }
0x26a: {  	v13 =	vadd.s32 v12, v13;
	_ =	sdelay $0x2  }
0x26b: {  	v14 =	vshll.u32 v14, $0x1  }
0x26c: {  	[tilespmem:$0x64A8] =	vst v14  }
0x26d: {  	v13 =	vld.idx.msk [tilespmem:v13+s3+$0x0], $0xffff;
	_ =	sdelay $0x4  }
0x26e: {  	v13 =	vshll.u32 v13, $0x1  }
0x26f: {  	s17 =	simm.s32 $0x6400;
	[tilespmem:$0x64B8] =	vst v13  }
0x270: {  	[tilespmem:s10], [sflag:$0x1] =	stream.indirect.gather [hbm4b:s1+s8], $0x40, s17, s8, $0xb8;
	[tilespmem:$0x16140] =	vst v63  }
0x271: {  	s16 =	simm.s32 $0x6468;
	s17 =	simm.s32 $0x8140  }
0x272: {  	[tilespmem:s17], [sflag:$0x1] =	stream.indirect.gather [hbm4b:s1+s11], $0x40, s16, s11, $0xb8;
	[tilespmem:$0x16140] =	vst v63  }
.LBB2_10:
0x273: {  	_ =	swait.ge [sflag:s30], $0x1A00  }
0x274: {  	[sflag:s30] =	ssyncset.done $0x0  }
0x275: {  	[sflag:s30] =	ssyncadd.s32 $0xFFFFE600  }
0x276: {  	_ =	swait.ge [sflag:s30], $0x1800  }
0x277: {  	[sflag:s30] =	ssyncset.done $0x0  }
0x278: {  	s16 =	simm.s32 $0x0;
	s17 =	simm.s32 $0x400;
	[sflag:s30] =	ssyncadd.s32 $0xFFFFE800  }
.LBB2_11:
0x279: {  	p1 =	sne.s32 s17, $0xC400;
	v13 =	vld [tilespmem:s16+$0x13030]  }
0x27a: {  	v14 =	vld [tilespmem:s16+$0x12F40]  }
0x27b: {  	v15 =	vld [tilespmem:s16+$0x12F50]  }
0x27c: {  	v52 =	vld [tilespmem:s16+$0x12F60]  }
0x27d: {  	v53 =	vld [tilespmem:s16+$0x12F70]  }
0x27e: {  	[tilespmem:s16+$0xCC30] =	vst.add.f32.msk $0xffff, v13  }
0x27f: {  	v13 =	vld [tilespmem:s16+$0x12F80]  }
0x280: {  	v54 =	vld [tilespmem:s16+$0x12F90]  }
0x281: {  	v55 =	vld [tilespmem:s16+$0x12FA0]  }
0x282: {  	v56 =	vld [tilespmem:s16+$0x12FB0]  }
0x283: {  	v57 =	vld [tilespmem:s16+$0x12FC0]  }
0x284: {  	v58 =	vld [tilespmem:s16+$0x12FD0]  }
0x285: {  	v59 =	vld [tilespmem:s16+$0x12FE0]  }
0x286: {  	v60 =	vld [tilespmem:s16+$0x12FF0]  }
0x287: {  	v61 =	vld [tilespmem:s16+$0x13000]  }
0x288: {  	v62 =	vld [tilespmem:s16+$0x13010]  }
0x289: {  	v63 =	vld [tilespmem:s16+$0x13020]  }
0x28a: {  	[tilespmem:s16+$0xCB40] =	vst.add.f32.msk $0xffff, v14  }
0x28b: {  	[tilespmem:s16+$0xCB50] =	vst.add.f32.msk $0xffff, v15  }
0x28c: {  	[tilespmem:s16+$0xCB60] =	vst.add.f32.msk $0xffff, v52  }
0x28d: {  	[tilespmem:s16+$0xCB70] =	vst.add.f32.msk $0xffff, v53  }
0x28e: {  	[tilespmem:s16+$0xCB80] =	vst.add.f32.msk $0xffff, v13  }
0x28f: {  	[tilespmem:s16+$0xCB90] =	vst.add.f32.msk $0xffff, v54  }
0x290: {  	[tilespmem:s16+$0xCBA0] =	vst.add.f32.msk $0xffff, v55  }
0x291: {  	[tilespmem:s16+$0xCBB0] =	vst.add.f32.msk $0xffff, v56  }
0x292: {  	[tilespmem:s16+$0xCBC0] =	vst.add.f32.msk $0xffff, v57  }
0x293: {  	[tilespmem:s16+$0xCBD0] =	vst.add.f32.msk $0xffff, v58  }
.Ltmp6:
0x294: {  	[tilespmem:s16+$0xCBE0] =	vst.add.f32.msk $0xffff, v59;
	(pc) =	sbr.rel @p1 .LBB2_11-.Ltmp6, $4  }
0x295: {  	[tilespmem:s16+$0xCBF0] =	vst.add.f32.msk $0xffff, v60  }
0x296: {  	[tilespmem:s16+$0xCC00] =	vst.add.f32.msk $0xffff, v61  }
0x297: {  	[tilespmem:s16+$0xCC10] =	vst.add.f32.msk $0xffff, v62  }
0x298: {  	[tilespmem:s16+$0xCC20] =	vst.add.f32.msk $0xffff, v63;
	s16 =	sshra.s32 s17, $0x2;
	s17 =	sadd.s32 $0x400, s17  }
0x299: {  	v13 =	vld [tilespmem:s16+$0x13030]  }
0x29a: {  	v14 =	vld [tilespmem:s16+$0x12F40]  }
0x29b: {  	v15 =	vld [tilespmem:s16+$0x12F50]  }
0x29c: {  	v52 =	vld [tilespmem:s16+$0x12F60]  }
0x29d: {  	v53 =	vld [tilespmem:s16+$0x12F70]  }
0x29e: {  	v54 =	vld [tilespmem:s16+$0x12F90]  }
0x29f: {  	v55 =	vld [tilespmem:s16+$0x12FA0]  }
0x2a0: {  	v56 =	vld [tilespmem:s16+$0x12FB0]  }
0x2a1: {  	v57 =	vld [tilespmem:s16+$0x12FC0]  }
0x2a2: {  	v58 =	vld [tilespmem:s16+$0x12FD0]  }
0x2a3: {  	v59 =	vld [tilespmem:s16+$0x12FE0]  }
0x2a4: {  	v60 =	vld [tilespmem:s16+$0x12FF0]  }
0x2a5: {  	v61 =	vld [tilespmem:s16+$0x13000]  }
0x2a6: {  	v62 =	vld [tilespmem:s16+$0x13010]  }
0x2a7: {  	v63 =	vld [tilespmem:s16+$0x13020]  }
0x2a8: {  	[tilespmem:s16+$0xCC30] =	vst.add.f32.msk $0xffff, v13  }
0x2a9: {  	v13 =	vld [tilespmem:s16+$0x12F80]  }
0x2aa: {  	[tilespmem:s16+$0xCB40] =	vst.add.f32.msk $0xffff, v14  }
0x2ab: {  	[tilespmem:s16+$0xCB50] =	vst.add.f32.msk $0xffff, v15  }
0x2ac: {  	[tilespmem:s16+$0xCB60] =	vst.add.f32.msk $0xffff, v52  }
0x2ad: {  	[tilespmem:s16+$0xCB70] =	vst.add.f32.msk $0xffff, v53  }
0x2ae: {  	[tilespmem:s16+$0xCB90] =	vst.add.f32.msk $0xffff, v54  }
0x2af: {  	[tilespmem:s16+$0xCBA0] =	vst.add.f32.msk $0xffff, v55  }
0x2b0: {  	[tilespmem:s16+$0xCBB0] =	vst.add.f32.msk $0xffff, v56  }
0x2b1: {  	[tilespmem:s16+$0xCBC0] =	vst.add.f32.msk $0xffff, v57  }
0x2b2: {  	[tilespmem:s16+$0xCBD0] =	vst.add.f32.msk $0xffff, v58  }
0x2b3: {  	[tilespmem:s16+$0xCBE0] =	vst.add.f32.msk $0xffff, v59  }
0x2b4: {  	[tilespmem:s16+$0xCBF0] =	vst.add.f32.msk $0xffff, v60  }
.Ltmp7:
0x2b5: {  	[tilespmem:s16+$0xCC00] =	vst.add.f32.msk $0xffff, v61;
	(pc) =	sbr.rel @p0 .LBB2_14-.Ltmp7, $4  }
0x2b6: {  	[tilespmem:s16+$0xCC10] =	vst.add.f32.msk $0xffff, v62  }
0x2b7: {  	[tilespmem:s16+$0xCC20] =	vst.add.f32.msk $0xffff, v63  }
0x2b8: {  	s17 =	sadd.s32 $0x1900, s14;
	[tilespmem:s16+$0xCB80] =	vst.add.f32.msk $0xffff, v13  }
0x2b9: {  	[hbm4b:s17+s26] =	stream.strided.scatter [tilespmem:s19], [sflag:$0x7], $0x3200, s28, s26, $0x38;
	[tilespmem:$0x16140] =	vst v63  }
0x2ba: {  	s16 =	sadd.s32 $0x5, s13  }
0x2bb: {  	v13 =	vmov s16  }
0x2bc: {  	v13 =	vand.u32 $0xFD, v13  }
0x2bd: {  	v14 =	vadd.s32 v0, v13;
	_ =	sdelay $0x1  }
0x2be: {  	_ =	swait.ge [sflag:s2], $0x3200  }
0x2bf: {  	[sflag:s2] =	ssyncset.done $0x0  }
0x2c0: {  	[sflag:s2] =	ssyncadd.s32 $0xFFFFCE00  }
0x2c1: {  	v14 =	vld.idx.msk [tilespmem:v14+s3+$0x0], $0xffff;
	_ =	sdelay $0x1  }
0x2c2: {  	v15 =	vadd.s32 v1, v13;
	_ =	sdelay $0x2  }
0x2c3: {  	v14 =	vshll.u32 v14, $0x1  }
0x2c4: {  	[tilespmem:$0x64D0] =	vst v14  }
0x2c5: {  	v14 =	vld.idx.msk [tilespmem:v15+s3+$0x0], $0xffff;
	_ =	sdelay $0x1  }
0x2c6: {  	v15 =	vadd.s32 v2, v13;
	_ =	sdelay $0x2  }
0x2c7: {  	v14 =	vshll.u32 v14, $0x1  }
0x2c8: {  	[tilespmem:$0x64E0] =	vst v14  }
0x2c9: {  	v14 =	vld.idx.msk [tilespmem:v15+s3+$0x0], $0xffff;
	_ =	sdelay $0x1  }
0x2ca: {  	v15 =	vadd.s32 v3, v13;
	_ =	sdelay $0x2  }
0x2cb: {  	v14 =	vshll.u32 v14, $0x1  }
0x2cc: {  	[tilespmem:$0x64F0] =	vst v14  }
0x2cd: {  	v14 =	vld.idx.msk [tilespmem:v15+s3+$0x0], $0xffff;
	_ =	sdelay $0x1  }
0x2ce: {  	v15 =	vadd.s32 v4, v13;
	_ =	sdelay $0x2  }
0x2cf: {  	v14 =	vshll.u32 v14, $0x1  }
0x2d0: {  	[tilespmem:$0x6500] =	vst v14  }
0x2d1: {  	v14 =	vld.idx.msk [tilespmem:v15+s3+$0x0], $0xffff;
	_ =	sdelay $0x1  }
0x2d2: {  	v15 =	vadd.s32 v5, v13;
	_ =	sdelay $0x2  }
0x2d3: {  	v14 =	vshll.u32 v14, $0x1  }
0x2d4: {  	[tilespmem:$0x6510] =	vst v14  }
0x2d5: {  	v14 =	vld.idx.msk [tilespmem:v15+s3+$0x0], $0xffff;
	_ =	sdelay $0x1  }
0x2d6: {  	v15 =	vadd.s32 v6, v13;
	_ =	sdelay $0x2  }
0x2d7: {  	v14 =	vshll.u32 v14, $0x1  }
0x2d8: {  	[tilespmem:$0x6520] =	vst v14  }
0x2d9: {  	v14 =	vld.idx.msk [tilespmem:v15+s3+$0x0], $0xffff;
	_ =	sdelay $0x1  }
0x2da: {  	v15 =	vadd.s32 v7, v13;
	_ =	sdelay $0x2  }
0x2db: {  	v14 =	vshll.u32 v14, $0x1  }
0x2dc: {  	[tilespmem:$0x6528] =	vst v14  }
0x2dd: {  	v14 =	vld.idx.msk [tilespmem:v15+s3+$0x0], $0xffff;
	_ =	sdelay $0x1  }
0x2de: {  	v15 =	vadd.s32 v8, v13;
	_ =	sdelay $0x2  }
0x2df: {  	v14 =	vshll.u32 v14, $0x1  }
0x2e0: {  	[tilespmem:$0x6538] =	vst v14  }
0x2e1: {  	v14 =	vld.idx.msk [tilespmem:v15+s3+$0x0], $0xffff;
	_ =	sdelay $0x1  }
0x2e2: {  	v15 =	vadd.s32 v9, v13;
	_ =	sdelay $0x2  }
0x2e3: {  	v14 =	vshll.u32 v14, $0x1  }
0x2e4: {  	[tilespmem:$0x6548] =	vst v14  }
0x2e5: {  	v14 =	vld.idx.msk [tilespmem:v15+s3+$0x0], $0xffff;
	_ =	sdelay $0x1  }
0x2e6: {  	v15 =	vadd.s32 v10, v13;
	_ =	sdelay $0x2  }
0x2e7: {  	v14 =	vshll.u32 v14, $0x1  }
0x2e8: {  	[tilespmem:$0x6558] =	vst v14  }
0x2e9: {  	v14 =	vld.idx.msk [tilespmem:v15+s3+$0x0], $0xffff;
	_ =	sdelay $0x1  }
0x2ea: {  	v15 =	vadd.s32 v11, v13;
	_ =	sdelay $0x2  }
0x2eb: {  	v14 =	vshll.u32 v14, $0x1  }
0x2ec: {  	[tilespmem:$0x6568] =	vst v14  }
0x2ed: {  	v14 =	vld.idx.msk [tilespmem:v15+s3+$0x0], $0xffff;
	_ =	sdelay $0x1  }
0x2ee: {  	v13 =	vadd.s32 v12, v13;
	_ =	sdelay $0x2  }
0x2ef: {  	v14 =	vshll.u32 v14, $0x1  }
0x2f0: {  	[tilespmem:$0x6578] =	vst v14  }
0x2f1: {  	v13 =	vld.idx.msk [tilespmem:v13+s3+$0x0], $0xffff;
	_ =	sdelay $0x4  }
0x2f2: {  	v13 =	vshll.u32 v13, $0x1  }
0x2f3: {  	s17 =	simm.s32 $0x64D0;
	[tilespmem:$0x6588] =	vst v13  }
0x2f4: {  	[tilespmem:s15], [sflag:$0x2] =	stream.indirect.gather [hbm4b:s1+s8], $0x40, s17, s8, $0xb8;
	[tilespmem:$0x16140] =	vst v63  }
0x2f5: {  	s16 =	simm.s32 $0x6538;
	s17 =	simm.s32 $0xB340  }
0x2f6: {  	[tilespmem:s17], [sflag:$0x2] =	stream.indirect.gather [hbm4b:s1+s11], $0x40, s16, s11, $0xb8;
	[tilespmem:$0x16140] =	vst v63  }
.LBB2_14:
0x2f7: {  	_ =	swait.ge [sflag:s31], $0x1A00  }
0x2f8: {  	[sflag:s31] =	ssyncset.done $0x0  }
0x2f9: {  	[sflag:s31] =	ssyncadd.s32 $0xFFFFE600  }
0x2fa: {  	_ =	swait.ge [sflag:s31], $0x1800  }
0x2fb: {  	[sflag:s31] =	ssyncset.done $0x0  }
0x2fc: {  	s16 =	simm.s32 $0x0;
	s17 =	simm.s32 $0x400;
	[sflag:s31] =	ssyncadd.s32 $0xFFFFE800  }
.LBB2_15:
0x2fd: {  	p1 =	sne.s32 s17, $0xC400;
	v13 =	vld [tilespmem:s16+$0x13030]  }
0x2fe: {  	v14 =	vld [tilespmem:s16+$0x12F40]  }
0x2ff: {  	v15 =	vld [tilespmem:s16+$0x12F50]  }
0x300: {  	v52 =	vld [tilespmem:s16+$0x12F60]  }
0x301: {  	v53 =	vld [tilespmem:s16+$0x12F70]  }
0x302: {  	[tilespmem:s16+$0xFE30] =	vst.add.f32.msk $0xffff, v13  }
0x303: {  	v13 =	vld [tilespmem:s16+$0x12F80]  }
0x304: {  	v54 =	vld [tilespmem:s16+$0x12F90]  }
0x305: {  	v55 =	vld [tilespmem:s16+$0x12FA0]  }
0x306: {  	v56 =	vld [tilespmem:s16+$0x12FB0]  }
0x307: {  	v57 =	vld [tilespmem:s16+$0x12FC0]  }
0x308: {  	v58 =	vld [tilespmem:s16+$0x12FD0]  }
0x309: {  	v59 =	vld [tilespmem:s16+$0x12FE0]  }
0x30a: {  	v60 =	vld [tilespmem:s16+$0x12FF0]  }
0x30b: {  	v61 =	vld [tilespmem:s16+$0x13000]  }
0x30c: {  	v62 =	vld [tilespmem:s16+$0x13010]  }
0x30d: {  	v63 =	vld [tilespmem:s16+$0x13020]  }
0x30e: {  	[tilespmem:s16+$0xFD40] =	vst.add.f32.msk $0xffff, v14  }
0x30f: {  	[tilespmem:s16+$0xFD50] =	vst.add.f32.msk $0xffff, v15  }
0x310: {  	[tilespmem:s16+$0xFD60] =	vst.add.f32.msk $0xffff, v52  }
0x311: {  	[tilespmem:s16+$0xFD70] =	vst.add.f32.msk $0xffff, v53  }
0x312: {  	[tilespmem:s16+$0xFD80] =	vst.add.f32.msk $0xffff, v13  }
0x313: {  	[tilespmem:s16+$0xFD90] =	vst.add.f32.msk $0xffff, v54  }
0x314: {  	[tilespmem:s16+$0xFDA0] =	vst.add.f32.msk $0xffff, v55  }
0x315: {  	[tilespmem:s16+$0xFDB0] =	vst.add.f32.msk $0xffff, v56  }
0x316: {  	[tilespmem:s16+$0xFDC0] =	vst.add.f32.msk $0xffff, v57  }
0x317: {  	[tilespmem:s16+$0xFDD0] =	vst.add.f32.msk $0xffff, v58  }
.Ltmp8:
0x318: {  	[tilespmem:s16+$0xFDE0] =	vst.add.f32.msk $0xffff, v59;
	(pc) =	sbr.rel @p1 .LBB2_15-.Ltmp8, $4  }
0x319: {  	[tilespmem:s16+$0xFDF0] =	vst.add.f32.msk $0xffff, v60  }
0x31a: {  	[tilespmem:s16+$0xFE00] =	vst.add.f32.msk $0xffff, v61  }
0x31b: {  	[tilespmem:s16+$0xFE10] =	vst.add.f32.msk $0xffff, v62  }
0x31c: {  	[tilespmem:s16+$0xFE20] =	vst.add.f32.msk $0xffff, v63;
	s16 =	sshra.s32 s17, $0x2;
	s17 =	sadd.s32 $0x400, s17  }
0x31d: {  	v13 =	vld [tilespmem:s16+$0x13030]  }
0x31e: {  	v14 =	vld [tilespmem:s16+$0x12F40]  }
0x31f: {  	v15 =	vld [tilespmem:s16+$0x12F50]  }
0x320: {  	v52 =	vld [tilespmem:s16+$0x12F60]  }
0x321: {  	v53 =	vld [tilespmem:s16+$0x12F70]  }
0x322: {  	v54 =	vld [tilespmem:s16+$0x12F90]  }
0x323: {  	v55 =	vld [tilespmem:s16+$0x12FA0]  }
0x324: {  	v56 =	vld [tilespmem:s16+$0x12FB0]  }
0x325: {  	v57 =	vld [tilespmem:s16+$0x12FC0]  }
0x326: {  	v58 =	vld [tilespmem:s16+$0x12FD0]  }
0x327: {  	v59 =	vld [tilespmem:s16+$0x12FE0]  }
0x328: {  	v60 =	vld [tilespmem:s16+$0x12FF0]  }
0x329: {  	v61 =	vld [tilespmem:s16+$0x13000]  }
0x32a: {  	v62 =	vld [tilespmem:s16+$0x13010]  }
0x32b: {  	v63 =	vld [tilespmem:s16+$0x13020]  }
0x32c: {  	[tilespmem:s16+$0xFE30] =	vst.add.f32.msk $0xffff, v13  }
0x32d: {  	v13 =	vld [tilespmem:s16+$0x12F80]  }
0x32e: {  	[tilespmem:s16+$0xFD40] =	vst.add.f32.msk $0xffff, v14  }
0x32f: {  	[tilespmem:s16+$0xFD50] =	vst.add.f32.msk $0xffff, v15  }
0x330: {  	[tilespmem:s16+$0xFD60] =	vst.add.f32.msk $0xffff, v52  }
0x331: {  	[tilespmem:s16+$0xFD70] =	vst.add.f32.msk $0xffff, v53  }
0x332: {  	[tilespmem:s16+$0xFD90] =	vst.add.f32.msk $0xffff, v54  }
0x333: {  	[tilespmem:s16+$0xFDA0] =	vst.add.f32.msk $0xffff, v55  }
0x334: {  	[tilespmem:s16+$0xFDB0] =	vst.add.f32.msk $0xffff, v56  }
0x335: {  	[tilespmem:s16+$0xFDC0] =	vst.add.f32.msk $0xffff, v57  }
0x336: {  	[tilespmem:s16+$0xFDD0] =	vst.add.f32.msk $0xffff, v58  }
0x337: {  	[tilespmem:s16+$0xFDE0] =	vst.add.f32.msk $0xffff, v59  }
0x338: {  	[tilespmem:s16+$0xFDF0] =	vst.add.f32.msk $0xffff, v60  }
.Ltmp9:
0x339: {  	[tilespmem:s16+$0xFE00] =	vst.add.f32.msk $0xffff, v61;
	(pc) =	sbr.rel @p0 .LBB2_18-.Ltmp9, $4  }
0x33a: {  	[tilespmem:s16+$0xFE10] =	vst.add.f32.msk $0xffff, v62  }
0x33b: {  	[tilespmem:s16+$0xFE20] =	vst.add.f32.msk $0xffff, v63  }
0x33c: {  	s14 =	sadd.s32 $0x2580, s14;
	[tilespmem:s16+$0xFD80] =	vst.add.f32.msk $0xffff, v13  }
0x33d: {  	[hbm4b:s14+s26] =	stream.strided.scatter [tilespmem:s23], [sflag:$0x8], $0x3200, s28, s26, $0x38;
	[tilespmem:$0x16140] =	vst v63  }
0x33e: {  	s13 =	sadd.s32 $0x6, s13  }
0x33f: {  	v13 =	vmov s13  }
0x340: {  	v13 =	vand.u32 $0xFE, v13  }
0x341: {  	v14 =	vadd.s32 v0, v13;
	_ =	sdelay $0x1  }
0x342: {  	_ =	swait.ge [sflag:s6], $0x3200  }
0x343: {  	[sflag:s6] =	ssyncset.done $0x0  }
0x344: {  	[sflag:s6] =	ssyncadd.s32 $0xFFFFCE00  }
0x345: {  	v14 =	vld.idx.msk [tilespmem:v14+s3+$0x0], $0xffff;
	_ =	sdelay $0x1  }
0x346: {  	v15 =	vadd.s32 v1, v13;
	_ =	sdelay $0x2  }
0x347: {  	v14 =	vshll.u32 v14, $0x1  }
0x348: {  	[tilespmem:$0x65A0] =	vst v14  }
0x349: {  	v14 =	vld.idx.msk [tilespmem:v15+s3+$0x0], $0xffff;
	_ =	sdelay $0x1  }
0x34a: {  	v15 =	vadd.s32 v2, v13;
	_ =	sdelay $0x2  }
0x34b: {  	v14 =	vshll.u32 v14, $0x1  }
0x34c: {  	[tilespmem:$0x65B0] =	vst v14  }
0x34d: {  	v14 =	vld.idx.msk [tilespmem:v15+s3+$0x0], $0xffff;
	_ =	sdelay $0x1  }
0x34e: {  	v15 =	vadd.s32 v3, v13;
	_ =	sdelay $0x2  }
0x34f: {  	v14 =	vshll.u32 v14, $0x1  }
0x350: {  	[tilespmem:$0x65C0] =	vst v14  }
0x351: {  	v14 =	vld.idx.msk [tilespmem:v15+s3+$0x0], $0xffff;
	_ =	sdelay $0x1  }
0x352: {  	v15 =	vadd.s32 v4, v13;
	_ =	sdelay $0x2  }
0x353: {  	v14 =	vshll.u32 v14, $0x1  }
0x354: {  	[tilespmem:$0x65D0] =	vst v14  }
0x355: {  	v14 =	vld.idx.msk [tilespmem:v15+s3+$0x0], $0xffff;
	_ =	sdelay $0x1  }
0x356: {  	v15 =	vadd.s32 v5, v13;
	_ =	sdelay $0x2  }
0x357: {  	v14 =	vshll.u32 v14, $0x1  }
0x358: {  	[tilespmem:$0x65E0] =	vst v14  }
0x359: {  	v14 =	vld.idx.msk [tilespmem:v15+s3+$0x0], $0xffff;
	_ =	sdelay $0x1  }
0x35a: {  	v15 =	vadd.s32 v6, v13;
	_ =	sdelay $0x2  }
0x35b: {  	v14 =	vshll.u32 v14, $0x1  }
0x35c: {  	[tilespmem:$0x65F0] =	vst v14  }
0x35d: {  	v14 =	vld.idx.msk [tilespmem:v15+s3+$0x0], $0xffff;
	_ =	sdelay $0x1  }
0x35e: {  	v15 =	vadd.s32 v7, v13;
	_ =	sdelay $0x2  }
0x35f: {  	v14 =	vshll.u32 v14, $0x1  }
0x360: {  	[tilespmem:$0x65F8] =	vst v14  }
0x361: {  	v14 =	vld.idx.msk [tilespmem:v15+s3+$0x0], $0xffff;
	_ =	sdelay $0x1  }
0x362: {  	v15 =	vadd.s32 v8, v13;
	_ =	sdelay $0x2  }
0x363: {  	v14 =	vshll.u32 v14, $0x1  }
0x364: {  	[tilespmem:$0x6608] =	vst v14  }
0x365: {  	v14 =	vld.idx.msk [tilespmem:v15+s3+$0x0], $0xffff;
	_ =	sdelay $0x1  }
0x366: {  	v15 =	vadd.s32 v9, v13;
	_ =	sdelay $0x2  }
0x367: {  	v14 =	vshll.u32 v14, $0x1  }
0x368: {  	[tilespmem:$0x6618] =	vst v14  }
0x369: {  	v14 =	vld.idx.msk [tilespmem:v15+s3+$0x0], $0xffff;
	_ =	sdelay $0x1  }
0x36a: {  	v15 =	vadd.s32 v10, v13;
	_ =	sdelay $0x2  }
0x36b: {  	v14 =	vshll.u32 v14, $0x1  }
0x36c: {  	[tilespmem:$0x6628] =	vst v14  }
0x36d: {  	v14 =	vld.idx.msk [tilespmem:v15+s3+$0x0], $0xffff;
	_ =	sdelay $0x1  }
0x36e: {  	v15 =	vadd.s32 v11, v13;
	_ =	sdelay $0x2  }
0x36f: {  	v14 =	vshll.u32 v14, $0x1  }
0x370: {  	[tilespmem:$0x6638] =	vst v14  }
0x371: {  	v14 =	vld.idx.msk [tilespmem:v15+s3+$0x0], $0xffff;
	_ =	sdelay $0x1  }
0x372: {  	v13 =	vadd.s32 v12, v13;
	_ =	sdelay $0x2  }
0x373: {  	v14 =	vshll.u32 v14, $0x1  }
0x374: {  	[tilespmem:$0x6648] =	vst v14  }
0x375: {  	v13 =	vld.idx.msk [tilespmem:v13+s3+$0x0], $0xffff;
	_ =	sdelay $0x4  }
.Ltmp10:
0x376: {  	v13 =	vshll.u32 v13, $0x1;
	(pc) =	sbr.rel .LBB2_2-.Ltmp10, $4  }
0x377: {  	[tilespmem:$0x6658] =	vst v13  }
0x378: {  	[tilespmem:s19], [sflag:$0x3] =	stream.indirect.gather [hbm4b:s1+s8], $0x40, s18, s8, $0xb8;
	[tilespmem:$0x16140] =	vst v63  }
0x379: {  	s12 =	sadd.s32 $0x1, s12  }
0x37a: {  	[tilespmem:s21], [sflag:$0x3] =	stream.indirect.gather [hbm4b:s1+s11], $0x40, s20, s11, $0xb8;
	[tilespmem:$0x16140] =	vst v63  }
.LBB2_19:
0x37b: {  	_ =	sfence.sel $0x180000  }
0x37c: {  	[bflag:$0x0] =	sbarrier.arrive $0xFFFF  }
0x37d: {  	_ =	strace $0x90000047  }
0x37e: {  	s0 =	stileid.u32;
	[bflag:$0x2] =	sbarrier.arrive $0xFFFF  }
0x37f: {  	p0 =	sne.s32 s0, $0x0;
	s0 =	rddreg [dreg:$0x3]  }
0x380: {  	s0 =	sadd.s32 @!p0 $0x100000, s0  }
0x381: {  	[sflag:s0] =	ssyncadd.tile.s32 @!p0 $0x1;
	_ =	shalt  }
.Lfunc_end2:
_tile_overlayer_lowered:
.L_overlay_start_2:
0x382: {  	(tag) =	ssettag $0x2  }
0x383: {  	s0 =	rddreg [dreg:$0x0];
	s2 =	stileid.u32  }
0x384: {  	s1 =	rddreg [dreg:$0x1];
	p0 =	sne.s32 s2, $0x0  }
0x385: {  	s3 =	rddreg [dreg:$0x2];
	[bflag:$0x3] =	sbarrier.arrive $0xFFFF;
	s2 =	simm.s32 @!p0 $0x1C09  }
0x386: {  	[timem:s3], [sflag:s2] =	dma.local @!p0 [hbm:s0], s1  }
0x387: {  	s0 =	simm.s32 @!p0 $0x9  }
0x388: {  	_ =	swait.ge @!p0 [sflag:s0], s1  }
0x389: {  	s1 =	ssub.s32 @!p0 $0x0, s1;
	[sflag:s0] =	ssyncset.done @!p0 $0x0  }
0x38a: {  	[sflag:s0] =	ssyncadd.s32 @!p0 s1  }
0x38b: {  	[bflag:$0x3] =	sbarrier.arrive $0xFFFF  }
0x38c: {  	_ =	shalt  }

// kernel: sparse-core-data-format-call.cloned.1.call-start
scs
called_computation_lowered:
.L_overlay_start_0:
0x0: {  	s2 =	sld [smem:$0x3FD9]  }
0x1: {  	s3 =	sld [smem:$0x3FFE];
	_ =	sdelay $0x1  }
0x2: {  	s1 =	srdreg.scid  }
0x3: {  	s0 =	sand.u32 $0x1, s1  }
0x4: {  	s18 =	sshll.u32 s0, $0xA;
	s2 =	sadd.s32 s3, s2  }
0x5: {  	s2 =	sadd.s32 s2, s18  }
0x6: {  	[smem:$0x3FC6] =	sst s2  }
0x7: {  	_ = 	snop  }
0x8: {  	s2 =	sld [smem:$0x3FD0];
	(tm) =	ssettm $0x1  }
0x9: {  	s19 =	sld [smem:$0x3FFB];
	_ =	sdelay $0x3  }
0xa: {  	_ =	strace s19  }
0xb: {  	s3 =	sld [smem:$0x3FFC];
	_ =	sdelay $0x3  }
0xc: {  	_ =	strace s3  }
0xd: {  	s3 =	sld [smem:$0x3FFD];
	_ =	sdelay $0x3  }
0xe: {  	_ =	strace s3  }
0xf: {  	_ =	strace $0x8FFFFFFF  }
0x10: {  	s20 =	sld [smem:$0x3FDB];
	_ =	sdelay $0x1  }
0x11: {  	s4 =	simm.s32 $_scs_section_size  }
0x12: {  	s5 =	simm.s32 $_size__tile_overlayer_lowered;
	s6 =	simm.s32 $_tile_overlayer_lowered  }
0x13: {  	s23 =	simm.s32 $0x1BFF;
	s22 =	sshll.u32 s6, $0x1;
	s3 =	sadd.s32 s4, s20  }
0x14: {  	s7 =	simm.s32 $0x0;
	s21 =	sshll.u32 s5, $0x1;
	s5 =	sadd.s32 s22, s3  }
0x15: {  	[timem:s7], [sflag:s23] =	dma.local [hbm:s5], s21  }
0x16: {  	_ =	swait.ge [sflag:s23], s21  }
0x17: {  	s4 =	ssub.s32 $0x0, s21;
	[sflag:s23] =	ssyncset.done $0x0  }
0x18: {  	[sflag:s23] =	ssyncadd.s32 s4;
	_ =	sdelay $0x1  }
0x19: {  	s24 =	simm.s32 $0x1B8B  }
0x1a: {  	_ =	swait.ge [sflag:s24], $0x1  }
0x1b: {  	[sflag:s24] =	ssyncset.done $0x0  }
0x1c: {  	s26 =	simm.s32 $0x1B8E;
	s25 =	sld [smem:$0x3FFE];
	[sflag:s24] =	ssyncadd.s32 $0xFFFFFFFF  }
0x1d: {  	s27 =	simm.s32 $execute0_lowered;
	[smem:$0x3FD2] =	sst s26  }
0x1e: {  	s5 =	sshll.u32 s27, $0x1;
	_ =	strace $0x80000049;
	[dreg:$0x1] =	wrdreg $0xFFFFFFFF  }
0x1f: {  	s28 =	simm.s32 $_size_execute0_lowered;
	s3 =	sadd.s32 s3, s5;
	[dreg:$0x0] =	wrdreg $0x0  }
0x20: {  	s5 =	sshll.u32 s28, $0x1;
	[dreg:$0x2] =	wrdreg s3  }
0x21: {  	[dreg:$0x3] =	wrdreg s5  }
0x22: {  	[dreg:$0x4] =	wrdreg $0xC0  }
0x23: {  	_ =	task [dreg:s7], $0x5FFFF  }
0x24: {  	[dreg:$0x1] =	wrdreg $0xFFFFFFFF  }
0x25: {  	[dreg:$0x0] =	wrdreg $0x60  }
0x26: {  	[dreg:$0x2] =	wrdreg s25  }
0x27: {  	[dreg:$0x3] =	wrdreg s2  }
0x28: {  	[dreg:$0x4] =	wrdreg $0x9  }
0x29: {  	_ =	task.clear_ibuf [dreg:s7], $0x5FFFF;
	_ =	strace $0x90000049  }
0x2a: {  	s29 =	simm.s32 $0x9;
	_ =	strace $0x8000004B  }
0x2b: {  	_ =	swait.ge [sflag:s29], $0x1  }
0x2c: {  	[sflag:s29] =	ssyncadd.s32 $0xFFFFFFFF  }
0x2d: {  	_ =	strace $0x9000004B  }
0x2e: {  	_ =	sfence  }
0x2f: {  	s30 =	sld [smem:$0x0];
	_ =	sdelay $0x2  }
0x30: {  	s31 =	sshll.u32 s1, $0xD;
	s1 =	sshrl.u32 s1, $0x2  }
0x31: {  	s3 =	sand.u32 $0x4000, s31;
	s1 =	sadd.s32 s1, s30  }
0x32: {  	s0 =	sor.u32 s3, s0;
	s1 =	sshll.u32 s1, $0x11  }
0x33: {  	s0 =	sor.u32 s1, s0  }
0x34: {  	s0 =	sadd.s32 $0x8F2B, s0  }
0x35: {  	[sflag:s0] =	ssyncadd.remote.s32 $0x1  }
0x36: {  	_ =	sfence.sel $0xFFFF  }
0x37: {  	[dreg:$0x0] =	wrdreg $0xFFFFFFFF;
	(pc) =	sbr.abs _section_cstart, $3  }
0x38: {  	[dreg:$0x1] =	wrdreg $0xFFFFFFFF  }
0x39: {  	_ =	task.clear_ibuf [dreg:s7], $0x2FFFF;
	_ =	strace $0x9FFFFFFF  }
0x3a: {  	(tm) =	ssettm $0x7FFFFFFF  }
0x3b: {  	_ =	shalt  }
tec
execute0_lowered:
.L_overlay_start_1:
0x0: {  	(tag) =	ssettag $0x1  }
0x1: {  	s0 =	srdreg.scid  }
0x2: {  	s1 =	sshll.u32 s0, $0x4  }
0x3: {  	s0 =	stileid.u32;
	s1 =	sand.u32 $0x10, s1  }
0x4: {  	s1 =	sor.u32 s0, s1  }
0x5: {  	s6 =	rddreg [dreg:$0x0];
	s4 =	simm.s32 $0x1;
	s2 =	sshll.u32 s1, $0x7  }
0x6: {  	s7 =	simm.s32 $0x2;
	s12 =	simm.s32 $0x0;
	s1 =	ssub.s32 $0x1000, s2  }
0x7: {  	s8 =	simm.s32 $0x8000;
	s13 =	simm.s32 $0x0;
	s3 =	sand.u32 $0xF80, s1  }
0x8: {  	s9 =	simm.s32 $0x0;
	s5 =	sshrl.u32 s1, $0xC;
	p0 =	sne.s32 s3, $0x0  }
.Ltmp0:
0x9: {  	s1 =	rddreg [dreg:$0x2];
	s4 =	simm.s32 @!p0 $0x0;
	(pc) =	sbr.rel .LBB1_1-.Ltmp0, $4  }
0xa: {  	s11 =	simm.s32 $0x0;
	s3 =	rddreg [dreg:$0x1];
	s5 =	sadd.s32 s4, s5  }
0xb: {  	_ =	strace $0x8000004A;
	s4 =	simm.s32 $0x1;
	s5 =	smul.u32 $0xC8, s5  }
0xc: {  	s6 =	sadd.s32 $0x1000, s6;
	s10 =	smov.u32 s2;
	[sflag:s4] =	ssyncpa.u1 $0x0  }
0xd: {  	p0 =	por $0x0, $0x0;
	[sflag:s7] =	ssyncpa.u1 $0x0;
	s7 =	sor.u32 $0x1, s5  }
.LBB1_4:
0xe: {  	s16 =	sshll.u32 s13, $0x3;
	s17 =	sand.u32 $0x78, s13  }
0xf: {  	s30 =	sand.u32 $0x7E00, s13;
	s12 =	sshll.u32 s12, $0xF;
	s16 =	sand.u32 $0xC00, s16  }
0x10: {  	[tilespmem:s15+$0x810 ss:$0x81] =	vst.msk $0xffff, v2;
	s31 =	sand.u32 $0x7, s13;
	s16 =	sor.u32 s17, s16;
	s17 =	sadd.s32 s3, s30  }
0x11: {  	[tilespmem:s15+$0x1020 ss:$0x81] =	vst.msk $0xffff, v0;
	s13 =	sshll.u32 s31, $0x12;
	s12 =	sadd.s32 s12, s17;
	s16 =	sshrl.u32 s16, $0x3  }
0x12: {  	[tilespmem:s15+$0x0 ss:$0x81] =	vst.msk $0xffff, v1;
	s13 =	sor.u32 $0x400, s13;
	s12 =	sadd.s32 s16, s12  }
0x13: {  	[hbm4b:s12+s13] =	stream.strided.scatter [tilespmem:s14], [sflag:$0x2], $0x2000, s8, s13, $0x20;
	[tilespmem:$0x8080] =	vst v63  }
.LBB1_5:
0x14: {  	s14 =	sadd.s32 $0x1, s9  }
0x15: {  	s12 =	sadd.s32 $0x1000, s10;
	s16 =	smov.u32 s10;
	p2 =	sgt.s32 s14, $0xC7  }
0x16: {  	s16 =	smov.u32 @p2 s12  }
0x17: {  	s14 =	simm.s32 @p2 $0x0;
	p2 =	sgt.s32 s16, $0xFFF  }
0x18: {  	s16 =	smov.u32 @p2 s2;
	p2 =	sne.s32 s11, s7  }
.Ltmp1:
0x19: {  	p1 =	slt.u32 s11, $0x2;
	(pc) =	sbr.rel @!p2 .LBB1_6-.Ltmp1, $4  }
0x1a: {  	s15 =	simm.s32 @!p1 $0x2  }
0x1b: {  	s13 =	smov.u32 s10;
	p0 =	por !p0, !p0;
	_ =	swait.ge @!p1 [sflag:s15], $0x2000  }
0x1c: {  	s12 =	smov.u32 s9;
	[sflag:s15] =	ssyncset.done @!p1 $0x0;
	s9 =	smov.u32 s14  }
0x1d: {  	s11 =	sadd.s32 $0x1, s11;
	[sflag:s15] =	ssyncadd.s32 @!p1 $0xFFFFE000;
	s10 =	smov.u32 s16  }
.LBB1_1:
0x1e: {  	p1 =	sge.u32 s11, s5  }
0x1f: {  	s14 =	sand.u32 @!p1 $0x1FFFFFF, s9  }
0x20: {  	s15 =	smulhi.u32 @!p1 $0x147AE15, s14;
	_ =	sdelay $0x1  }
0x21: {  	s15 =	smul.u32 @!p1 $0xC8, s15  }
0x22: {  	s16 =	sxor.u32 @!p1 $0xFFFFFFFF, s11;
	s17 =	smul.u32 @!p1 $0xC80, s10  }
0x23: {  	s31 =	sadd.s32 $0xFFFFFFFF, s11;
	s16 =	sshll.u32 @!p1 s16, $0xD;
	s14 =	ssub.s32 @!p1 s14, s15  }
0x24: {  	s15 =	sand.u32 @!p1 $0x2000, s16;
	s16 =	sadd.s32 @!p1 s6, s17;
	s14 =	sshll.u32 @!p1 s14, $0x4  }
0x25: {  	s17 =	simm.s32 @!p1 $0x6400;
	s14 =	sadd.s32 @!p1 s14, s16;
	s16 =	simm.s32 @!p1 $0x40  }
0x26: {  	[tilespmem:s15], [sflag:$0x1] =	stream.strided.gather @!p1 [hbm4b:s14+s16], $0x2000, s17, s16, $0x38;
	[tilespmem:$0x8080] =	vst v63  }
0x27: {  	p1 =	sge.u32 s31, s5  }
.Ltmp2:
0x28: {  	_ = 	snop;
	(pc) =	sbr.rel @p1 .LBB1_5-.Ltmp2, $1  }
0x29: {  	_ =	sdelay $0x3  }
0x2a: {  	s14 =	simm.s32 $0x1  }
0x2b: {  	_ =	swait.ge [sflag:s4], $0x2000;
	s14 =	simm.s32 @!p0 $0x0  }
0x2c: {  	[sflag:s4] =	ssyncset.done $0x0;
	s15 =	sshll.u32 s14, $0xD  }
0x2d: {  	[sflag:s4] =	ssyncadd.s32 $0xFFFFE000;
	s18 =	sor.u32 $0x20, s15  }
0x2e: {  	s14 =	smul.u32 $0x8100, s14;
	v3 =	vld [tilespmem:s18+$0x10]  }
0x2f: {  	s30 =	sand.u32 $0x1, s11;
	v2 =	vld [tilespmem:s18+$0xFFFFFFF0]  }
0x30: {  	s15 =	smul.u32 $0x8100, s30;
	s14 =	sshrl.u32 s14, $0x2;
	v0 =	vld [tilespmem:s18+$0x0]  }
0x31: {  	v1 =	vld [tilespmem:s18+$0xFFFFFFE0];
	s16 =	sor.u32 $0x4000, s14  }
0x32: {  	s31 =	sshrl.u32 s15, $0x2;
	s15 =	sadd.s32 $0x0, s16  }
0x33: {  	s17 =	simm.s32 $0x4;
	s18 =	sadd.s32 $0x40, s18;
	s14 =	sor.u32 $0x4000, s31;
	[tilespmem:s15+$0x1830 ss:$0x81] =	vst.msk $0xffff, v3  }
.LBB1_3:
0x34: {  	v3 =	vld [tilespmem:s18+$0x10];
	p1 =	sne.s32 s17, $0x1FC;
	[tilespmem:s15+$0x810 ss:$0x81] =	vst.msk $0xffff, v2;
	s19 =	smov.u32 s17;
	s17 =	sadd.s32 $0x4, s17  }
.Ltmp3:
0x35: {  	v2 =	vld [tilespmem:s18+$0xFFFFFFF0];
	[tilespmem:s15+$0x1020 ss:$0x81] =	vst.msk $0xffff, v0;
	(pc) =	sbr.rel @p1 .LBB1_3-.Ltmp3, $4  }
0x36: {  	v0 =	vld [tilespmem:s18+$0x0];
	[tilespmem:s15+$0x0 ss:$0x81] =	vst.msk $0xffff, v1  }
0x37: {  	s15 =	sshra.s32 s19, $0x2;
	v1 =	vld [tilespmem:s18+$0xFFFFFFE0]  }
0x38: {  	s15 =	sadd.s32 s15, s16  }
0x39: {  	s18 =	sadd.s32 $0x40, s18;
	[tilespmem:s15+$0x1830 ss:$0x81] =	vst.msk $0xffff, v3  }
.Ltmp4:
0x3a: {  	_ = 	snop;
	(pc) =	sbr.rel .LBB1_4-.Ltmp4, $1  }
0x3b: {  	_ =	sdelay $0x3  }
.LBB1_6:
0x3c: {  	_ =	sfence.sel $0x180000  }
0x3d: {  	s2 =	simm.s32 $0x1;
	[bflag:$0x0] =	sbarrier.arrive $0xFFFF  }
0x3e: {  	s31 =	simm.s32 $0x2;
	[sflag:s2] =	ssyncpa.u1 $0x1  }
0x3f: {  	[sflag:s31] =	ssyncpa.u1 $0x1  }
0x40: {  	p0 =	sne.s32 s0, $0x0;
	_ =	strace $0x9000004A  }
0x41: {  	s0 =	sadd.s32 @!p0 $0x100000, s1;
	[bflag:$0x2] =	sbarrier.arrive $0xFFFF  }
0x42: {  	[sflag:s0] =	ssyncadd.tile.s32 @!p0 $0x1;
	_ =	shalt  }
.Lfunc_end1:
_tile_overlayer_lowered:
.L_overlay_start_2:
0x43: {  	(tag) =	ssettag $0x2  }
0x44: {  	s0 =	rddreg [dreg:$0x0];
	s2 =	stileid.u32  }
0x45: {  	s1 =	rddreg [dreg:$0x1];
	p0 =	sne.s32 s2, $0x0  }
0x46: {  	s3 =	rddreg [dreg:$0x2];
	[bflag:$0x3] =	sbarrier.arrive $0xFFFF;
	s2 =	simm.s32 @!p0 $0x1C01  }
0x47: {  	[timem:s3], [sflag:s2] =	dma.local @!p0 [hbm:s0], s1  }
0x48: {  	s0 =	simm.s32 @!p0 $0x1  }
0x49: {  	_ =	swait.ge @!p0 [sflag:s0], s1  }
0x4a: {  	s1 =	ssub.s32 @!p0 $0x0, s1;
	[sflag:s0] =	ssyncset.done @!p0 $0x0  }
0x4b: {  	[sflag:s0] =	ssyncadd.s32 @!p0 s1  }
0x4c: {  	[bflag:$0x3] =	sbarrier.arrive $0xFFFF  }
0x4d: {  	_ =	shalt  }

</sc_bundles>
